<compile_context>
chip_gen: v7x
topology: tpu7x:2x2x1
jax: 0.10.2.dev20260603
libtpu: 0.0.44.dev20260713+nightly
codegen_flags: <defaults>
</compile_context>

<pallas_src>
import functools

import jax
import jax.numpy as jnp
from jax import lax
from jax.experimental import pallas as pl
from jax.experimental.pallas import tpu as pltpu
from jax.experimental.pallas import tpu_sc as plsc

N = 10000
NREL = 230
H = 128
SEM = 768
NB = 10
E = 320000
B = 1024
NC = 2
NS = 16
NW = NC * NS
CH = 80


def _mesh():
    return plsc.VectorSubcoreMesh(core_axis_name="c", subcore_axis_name="s")



def _sc_gather(table, idx, D, total, ch):
    per_w = total // NW

    pipelined = per_w % (2 * ch) == 0

    @functools.partial(
        pl.kernel,
        out_type=jax.ShapeDtypeStruct((total, D), jnp.float32),
        mesh=_mesh(),
        scratch_types=[
            pltpu.VMEM((ch,), jnp.int32),
            pltpu.VMEM((ch,), jnp.int32),
            pltpu.VMEM((ch, D), jnp.float32),
            pltpu.VMEM((ch, D), jnp.float32),
            pltpu.SemaphoreType.DMA,
            pltpu.SemaphoreType.DMA,
        ],
    )
    def k2(table_hbm, idx_hbm, out_hbm, idx_v0, idx_v1, buf0, buf1, sem0, sem1):
        wid = lax.axis_index("c") * NS + lax.axis_index("s")
        base = wid * per_w

        @pl.loop(0, per_w, step=2 * ch)
        def _(i):
            pltpu.sync_copy(idx_hbm.at[pl.ds(base + i, ch)], idx_v0)
            g0 = pltpu.async_copy(table_hbm.at[idx_v0], buf0, sem0)
            pltpu.sync_copy(idx_hbm.at[pl.ds(base + i + ch, ch)], idx_v1)
            g1 = pltpu.async_copy(table_hbm.at[idx_v1], buf1, sem1)
            g0.wait()
            pltpu.sync_copy(buf0, out_hbm.at[pl.ds(base + i, ch)])
            g1.wait()
            pltpu.sync_copy(buf1, out_hbm.at[pl.ds(base + i + ch, ch)])

    @functools.partial(
        pl.kernel,
        out_type=jax.ShapeDtypeStruct((total, D), jnp.float32),
        mesh=_mesh(),
        scratch_types=[
            pltpu.VMEM((ch,), jnp.int32),
            pltpu.VMEM((ch, D), jnp.float32),
            pltpu.SemaphoreType.DMA,
        ],
    )
    def k(table_hbm, idx_hbm, out_hbm, idx_v, buf_v, sem):
        wid = lax.axis_index("c") * NS + lax.axis_index("s")
        base = wid * per_w

        @pl.loop(0, per_w, step=ch)
        def _(i):
            pltpu.sync_copy(idx_hbm.at[pl.ds(base + i, ch)], idx_v)
            pltpu.async_copy(table_hbm.at[idx_v], buf_v, sem).wait()
            pltpu.sync_copy(buf_v, out_hbm.at[pl.ds(base + i, ch)])

    return (k2 if pipelined else k)(table, idx)


def _sc_scatter_add(rows, dstidx, zeros, total, ch, const_rows=False):
    per_core = total // NC
    per_w = per_core // NS

    @functools.partial(
        pl.kernel,
        out_type=jax.ShapeDtypeStruct((NC, N, H), jnp.float32),
        mesh=_mesh(),
        scratch_types=[
            pltpu.VMEM((ch,), jnp.int32),
            pltpu.VMEM((ch, H), jnp.float32),
            pltpu.VMEM_SHARED((N, H), jnp.float32),
            pltpu.SemaphoreType.DMA,
        ],
    )
    def k(rows_hbm, dst_hbm, zeros_hbm, out_hbm, idx_v, buf_v, acc_sh, sem):
        c = lax.axis_index("c")
        s = lax.axis_index("s")
        base = c * per_core + s * per_w

        @pl.when(s == 0)
        def _():
            pltpu.sync_copy(zeros_hbm, acc_sh)

        if const_rows:
            pltpu.sync_copy(rows_hbm, buf_v)

        plsc.subcore_barrier()

        @pl.loop(0, per_w, step=ch)
        def _(i):
            pltpu.sync_copy(dst_hbm.at[pl.ds(base + i, ch)], idx_v)
            if not const_rows:
                pltpu.sync_copy(rows_hbm.at[pl.ds(base + i, ch)], buf_v)
            pltpu.sync_copy(buf_v, acc_sh.at[idx_v], add=True)

        plsc.subcore_barrier()

        @pl.when(s == 0)
        def _():
            pltpu.sync_copy(acc_sh, out_hbm.at[c])

    return k(rows, dstidx, zeros)



def _tc_x0(ent, ct, freq, phase):
    R = 1000

    def body(e_ref, ct_ref, f_ref, p_ref, o_ref):
        t = jnp.sin(ct_ref[0, 0] * f_ref[...] + p_ref[...])
        o_ref[...] = e_ref[...] + t

    return pl.pallas_call(
        body,
        grid=(N // R,),
        in_specs=[
            pl.BlockSpec((R, H), lambda i: (i, 0)),
            pl.BlockSpec((1, 1), lambda i: (0, 0)),
            pl.BlockSpec((1, H), lambda i: (0, 0)),
            pl.BlockSpec((1, H), lambda i: (0, 0)),
        ],
        out_specs=pl.BlockSpec((R, H), lambda i: (i, 0)),
        out_shape=jax.ShapeDtypeStruct((N, H), jnp.float32),
    )(ent, ct.reshape(1, 1), freq.reshape(1, H), phase.reshape(1, H))


def _dot(a, b):
    return jax.lax.dot_general(a, b, (((1,), (0,)), ((), ())),
                               preferred_element_type=jnp.float32)


def _tc_dense(x, bcat, wself, bias):
    R = 1000

    def body(x_ref, bc_ref, ws_ref, b_ref, xb_ref, sf_ref):
        xv = x_ref[...]
        xb_ref[...] = _dot(xv, bc_ref[...])
        sf_ref[...] = _dot(xv, ws_ref[...]) + b_ref[...]

    return pl.pallas_call(
        body,
        grid=(N // R,),
        in_specs=[
            pl.BlockSpec((R, H), lambda i: (i, 0)),
            pl.BlockSpec((H, NB * H), lambda i: (0, 0)),
            pl.BlockSpec((H, H), lambda i: (0, 0)),
            pl.BlockSpec((1, H), lambda i: (0, 0)),
        ],
        out_specs=(
            pl.BlockSpec((R, NB * H), lambda i: (i, 0)),
            pl.BlockSpec((R, H), lambda i: (i, 0)),
        ),
        out_shape=(
            jax.ShapeDtypeStruct((N, NB * H), jnp.float32),
            jax.ShapeDtypeStruct((N, H), jnp.float32),
        ),
    )(x, bcat, wself, bias.reshape(1, H))


def _tc_combine(rows, w, wsl):
    R = 1000

    def body(r_ref, w_ref, o_ref):
        acc = w_ref[:, wsl:wsl + 1] * r_ref[:, 0:H]
        for b in range(1, NB):
            acc = acc + w_ref[:, wsl + b:wsl + b + 1] * r_ref[:, b * H:(b + 1) * H]
        o_ref[...] = acc

    return pl.pallas_call(
        body,
        grid=(E // R,),
        in_specs=[
            pl.BlockSpec((R, NB * H), lambda i: (i, 0)),
            pl.BlockSpec((R, H), lambda i: (i, 0)),
        ],
        out_specs=pl.BlockSpec((R, H), lambda i: (i, 0)),
        out_shape=jax.ShapeDtypeStruct((E, H), jnp.float32),
    )(rows, w)


def _tc_post(aggs, degw, selfb):
    R = 1000

    def body(a_ref, d_ref, s_ref, o_ref):
        agg = a_ref[0] + a_ref[1]
        deg = d_ref[0, :, 0:1] + d_ref[1, :, 0:1]
        normv = 1.0 / jnp.maximum(deg, 1.0)
        o_ref[...] = jnp.maximum(agg * normv + s_ref[...], 0.0)

    return pl.pallas_call(
        body,
        grid=(N // R,),
        in_specs=[
            pl.BlockSpec((2, R, H), lambda i: (0, i, 0)),
            pl.BlockSpec((2, R, H), lambda i: (0, i, 0)),
            pl.BlockSpec((R, H), lambda i: (i, 0)),
        ],
        out_specs=pl.BlockSpec((R, H), lambda i: (i, 0)),
        out_shape=jax.ShapeDtypeStruct((N, H), jnp.float32),
    )(aggs, degw, selfb)


def _tc_events(sg, rg, dg, sem_embs, w1, b1, g, be, w2, b2, wg1, wg2, bgv):
    def body(sg_ref, rg_ref, dg_ref, se_ref, w1_ref, b1_ref, g_ref, be_ref,
             w2_ref, b2_ref, wg1_ref, wg2_ref, bg_ref,
             st_ref, sm_ref, fu_ref):
        st = sg_ref[...] + rg_ref[...] + dg_ref[...]
        h = _dot(se_ref[...], w1_ref[...]) + b1_ref[...]
        mu = jnp.mean(h, axis=1, keepdims=True)
        var = jnp.mean((h - mu) ** 2, axis=1, keepdims=True)
        h = (h - mu) / jnp.sqrt(var + 1e-5) * g_ref[...] + be_ref[...]
        h = jnp.maximum(h, 0.0)
        smv = _dot(h, w2_ref[...]) + b2_ref[...]
        z = _dot(st, wg1_ref[...]) + _dot(smv, wg2_ref[...]) + bg_ref[...]
        gate = 1.0 / (1.0 + jnp.exp(-z))
        st_ref[...] = st
        sm_ref[...] = smv
        fu_ref[...] = gate * st + (1.0 - gate) * smv

    return pl.pallas_call(
        body,
        out_shape=(
            jax.ShapeDtypeStruct((B, H), jnp.float32),
            jax.ShapeDtypeStruct((B, H), jnp.float32),
            jax.ShapeDtypeStruct((B, H), jnp.float32),
        ),
    )(sg, rg, dg, sem_embs, w1, b1.reshape(1, H), g.reshape(1, H),
      be.reshape(1, H), w2, b2.reshape(1, H), wg1, wg2, bgv.reshape(1, H))



def kernel(edge_index, edge_type, current_time, event_triples, offline_semantic_embs,
           entity_emb, relation_emb, time_freq, time_phase,
           basis_0, coeff_0, w_self_0, b_0, basis_1, coeff_1, w_self_1, b_1,
           sp_w1, sp_b1, sp_g, sp_be, sp_w2, sp_b2, wg, bg):
    src = edge_index[0]
    dst = edge_index[1]
    zeros128 = jnp.zeros((N, H), jnp.float32)
    ones_blk = jnp.ones((CH, H), jnp.float32)
    coeff_cat = jnp.zeros((NREL, H), jnp.float32)
    coeff_cat = coeff_cat.at[:, :NB].set(coeff_0).at[:, 64:64 + NB].set(coeff_1)

    x = _tc_x0(entity_emb, current_time, time_freq, time_phase)
    degw = _sc_scatter_add(ones_blk, dst, zeros128, E, CH, const_rows=True)
    wboth = _sc_gather(coeff_cat, edge_type, H, E, 40)

    for basis, wself, bias, wsl in ((basis_0, w_self_0, b_0, 0),
                                    (basis_1, w_self_1, b_1, 64)):
        bc = jnp.transpose(basis, (1, 0, 2)).reshape(H, NB * H)
        xball, selfb = _tc_dense(x, bc, wself, bias)
        rows = _sc_gather(xball, src, NB * H, E, 40)
        msg = _tc_combine(rows, wboth, wsl)
        aggs = _sc_scatter_add(msg, dst, zeros128, E, CH)
        x = _tc_post(aggs, degw, selfb)

    sg = _sc_gather(x, event_triples[:, 0], H, B, 32)
    rg = _sc_gather(relation_emb, event_triples[:, 1], H, B, 32)
    dg = _sc_gather(x, event_triples[:, 2], H, B, 32)
    ev = _tc_events(sg, rg, dg, offline_semantic_embs, sp_w1, sp_b1, sp_g, sp_be,
                    sp_w2, sp_b2, wg[:H], wg[H:], bg)
    return (x, ev[0], ev[1], ev[2])

# --- scband reference (transcript-rebuilt; emitter-appended) ---
"""Pipeline reference for scband-dual-stream-tkg-89661737271307 (READ-ONLY COPY).

The authoritative reference and input builder live on the scoring server;
editing this copy changes nothing except your own understanding.
"""

import jax, jax.numpy as jnp
import numpy as np

N_ENT = 10000
N_REL = 230
H = 128
SEM = 768
NB = 10
E = 320000
B = 1024


def setup_inputs(seed: int = 0):
    key = jax.random.key(seed)
    ks = jax.random.split(key, 30)
    inp = {}
    inp["edge_index"] = jax.random.randint(ks[0], (2, E), 0, N_ENT, dtype=jnp.int32)
    inp["edge_type"] = jax.random.randint(ks[1], (E,), 0, N_REL, dtype=jnp.int32)
    inp["current_time"] = jax.random.uniform(ks[2], (1,), dtype=jnp.float32)
    inp["event_triples"] = jax.random.randint(ks[3], (B, 4), 0, N_REL, dtype=jnp.int32)
    inp["offline_semantic_embs"] = jax.random.normal(ks[4], (B, SEM), dtype=jnp.float32)
    inp["entity_emb"] = jax.random.normal(ks[5], (N_ENT, H), dtype=jnp.float32) * 0.02
    inp["relation_emb"] = jax.random.normal(ks[6], (N_REL, H), dtype=jnp.float32) * 0.02
    inp["time_freq"] = jax.random.normal(ks[7], (H,), dtype=jnp.float32)
    inp["time_phase"] = jax.random.normal(ks[8], (H,), dtype=jnp.float32)
    inp["basis_0"] = jax.random.normal(ks[9], (NB, H, H), dtype=jnp.float32) * 0.05
    inp["coeff_0"] = jax.random.normal(ks[10], (N_REL, NB), dtype=jnp.float32) * (1.0 / NB)
    inp["w_self_0"] = jax.random.normal(ks[11], (H, H), dtype=jnp.float32) * 0.05
    inp["b_0"] = jnp.zeros((H,), dtype=jnp.float32)
    inp["basis_1"] = jax.random.normal(ks[12], (NB, H, H), dtype=jnp.float32) * 0.05
    inp["coeff_1"] = jax.random.normal(ks[13], (N_REL, NB), dtype=jnp.float32) * (1.0 / NB)
    inp["w_self_1"] = jax.random.normal(ks[14], (H, H), dtype=jnp.float32) * 0.05
    inp["b_1"] = jnp.zeros((H,), dtype=jnp.float32)
    inp["sp_w1"] = jax.random.normal(ks[15], (SEM, H), dtype=jnp.float32) * 0.02
    inp["sp_b1"] = jnp.zeros((H,), dtype=jnp.float32)
    inp["sp_g"] = jnp.ones((H,), dtype=jnp.float32)
    inp["sp_be"] = jnp.zeros((H,), dtype=jnp.float32)
    inp["sp_w2"] = jax.random.normal(ks[16], (H, H), dtype=jnp.float32) * 0.05
    inp["sp_b2"] = jnp.zeros((H,), dtype=jnp.float32)
    inp["wg"] = jax.random.normal(ks[17], (2 * H, H), dtype=jnp.float32) * 0.05
    inp["bg"] = jnp.zeros((H,), dtype=jnp.float32)
    return inp


def _rgcn_layer(x, src, dst, edge_type, norm_e, basis, coeff, w_self, b):
    # basis-decomposed RGCN: W_r = sum_b coeff[r,b] * basis[b]
    # msg_e = x[src_e] @ W_{r_e} = sum_b coeff[r_e,b] * (x @ basis[b])[src_e]
    a_e = coeff[edge_type]  # [E, NB]
    msg = jnp.zeros((src.shape[0], x.shape[1]), dtype=x.dtype)
    for bi in range(NB):
        xb = x @ basis[bi]              # [N, H] node-side transform
        msg = msg + a_e[:, bi:bi + 1] * xb[src]  # gather per edge
    msg = msg * norm_e[:, None]
    agg = jax.ops.segment_sum(msg, dst, num_segments=x.shape[0])
    return jax.nn.relu(agg + x @ w_self + b)


def reference(edge_index, edge_type, current_time, event_triples, offline_semantic_embs,
              entity_emb, relation_emb, time_freq, time_phase,
              basis_0, coeff_0, w_self_0, b_0, basis_1, coeff_1, w_self_1, b_1,
              sp_w1, sp_b1, sp_g, sp_be, sp_w2, sp_b2, wg, bg):
    src = edge_index[0]
    dst = edge_index[1]
    # temporal encoding of the current snapshot time, added to entity features
    t_enc = jnp.sin(current_time[0] * time_freq + time_phase)
    x = entity_emb + t_enc[None, :]
    deg = jax.ops.segment_sum(jnp.ones((src.shape[0],), dtype=jnp.float32), dst, num_segments=N_ENT)
    norm = 1.0 / jnp.maximum(deg, 1.0)
    norm_e = norm[dst]
    x = _rgcn_layer(x, src, dst, edge_type, norm_e, basis_0, coeff_0, w_self_0, b_0)
    x = _rgcn_layer(x, src, dst, edge_type, norm_e, basis_1, coeff_1, w_self_1, b_1)
    entity_embs = x
    src_ids = event_triples[:, 0]
    rel_ids = event_triples[:, 1]
    dst_ids = event_triples[:, 2]
    event_struct = entity_embs[src_ids] + relation_emb[rel_ids] + entity_embs[dst_ids]
    # semantic_proj: Linear -> LayerNorm -> ReLU -> Linear
    h = offline_semantic_embs @ sp_w1 + sp_b1
    mu = jnp.mean(h, axis=-1, keepdims=True)
    var = jnp.var(h, axis=-1, keepdims=True)
    h = (h - mu) / jnp.sqrt(var + 1e-5) * sp_g + sp_be
    h = jax.nn.relu(h)
    event_semantic = h @ sp_w2 + sp_b2
    concat = jnp.concatenate([event_struct, event_semantic], axis=-1)
    gate = jax.nn.sigmoid(concat @ wg + bg)
    event_fused = gate * event_struct + (1.0 - gate) * event_semantic
    return (entity_embs, event_struct, event_semantic, event_fused)

if __name__ == "__main__":
    import jax
    _d = setup_inputs()
    print(jax.jit(kernel)(*tuple(_d.values())))

</pallas_src>

<mosaic_0001>
#map = affine_map<(d0, d1) -> (0, 0)>
#map1 = affine_map<(d0, d1) -> (0)>
module attributes {stable_mosaic.version = 14 : i64} {
  func.func @k2(%arg0: i32, %arg1: i32, %arg2: memref<230x128xf32, #tpu.memory_space<hbm>>, %arg3: memref<320000xi32, #tpu.memory_space<hbm>>, %arg4: memref<320000x128xf32, #tpu.memory_space<hbm>>, %arg5: memref<40xi32, #tpu.memory_space<vmem>>, %arg6: memref<40xi32, #tpu.memory_space<vmem>>, %arg7: memref<40x128xf32, #tpu.memory_space<vmem>>, %arg8: memref<40x128xf32, #tpu.memory_space<vmem>>, %arg9: memref<!tpu.dma_semaphore, #tpu.memory_space<semaphore_mem>>, %arg10: memref<!tpu.dma_semaphore, #tpu.memory_space<semaphore_mem>>) attributes {dimension_semantics = [#tpu.dimension_semantics<core_parallel>, #tpu.dimension_semantics<subcore_parallel>], iteration_bounds = array<i64: 2, 16>, scalar_prefetch = 0 : i64, scratch_operands = 6 : i64, tpu.core_type = #tpu.core_type<sc_vector_subcore>, window_params = [{transform_indices = #map}, {transform_indices = #map1}, {transform_indices = #map}]} {
    %mul3A = arith.constant 16 : i32
    %mul3A_0 = arith.muli %arg0, %mul3A : i32
    %add3A = arith.addi %mul3A_0, %arg1 : i32
    %mul3A_1 = arith.constant 10000 : i32
    %mul3A_2 = arith.muli %add3A, %mul3A_1 : i32
    %scan3A = arith.constant 0 : i32
    %scan3A_3 = arith.constant 125 : i32
    %scan3A_4 = arith.addi %scan3A, %scan3A_3 : i32
    %scan3A_5 = arith.constant 1 : i32
    scf.for %scan3A_7 = %scan3A to %scan3A_4 step %scan3A_5  : i32 {
      %mul3A_8 = arith.constant 80 : i32
      %mul3A_9 = arith.muli %scan3A_7, %mul3A_8 : i32
      %add3A_10 = arith.constant 0 : i32
      %add3A_11 = arith.addi %add3A_10, %mul3A_9 : i32
      %add3A_12 = arith.addi %mul3A_2, %add3A_11 : i32
      "tpu.region"() ({
        %run_scoped3A = tpu.sem_alloc : memref<!tpu.dma_semaphore, #tpu.memory_space<semaphore_mem>>
        %dma_start3A_30 = tpu.memref_slice %arg3[%add3A_12] : memref<320000xi32, #tpu.memory_space<hbm>> -> memref<40xi32, #tpu.memory_space<hbm>>
        %dma_start3A_31 = tpu.memref_slice %arg3[%add3A_12] : memref<320000xi32, #tpu.memory_space<hbm>> -> memref<40xi32, #tpu.memory_space<hbm>>
        tpu.enqueue_dma source(%dma_start3A_31 : memref<40xi32, #tpu.memory_space<hbm>>) target(%arg5 : memref<40xi32, #tpu.memory_space<vmem>>) target_semaphore(%run_scoped3A : memref<!tpu.dma_semaphore, #tpu.memory_space<semaphore_mem>>)
        %dma_wait3A_32 = tpu.memref_slice %arg3[%add3A_12] : memref<320000xi32, #tpu.memory_space<hbm>> -> memref<40xi32, #tpu.memory_space<hbm>>
        %dma_wait3A_33 = tpu.memref_slice %arg3[%add3A_12] : memref<320000xi32, #tpu.memory_space<hbm>> -> memref<40xi32, #tpu.memory_space<hbm>>
        tpu.wait_dma2 semaphore(%run_scoped3A : memref<!tpu.dma_semaphore, #tpu.memory_space<semaphore_mem>>) src(%dma_wait3A_33 : memref<40xi32, #tpu.memory_space<hbm>>) dst(%arg5 : memref<40xi32, #tpu.memory_space<vmem>>)
        tpu.yield
      }) : () -> ()
      %dma_start3A = arith.constant 0 : i32
      %dma_start3A_13 = arith.constant 0 : i32
      %dma_start3A_14 = tpu.memref_slice %arg2[%dma_start3A, %dma_start3A_13] : memref<230x128xf32, #tpu.memory_space<hbm>> -> memref<230x128xf32, #tpu.memory_space<hbm>>
      tpu.enqueue_indirect_dma source(%dma_start3A_14 : memref<230x128xf32, #tpu.memory_space<hbm>>) target(%arg7 : memref<40x128xf32, #tpu.memory_space<vmem>>) offsets(%arg5 : memref<40xi32, #tpu.memory_space<vmem>>) semaphore(%arg9 : memref<!tpu.dma_semaphore, #tpu.memory_space<semaphore_mem>>)
      %add3A_15 = arith.addi %mul3A_2, %add3A_11 : i32
      %add3A_16 = arith.constant 40 : i32
      %add3A_17 = arith.addi %add3A_15, %add3A_16 : i32
      "tpu.region"() ({
        %run_scoped3A = tpu.sem_alloc : memref<!tpu.dma_semaphore, #tpu.memory_space<semaphore_mem>>
        %dma_start3A_30 = tpu.memref_slice %arg3[%add3A_17] : memref<320000xi32, #tpu.memory_space<hbm>> -> memref<40xi32, #tpu.memory_space<hbm>>
        %dma_start3A_31 = tpu.memref_slice %arg3[%add3A_17] : memref<320000xi32, #tpu.memory_space<hbm>> -> memref<40xi32, #tpu.memory_space<hbm>>
        tpu.enqueue_dma source(%dma_start3A_31 : memref<40xi32, #tpu.memory_space<hbm>>) target(%arg6 : memref<40xi32, #tpu.memory_space<vmem>>) target_semaphore(%run_scoped3A : memref<!tpu.dma_semaphore, #tpu.memory_space<semaphore_mem>>)
        %dma_wait3A_32 = tpu.memref_slice %arg3[%add3A_17] : memref<320000xi32, #tpu.memory_space<hbm>> -> memref<40xi32, #tpu.memory_space<hbm>>
        %dma_wait3A_33 = tpu.memref_slice %arg3[%add3A_17] : memref<320000xi32, #tpu.memory_space<hbm>> -> memref<40xi32, #tpu.memory_space<hbm>>
        tpu.wait_dma2 semaphore(%run_scoped3A : memref<!tpu.dma_semaphore, #tpu.memory_space<semaphore_mem>>) src(%dma_wait3A_33 : memref<40xi32, #tpu.memory_space<hbm>>) dst(%arg6 : memref<40xi32, #tpu.memory_space<vmem>>)
        tpu.yield
      }) : () -> ()
      %dma_start3A_18 = arith.constant 0 : i32
      %dma_start3A_19 = arith.constant 0 : i32
      %dma_start3A_20 = tpu.memref_slice %arg2[%dma_start3A_18, %dma_start3A_19] : memref<230x128xf32, #tpu.memory_space<hbm>> -> memref<230x128xf32, #tpu.memory_space<hbm>>
      tpu.enqueue_indirect_dma source(%dma_start3A_20 : memref<230x128xf32, #tpu.memory_space<hbm>>) target(%arg8 : memref<40x128xf32, #tpu.memory_space<vmem>>) offsets(%arg6 : memref<40xi32, #tpu.memory_space<vmem>>) semaphore(%arg10 : memref<!tpu.dma_semaphore, #tpu.memory_space<semaphore_mem>>)
      %dma_wait3A = arith.constant 0 : i32
      %dma_wait3A_21 = arith.constant 0 : i32
      %dma_wait3A_22 = tpu.memref_slice %arg2[%dma_wait3A, %dma_wait3A_21] : memref<230x128xf32, #tpu.memory_space<hbm>> -> memref<230x128xf32, #tpu.memory_space<hbm>>
      tpu.wait_indirect_dma semaphore(%arg9 : memref<!tpu.dma_semaphore, #tpu.memory_space<semaphore_mem>>) src(%dma_wait3A_22 : memref<230x128xf32, #tpu.memory_space<hbm>>) dst(%arg7 : memref<40x128xf32, #tpu.memory_space<vmem>>)
      %add3A_23 = arith.addi %mul3A_2, %add3A_11 : i32
      "tpu.region"() ({
        %run_scoped3A = tpu.sem_alloc : memref<!tpu.dma_semaphore, #tpu.memory_space<semaphore_mem>>
        %dma_start3A_30 = arith.constant 0 : i32
        %dma_start3A_31 = tpu.memref_slice %arg4[%add3A_23, %dma_start3A_30] : memref<320000x128xf32, #tpu.memory_space<hbm>> -> memref<40x128xf32, #tpu.memory_space<hbm>>
        %dma_start3A_32 = arith.constant 0 : i32
        %dma_start3A_33 = tpu.memref_slice %arg4[%add3A_23, %dma_start3A_32] : memref<320000x128xf32, #tpu.memory_space<hbm>> -> memref<40x128xf32, #tpu.memory_space<hbm>>
        tpu.enqueue_dma source(%arg7 : memref<40x128xf32, #tpu.memory_space<vmem>>) target(%dma_start3A_33 : memref<40x128xf32, #tpu.memory_space<hbm>>) target_semaphore(%run_scoped3A : memref<!tpu.dma_semaphore, #tpu.memory_space<semaphore_mem>>)
        %dma_wait3A_34 = arith.constant 0 : i32
        %dma_wait3A_35 = tpu.memref_slice %arg4[%add3A_23, %dma_wait3A_34] : memref<320000x128xf32, #tpu.memory_space<hbm>> -> memref<40x128xf32, #tpu.memory_space<hbm>>
        %dma_wait3A_36 = arith.constant 0 : i32
        %dma_wait3A_37 = tpu.memref_slice %arg4[%add3A_23, %dma_wait3A_36] : memref<320000x128xf32, #tpu.memory_space<hbm>> -> memref<40x128xf32, #tpu.memory_space<hbm>>
        tpu.wait_dma2 semaphore(%run_scoped3A : memref<!tpu.dma_semaphore, #tpu.memory_space<semaphore_mem>>) src(%arg7 : memref<40x128xf32, #tpu.memory_space<vmem>>) dst(%dma_wait3A_37 : memref<40x128xf32, #tpu.memory_space<hbm>>)
        tpu.yield
      }) : () -> ()
      %dma_wait3A_24 = arith.constant 0 : i32
      %dma_wait3A_25 = arith.constant 0 : i32
      %dma_wait3A_26 = tpu.memref_slice %arg2[%dma_wait3A_24, %dma_wait3A_25] : memref<230x128xf32, #tpu.memory_space<hbm>> -> memref<230x128xf32, #tpu.memory_space<hbm>>
      tpu.wait_indirect_dma semaphore(%arg10 : memref<!tpu.dma_semaphore, #tpu.memory_space<semaphore_mem>>) src(%dma_wait3A_26 : memref<230x128xf32, #tpu.memory_space<hbm>>) dst(%arg8 : memref<40x128xf32, #tpu.memory_space<vmem>>)
      %add3A_27 = arith.addi %mul3A_2, %add3A_11 : i32
      %add3A_28 = arith.constant 40 : i32
      %add3A_29 = arith.addi %add3A_27, %add3A_28 : i32
      "tpu.region"() ({
        %run_scoped3A = tpu.sem_alloc : memref<!tpu.dma_semaphore, #tpu.memory_space<semaphore_mem>>
        %dma_start3A_30 = arith.constant 0 : i32
        %dma_start3A_31 = tpu.memref_slice %arg4[%add3A_29, %dma_start3A_30] : memref<320000x128xf32, #tpu.memory_space<hbm>> -> memref<40x128xf32, #tpu.memory_space<hbm>>
        %dma_start3A_32 = arith.constant 0 : i32
        %dma_start3A_33 = tpu.memref_slice %arg4[%add3A_29, %dma_start3A_32] : memref<320000x128xf32, #tpu.memory_space<hbm>> -> memref<40x128xf32, #tpu.memory_space<hbm>>
        tpu.enqueue_dma source(%arg8 : memref<40x128xf32, #tpu.memory_space<vmem>>) target(%dma_start3A_33 : memref<40x128xf32, #tpu.memory_space<hbm>>) target_semaphore(%run_scoped3A : memref<!tpu.dma_semaphore, #tpu.memory_space<semaphore_mem>>)
        %dma_wait3A_34 = arith.constant 0 : i32
        %dma_wait3A_35 = tpu.memref_slice %arg4[%add3A_29, %dma_wait3A_34] : memref<320000x128xf32, #tpu.memory_space<hbm>> -> memref<40x128xf32, #tpu.memory_space<hbm>>
        %dma_wait3A_36 = arith.constant 0 : i32
        %dma_wait3A_37 = tpu.memref_slice %arg4[%add3A_29, %dma_wait3A_36] : memref<320000x128xf32, #tpu.memory_space<hbm>> -> memref<40x128xf32, #tpu.memory_space<hbm>>
        tpu.wait_dma2 semaphore(%run_scoped3A : memref<!tpu.dma_semaphore, #tpu.memory_space<semaphore_mem>>) src(%arg8 : memref<40x128xf32, #tpu.memory_space<vmem>>) dst(%dma_wait3A_37 : memref<40x128xf32, #tpu.memory_space<hbm>>)
        tpu.yield
      }) : () -> ()
    }
    %scan3A_6 = arith.constant 125 : i32
    return
  }
}

#map = affine_map<(d0, d1) -> (0, 0)>
#map1 = affine_map<(d0, d1) -> (0)>
module attributes {stable_mosaic.version = 14 : i64} {
  func.func @k2(%arg0: i32, %arg1: i32, %arg2: memref<10000x1280xf32, #tpu.memory_space<hbm>>, %arg3: memref<320000xi32, #tpu.memory_space<hbm>>, %arg4: memref<320000x1280xf32, #tpu.memory_space<hbm>>, %arg5: memref<40xi32, #tpu.memory_space<vmem>>, %arg6: memref<40xi32, #tpu.memory_space<vmem>>, %arg7: memref<40x1280xf32, #tpu.memory_space<vmem>>, %arg8: memref<40x1280xf32, #tpu.memory_space<vmem>>, %arg9: memref<!tpu.dma_semaphore, #tpu.memory_space<semaphore_mem>>, %arg10: memref<!tpu.dma_semaphore, #tpu.memory_space<semaphore_mem>>) attributes {dimension_semantics = [#tpu.dimension_semantics<core_parallel>, #tpu.dimension_semantics<subcore_parallel>], iteration_bounds = array<i64: 2, 16>, scalar_prefetch = 0 : i64, scratch_operands = 6 : i64, tpu.core_type = #tpu.core_type<sc_vector_subcore>, window_params = [{transform_indices = #map}, {transform_indices = #map1}, {transform_indices = #map}]} {
    %mul3A = arith.constant 16 : i32
    %mul3A_0 = arith.muli %arg0, %mul3A : i32
    %add3A = arith.addi %mul3A_0, %arg1 : i32
    %mul3A_1 = arith.constant 10000 : i32
    %mul3A_2 = arith.muli %add3A, %mul3A_1 : i32
    %scan3A = arith.constant 0 : i32
    %scan3A_3 = arith.constant 125 : i32
    %scan3A_4 = arith.addi %scan3A, %scan3A_3 : i32
    %scan3A_5 = arith.constant 1 : i32
    scf.for %scan3A_7 = %scan3A to %scan3A_4 step %scan3A_5  : i32 {
      %mul3A_8 = arith.constant 80 : i32
      %mul3A_9 = arith.muli %scan3A_7, %mul3A_8 : i32
      %add3A_10 = arith.constant 0 : i32
      %add3A_11 = arith.addi %add3A_10, %mul3A_9 : i32
      %add3A_12 = arith.addi %mul3A_2, %add3A_11 : i32
      "tpu.region"() ({
        %run_scoped3A = tpu.sem_alloc : memref<!tpu.dma_semaphore, #tpu.memory_space<semaphore_mem>>
        %dma_start3A_30 = tpu.memref_slice %arg3[%add3A_12] : memref<320000xi32, #tpu.memory_space<hbm>> -> memref<40xi32, #tpu.memory_space<hbm>>
        %dma_start3A_31 = tpu.memref_slice %arg3[%add3A_12] : memref<320000xi32, #tpu.memory_space<hbm>> -> memref<40xi32, #tpu.memory_space<hbm>>
        tpu.enqueue_dma source(%dma_start3A_31 : memref<40xi32, #tpu.memory_space<hbm>>) target(%arg5 : memref<40xi32, #tpu.memory_space<vmem>>) target_semaphore(%run_scoped3A : memref<!tpu.dma_semaphore, #tpu.memory_space<semaphore_mem>>)
        %dma_wait3A_32 = tpu.memref_slice %arg3[%add3A_12] : memref<320000xi32, #tpu.memory_space<hbm>> -> memref<40xi32, #tpu.memory_space<hbm>>
        %dma_wait3A_33 = tpu.memref_slice %arg3[%add3A_12] : memref<320000xi32, #tpu.memory_space<hbm>> -> memref<40xi32, #tpu.memory_space<hbm>>
        tpu.wait_dma2 semaphore(%run_scoped3A : memref<!tpu.dma_semaphore, #tpu.memory_space<semaphore_mem>>) src(%dma_wait3A_33 : memref<40xi32, #tpu.memory_space<hbm>>) dst(%arg5 : memref<40xi32, #tpu.memory_space<vmem>>)
        tpu.yield
      }) : () -> ()
      %dma_start3A = arith.constant 0 : i32
      %dma_start3A_13 = arith.constant 0 : i32
      %dma_start3A_14 = tpu.memref_slice %arg2[%dma_start3A, %dma_start3A_13] : memref<10000x1280xf32, #tpu.memory_space<hbm>> -> memref<10000x1280xf32, #tpu.memory_space<hbm>>
      tpu.enqueue_indirect_dma source(%dma_start3A_14 : memref<10000x1280xf32, #tpu.memory_space<hbm>>) target(%arg7 : memref<40x1280xf32, #tpu.memory_space<vmem>>) offsets(%arg5 : memref<40xi32, #tpu.memory_space<vmem>>) semaphore(%arg9 : memref<!tpu.dma_semaphore, #tpu.memory_space<semaphore_mem>>)
      %add3A_15 = arith.addi %mul3A_2, %add3A_11 : i32
      %add3A_16 = arith.constant 40 : i32
      %add3A_17 = arith.addi %add3A_15, %add3A_16 : i32
      "tpu.region"() ({
        %run_scoped3A = tpu.sem_alloc : memref<!tpu.dma_semaphore, #tpu.memory_space<semaphore_mem>>
        %dma_start3A_30 = tpu.memref_slice %arg3[%add3A_17] : memref<320000xi32, #tpu.memory_space<hbm>> -> memref<40xi32, #tpu.memory_space<hbm>>
        %dma_start3A_31 = tpu.memref_slice %arg3[%add3A_17] : memref<320000xi32, #tpu.memory_space<hbm>> -> memref<40xi32, #tpu.memory_space<hbm>>
        tpu.enqueue_dma source(%dma_start3A_31 : memref<40xi32, #tpu.memory_space<hbm>>) target(%arg6 : memref<40xi32, #tpu.memory_space<vmem>>) target_semaphore(%run_scoped3A : memref<!tpu.dma_semaphore, #tpu.memory_space<semaphore_mem>>)
        %dma_wait3A_32 = tpu.memref_slice %arg3[%add3A_17] : memref<320000xi32, #tpu.memory_space<hbm>> -> memref<40xi32, #tpu.memory_space<hbm>>
        %dma_wait3A_33 = tpu.memref_slice %arg3[%add3A_17] : memref<320000xi32, #tpu.memory_space<hbm>> -> memref<40xi32, #tpu.memory_space<hbm>>
        tpu.wait_dma2 semaphore(%run_scoped3A : memref<!tpu.dma_semaphore, #tpu.memory_space<semaphore_mem>>) src(%dma_wait3A_33 : memref<40xi32, #tpu.memory_space<hbm>>) dst(%arg6 : memref<40xi32, #tpu.memory_space<vmem>>)
        tpu.yield
      }) : () -> ()
      %dma_start3A_18 = arith.constant 0 : i32
      %dma_start3A_19 = arith.constant 0 : i32
      %dma_start3A_20 = tpu.memref_slice %arg2[%dma_start3A_18, %dma_start3A_19] : memref<10000x1280xf32, #tpu.memory_space<hbm>> -> memref<10000x1280xf32, #tpu.memory_space<hbm>>
      tpu.enqueue_indirect_dma source(%dma_start3A_20 : memref<10000x1280xf32, #tpu.memory_space<hbm>>) target(%arg8 : memref<40x1280xf32, #tpu.memory_space<vmem>>) offsets(%arg6 : memref<40xi32, #tpu.memory_space<vmem>>) semaphore(%arg10 : memref<!tpu.dma_semaphore, #tpu.memory_space<semaphore_mem>>)
      %dma_wait3A = arith.constant 0 : i32
      %dma_wait3A_21 = arith.constant 0 : i32
      %dma_wait3A_22 = tpu.memref_slice %arg2[%dma_wait3A, %dma_wait3A_21] : memref<10000x1280xf32, #tpu.memory_space<hbm>> -> memref<10000x1280xf32, #tpu.memory_space<hbm>>
      tpu.wait_indirect_dma semaphore(%arg9 : memref<!tpu.dma_semaphore, #tpu.memory_space<semaphore_mem>>) src(%dma_wait3A_22 : memref<10000x1280xf32, #tpu.memory_space<hbm>>) dst(%arg7 : memref<40x1280xf32, #tpu.memory_space<vmem>>)
      %add3A_23 = arith.addi %mul3A_2, %add3A_11 : i32
      "tpu.region"() ({
        %run_scoped3A = tpu.sem_alloc : memref<!tpu.dma_semaphore, #tpu.memory_space<semaphore_mem>>
        %dma_start3A_30 = arith.constant 0 : i32
        %dma_start3A_31 = tpu.memref_slice %arg4[%add3A_23, %dma_start3A_30] : memref<320000x1280xf32, #tpu.memory_space<hbm>> -> memref<40x1280xf32, #tpu.memory_space<hbm>>
        %dma_start3A_32 = arith.constant 0 : i32
        %dma_start3A_33 = tpu.memref_slice %arg4[%add3A_23, %dma_start3A_32] : memref<320000x1280xf32, #tpu.memory_space<hbm>> -> memref<40x1280xf32, #tpu.memory_space<hbm>>
        tpu.enqueue_dma source(%arg7 : memref<40x1280xf32, #tpu.memory_space<vmem>>) target(%dma_start3A_33 : memref<40x1280xf32, #tpu.memory_space<hbm>>) target_semaphore(%run_scoped3A : memref<!tpu.dma_semaphore, #tpu.memory_space<semaphore_mem>>)
        %dma_wait3A_34 = arith.constant 0 : i32
        %dma_wait3A_35 = tpu.memref_slice %arg4[%add3A_23, %dma_wait3A_34] : memref<320000x1280xf32, #tpu.memory_space<hbm>> -> memref<40x1280xf32, #tpu.memory_space<hbm>>
        %dma_wait3A_36 = arith.constant 0 : i32
        %dma_wait3A_37 = tpu.memref_slice %arg4[%add3A_23, %dma_wait3A_36] : memref<320000x1280xf32, #tpu.memory_space<hbm>> -> memref<40x1280xf32, #tpu.memory_space<hbm>>
        tpu.wait_dma2 semaphore(%run_scoped3A : memref<!tpu.dma_semaphore, #tpu.memory_space<semaphore_mem>>) src(%arg7 : memref<40x1280xf32, #tpu.memory_space<vmem>>) dst(%dma_wait3A_37 : memref<40x1280xf32, #tpu.memory_space<hbm>>)
        tpu.yield
      }) : () -> ()
      %dma_wait3A_24 = arith.constant 0 : i32
      %dma_wait3A_25 = arith.constant 0 : i32
      %dma_wait3A_26 = tpu.memref_slice %arg2[%dma_wait3A_24, %dma_wait3A_25] : memref<10000x1280xf32, #tpu.memory_space<hbm>> -> memref<10000x1280xf32, #tpu.memory_space<hbm>>
      tpu.wait_indirect_dma semaphore(%arg10 : memref<!tpu.dma_semaphore, #tpu.memory_space<semaphore_mem>>) src(%dma_wait3A_26 : memref<10000x1280xf32, #tpu.memory_space<hbm>>) dst(%arg8 : memref<40x1280xf32, #tpu.memory_space<vmem>>)
      %add3A_27 = arith.addi %mul3A_2, %add3A_11 : i32
      %add3A_28 = arith.constant 40 : i32
      %add3A_29 = arith.addi %add3A_27, %add3A_28 : i32
      "tpu.region"() ({
        %run_scoped3A = tpu.sem_alloc : memref<!tpu.dma_semaphore, #tpu.memory_space<semaphore_mem>>
        %dma_start3A_30 = arith.constant 0 : i32
        %dma_start3A_31 = tpu.memref_slice %arg4[%add3A_29, %dma_start3A_30] : memref<320000x1280xf32, #tpu.memory_space<hbm>> -> memref<40x1280xf32, #tpu.memory_space<hbm>>
        %dma_start3A_32 = arith.constant 0 : i32
        %dma_start3A_33 = tpu.memref_slice %arg4[%add3A_29, %dma_start3A_32] : memref<320000x1280xf32, #tpu.memory_space<hbm>> -> memref<40x1280xf32, #tpu.memory_space<hbm>>
        tpu.enqueue_dma source(%arg8 : memref<40x1280xf32, #tpu.memory_space<vmem>>) target(%dma_start3A_33 : memref<40x1280xf32, #tpu.memory_space<hbm>>) target_semaphore(%run_scoped3A : memref<!tpu.dma_semaphore, #tpu.memory_space<semaphore_mem>>)
        %dma_wait3A_34 = arith.constant 0 : i32
        %dma_wait3A_35 = tpu.memref_slice %arg4[%add3A_29, %dma_wait3A_34] : memref<320000x1280xf32, #tpu.memory_space<hbm>> -> memref<40x1280xf32, #tpu.memory_space<hbm>>
        %dma_wait3A_36 = arith.constant 0 : i32
        %dma_wait3A_37 = tpu.memref_slice %arg4[%add3A_29, %dma_wait3A_36] : memref<320000x1280xf32, #tpu.memory_space<hbm>> -> memref<40x1280xf32, #tpu.memory_space<hbm>>
        tpu.wait_dma2 semaphore(%run_scoped3A : memref<!tpu.dma_semaphore, #tpu.memory_space<semaphore_mem>>) src(%arg8 : memref<40x1280xf32, #tpu.memory_space<vmem>>) dst(%dma_wait3A_37 : memref<40x1280xf32, #tpu.memory_space<hbm>>)
        tpu.yield
      }) : () -> ()
    }
    %scan3A_6 = arith.constant 125 : i32
    return
  }
}

#map = affine_map<(d0, d1) -> (0, 0)>
#map1 = affine_map<(d0, d1) -> (0)>
#map2 = affine_map<(d0, d1) -> (0, 0, 0)>
module attributes {stable_mosaic.version = 14 : i64} {
  func.func @k(%arg0: i32, %arg1: i32, %arg2: memref<80x128xf32, #tpu.memory_space<hbm>>, %arg3: memref<320000xi32, #tpu.memory_space<hbm>>, %arg4: memref<10000x128xf32, #tpu.memory_space<hbm>>, %arg5: memref<2x10000x128xf32, #tpu.memory_space<hbm>>, %arg6: memref<80xi32, #tpu.memory_space<vmem>>, %arg7: memref<80x128xf32, #tpu.memory_space<vmem>>, %arg8: memref<10000x128xf32, #tpu.memory_space<vmem_shared>>, %arg9: memref<!tpu.dma_semaphore, #tpu.memory_space<semaphore_mem>>) attributes {dimension_semantics = [#tpu.dimension_semantics<core_parallel>, #tpu.dimension_semantics<subcore_parallel>], iteration_bounds = array<i64: 2, 16>, scalar_prefetch = 0 : i64, scratch_operands = 4 : i64, tpu.core_type = #tpu.core_type<sc_vector_subcore>, window_params = [{transform_indices = #map}, {transform_indices = #map1}, {transform_indices = #map}, {transform_indices = #map2}]} {
    %mul3A = arith.constant 160000 : i32
    %mul3A_0 = arith.muli %arg0, %mul3A : i32
    %mul3A_1 = arith.constant 10000 : i32
    %mul3A_2 = arith.muli %arg1, %mul3A_1 : i32
    %add3A = arith.addi %mul3A_0, %mul3A_2 : i32
    %eq3A = arith.constant 0 : i32
    %eq3A_3 = arith.cmpi eq, %arg1, %eq3A : i32
    %convert_element_type3A = arith.extui %eq3A_3 : i1 to i32
    %cond3A = arith.constant 0 : i32
    %cond3A_4 = arith.cmpi ne, %convert_element_type3A, %cond3A : i32
    scf.if %cond3A_4 {
      "tpu.region"() ({
        %run_scoped3A = tpu.sem_alloc : memref<!tpu.dma_semaphore, #tpu.memory_space<semaphore_mem>>
        tpu.enqueue_dma source(%arg4 : memref<10000x128xf32, #tpu.memory_space<hbm>>) target(%arg8 : memref<10000x128xf32, #tpu.memory_space<vmem_shared>>) target_semaphore(%run_scoped3A : memref<!tpu.dma_semaphore, #tpu.memory_space<semaphore_mem>>)
        tpu.wait_dma2 semaphore(%run_scoped3A : memref<!tpu.dma_semaphore, #tpu.memory_space<semaphore_mem>>) src(%arg4 : memref<10000x128xf32, #tpu.memory_space<hbm>>) dst(%arg8 : memref<10000x128xf32, #tpu.memory_space<vmem_shared>>)
        tpu.yield
      }) : () -> ()
    } else {
    }
    "tpu.region"() ({
      %run_scoped3A = tpu.sem_alloc : memref<!tpu.dma_semaphore, #tpu.memory_space<semaphore_mem>>
      tpu.enqueue_dma source(%arg2 : memref<80x128xf32, #tpu.memory_space<hbm>>) target(%arg7 : memref<80x128xf32, #tpu.memory_space<vmem>>) target_semaphore(%run_scoped3A : memref<!tpu.dma_semaphore, #tpu.memory_space<semaphore_mem>>)
      tpu.wait_dma2 semaphore(%run_scoped3A : memref<!tpu.dma_semaphore, #tpu.memory_space<semaphore_mem>>) src(%arg2 : memref<80x128xf32, #tpu.memory_space<hbm>>) dst(%arg7 : memref<80x128xf32, #tpu.memory_space<vmem>>)
      tpu.yield
    }) : () -> ()
    %barrier3A = arith.constant 0 : index
    tpu.barrier barrier_id(%barrier3A)
    %scan3A = arith.constant 0 : i32
    %scan3A_5 = arith.constant 125 : i32
    %scan3A_6 = arith.addi %scan3A, %scan3A_5 : i32
    %scan3A_7 = arith.constant 1 : i32
    scf.for %scan3A_15 = %scan3A to %scan3A_6 step %scan3A_7  : i32 {
      %mul3A_16 = arith.constant 80 : i32
      %mul3A_17 = arith.muli %scan3A_15, %mul3A_16 : i32
      %add3A_18 = arith.constant 0 : i32
      %add3A_19 = arith.addi %add3A_18, %mul3A_17 : i32
      %add3A_20 = arith.addi %add3A, %add3A_19 : i32
      "tpu.region"() ({
        %run_scoped3A = tpu.sem_alloc : memref<!tpu.dma_semaphore, #tpu.memory_space<semaphore_mem>>
        %dma_start3A = tpu.memref_slice %arg3[%add3A_20] : memref<320000xi32, #tpu.memory_space<hbm>> -> memref<80xi32, #tpu.memory_space<hbm>>
        %dma_start3A_21 = tpu.memref_slice %arg3[%add3A_20] : memref<320000xi32, #tpu.memory_space<hbm>> -> memref<80xi32, #tpu.memory_space<hbm>>
        tpu.enqueue_dma source(%dma_start3A_21 : memref<80xi32, #tpu.memory_space<hbm>>) target(%arg6 : memref<80xi32, #tpu.memory_space<vmem>>) target_semaphore(%run_scoped3A : memref<!tpu.dma_semaphore, #tpu.memory_space<semaphore_mem>>)
        %dma_wait3A = tpu.memref_slice %arg3[%add3A_20] : memref<320000xi32, #tpu.memory_space<hbm>> -> memref<80xi32, #tpu.memory_space<hbm>>
        %dma_wait3A_22 = tpu.memref_slice %arg3[%add3A_20] : memref<320000xi32, #tpu.memory_space<hbm>> -> memref<80xi32, #tpu.memory_space<hbm>>
        tpu.wait_dma2 semaphore(%run_scoped3A : memref<!tpu.dma_semaphore, #tpu.memory_space<semaphore_mem>>) src(%dma_wait3A_22 : memref<80xi32, #tpu.memory_space<hbm>>) dst(%arg6 : memref<80xi32, #tpu.memory_space<vmem>>)
        tpu.yield
      }) : () -> ()
      "tpu.region"() ({
        %run_scoped3A = tpu.sem_alloc : memref<!tpu.dma_semaphore, #tpu.memory_space<semaphore_mem>>
        %dma_start3A = arith.constant 0 : i32
        %dma_start3A_21 = arith.constant 0 : i32
        %dma_start3A_22 = tpu.memref_slice %arg8[%dma_start3A, %dma_start3A_21] : memref<10000x128xf32, #tpu.memory_space<vmem_shared>> -> memref<10000x128xf32, #tpu.memory_space<vmem_shared>>
        tpu.enqueue_indirect_dma source(%arg7 : memref<80x128xf32, #tpu.memory_space<vmem>>) target(%dma_start3A_22 : memref<10000x128xf32, #tpu.memory_space<vmem_shared>>) offsets(%arg6 : memref<80xi32, #tpu.memory_space<vmem>>) semaphore(%run_scoped3A : memref<!tpu.dma_semaphore, #tpu.memory_space<semaphore_mem>>) {add = true}
        %dma_wait3A = arith.constant 0 : i32
        %dma_wait3A_23 = arith.constant 0 : i32
        %dma_wait3A_24 = tpu.memref_slice %arg8[%dma_wait3A, %dma_wait3A_23] : memref<10000x128xf32, #tpu.memory_space<vmem_shared>> -> memref<10000x128xf32, #tpu.memory_space<vmem_shared>>
        tpu.wait_indirect_dma semaphore(%run_scoped3A : memref<!tpu.dma_semaphore, #tpu.memory_space<semaphore_mem>>) src(%arg7 : memref<80x128xf32, #tpu.memory_space<vmem>>) dst(%dma_wait3A_24 : memref<10000x128xf32, #tpu.memory_space<vmem_shared>>)
        tpu.yield
      }) : () -> ()
    }
    %scan3A_8 = arith.constant 125 : i32
    %barrier3A_9 = arith.constant 0 : index
    tpu.barrier barrier_id(%barrier3A_9)
    %eq3A_10 = arith.constant 0 : i32
    %eq3A_11 = arith.cmpi eq, %arg1, %eq3A_10 : i32
    %convert_element_type3A_12 = arith.extui %eq3A_11 : i1 to i32
    %cond3A_13 = arith.constant 0 : i32
    %cond3A_14 = arith.cmpi ne, %convert_element_type3A_12, %cond3A_13 : i32
    scf.if %cond3A_14 {
      "tpu.region"() ({
        %run_scoped3A = tpu.sem_alloc : memref<!tpu.dma_semaphore, #tpu.memory_space<semaphore_mem>>
        %dma_start3A = arith.constant 0 : i32
        %dma_start3A_15 = arith.constant 0 : i32
        %dma_start3A_16 = tpu.memref_slice %arg5[%arg0, %dma_start3A, %dma_start3A_15] : memref<2x10000x128xf32, #tpu.memory_space<hbm>> -> memref<1x10000x128xf32, #tpu.memory_space<hbm>>
        %dma_start3A_17 = tpu.memref_squeeze %dma_start3A_16 : memref<1x10000x128xf32, #tpu.memory_space<hbm>> -> memref<10000x128xf32, #tpu.memory_space<hbm>>
        tpu.enqueue_dma source(%arg8 : memref<10000x128xf32, #tpu.memory_space<vmem_shared>>) target(%dma_start3A_17 : memref<10000x128xf32, #tpu.memory_space<hbm>>) target_semaphore(%run_scoped3A : memref<!tpu.dma_semaphore, #tpu.memory_space<semaphore_mem>>)
        %dma_wait3A = arith.constant 0 : i32
        %dma_wait3A_18 = arith.constant 0 : i32
        %dma_wait3A_19 = tpu.memref_slice %arg5[%arg0, %dma_wait3A, %dma_wait3A_18] : memref<2x10000x128xf32, #tpu.memory_space<hbm>> -> memref<1x10000x128xf32, #tpu.memory_space<hbm>>
        %dma_wait3A_20 = tpu.memref_squeeze %dma_wait3A_19 : memref<1x10000x128xf32, #tpu.memory_space<hbm>> -> memref<10000x128xf32, #tpu.memory_space<hbm>>
        tpu.wait_dma2 semaphore(%run_scoped3A : memref<!tpu.dma_semaphore, #tpu.memory_space<semaphore_mem>>) src(%arg8 : memref<10000x128xf32, #tpu.memory_space<vmem_shared>>) dst(%dma_wait3A_20 : memref<10000x128xf32, #tpu.memory_space<hbm>>)
        tpu.yield
      }) : () -> ()
    } else {
    }
    return
  }
}

#map = affine_map<(d0, d1) -> (0, 0)>
#map1 = affine_map<(d0, d1) -> (0)>
#map2 = affine_map<(d0, d1) -> (0, 0, 0)>
module attributes {stable_mosaic.version = 14 : i64} {
  func.func @k(%arg0: i32, %arg1: i32, %arg2: memref<320000x128xf32, #tpu.memory_space<hbm>>, %arg3: memref<320000xi32, #tpu.memory_space<hbm>>, %arg4: memref<10000x128xf32, #tpu.memory_space<hbm>>, %arg5: memref<2x10000x128xf32, #tpu.memory_space<hbm>>, %arg6: memref<80xi32, #tpu.memory_space<vmem>>, %arg7: memref<80x128xf32, #tpu.memory_space<vmem>>, %arg8: memref<10000x128xf32, #tpu.memory_space<vmem_shared>>, %arg9: memref<!tpu.dma_semaphore, #tpu.memory_space<semaphore_mem>>) attributes {dimension_semantics = [#tpu.dimension_semantics<core_parallel>, #tpu.dimension_semantics<subcore_parallel>], iteration_bounds = array<i64: 2, 16>, scalar_prefetch = 0 : i64, scratch_operands = 4 : i64, tpu.core_type = #tpu.core_type<sc_vector_subcore>, window_params = [{transform_indices = #map}, {transform_indices = #map1}, {transform_indices = #map}, {transform_indices = #map2}]} {
    %mul3A = arith.constant 160000 : i32
    %mul3A_0 = arith.muli %arg0, %mul3A : i32
    %mul3A_1 = arith.constant 10000 : i32
    %mul3A_2 = arith.muli %arg1, %mul3A_1 : i32
    %add3A = arith.addi %mul3A_0, %mul3A_2 : i32
    %eq3A = arith.constant 0 : i32
    %eq3A_3 = arith.cmpi eq, %arg1, %eq3A : i32
    %convert_element_type3A = arith.extui %eq3A_3 : i1 to i32
    %cond3A = arith.constant 0 : i32
    %cond3A_4 = arith.cmpi ne, %convert_element_type3A, %cond3A : i32
    scf.if %cond3A_4 {
      "tpu.region"() ({
        %run_scoped3A = tpu.sem_alloc : memref<!tpu.dma_semaphore, #tpu.memory_space<semaphore_mem>>
        tpu.enqueue_dma source(%arg4 : memref<10000x128xf32, #tpu.memory_space<hbm>>) target(%arg8 : memref<10000x128xf32, #tpu.memory_space<vmem_shared>>) target_semaphore(%run_scoped3A : memref<!tpu.dma_semaphore, #tpu.memory_space<semaphore_mem>>)
        tpu.wait_dma2 semaphore(%run_scoped3A : memref<!tpu.dma_semaphore, #tpu.memory_space<semaphore_mem>>) src(%arg4 : memref<10000x128xf32, #tpu.memory_space<hbm>>) dst(%arg8 : memref<10000x128xf32, #tpu.memory_space<vmem_shared>>)
        tpu.yield
      }) : () -> ()
    } else {
    }
    %barrier3A = arith.constant 0 : index
    tpu.barrier barrier_id(%barrier3A)
    %scan3A = arith.constant 0 : i32
    %scan3A_5 = arith.constant 125 : i32
    %scan3A_6 = arith.addi %scan3A, %scan3A_5 : i32
    %scan3A_7 = arith.constant 1 : i32
    scf.for %scan3A_15 = %scan3A to %scan3A_6 step %scan3A_7  : i32 {
      %mul3A_16 = arith.constant 80 : i32
      %mul3A_17 = arith.muli %scan3A_15, %mul3A_16 : i32
      %add3A_18 = arith.constant 0 : i32
      %add3A_19 = arith.addi %add3A_18, %mul3A_17 : i32
      %add3A_20 = arith.addi %add3A, %add3A_19 : i32
      "tpu.region"() ({
        %run_scoped3A = tpu.sem_alloc : memref<!tpu.dma_semaphore, #tpu.memory_space<semaphore_mem>>
        %dma_start3A = tpu.memref_slice %arg3[%add3A_20] : memref<320000xi32, #tpu.memory_space<hbm>> -> memref<80xi32, #tpu.memory_space<hbm>>
        %dma_start3A_22 = tpu.memref_slice %arg3[%add3A_20] : memref<320000xi32, #tpu.memory_space<hbm>> -> memref<80xi32, #tpu.memory_space<hbm>>
        tpu.enqueue_dma source(%dma_start3A_22 : memref<80xi32, #tpu.memory_space<hbm>>) target(%arg6 : memref<80xi32, #tpu.memory_space<vmem>>) target_semaphore(%run_scoped3A : memref<!tpu.dma_semaphore, #tpu.memory_space<semaphore_mem>>)
        %dma_wait3A = tpu.memref_slice %arg3[%add3A_20] : memref<320000xi32, #tpu.memory_space<hbm>> -> memref<80xi32, #tpu.memory_space<hbm>>
        %dma_wait3A_23 = tpu.memref_slice %arg3[%add3A_20] : memref<320000xi32, #tpu.memory_space<hbm>> -> memref<80xi32, #tpu.memory_space<hbm>>
        tpu.wait_dma2 semaphore(%run_scoped3A : memref<!tpu.dma_semaphore, #tpu.memory_space<semaphore_mem>>) src(%dma_wait3A_23 : memref<80xi32, #tpu.memory_space<hbm>>) dst(%arg6 : memref<80xi32, #tpu.memory_space<vmem>>)
        tpu.yield
      }) : () -> ()
      %add3A_21 = arith.addi %add3A, %add3A_19 : i32
      "tpu.region"() ({
        %run_scoped3A = tpu.sem_alloc : memref<!tpu.dma_semaphore, #tpu.memory_space<semaphore_mem>>
        %dma_start3A = arith.constant 0 : i32
        %dma_start3A_22 = tpu.memref_slice %arg2[%add3A_21, %dma_start3A] : memref<320000x128xf32, #tpu.memory_space<hbm>> -> memref<80x128xf32, #tpu.memory_space<hbm>>
        %dma_start3A_23 = arith.constant 0 : i32
        %dma_start3A_24 = tpu.memref_slice %arg2[%add3A_21, %dma_start3A_23] : memref<320000x128xf32, #tpu.memory_space<hbm>> -> memref<80x128xf32, #tpu.memory_space<hbm>>
        tpu.enqueue_dma source(%dma_start3A_24 : memref<80x128xf32, #tpu.memory_space<hbm>>) target(%arg7 : memref<80x128xf32, #tpu.memory_space<vmem>>) target_semaphore(%run_scoped3A : memref<!tpu.dma_semaphore, #tpu.memory_space<semaphore_mem>>)
        %dma_wait3A = arith.constant 0 : i32
        %dma_wait3A_25 = tpu.memref_slice %arg2[%add3A_21, %dma_wait3A] : memref<320000x128xf32, #tpu.memory_space<hbm>> -> memref<80x128xf32, #tpu.memory_space<hbm>>
        %dma_wait3A_26 = arith.constant 0 : i32
        %dma_wait3A_27 = tpu.memref_slice %arg2[%add3A_21, %dma_wait3A_26] : memref<320000x128xf32, #tpu.memory_space<hbm>> -> memref<80x128xf32, #tpu.memory_space<hbm>>
        tpu.wait_dma2 semaphore(%run_scoped3A : memref<!tpu.dma_semaphore, #tpu.memory_space<semaphore_mem>>) src(%dma_wait3A_27 : memref<80x128xf32, #tpu.memory_space<hbm>>) dst(%arg7 : memref<80x128xf32, #tpu.memory_space<vmem>>)
        tpu.yield
      }) : () -> ()
      "tpu.region"() ({
        %run_scoped3A = tpu.sem_alloc : memref<!tpu.dma_semaphore, #tpu.memory_space<semaphore_mem>>
        %dma_start3A = arith.constant 0 : i32
        %dma_start3A_22 = arith.constant 0 : i32
        %dma_start3A_23 = tpu.memref_slice %arg8[%dma_start3A, %dma_start3A_22] : memref<10000x128xf32, #tpu.memory_space<vmem_shared>> -> memref<10000x128xf32, #tpu.memory_space<vmem_shared>>
        tpu.enqueue_indirect_dma source(%arg7 : memref<80x128xf32, #tpu.memory_space<vmem>>) target(%dma_start3A_23 : memref<10000x128xf32, #tpu.memory_space<vmem_shared>>) offsets(%arg6 : memref<80xi32, #tpu.memory_space<vmem>>) semaphore(%run_scoped3A : memref<!tpu.dma_semaphore, #tpu.memory_space<semaphore_mem>>) {add = true}
        %dma_wait3A = arith.constant 0 : i32
        %dma_wait3A_24 = arith.constant 0 : i32
        %dma_wait3A_25 = tpu.memref_slice %arg8[%dma_wait3A, %dma_wait3A_24] : memref<10000x128xf32, #tpu.memory_space<vmem_shared>> -> memref<10000x128xf32, #tpu.memory_space<vmem_shared>>
        tpu.wait_indirect_dma semaphore(%run_scoped3A : memref<!tpu.dma_semaphore, #tpu.memory_space<semaphore_mem>>) src(%arg7 : memref<80x128xf32, #tpu.memory_space<vmem>>) dst(%dma_wait3A_25 : memref<10000x128xf32, #tpu.memory_space<vmem_shared>>)
        tpu.yield
      }) : () -> ()
    }
    %scan3A_8 = arith.constant 125 : i32
    %barrier3A_9 = arith.constant 0 : index
    tpu.barrier barrier_id(%barrier3A_9)
    %eq3A_10 = arith.constant 0 : i32
    %eq3A_11 = arith.cmpi eq, %arg1, %eq3A_10 : i32
    %convert_element_type3A_12 = arith.extui %eq3A_11 : i1 to i32
    %cond3A_13 = arith.constant 0 : i32
    %cond3A_14 = arith.cmpi ne, %convert_element_type3A_12, %cond3A_13 : i32
    scf.if %cond3A_14 {
      "tpu.region"() ({
        %run_scoped3A = tpu.sem_alloc : memref<!tpu.dma_semaphore, #tpu.memory_space<semaphore_mem>>
        %dma_start3A = arith.constant 0 : i32
        %dma_start3A_15 = arith.constant 0 : i32
        %dma_start3A_16 = tpu.memref_slice %arg5[%arg0, %dma_start3A, %dma_start3A_15] : memref<2x10000x128xf32, #tpu.memory_space<hbm>> -> memref<1x10000x128xf32, #tpu.memory_space<hbm>>
        %dma_start3A_17 = tpu.memref_squeeze %dma_start3A_16 : memref<1x10000x128xf32, #tpu.memory_space<hbm>> -> memref<10000x128xf32, #tpu.memory_space<hbm>>
        tpu.enqueue_dma source(%arg8 : memref<10000x128xf32, #tpu.memory_space<vmem_shared>>) target(%dma_start3A_17 : memref<10000x128xf32, #tpu.memory_space<hbm>>) target_semaphore(%run_scoped3A : memref<!tpu.dma_semaphore, #tpu.memory_space<semaphore_mem>>)
        %dma_wait3A = arith.constant 0 : i32
        %dma_wait3A_18 = arith.constant 0 : i32
        %dma_wait3A_19 = tpu.memref_slice %arg5[%arg0, %dma_wait3A, %dma_wait3A_18] : memref<2x10000x128xf32, #tpu.memory_space<hbm>> -> memref<1x10000x128xf32, #tpu.memory_space<hbm>>
        %dma_wait3A_20 = tpu.memref_squeeze %dma_wait3A_19 : memref<1x10000x128xf32, #tpu.memory_space<hbm>> -> memref<10000x128xf32, #tpu.memory_space<hbm>>
        tpu.wait_dma2 semaphore(%run_scoped3A : memref<!tpu.dma_semaphore, #tpu.memory_space<semaphore_mem>>) src(%arg8 : memref<10000x128xf32, #tpu.memory_space<vmem_shared>>) dst(%dma_wait3A_20 : memref<10000x128xf32, #tpu.memory_space<hbm>>)
        tpu.yield
      }) : () -> ()
    } else {
    }
    return
  }
}

#map = affine_map<(d0, d1) -> (0, 0)>
#map1 = affine_map<(d0, d1) -> (0)>
module attributes {stable_mosaic.version = 14 : i64} {
  func.func @k2(%arg0: i32, %arg1: i32, %arg2: memref<10000x1280xf32, #tpu.memory_space<hbm>>, %arg3: memref<320000xi32, #tpu.memory_space<hbm>>, %arg4: memref<320000x1280xf32, #tpu.memory_space<hbm>>, %arg5: memref<40xi32, #tpu.memory_space<vmem>>, %arg6: memref<40xi32, #tpu.memory_space<vmem>>, %arg7: memref<40x1280xf32, #tpu.memory_space<vmem>>, %arg8: memref<40x1280xf32, #tpu.memory_space<vmem>>, %arg9: memref<!tpu.dma_semaphore, #tpu.memory_space<semaphore_mem>>, %arg10: memref<!tpu.dma_semaphore, #tpu.memory_space<semaphore_mem>>) attributes {dimension_semantics = [#tpu.dimension_semantics<core_parallel>, #tpu.dimension_semantics<subcore_parallel>], iteration_bounds = array<i64: 2, 16>, scalar_prefetch = 0 : i64, scratch_operands = 6 : i64, tpu.core_type = #tpu.core_type<sc_vector_subcore>, window_params = [{transform_indices = #map}, {transform_indices = #map1}, {transform_indices = #map}]} {
    %mul3A = arith.constant 16 : i32
    %mul3A_0 = arith.muli %arg0, %mul3A : i32
    %add3A = arith.addi %mul3A_0, %arg1 : i32
    %mul3A_1 = arith.constant 10000 : i32
    %mul3A_2 = arith.muli %add3A, %mul3A_1 : i32
    %scan3A = arith.constant 0 : i32
    %scan3A_3 = arith.constant 125 : i32
    %scan3A_4 = arith.addi %scan3A, %scan3A_3 : i32
    %scan3A_5 = arith.constant 1 : i32
    scf.for %scan3A_7 = %scan3A to %scan3A_4 step %scan3A_5  : i32 {
      %mul3A_8 = arith.constant 80 : i32
      %mul3A_9 = arith.muli %scan3A_7, %mul3A_8 : i32
      %add3A_10 = arith.constant 0 : i32
      %add3A_11 = arith.addi %add3A_10, %mul3A_9 : i32
      %add3A_12 = arith.addi %mul3A_2, %add3A_11 : i32
      "tpu.region"() ({
        %run_scoped3A = tpu.sem_alloc : memref<!tpu.dma_semaphore, #tpu.memory_space<semaphore_mem>>
        %dma_start3A_30 = tpu.memref_slice %arg3[%add3A_12] : memref<320000xi32, #tpu.memory_space<hbm>> -> memref<40xi32, #tpu.memory_space<hbm>>
        %dma_start3A_31 = tpu.memref_slice %arg3[%add3A_12] : memref<320000xi32, #tpu.memory_space<hbm>> -> memref<40xi32, #tpu.memory_space<hbm>>
        tpu.enqueue_dma source(%dma_start3A_31 : memref<40xi32, #tpu.memory_space<hbm>>) target(%arg5 : memref<40xi32, #tpu.memory_space<vmem>>) target_semaphore(%run_scoped3A : memref<!tpu.dma_semaphore, #tpu.memory_space<semaphore_mem>>)
        %dma_wait3A_32 = tpu.memref_slice %arg3[%add3A_12] : memref<320000xi32, #tpu.memory_space<hbm>> -> memref<40xi32, #tpu.memory_space<hbm>>
        %dma_wait3A_33 = tpu.memref_slice %arg3[%add3A_12] : memref<320000xi32, #tpu.memory_space<hbm>> -> memref<40xi32, #tpu.memory_space<hbm>>
        tpu.wait_dma2 semaphore(%run_scoped3A : memref<!tpu.dma_semaphore, #tpu.memory_space<semaphore_mem>>) src(%dma_wait3A_33 : memref<40xi32, #tpu.memory_space<hbm>>) dst(%arg5 : memref<40xi32, #tpu.memory_space<vmem>>)
        tpu.yield
      }) : () -> ()
      %dma_start3A = arith.constant 0 : i32
      %dma_start3A_13 = arith.constant 0 : i32
      %dma_start3A_14 = tpu.memref_slice %arg2[%dma_start3A, %dma_start3A_13] : memref<10000x1280xf32, #tpu.memory_space<hbm>> -> memref<10000x1280xf32, #tpu.memory_space<hbm>>
      tpu.enqueue_indirect_dma source(%dma_start3A_14 : memref<10000x1280xf32, #tpu.memory_space<hbm>>) target(%arg7 : memref<40x1280xf32, #tpu.memory_space<vmem>>) offsets(%arg5 : memref<40xi32, #tpu.memory_space<vmem>>) semaphore(%arg9 : memref<!tpu.dma_semaphore, #tpu.memory_space<semaphore_mem>>)
      %add3A_15 = arith.addi %mul3A_2, %add3A_11 : i32
      %add3A_16 = arith.constant 40 : i32
      %add3A_17 = arith.addi %add3A_15, %add3A_16 : i32
      "tpu.region"() ({
        %run_scoped3A = tpu.sem_alloc : memref<!tpu.dma_semaphore, #tpu.memory_space<semaphore_mem>>
        %dma_start3A_30 = tpu.memref_slice %arg3[%add3A_17] : memref<320000xi32, #tpu.memory_space<hbm>> -> memref<40xi32, #tpu.memory_space<hbm>>
        %dma_start3A_31 = tpu.memref_slice %arg3[%add3A_17] : memref<320000xi32, #tpu.memory_space<hbm>> -> memref<40xi32, #tpu.memory_space<hbm>>
        tpu.enqueue_dma source(%dma_start3A_31 : memref<40xi32, #tpu.memory_space<hbm>>) target(%arg6 : memref<40xi32, #tpu.memory_space<vmem>>) target_semaphore(%run_scoped3A : memref<!tpu.dma_semaphore, #tpu.memory_space<semaphore_mem>>)
        %dma_wait3A_32 = tpu.memref_slice %arg3[%add3A_17] : memref<320000xi32, #tpu.memory_space<hbm>> -> memref<40xi32, #tpu.memory_space<hbm>>
        %dma_wait3A_33 = tpu.memref_slice %arg3[%add3A_17] : memref<320000xi32, #tpu.memory_space<hbm>> -> memref<40xi32, #tpu.memory_space<hbm>>
        tpu.wait_dma2 semaphore(%run_scoped3A : memref<!tpu.dma_semaphore, #tpu.memory_space<semaphore_mem>>) src(%dma_wait3A_33 : memref<40xi32, #tpu.memory_space<hbm>>) dst(%arg6 : memref<40xi32, #tpu.memory_space<vmem>>)
        tpu.yield
      }) : () -> ()
      %dma_start3A_18 = arith.constant 0 : i32
      %dma_start3A_19 = arith.constant 0 : i32
      %dma_start3A_20 = tpu.memref_slice %arg2[%dma_start3A_18, %dma_start3A_19] : memref<10000x1280xf32, #tpu.memory_space<hbm>> -> memref<10000x1280xf32, #tpu.memory_space<hbm>>
      tpu.enqueue_indirect_dma source(%dma_start3A_20 : memref<10000x1280xf32, #tpu.memory_space<hbm>>) target(%arg8 : memref<40x1280xf32, #tpu.memory_space<vmem>>) offsets(%arg6 : memref<40xi32, #tpu.memory_space<vmem>>) semaphore(%arg10 : memref<!tpu.dma_semaphore, #tpu.memory_space<semaphore_mem>>)
      %dma_wait3A = arith.constant 0 : i32
      %dma_wait3A_21 = arith.constant 0 : i32
      %dma_wait3A_22 = tpu.memref_slice %arg2[%dma_wait3A, %dma_wait3A_21] : memref<10000x1280xf32, #tpu.memory_space<hbm>> -> memref<10000x1280xf32, #tpu.memory_space<hbm>>
      tpu.wait_indirect_dma semaphore(%arg9 : memref<!tpu.dma_semaphore, #tpu.memory_space<semaphore_mem>>) src(%dma_wait3A_22 : memref<10000x1280xf32, #tpu.memory_space<hbm>>) dst(%arg7 : memref<40x1280xf32, #tpu.memory_space<vmem>>)
      %add3A_23 = arith.addi %mul3A_2, %add3A_11 : i32
      "tpu.region"() ({
        %run_scoped3A = tpu.sem_alloc : memref<!tpu.dma_semaphore, #tpu.memory_space<semaphore_mem>>
        %dma_start3A_30 = arith.constant 0 : i32
        %dma_start3A_31 = tpu.memref_slice %arg4[%add3A_23, %dma_start3A_30] : memref<320000x1280xf32, #tpu.memory_space<hbm>> -> memref<40x1280xf32, #tpu.memory_space<hbm>>
        %dma_start3A_32 = arith.constant 0 : i32
        %dma_start3A_33 = tpu.memref_slice %arg4[%add3A_23, %dma_start3A_32] : memref<320000x1280xf32, #tpu.memory_space<hbm>> -> memref<40x1280xf32, #tpu.memory_space<hbm>>
        tpu.enqueue_dma source(%arg7 : memref<40x1280xf32, #tpu.memory_space<vmem>>) target(%dma_start3A_33 : memref<40x1280xf32, #tpu.memory_space<hbm>>) target_semaphore(%run_scoped3A : memref<!tpu.dma_semaphore, #tpu.memory_space<semaphore_mem>>)
        %dma_wait3A_34 = arith.constant 0 : i32
        %dma_wait3A_35 = tpu.memref_slice %arg4[%add3A_23, %dma_wait3A_34] : memref<320000x1280xf32, #tpu.memory_space<hbm>> -> memref<40x1280xf32, #tpu.memory_space<hbm>>
        %dma_wait3A_36 = arith.constant 0 : i32
        %dma_wait3A_37 = tpu.memref_slice %arg4[%add3A_23, %dma_wait3A_36] : memref<320000x1280xf32, #tpu.memory_space<hbm>> -> memref<40x1280xf32, #tpu.memory_space<hbm>>
        tpu.wait_dma2 semaphore(%run_scoped3A : memref<!tpu.dma_semaphore, #tpu.memory_space<semaphore_mem>>) src(%arg7 : memref<40x1280xf32, #tpu.memory_space<vmem>>) dst(%dma_wait3A_37 : memref<40x1280xf32, #tpu.memory_space<hbm>>)
        tpu.yield
      }) : () -> ()
      %dma_wait3A_24 = arith.constant 0 : i32
      %dma_wait3A_25 = arith.constant 0 : i32
      %dma_wait3A_26 = tpu.memref_slice %arg2[%dma_wait3A_24, %dma_wait3A_25] : memref<10000x1280xf32, #tpu.memory_space<hbm>> -> memref<10000x1280xf32, #tpu.memory_space<hbm>>
      tpu.wait_indirect_dma semaphore(%arg10 : memref<!tpu.dma_semaphore, #tpu.memory_space<semaphore_mem>>) src(%dma_wait3A_26 : memref<10000x1280xf32, #tpu.memory_space<hbm>>) dst(%arg8 : memref<40x1280xf32, #tpu.memory_space<vmem>>)
      %add3A_27 = arith.addi %mul3A_2, %add3A_11 : i32
      %add3A_28 = arith.constant 40 : i32
      %add3A_29 = arith.addi %add3A_27, %add3A_28 : i32
      "tpu.region"() ({
        %run_scoped3A = tpu.sem_alloc : memref<!tpu.dma_semaphore, #tpu.memory_space<semaphore_mem>>
        %dma_start3A_30 = arith.constant 0 : i32
        %dma_start3A_31 = tpu.memref_slice %arg4[%add3A_29, %dma_start3A_30] : memref<320000x1280xf32, #tpu.memory_space<hbm>> -> memref<40x1280xf32, #tpu.memory_space<hbm>>
        %dma_start3A_32 = arith.constant 0 : i32
        %dma_start3A_33 = tpu.memref_slice %arg4[%add3A_29, %dma_start3A_32] : memref<320000x1280xf32, #tpu.memory_space<hbm>> -> memref<40x1280xf32, #tpu.memory_space<hbm>>
        tpu.enqueue_dma source(%arg8 : memref<40x1280xf32, #tpu.memory_space<vmem>>) target(%dma_start3A_33 : memref<40x1280xf32, #tpu.memory_space<hbm>>) target_semaphore(%run_scoped3A : memref<!tpu.dma_semaphore, #tpu.memory_space<semaphore_mem>>)
        %dma_wait3A_34 = arith.constant 0 : i32
        %dma_wait3A_35 = tpu.memref_slice %arg4[%add3A_29, %dma_wait3A_34] : memref<320000x1280xf32, #tpu.memory_space<hbm>> -> memref<40x1280xf32, #tpu.memory_space<hbm>>
        %dma_wait3A_36 = arith.constant 0 : i32
        %dma_wait3A_37 = tpu.memref_slice %arg4[%add3A_29, %dma_wait3A_36] : memref<320000x1280xf32, #tpu.memory_space<hbm>> -> memref<40x1280xf32, #tpu.memory_space<hbm>>
        tpu.wait_dma2 semaphore(%run_scoped3A : memref<!tpu.dma_semaphore, #tpu.memory_space<semaphore_mem>>) src(%arg8 : memref<40x1280xf32, #tpu.memory_space<vmem>>) dst(%dma_wait3A_37 : memref<40x1280xf32, #tpu.memory_space<hbm>>)
        tpu.yield
      }) : () -> ()
    }
    %scan3A_6 = arith.constant 125 : i32
    return
  }
}

#map = affine_map<(d0, d1) -> (0, 0)>
#map1 = affine_map<(d0, d1) -> (0)>
#map2 = affine_map<(d0, d1) -> (0, 0, 0)>
module attributes {stable_mosaic.version = 14 : i64} {
  func.func @k(%arg0: i32, %arg1: i32, %arg2: memref<320000x128xf32, #tpu.memory_space<hbm>>, %arg3: memref<320000xi32, #tpu.memory_space<hbm>>, %arg4: memref<10000x128xf32, #tpu.memory_space<hbm>>, %arg5: memref<2x10000x128xf32, #tpu.memory_space<hbm>>, %arg6: memref<80xi32, #tpu.memory_space<vmem>>, %arg7: memref<80x128xf32, #tpu.memory_space<vmem>>, %arg8: memref<10000x128xf32, #tpu.memory_space<vmem_shared>>, %arg9: memref<!tpu.dma_semaphore, #tpu.memory_space<semaphore_mem>>) attributes {dimension_semantics = [#tpu.dimension_semantics<core_parallel>, #tpu.dimension_semantics<subcore_parallel>], iteration_bounds = array<i64: 2, 16>, scalar_prefetch = 0 : i64, scratch_operands = 4 : i64, tpu.core_type = #tpu.core_type<sc_vector_subcore>, window_params = [{transform_indices = #map}, {transform_indices = #map1}, {transform_indices = #map}, {transform_indices = #map2}]} {
    %mul3A = arith.constant 160000 : i32
    %mul3A_0 = arith.muli %arg0, %mul3A : i32
    %mul3A_1 = arith.constant 10000 : i32
    %mul3A_2 = arith.muli %arg1, %mul3A_1 : i32
    %add3A = arith.addi %mul3A_0, %mul3A_2 : i32
    %eq3A = arith.constant 0 : i32
    %eq3A_3 = arith.cmpi eq, %arg1, %eq3A : i32
    %convert_element_type3A = arith.extui %eq3A_3 : i1 to i32
    %cond3A = arith.constant 0 : i32
    %cond3A_4 = arith.cmpi ne, %convert_element_type3A, %cond3A : i32
    scf.if %cond3A_4 {
      "tpu.region"() ({
        %run_scoped3A = tpu.sem_alloc : memref<!tpu.dma_semaphore, #tpu.memory_space<semaphore_mem>>
        tpu.enqueue_dma source(%arg4 : memref<10000x128xf32, #tpu.memory_space<hbm>>) target(%arg8 : memref<10000x128xf32, #tpu.memory_space<vmem_shared>>) target_semaphore(%run_scoped3A : memref<!tpu.dma_semaphore, #tpu.memory_space<semaphore_mem>>)
        tpu.wait_dma2 semaphore(%run_scoped3A : memref<!tpu.dma_semaphore, #tpu.memory_space<semaphore_mem>>) src(%arg4 : memref<10000x128xf32, #tpu.memory_space<hbm>>) dst(%arg8 : memref<10000x128xf32, #tpu.memory_space<vmem_shared>>)
        tpu.yield
      }) : () -> ()
    } else {
    }
    %barrier3A = arith.constant 0 : index
    tpu.barrier barrier_id(%barrier3A)
    %scan3A = arith.constant 0 : i32
    %scan3A_5 = arith.constant 125 : i32
    %scan3A_6 = arith.addi %scan3A, %scan3A_5 : i32
    %scan3A_7 = arith.constant 1 : i32
    scf.for %scan3A_15 = %scan3A to %scan3A_6 step %scan3A_7  : i32 {
      %mul3A_16 = arith.constant 80 : i32
      %mul3A_17 = arith.muli %scan3A_15, %mul3A_16 : i32
      %add3A_18 = arith.constant 0 : i32
      %add3A_19 = arith.addi %add3A_18, %mul3A_17 : i32
      %add3A_20 = arith.addi %add3A, %add3A_19 : i32
      "tpu.region"() ({
        %run_scoped3A = tpu.sem_alloc : memref<!tpu.dma_semaphore, #tpu.memory_space<semaphore_mem>>
        %dma_start3A = tpu.memref_slice %arg3[%add3A_20] : memref<320000xi32, #tpu.memory_space<hbm>> -> memref<80xi32, #tpu.memory_space<hbm>>
        %dma_start3A_22 = tpu.memref_slice %arg3[%add3A_20] : memref<320000xi32, #tpu.memory_space<hbm>> -> memref<80xi32, #tpu.memory_space<hbm>>
        tpu.enqueue_dma source(%dma_start3A_22 : memref<80xi32, #tpu.memory_space<hbm>>) target(%arg6 : memref<80xi32, #tpu.memory_space<vmem>>) target_semaphore(%run_scoped3A : memref<!tpu.dma_semaphore, #tpu.memory_space<semaphore_mem>>)
        %dma_wait3A = tpu.memref_slice %arg3[%add3A_20] : memref<320000xi32, #tpu.memory_space<hbm>> -> memref<80xi32, #tpu.memory_space<hbm>>
        %dma_wait3A_23 = tpu.memref_slice %arg3[%add3A_20] : memref<320000xi32, #tpu.memory_space<hbm>> -> memref<80xi32, #tpu.memory_space<hbm>>
        tpu.wait_dma2 semaphore(%run_scoped3A : memref<!tpu.dma_semaphore, #tpu.memory_space<semaphore_mem>>) src(%dma_wait3A_23 : memref<80xi32, #tpu.memory_space<hbm>>) dst(%arg6 : memref<80xi32, #tpu.memory_space<vmem>>)
        tpu.yield
      }) : () -> ()
      %add3A_21 = arith.addi %add3A, %add3A_19 : i32
      "tpu.region"() ({
        %run_scoped3A = tpu.sem_alloc : memref<!tpu.dma_semaphore, #tpu.memory_space<semaphore_mem>>
        %dma_start3A = arith.constant 0 : i32
        %dma_start3A_22 = tpu.memref_slice %arg2[%add3A_21, %dma_start3A] : memref<320000x128xf32, #tpu.memory_space<hbm>> -> memref<80x128xf32, #tpu.memory_space<hbm>>
        %dma_start3A_23 = arith.constant 0 : i32
        %dma_start3A_24 = tpu.memref_slice %arg2[%add3A_21, %dma_start3A_23] : memref<320000x128xf32, #tpu.memory_space<hbm>> -> memref<80x128xf32, #tpu.memory_space<hbm>>
        tpu.enqueue_dma source(%dma_start3A_24 : memref<80x128xf32, #tpu.memory_space<hbm>>) target(%arg7 : memref<80x128xf32, #tpu.memory_space<vmem>>) target_semaphore(%run_scoped3A : memref<!tpu.dma_semaphore, #tpu.memory_space<semaphore_mem>>)
        %dma_wait3A = arith.constant 0 : i32
        %dma_wait3A_25 = tpu.memref_slice %arg2[%add3A_21, %dma_wait3A] : memref<320000x128xf32, #tpu.memory_space<hbm>> -> memref<80x128xf32, #tpu.memory_space<hbm>>
        %dma_wait3A_26 = arith.constant 0 : i32
        %dma_wait3A_27 = tpu.memref_slice %arg2[%add3A_21, %dma_wait3A_26] : memref<320000x128xf32, #tpu.memory_space<hbm>> -> memref<80x128xf32, #tpu.memory_space<hbm>>
        tpu.wait_dma2 semaphore(%run_scoped3A : memref<!tpu.dma_semaphore, #tpu.memory_space<semaphore_mem>>) src(%dma_wait3A_27 : memref<80x128xf32, #tpu.memory_space<hbm>>) dst(%arg7 : memref<80x128xf32, #tpu.memory_space<vmem>>)
        tpu.yield
      }) : () -> ()
      "tpu.region"() ({
        %run_scoped3A = tpu.sem_alloc : memref<!tpu.dma_semaphore, #tpu.memory_space<semaphore_mem>>
        %dma_start3A = arith.constant 0 : i32
        %dma_start3A_22 = arith.constant 0 : i32
        %dma_start3A_23 = tpu.memref_slice %arg8[%dma_start3A, %dma_start3A_22] : memref<10000x128xf32, #tpu.memory_space<vmem_shared>> -> memref<10000x128xf32, #tpu.memory_space<vmem_shared>>
        tpu.enqueue_indirect_dma source(%arg7 : memref<80x128xf32, #tpu.memory_space<vmem>>) target(%dma_start3A_23 : memref<10000x128xf32, #tpu.memory_space<vmem_shared>>) offsets(%arg6 : memref<80xi32, #tpu.memory_space<vmem>>) semaphore(%run_scoped3A : memref<!tpu.dma_semaphore, #tpu.memory_space<semaphore_mem>>) {add = true}
        %dma_wait3A = arith.constant 0 : i32
        %dma_wait3A_24 = arith.constant 0 : i32
        %dma_wait3A_25 = tpu.memref_slice %arg8[%dma_wait3A, %dma_wait3A_24] : memref<10000x128xf32, #tpu.memory_space<vmem_shared>> -> memref<10000x128xf32, #tpu.memory_space<vmem_shared>>
        tpu.wait_indirect_dma semaphore(%run_scoped3A : memref<!tpu.dma_semaphore, #tpu.memory_space<semaphore_mem>>) src(%arg7 : memref<80x128xf32, #tpu.memory_space<vmem>>) dst(%dma_wait3A_25 : memref<10000x128xf32, #tpu.memory_space<vmem_shared>>)
        tpu.yield
      }) : () -> ()
    }
    %scan3A_8 = arith.constant 125 : i32
    %barrier3A_9 = arith.constant 0 : index
    tpu.barrier barrier_id(%barrier3A_9)
    %eq3A_10 = arith.constant 0 : i32
    %eq3A_11 = arith.cmpi eq, %arg1, %eq3A_10 : i32
    %convert_element_type3A_12 = arith.extui %eq3A_11 : i1 to i32
    %cond3A_13 = arith.constant 0 : i32
    %cond3A_14 = arith.cmpi ne, %convert_element_type3A_12, %cond3A_13 : i32
    scf.if %cond3A_14 {
      "tpu.region"() ({
        %run_scoped3A = tpu.sem_alloc : memref<!tpu.dma_semaphore, #tpu.memory_space<semaphore_mem>>
        %dma_start3A = arith.constant 0 : i32
        %dma_start3A_15 = arith.constant 0 : i32
        %dma_start3A_16 = tpu.memref_slice %arg5[%arg0, %dma_start3A, %dma_start3A_15] : memref<2x10000x128xf32, #tpu.memory_space<hbm>> -> memref<1x10000x128xf32, #tpu.memory_space<hbm>>
        %dma_start3A_17 = tpu.memref_squeeze %dma_start3A_16 : memref<1x10000x128xf32, #tpu.memory_space<hbm>> -> memref<10000x128xf32, #tpu.memory_space<hbm>>
        tpu.enqueue_dma source(%arg8 : memref<10000x128xf32, #tpu.memory_space<vmem_shared>>) target(%dma_start3A_17 : memref<10000x128xf32, #tpu.memory_space<hbm>>) target_semaphore(%run_scoped3A : memref<!tpu.dma_semaphore, #tpu.memory_space<semaphore_mem>>)
        %dma_wait3A = arith.constant 0 : i32
        %dma_wait3A_18 = arith.constant 0 : i32
        %dma_wait3A_19 = tpu.memref_slice %arg5[%arg0, %dma_wait3A, %dma_wait3A_18] : memref<2x10000x128xf32, #tpu.memory_space<hbm>> -> memref<1x10000x128xf32, #tpu.memory_space<hbm>>
        %dma_wait3A_20 = tpu.memref_squeeze %dma_wait3A_19 : memref<1x10000x128xf32, #tpu.memory_space<hbm>> -> memref<10000x128xf32, #tpu.memory_space<hbm>>
        tpu.wait_dma2 semaphore(%run_scoped3A : memref<!tpu.dma_semaphore, #tpu.memory_space<semaphore_mem>>) src(%arg8 : memref<10000x128xf32, #tpu.memory_space<vmem_shared>>) dst(%dma_wait3A_20 : memref<10000x128xf32, #tpu.memory_space<hbm>>)
        tpu.yield
      }) : () -> ()
    } else {
    }
    return
  }
}

#map = affine_map<(d0, d1) -> (0, 0)>
#map1 = affine_map<(d0, d1) -> (0)>
module attributes {stable_mosaic.version = 14 : i64} {
  func.func @k(%arg0: i32, %arg1: i32, %arg2: memref<230x128xf32, #tpu.memory_space<hbm>>, %arg3: memref<1024xi32, #tpu.memory_space<hbm>>, %arg4: memref<1024x128xf32, #tpu.memory_space<hbm>>, %arg5: memref<32xi32, #tpu.memory_space<vmem>>, %arg6: memref<32x128xf32, #tpu.memory_space<vmem>>, %arg7: memref<!tpu.dma_semaphore, #tpu.memory_space<semaphore_mem>>) attributes {dimension_semantics = [#tpu.dimension_semantics<core_parallel>, #tpu.dimension_semantics<subcore_parallel>], iteration_bounds = array<i64: 2, 16>, scalar_prefetch = 0 : i64, scratch_operands = 3 : i64, tpu.core_type = #tpu.core_type<sc_vector_subcore>, window_params = [{transform_indices = #map}, {transform_indices = #map1}, {transform_indices = #map}]} {
    %mul3A = arith.constant 16 : i32
    %mul3A_0 = arith.muli %arg0, %mul3A : i32
    %add3A = arith.addi %mul3A_0, %arg1 : i32
    %mul3A_1 = arith.constant 32 : i32
    %mul3A_2 = arith.muli %add3A, %mul3A_1 : i32
    %scan3A = arith.constant 0 : i32
    %mul3A_3 = arith.constant 32 : i32
    %mul3A_4 = arith.muli %scan3A, %mul3A_3 : i32
    %add3A_5 = arith.constant 0 : i32
    %add3A_6 = arith.addi %add3A_5, %mul3A_4 : i32
    %add3A_7 = arith.addi %mul3A_2, %add3A_6 : i32
    "tpu.region"() ({
      %run_scoped3A = tpu.sem_alloc : memref<!tpu.dma_semaphore, #tpu.memory_space<semaphore_mem>>
      %dma_start3A_14 = tpu.memref_slice %arg3[%add3A_7] : memref<1024xi32, #tpu.memory_space<hbm>> -> memref<32xi32, #tpu.memory_space<hbm>>
      %dma_start3A_15 = tpu.memref_slice %arg3[%add3A_7] : memref<1024xi32, #tpu.memory_space<hbm>> -> memref<32xi32, #tpu.memory_space<hbm>>
      tpu.enqueue_dma source(%dma_start3A_15 : memref<32xi32, #tpu.memory_space<hbm>>) target(%arg5 : memref<32xi32, #tpu.memory_space<vmem>>) target_semaphore(%run_scoped3A : memref<!tpu.dma_semaphore, #tpu.memory_space<semaphore_mem>>)
      %dma_wait3A_16 = tpu.memref_slice %arg3[%add3A_7] : memref<1024xi32, #tpu.memory_space<hbm>> -> memref<32xi32, #tpu.memory_space<hbm>>
      %dma_wait3A_17 = tpu.memref_slice %arg3[%add3A_7] : memref<1024xi32, #tpu.memory_space<hbm>> -> memref<32xi32, #tpu.memory_space<hbm>>
      tpu.wait_dma2 semaphore(%run_scoped3A : memref<!tpu.dma_semaphore, #tpu.memory_space<semaphore_mem>>) src(%dma_wait3A_17 : memref<32xi32, #tpu.memory_space<hbm>>) dst(%arg5 : memref<32xi32, #tpu.memory_space<vmem>>)
      tpu.yield
    }) : () -> ()
    %dma_start3A = arith.constant 0 : i32
    %dma_start3A_8 = arith.constant 0 : i32
    %dma_start3A_9 = tpu.memref_slice %arg2[%dma_start3A, %dma_start3A_8] : memref<230x128xf32, #tpu.memory_space<hbm>> -> memref<230x128xf32, #tpu.memory_space<hbm>>
    tpu.enqueue_indirect_dma source(%dma_start3A_9 : memref<230x128xf32, #tpu.memory_space<hbm>>) target(%arg6 : memref<32x128xf32, #tpu.memory_space<vmem>>) offsets(%arg5 : memref<32xi32, #tpu.memory_space<vmem>>) semaphore(%arg7 : memref<!tpu.dma_semaphore, #tpu.memory_space<semaphore_mem>>)
    %dma_wait3A = arith.constant 0 : i32
    %dma_wait3A_10 = arith.constant 0 : i32
    %dma_wait3A_11 = tpu.memref_slice %arg2[%dma_wait3A, %dma_wait3A_10] : memref<230x128xf32, #tpu.memory_space<hbm>> -> memref<230x128xf32, #tpu.memory_space<hbm>>
    tpu.wait_indirect_dma semaphore(%arg7 : memref<!tpu.dma_semaphore, #tpu.memory_space<semaphore_mem>>) src(%dma_wait3A_11 : memref<230x128xf32, #tpu.memory_space<hbm>>) dst(%arg6 : memref<32x128xf32, #tpu.memory_space<vmem>>)
    %add3A_12 = arith.addi %mul3A_2, %add3A_6 : i32
    "tpu.region"() ({
      %run_scoped3A = tpu.sem_alloc : memref<!tpu.dma_semaphore, #tpu.memory_space<semaphore_mem>>
      %dma_start3A_14 = arith.constant 0 : i32
      %dma_start3A_15 = tpu.memref_slice %arg4[%add3A_12, %dma_start3A_14] : memref<1024x128xf32, #tpu.memory_space<hbm>> -> memref<32x128xf32, #tpu.memory_space<hbm>>
      %dma_start3A_16 = arith.constant 0 : i32
      %dma_start3A_17 = tpu.memref_slice %arg4[%add3A_12, %dma_start3A_16] : memref<1024x128xf32, #tpu.memory_space<hbm>> -> memref<32x128xf32, #tpu.memory_space<hbm>>
      tpu.enqueue_dma source(%arg6 : memref<32x128xf32, #tpu.memory_space<vmem>>) target(%dma_start3A_17 : memref<32x128xf32, #tpu.memory_space<hbm>>) target_semaphore(%run_scoped3A : memref<!tpu.dma_semaphore, #tpu.memory_space<semaphore_mem>>)
      %dma_wait3A_18 = arith.constant 0 : i32
      %dma_wait3A_19 = tpu.memref_slice %arg4[%add3A_12, %dma_wait3A_18] : memref<1024x128xf32, #tpu.memory_space<hbm>> -> memref<32x128xf32, #tpu.memory_space<hbm>>
      %dma_wait3A_20 = arith.constant 0 : i32
      %dma_wait3A_21 = tpu.memref_slice %arg4[%add3A_12, %dma_wait3A_20] : memref<1024x128xf32, #tpu.memory_space<hbm>> -> memref<32x128xf32, #tpu.memory_space<hbm>>
      tpu.wait_dma2 semaphore(%run_scoped3A : memref<!tpu.dma_semaphore, #tpu.memory_space<semaphore_mem>>) src(%arg6 : memref<32x128xf32, #tpu.memory_space<vmem>>) dst(%dma_wait3A_21 : memref<32x128xf32, #tpu.memory_space<hbm>>)
      tpu.yield
    }) : () -> ()
    %scan3A_13 = arith.constant 1 : i32
    return
  }
}

#map = affine_map<(d0, d1) -> (0, 0)>
#map1 = affine_map<(d0, d1) -> (0)>
module attributes {stable_mosaic.version = 14 : i64} {
  func.func @k(%arg0: i32, %arg1: i32, %arg2: memref<10000x128xf32, #tpu.memory_space<hbm>>, %arg3: memref<1024xi32, #tpu.memory_space<hbm>>, %arg4: memref<1024x128xf32, #tpu.memory_space<hbm>>, %arg5: memref<32xi32, #tpu.memory_space<vmem>>, %arg6: memref<32x128xf32, #tpu.memory_space<vmem>>, %arg7: memref<!tpu.dma_semaphore, #tpu.memory_space<semaphore_mem>>) attributes {dimension_semantics = [#tpu.dimension_semantics<core_parallel>, #tpu.dimension_semantics<subcore_parallel>], iteration_bounds = array<i64: 2, 16>, scalar_prefetch = 0 : i64, scratch_operands = 3 : i64, tpu.core_type = #tpu.core_type<sc_vector_subcore>, window_params = [{transform_indices = #map}, {transform_indices = #map1}, {transform_indices = #map}]} {
    %mul3A = arith.constant 16 : i32
    %mul3A_0 = arith.muli %arg0, %mul3A : i32
    %add3A = arith.addi %mul3A_0, %arg1 : i32
    %mul3A_1 = arith.constant 32 : i32
    %mul3A_2 = arith.muli %add3A, %mul3A_1 : i32
    %scan3A = arith.constant 0 : i32
    %mul3A_3 = arith.constant 32 : i32
    %mul3A_4 = arith.muli %scan3A, %mul3A_3 : i32
    %add3A_5 = arith.constant 0 : i32
    %add3A_6 = arith.addi %add3A_5, %mul3A_4 : i32
    %add3A_7 = arith.addi %mul3A_2, %add3A_6 : i32
    "tpu.region"() ({
      %run_scoped3A = tpu.sem_alloc : memref<!tpu.dma_semaphore, #tpu.memory_space<semaphore_mem>>
      %dma_start3A_14 = tpu.memref_slice %arg3[%add3A_7] : memref<1024xi32, #tpu.memory_space<hbm>> -> memref<32xi32, #tpu.memory_space<hbm>>
      %dma_start3A_15 = tpu.memref_slice %arg3[%add3A_7] : memref<1024xi32, #tpu.memory_space<hbm>> -> memref<32xi32, #tpu.memory_space<hbm>>
      tpu.enqueue_dma source(%dma_start3A_15 : memref<32xi32, #tpu.memory_space<hbm>>) target(%arg5 : memref<32xi32, #tpu.memory_space<vmem>>) target_semaphore(%run_scoped3A : memref<!tpu.dma_semaphore, #tpu.memory_space<semaphore_mem>>)
      %dma_wait3A_16 = tpu.memref_slice %arg3[%add3A_7] : memref<1024xi32, #tpu.memory_space<hbm>> -> memref<32xi32, #tpu.memory_space<hbm>>
      %dma_wait3A_17 = tpu.memref_slice %arg3[%add3A_7] : memref<1024xi32, #tpu.memory_space<hbm>> -> memref<32xi32, #tpu.memory_space<hbm>>
      tpu.wait_dma2 semaphore(%run_scoped3A : memref<!tpu.dma_semaphore, #tpu.memory_space<semaphore_mem>>) src(%dma_wait3A_17 : memref<32xi32, #tpu.memory_space<hbm>>) dst(%arg5 : memref<32xi32, #tpu.memory_space<vmem>>)
      tpu.yield
    }) : () -> ()
    %dma_start3A = arith.constant 0 : i32
    %dma_start3A_8 = arith.constant 0 : i32
    %dma_start3A_9 = tpu.memref_slice %arg2[%dma_start3A, %dma_start3A_8] : memref<10000x128xf32, #tpu.memory_space<hbm>> -> memref<10000x128xf32, #tpu.memory_space<hbm>>
    tpu.enqueue_indirect_dma source(%dma_start3A_9 : memref<10000x128xf32, #tpu.memory_space<hbm>>) target(%arg6 : memref<32x128xf32, #tpu.memory_space<vmem>>) offsets(%arg5 : memref<32xi32, #tpu.memory_space<vmem>>) semaphore(%arg7 : memref<!tpu.dma_semaphore, #tpu.memory_space<semaphore_mem>>)
    %dma_wait3A = arith.constant 0 : i32
    %dma_wait3A_10 = arith.constant 0 : i32
    %dma_wait3A_11 = tpu.memref_slice %arg2[%dma_wait3A, %dma_wait3A_10] : memref<10000x128xf32, #tpu.memory_space<hbm>> -> memref<10000x128xf32, #tpu.memory_space<hbm>>
    tpu.wait_indirect_dma semaphore(%arg7 : memref<!tpu.dma_semaphore, #tpu.memory_space<semaphore_mem>>) src(%dma_wait3A_11 : memref<10000x128xf32, #tpu.memory_space<hbm>>) dst(%arg6 : memref<32x128xf32, #tpu.memory_space<vmem>>)
    %add3A_12 = arith.addi %mul3A_2, %add3A_6 : i32
    "tpu.region"() ({
      %run_scoped3A = tpu.sem_alloc : memref<!tpu.dma_semaphore, #tpu.memory_space<semaphore_mem>>
      %dma_start3A_14 = arith.constant 0 : i32
      %dma_start3A_15 = tpu.memref_slice %arg4[%add3A_12, %dma_start3A_14] : memref<1024x128xf32, #tpu.memory_space<hbm>> -> memref<32x128xf32, #tpu.memory_space<hbm>>
      %dma_start3A_16 = arith.constant 0 : i32
      %dma_start3A_17 = tpu.memref_slice %arg4[%add3A_12, %dma_start3A_16] : memref<1024x128xf32, #tpu.memory_space<hbm>> -> memref<32x128xf32, #tpu.memory_space<hbm>>
      tpu.enqueue_dma source(%arg6 : memref<32x128xf32, #tpu.memory_space<vmem>>) target(%dma_start3A_17 : memref<32x128xf32, #tpu.memory_space<hbm>>) target_semaphore(%run_scoped3A : memref<!tpu.dma_semaphore, #tpu.memory_space<semaphore_mem>>)
      %dma_wait3A_18 = arith.constant 0 : i32
      %dma_wait3A_19 = tpu.memref_slice %arg4[%add3A_12, %dma_wait3A_18] : memref<1024x128xf32, #tpu.memory_space<hbm>> -> memref<32x128xf32, #tpu.memory_space<hbm>>
      %dma_wait3A_20 = arith.constant 0 : i32
      %dma_wait3A_21 = tpu.memref_slice %arg4[%add3A_12, %dma_wait3A_20] : memref<1024x128xf32, #tpu.memory_space<hbm>> -> memref<32x128xf32, #tpu.memory_space<hbm>>
      tpu.wait_dma2 semaphore(%run_scoped3A : memref<!tpu.dma_semaphore, #tpu.memory_space<semaphore_mem>>) src(%arg6 : memref<32x128xf32, #tpu.memory_space<vmem>>) dst(%dma_wait3A_21 : memref<32x128xf32, #tpu.memory_space<hbm>>)
      tpu.yield
    }) : () -> ()
    %scan3A_13 = arith.constant 1 : i32
    return
  }
}

#map = affine_map<(d0, d1) -> (0, 0)>
#map1 = affine_map<(d0, d1) -> (0)>
module attributes {stable_mosaic.version = 14 : i64} {
  func.func @k(%arg0: i32, %arg1: i32, %arg2: memref<10000x128xf32, #tpu.memory_space<hbm>>, %arg3: memref<1024xi32, #tpu.memory_space<hbm>>, %arg4: memref<1024x128xf32, #tpu.memory_space<hbm>>, %arg5: memref<32xi32, #tpu.memory_space<vmem>>, %arg6: memref<32x128xf32, #tpu.memory_space<vmem>>, %arg7: memref<!tpu.dma_semaphore, #tpu.memory_space<semaphore_mem>>) attributes {dimension_semantics = [#tpu.dimension_semantics<core_parallel>, #tpu.dimension_semantics<subcore_parallel>], iteration_bounds = array<i64: 2, 16>, scalar_prefetch = 0 : i64, scratch_operands = 3 : i64, tpu.core_type = #tpu.core_type<sc_vector_subcore>, window_params = [{transform_indices = #map}, {transform_indices = #map1}, {transform_indices = #map}]} {
    %mul3A = arith.constant 16 : i32
    %mul3A_0 = arith.muli %arg0, %mul3A : i32
    %add3A = arith.addi %mul3A_0, %arg1 : i32
    %mul3A_1 = arith.constant 32 : i32
    %mul3A_2 = arith.muli %add3A, %mul3A_1 : i32
    %scan3A = arith.constant 0 : i32
    %mul3A_3 = arith.constant 32 : i32
    %mul3A_4 = arith.muli %scan3A, %mul3A_3 : i32
    %add3A_5 = arith.constant 0 : i32
    %add3A_6 = arith.addi %add3A_5, %mul3A_4 : i32
    %add3A_7 = arith.addi %mul3A_2, %add3A_6 : i32
    "tpu.region"() ({
      %run_scoped3A = tpu.sem_alloc : memref<!tpu.dma_semaphore, #tpu.memory_space<semaphore_mem>>
      %dma_start3A_14 = tpu.memref_slice %arg3[%add3A_7] : memref<1024xi32, #tpu.memory_space<hbm>> -> memref<32xi32, #tpu.memory_space<hbm>>
      %dma_start3A_15 = tpu.memref_slice %arg3[%add3A_7] : memref<1024xi32, #tpu.memory_space<hbm>> -> memref<32xi32, #tpu.memory_space<hbm>>
      tpu.enqueue_dma source(%dma_start3A_15 : memref<32xi32, #tpu.memory_space<hbm>>) target(%arg5 : memref<32xi32, #tpu.memory_space<vmem>>) target_semaphore(%run_scoped3A : memref<!tpu.dma_semaphore, #tpu.memory_space<semaphore_mem>>)
      %dma_wait3A_16 = tpu.memref_slice %arg3[%add3A_7] : memref<1024xi32, #tpu.memory_space<hbm>> -> memref<32xi32, #tpu.memory_space<hbm>>
      %dma_wait3A_17 = tpu.memref_slice %arg3[%add3A_7] : memref<1024xi32, #tpu.memory_space<hbm>> -> memref<32xi32, #tpu.memory_space<hbm>>
      tpu.wait_dma2 semaphore(%run_scoped3A : memref<!tpu.dma_semaphore, #tpu.memory_space<semaphore_mem>>) src(%dma_wait3A_17 : memref<32xi32, #tpu.memory_space<hbm>>) dst(%arg5 : memref<32xi32, #tpu.memory_space<vmem>>)
      tpu.yield
    }) : () -> ()
    %dma_start3A = arith.constant 0 : i32
    %dma_start3A_8 = arith.constant 0 : i32
    %dma_start3A_9 = tpu.memref_slice %arg2[%dma_start3A, %dma_start3A_8] : memref<10000x128xf32, #tpu.memory_space<hbm>> -> memref<10000x128xf32, #tpu.memory_space<hbm>>
    tpu.enqueue_indirect_dma source(%dma_start3A_9 : memref<10000x128xf32, #tpu.memory_space<hbm>>) target(%arg6 : memref<32x128xf32, #tpu.memory_space<vmem>>) offsets(%arg5 : memref<32xi32, #tpu.memory_space<vmem>>) semaphore(%arg7 : memref<!tpu.dma_semaphore, #tpu.memory_space<semaphore_mem>>)
    %dma_wait3A = arith.constant 0 : i32
    %dma_wait3A_10 = arith.constant 0 : i32
    %dma_wait3A_11 = tpu.memref_slice %arg2[%dma_wait3A, %dma_wait3A_10] : memref<10000x128xf32, #tpu.memory_space<hbm>> -> memref<10000x128xf32, #tpu.memory_space<hbm>>
    tpu.wait_indirect_dma semaphore(%arg7 : memref<!tpu.dma_semaphore, #tpu.memory_space<semaphore_mem>>) src(%dma_wait3A_11 : memref<10000x128xf32, #tpu.memory_space<hbm>>) dst(%arg6 : memref<32x128xf32, #tpu.memory_space<vmem>>)
    %add3A_12 = arith.addi %mul3A_2, %add3A_6 : i32
    "tpu.region"() ({
      %run_scoped3A = tpu.sem_alloc : memref<!tpu.dma_semaphore, #tpu.memory_space<semaphore_mem>>
      %dma_start3A_14 = arith.constant 0 : i32
      %dma_start3A_15 = tpu.memref_slice %arg4[%add3A_12, %dma_start3A_14] : memref<1024x128xf32, #tpu.memory_space<hbm>> -> memref<32x128xf32, #tpu.memory_space<hbm>>
      %dma_start3A_16 = arith.constant 0 : i32
      %dma_start3A_17 = tpu.memref_slice %arg4[%add3A_12, %dma_start3A_16] : memref<1024x128xf32, #tpu.memory_space<hbm>> -> memref<32x128xf32, #tpu.memory_space<hbm>>
      tpu.enqueue_dma source(%arg6 : memref<32x128xf32, #tpu.memory_space<vmem>>) target(%dma_start3A_17 : memref<32x128xf32, #tpu.memory_space<hbm>>) target_semaphore(%run_scoped3A : memref<!tpu.dma_semaphore, #tpu.memory_space<semaphore_mem>>)
      %dma_wait3A_18 = arith.constant 0 : i32
      %dma_wait3A_19 = tpu.memref_slice %arg4[%add3A_12, %dma_wait3A_18] : memref<1024x128xf32, #tpu.memory_space<hbm>> -> memref<32x128xf32, #tpu.memory_space<hbm>>
      %dma_wait3A_20 = arith.constant 0 : i32
      %dma_wait3A_21 = tpu.memref_slice %arg4[%add3A_12, %dma_wait3A_20] : memref<1024x128xf32, #tpu.memory_space<hbm>> -> memref<32x128xf32, #tpu.memory_space<hbm>>
      tpu.wait_dma2 semaphore(%run_scoped3A : memref<!tpu.dma_semaphore, #tpu.memory_space<semaphore_mem>>) src(%arg6 : memref<32x128xf32, #tpu.memory_space<vmem>>) dst(%dma_wait3A_21 : memref<32x128xf32, #tpu.memory_space<hbm>>)
      tpu.yield
    }) : () -> ()
    %scan3A_13 = arith.constant 1 : i32
    return
  }
}

module attributes {stable_mosaic.version = 14 : i64} {
  func.func @body(%arg0: i32, %arg1: memref<1000x128xf32, #tpu.memory_space<vmem>>, %arg2: memref<1x1xf32, #tpu.memory_space<vmem>>, %arg3: memref<1x128xf32, #tpu.memory_space<vmem>>, %arg4: memref<1x128xf32, #tpu.memory_space<vmem>>, %arg5: memref<1000x128xf32, #tpu.memory_space<vmem>>) attributes {dimension_semantics = [#tpu.dimension_semantics<arbitrary>], iteration_bounds = array<i64: 10>, scalar_prefetch = 0 : i64, scratch_operands = 0 : i64, tpu.core_type = #tpu.core_type<tc>, window_params = [{transform_indices = @transform_0, window_bounds = array<i64: 1000, 128>}, {pipeline_mode = #tpu.pipeline_mode<synchronous>, transform_indices = @transform_1, window_bounds = array<i64: 1, 1>}, {pipeline_mode = #tpu.pipeline_mode<synchronous>, transform_indices = @transform_2, window_bounds = array<i64: 1, 128>}, {pipeline_mode = #tpu.pipeline_mode<synchronous>, transform_indices = @transform_3, window_bounds = array<i64: 1, 128>}, {transform_indices = @transform_4, window_bounds = array<i64: 1000, 128>}]} {
    %get3A = arith.constant 0 : index
    %get3A_0 = arith.constant 0 : index
    %get3A_1 = vector.load %arg2[%get3A, %get3A_0] : memref<1x1xf32, #tpu.memory_space<vmem>>, vector<1x1xf32>
    %get3A_2 = vector.extract %get3A_1[0, 0] : f32 from vector<1x1xf32>
    %get3A_3 = arith.constant 0 : index
    %get3A_4 = arith.constant 0 : index
    %get3A_5 = vector.load %arg3[%get3A_3, %get3A_4] : memref<1x128xf32, #tpu.memory_space<vmem>>, vector<1x128xf32>
    %mul3A = vector.broadcast %get3A_2 : f32 to vector<1x128xf32>
    %mul3A_6 = arith.mulf %mul3A, %get3A_5 : vector<1x128xf32>
    %get3A_7 = arith.constant 0 : index
    %get3A_8 = arith.constant 0 : index
    %get3A_9 = vector.load %arg4[%get3A_7, %get3A_8] : memref<1x128xf32, #tpu.memory_space<vmem>>, vector<1x128xf32>
    %add3A = arith.addf %mul3A_6, %get3A_9 : vector<1x128xf32>
    %sin3A = math.sin %add3A : vector<1x128xf32>
    %get3A_10 = arith.constant 0 : index
    %get3A_11 = arith.constant 0 : index
    %get3A_12 = vector.load %arg1[%get3A_10, %get3A_11] : memref<1000x128xf32, #tpu.memory_space<vmem>>, vector<1000x128xf32>
    %add3A_13 = vector.broadcast %sin3A : vector<1x128xf32> to vector<1000x128xf32>
    %add3A_14 = arith.addf %get3A_12, %add3A_13 : vector<1000x128xf32>
    %swap3A = arith.constant 0 : index
    %swap3A_15 = arith.constant 0 : index
    %swap3A_16 = vector.load %arg5[%swap3A, %swap3A_15] : memref<1000x128xf32, #tpu.memory_space<vmem>>, vector<1000x128xf32>
    tpu.vector_store %arg5[%swap3A, %swap3A_15], %add3A_14 {strides = array<i32>} : memref<1000x128xf32, #tpu.memory_space<vmem>>, vector<1000x128xf32>,
    return
  }
  func.func @transform_0(%arg0: i32) -> (i32, i32) {
    %c0_i32 = arith.constant 0 : i32
    %c0_i32_0 = arith.constant 0 : i32
    return %arg0, %c0_i32 : i32, i32
  }
  func.func @transform_1(%arg0: i32) -> (i32, i32) {
    %c0_i32 = arith.constant 0 : i32
    %c0_i32_0 = arith.constant 0 : i32
    %c0_i32_1 = arith.constant 0 : i32
    return %c0_i32, %c0_i32_0 : i32, i32
  }
  func.func @transform_2(%arg0: i32) -> (i32, i32) {
    %c0_i32 = arith.constant 0 : i32
    %c0_i32_0 = arith.constant 0 : i32
    %c0_i32_1 = arith.constant 0 : i32
    return %c0_i32, %c0_i32_0 : i32, i32
  }
  func.func @transform_3(%arg0: i32) -> (i32, i32) {
    %c0_i32 = arith.constant 0 : i32
    %c0_i32_0 = arith.constant 0 : i32
    %c0_i32_1 = arith.constant 0 : i32
    return %c0_i32, %c0_i32_0 : i32, i32
  }
  func.func @transform_4(%arg0: i32) -> (i32, i32) {
    %c0_i32 = arith.constant 0 : i32
    %c0_i32_0 = arith.constant 0 : i32
    return %arg0, %c0_i32 : i32, i32
  }
}

module attributes {stable_mosaic.version = 14 : i64} {
  func.func @body(%arg0: i32, %arg1: memref<1000x128xf32, #tpu.memory_space<vmem>>, %arg2: memref<128x1280xf32, #tpu.memory_space<vmem>>, %arg3: memref<128x128xf32, #tpu.memory_space<vmem>>, %arg4: memref<1x128xf32, #tpu.memory_space<vmem>>, %arg5: memref<1000x1280xf32, #tpu.memory_space<vmem>>, %arg6: memref<1000x128xf32, #tpu.memory_space<vmem>>) attributes {dimension_semantics = [#tpu.dimension_semantics<arbitrary>], iteration_bounds = array<i64: 10>, scalar_prefetch = 0 : i64, scratch_operands = 0 : i64, tpu.core_type = #tpu.core_type<tc>, window_params = [{transform_indices = @transform_0, window_bounds = array<i64: 1000, 128>}, {pipeline_mode = #tpu.pipeline_mode<synchronous>, transform_indices = @transform_1, window_bounds = array<i64: 128, 1280>}, {pipeline_mode = #tpu.pipeline_mode<synchronous>, transform_indices = @transform_2, window_bounds = array<i64: 128, 128>}, {pipeline_mode = #tpu.pipeline_mode<synchronous>, transform_indices = @transform_3, window_bounds = array<i64: 1, 128>}, {transform_indices = @transform_4, window_bounds = array<i64: 1000, 1280>}, {transform_indices = @transform_5, window_bounds = array<i64: 1000, 128>}]} {
    %get3A = arith.constant 0 : index
    %get3A_0 = arith.constant 0 : index
    %get3A_1 = vector.load %arg1[%get3A, %get3A_0] : memref<1000x128xf32, #tpu.memory_space<vmem>>, vector<1000x128xf32>
    %get3A_2 = arith.constant 0 : index
    %get3A_3 = arith.constant 0 : index
    %get3A_4 = vector.load %arg2[%get3A_2, %get3A_3] : memref<128x1280xf32, #tpu.memory_space<vmem>>, vector<128x1280xf32>
    %dot_general3A = arith.constant dense<0.000000e+00> : vector<1000x1280xf32>
    %dot_general3A_5 = tpu.matmul %get3A_1, %get3A_4, %dot_general3A {dimension_numbers = #tpu.dot_dimension_numbers<[1], [0], [0], [1], [0, 0, 1, 1], [], []>, transpose_lhs_hint = false} : vector<1000x128xf32>, vector<128x1280xf32>, vector<1000x1280xf32> -> vector<1000x1280xf32>
    %swap3A = arith.constant 0 : index
    %swap3A_6 = arith.constant 0 : index
    %swap3A_7 = vector.load %arg5[%swap3A, %swap3A_6] : memref<1000x1280xf32, #tpu.memory_space<vmem>>, vector<1000x1280xf32>
    tpu.vector_store %arg5[%swap3A, %swap3A_6], %dot_general3A_5 {strides = array<i32>} : memref<1000x1280xf32, #tpu.memory_space<vmem>>, vector<1000x1280xf32>,
    %get3A_8 = arith.constant 0 : index
    %get3A_9 = arith.constant 0 : index
    %get3A_10 = vector.load %arg3[%get3A_8, %get3A_9] : memref<128x128xf32, #tpu.memory_space<vmem>>, vector<128x128xf32>
    %dot_general3A_11 = arith.constant dense<0.000000e+00> : vector<1000x128xf32>
    %dot_general3A_12 = tpu.matmul %get3A_1, %get3A_10, %dot_general3A_11 {dimension_numbers = #tpu.dot_dimension_numbers<[1], [0], [0], [1], [0, 0, 1, 1], [], []>, transpose_lhs_hint = false} : vector<1000x128xf32>, vector<128x128xf32>, vector<1000x128xf32> -> vector<1000x128xf32>
    %get3A_13 = arith.constant 0 : index
    %get3A_14 = arith.constant 0 : index
    %get3A_15 = vector.load %arg4[%get3A_13, %get3A_14] : memref<1x128xf32, #tpu.memory_space<vmem>>, vector<1x128xf32>
    %add3A = vector.broadcast %get3A_15 : vector<1x128xf32> to vector<1000x128xf32>
    %add3A_16 = arith.addf %dot_general3A_12, %add3A : vector<1000x128xf32>
    %swap3A_17 = arith.constant 0 : index
    %swap3A_18 = arith.constant 0 : index
    %swap3A_19 = vector.load %arg6[%swap3A_17, %swap3A_18] : memref<1000x128xf32, #tpu.memory_space<vmem>>, vector<1000x128xf32>
    tpu.vector_store %arg6[%swap3A_17, %swap3A_18], %add3A_16 {strides = array<i32>} : memref<1000x128xf32, #tpu.memory_space<vmem>>, vector<1000x128xf32>,
    return
  }
  func.func @transform_0(%arg0: i32) -> (i32, i32) {
    %c0_i32 = arith.constant 0 : i32
    %c0_i32_0 = arith.constant 0 : i32
    return %arg0, %c0_i32 : i32, i32
  }
  func.func @transform_1(%arg0: i32) -> (i32, i32) {
    %c0_i32 = arith.constant 0 : i32
    %c0_i32_0 = arith.constant 0 : i32
    %c0_i32_1 = arith.constant 0 : i32
    return %c0_i32, %c0_i32_0 : i32, i32
  }
  func.func @transform_2(%arg0: i32) -> (i32, i32) {
    %c0_i32 = arith.constant 0 : i32
    %c0_i32_0 = arith.constant 0 : i32
    %c0_i32_1 = arith.constant 0 : i32
    return %c0_i32, %c0_i32_0 : i32, i32
  }
  func.func @transform_3(%arg0: i32) -> (i32, i32) {
    %c0_i32 = arith.constant 0 : i32
    %c0_i32_0 = arith.constant 0 : i32
    %c0_i32_1 = arith.constant 0 : i32
    return %c0_i32, %c0_i32_0 : i32, i32
  }
  func.func @transform_4(%arg0: i32) -> (i32, i32) {
    %c0_i32 = arith.constant 0 : i32
    %c0_i32_0 = arith.constant 0 : i32
    return %arg0, %c0_i32 : i32, i32
  }
  func.func @transform_5(%arg0: i32) -> (i32, i32) {
    %c0_i32 = arith.constant 0 : i32
    %c0_i32_0 = arith.constant 0 : i32
    return %arg0, %c0_i32 : i32, i32
  }
}

module attributes {stable_mosaic.version = 14 : i64} {
  func.func @body(%arg0: i32, %arg1: memref<1000x1280xf32, #tpu.memory_space<vmem>>, %arg2: memref<1000x128xf32, #tpu.memory_space<vmem>>, %arg3: memref<1000x128xf32, #tpu.memory_space<vmem>>) attributes {dimension_semantics = [#tpu.dimension_semantics<arbitrary>], iteration_bounds = array<i64: 320>, scalar_prefetch = 0 : i64, scratch_operands = 0 : i64, tpu.core_type = #tpu.core_type<tc>, window_params = [{transform_indices = @transform_0, window_bounds = array<i64: 1000, 1280>}, {transform_indices = @transform_1, window_bounds = array<i64: 1000, 128>}, {transform_indices = @transform_2, window_bounds = array<i64: 1000, 128>}]} {
    %get3A = arith.constant 0 : index
    %get3A_0 = arith.constant 0 : index
    %get3A_1 = vector.load %arg2[%get3A, %get3A_0] : memref<1000x128xf32, #tpu.memory_space<vmem>>, vector<1000x1xf32>
    %get3A_2 = arith.constant 0 : index
    %get3A_3 = arith.constant 0 : index
    %get3A_4 = vector.load %arg1[%get3A_2, %get3A_3] : memref<1000x1280xf32, #tpu.memory_space<vmem>>, vector<1000x128xf32>
    %mul3A = vector.broadcast %get3A_1 : vector<1000x1xf32> to vector<1000x128xf32>
    %mul3A_5 = arith.mulf %mul3A, %get3A_4 : vector<1000x128xf32>
    %get3A_6 = arith.constant 0 : index
    %get3A_7 = arith.constant 1 : index
    %get3A_8 = vector.load %arg2[%get3A_6, %get3A_7] : memref<1000x128xf32, #tpu.memory_space<vmem>>, vector<1000x1xf32>
    %get3A_9 = arith.constant 0 : index
    %get3A_10 = arith.constant 128 : index
    %get3A_11 = vector.load %arg1[%get3A_9, %get3A_10] : memref<1000x1280xf32, #tpu.memory_space<vmem>>, vector<1000x128xf32>
    %mul3A_12 = vector.broadcast %get3A_8 : vector<1000x1xf32> to vector<1000x128xf32>
    %mul3A_13 = arith.mulf %mul3A_12, %get3A_11 : vector<1000x128xf32>
    %add3A = arith.addf %mul3A_5, %mul3A_13 : vector<1000x128xf32>
    %get3A_14 = arith.constant 0 : index
    %get3A_15 = arith.constant 2 : index
    %get3A_16 = vector.load %arg2[%get3A_14, %get3A_15] : memref<1000x128xf32, #tpu.memory_space<vmem>>, vector<1000x1xf32>
    %get3A_17 = arith.constant 0 : index
    %get3A_18 = arith.constant 256 : index
    %get3A_19 = vector.load %arg1[%get3A_17, %get3A_18] : memref<1000x1280xf32, #tpu.memory_space<vmem>>, vector<1000x128xf32>
    %mul3A_20 = vector.broadcast %get3A_16 : vector<1000x1xf32> to vector<1000x128xf32>
    %mul3A_21 = arith.mulf %mul3A_20, %get3A_19 : vector<1000x128xf32>
    %add3A_22 = arith.addf %add3A, %mul3A_21 : vector<1000x128xf32>
    %get3A_23 = arith.constant 0 : index
    %get3A_24 = arith.constant 3 : index
    %get3A_25 = vector.load %arg2[%get3A_23, %get3A_24] : memref<1000x128xf32, #tpu.memory_space<vmem>>, vector<1000x1xf32>
    %get3A_26 = arith.constant 0 : index
    %get3A_27 = arith.constant 384 : index
    %get3A_28 = vector.load %arg1[%get3A_26, %get3A_27] : memref<1000x1280xf32, #tpu.memory_space<vmem>>, vector<1000x128xf32>
    %mul3A_29 = vector.broadcast %get3A_25 : vector<1000x1xf32> to vector<1000x128xf32>
    %mul3A_30 = arith.mulf %mul3A_29, %get3A_28 : vector<1000x128xf32>
    %add3A_31 = arith.addf %add3A_22, %mul3A_30 : vector<1000x128xf32>
    %get3A_32 = arith.constant 0 : index
    %get3A_33 = arith.constant 4 : index
    %get3A_34 = vector.load %arg2[%get3A_32, %get3A_33] : memref<1000x128xf32, #tpu.memory_space<vmem>>, vector<1000x1xf32>
    %get3A_35 = arith.constant 0 : index
    %get3A_36 = arith.constant 512 : index
    %get3A_37 = vector.load %arg1[%get3A_35, %get3A_36] : memref<1000x1280xf32, #tpu.memory_space<vmem>>, vector<1000x128xf32>
    %mul3A_38 = vector.broadcast %get3A_34 : vector<1000x1xf32> to vector<1000x128xf32>
    %mul3A_39 = arith.mulf %mul3A_38, %get3A_37 : vector<1000x128xf32>
    %add3A_40 = arith.addf %add3A_31, %mul3A_39 : vector<1000x128xf32>
    %get3A_41 = arith.constant 0 : index
    %get3A_42 = arith.constant 5 : index
    %get3A_43 = vector.load %arg2[%get3A_41, %get3A_42] : memref<1000x128xf32, #tpu.memory_space<vmem>>, vector<1000x1xf32>
    %get3A_44 = arith.constant 0 : index
    %get3A_45 = arith.constant 640 : index
    %get3A_46 = vector.load %arg1[%get3A_44, %get3A_45] : memref<1000x1280xf32, #tpu.memory_space<vmem>>, vector<1000x128xf32>
    %mul3A_47 = vector.broadcast %get3A_43 : vector<1000x1xf32> to vector<1000x128xf32>
    %mul3A_48 = arith.mulf %mul3A_47, %get3A_46 : vector<1000x128xf32>
    %add3A_49 = arith.addf %add3A_40, %mul3A_48 : vector<1000x128xf32>
    %get3A_50 = arith.constant 0 : index
    %get3A_51 = arith.constant 6 : index
    %get3A_52 = vector.load %arg2[%get3A_50, %get3A_51] : memref<1000x128xf32, #tpu.memory_space<vmem>>, vector<1000x1xf32>
    %get3A_53 = arith.constant 0 : index
    %get3A_54 = arith.constant 768 : index
    %get3A_55 = vector.load %arg1[%get3A_53, %get3A_54] : memref<1000x1280xf32, #tpu.memory_space<vmem>>, vector<1000x128xf32>
    %mul3A_56 = vector.broadcast %get3A_52 : vector<1000x1xf32> to vector<1000x128xf32>
    %mul3A_57 = arith.mulf %mul3A_56, %get3A_55 : vector<1000x128xf32>
    %add3A_58 = arith.addf %add3A_49, %mul3A_57 : vector<1000x128xf32>
    %get3A_59 = arith.constant 0 : index
    %get3A_60 = arith.constant 7 : index
    %get3A_61 = vector.load %arg2[%get3A_59, %get3A_60] : memref<1000x128xf32, #tpu.memory_space<vmem>>, vector<1000x1xf32>
    %get3A_62 = arith.constant 0 : index
    %get3A_63 = arith.constant 896 : index
    %get3A_64 = vector.load %arg1[%get3A_62, %get3A_63] : memref<1000x1280xf32, #tpu.memory_space<vmem>>, vector<1000x128xf32>
    %mul3A_65 = vector.broadcast %get3A_61 : vector<1000x1xf32> to vector<1000x128xf32>
    %mul3A_66 = arith.mulf %mul3A_65, %get3A_64 : vector<1000x128xf32>
    %add3A_67 = arith.addf %add3A_58, %mul3A_66 : vector<1000x128xf32>
    %get3A_68 = arith.constant 0 : index
    %get3A_69 = arith.constant 8 : index
    %get3A_70 = vector.load %arg2[%get3A_68, %get3A_69] : memref<1000x128xf32, #tpu.memory_space<vmem>>, vector<1000x1xf32>
    %get3A_71 = arith.constant 0 : index
    %get3A_72 = arith.constant 1024 : index
    %get3A_73 = vector.load %arg1[%get3A_71, %get3A_72] : memref<1000x1280xf32, #tpu.memory_space<vmem>>, vector<1000x128xf32>
    %mul3A_74 = vector.broadcast %get3A_70 : vector<1000x1xf32> to vector<1000x128xf32>
    %mul3A_75 = arith.mulf %mul3A_74, %get3A_73 : vector<1000x128xf32>
    %add3A_76 = arith.addf %add3A_67, %mul3A_75 : vector<1000x128xf32>
    %get3A_77 = arith.constant 0 : index
    %get3A_78 = arith.constant 9 : index
    %get3A_79 = vector.load %arg2[%get3A_77, %get3A_78] : memref<1000x128xf32, #tpu.memory_space<vmem>>, vector<1000x1xf32>
    %get3A_80 = arith.constant 0 : index
    %get3A_81 = arith.constant 1152 : index
    %get3A_82 = vector.load %arg1[%get3A_80, %get3A_81] : memref<1000x1280xf32, #tpu.memory_space<vmem>>, vector<1000x128xf32>
    %mul3A_83 = vector.broadcast %get3A_79 : vector<1000x1xf32> to vector<1000x128xf32>
    %mul3A_84 = arith.mulf %mul3A_83, %get3A_82 : vector<1000x128xf32>
    %add3A_85 = arith.addf %add3A_76, %mul3A_84 : vector<1000x128xf32>
    %swap3A = arith.constant 0 : index
    %swap3A_86 = arith.constant 0 : index
    %swap3A_87 = vector.load %arg3[%swap3A, %swap3A_86] : memref<1000x128xf32, #tpu.memory_space<vmem>>, vector<1000x128xf32>
    tpu.vector_store %arg3[%swap3A, %swap3A_86], %add3A_85 {strides = array<i32>} : memref<1000x128xf32, #tpu.memory_space<vmem>>, vector<1000x128xf32>,
    return
  }
  func.func @transform_0(%arg0: i32) -> (i32, i32) {
    %c0_i32 = arith.constant 0 : i32
    %c0_i32_0 = arith.constant 0 : i32
    return %arg0, %c0_i32 : i32, i32
  }
  func.func @transform_1(%arg0: i32) -> (i32, i32) {
    %c0_i32 = arith.constant 0 : i32
    %c0_i32_0 = arith.constant 0 : i32
    return %arg0, %c0_i32 : i32, i32
  }
  func.func @transform_2(%arg0: i32) -> (i32, i32) {
    %c0_i32 = arith.constant 0 : i32
    %c0_i32_0 = arith.constant 0 : i32
    return %arg0, %c0_i32 : i32, i32
  }
}

module attributes {stable_mosaic.version = 14 : i64} {
  func.func @body(%arg0: i32, %arg1: memref<2x1000x128xf32, #tpu.memory_space<vmem>>, %arg2: memref<2x1000x128xf32, #tpu.memory_space<vmem>>, %arg3: memref<1000x128xf32, #tpu.memory_space<vmem>>, %arg4: memref<1000x128xf32, #tpu.memory_space<vmem>>) attributes {dimension_semantics = [#tpu.dimension_semantics<arbitrary>], iteration_bounds = array<i64: 10>, scalar_prefetch = 0 : i64, scratch_operands = 0 : i64, tpu.core_type = #tpu.core_type<tc>, window_params = [{transform_indices = @transform_0, window_bounds = array<i64: 2, 1000, 128>}, {transform_indices = @transform_1, window_bounds = array<i64: 2, 1000, 128>}, {transform_indices = @transform_2, window_bounds = array<i64: 1000, 128>}, {transform_indices = @transform_3, window_bounds = array<i64: 1000, 128>}]} {
    %get3A = arith.constant 0 : index
    %get3A_0 = arith.constant 0 : index
    %get3A_1 = arith.constant 0 : index
    %get3A_2 = vector.load %arg1[%get3A, %get3A_0, %get3A_1] : memref<2x1000x128xf32, #tpu.memory_space<vmem>>, vector<1x1000x128xf32>
    %get3A_3 = vector.shape_cast %get3A_2 : vector<1x1000x128xf32> to vector<1000x128xf32>
    %get3A_4 = arith.constant 1 : index
    %get3A_5 = arith.constant 0 : index
    %get3A_6 = arith.constant 0 : index
    %get3A_7 = vector.load %arg1[%get3A_4, %get3A_5, %get3A_6] : memref<2x1000x128xf32, #tpu.memory_space<vmem>>, vector<1x1000x128xf32>
    %get3A_8 = vector.shape_cast %get3A_7 : vector<1x1000x128xf32> to vector<1000x128xf32>
    %add3A = arith.addf %get3A_3, %get3A_8 : vector<1000x128xf32>
    %get3A_9 = arith.constant 0 : index
    %get3A_10 = arith.constant 0 : index
    %get3A_11 = arith.constant 0 : index
    %get3A_12 = vector.load %arg2[%get3A_9, %get3A_10, %get3A_11] : memref<2x1000x128xf32, #tpu.memory_space<vmem>>, vector<1x1000x1xf32>
    %get3A_13 = vector.shape_cast %get3A_12 : vector<1x1000x1xf32> to vector<1000x1xf32>
    %get3A_14 = arith.constant 1 : index
    %get3A_15 = arith.constant 0 : index
    %get3A_16 = arith.constant 0 : index
    %get3A_17 = vector.load %arg2[%get3A_14, %get3A_15, %get3A_16] : memref<2x1000x128xf32, #tpu.memory_space<vmem>>, vector<1x1000x1xf32>
    %get3A_18 = vector.shape_cast %get3A_17 : vector<1x1000x1xf32> to vector<1000x1xf32>
    %add3A_19 = arith.addf %get3A_13, %get3A_18 : vector<1000x1xf32>
    %max3A = arith.constant 1.000000e+00 : f32
    %max3A_20 = vector.broadcast %max3A : f32 to vector<1000x1xf32>
    %max3A_21 = arith.maximumf %add3A_19, %max3A_20 : vector<1000x1xf32>
    %div3A = arith.constant 1.000000e+00 : f32
    %div3A_22 = vector.broadcast %div3A : f32 to vector<1000x1xf32>
    %div3A_23 = arith.divf %div3A_22, %max3A_21 : vector<1000x1xf32>
    %mul3A = vector.broadcast %div3A_23 : vector<1000x1xf32> to vector<1000x128xf32>
    %mul3A_24 = arith.mulf %add3A, %mul3A : vector<1000x128xf32>
    %get3A_25 = arith.constant 0 : index
    %get3A_26 = arith.constant 0 : index
    %get3A_27 = vector.load %arg3[%get3A_25, %get3A_26] : memref<1000x128xf32, #tpu.memory_space<vmem>>, vector<1000x128xf32>
    %add3A_28 = arith.addf %mul3A_24, %get3A_27 : vector<1000x128xf32>
    %max3A_29 = arith.constant 0.000000e+00 : f32
    %max3A_30 = vector.broadcast %max3A_29 : f32 to vector<1000x128xf32>
    %max3A_31 = arith.maximumf %add3A_28, %max3A_30 : vector<1000x128xf32>
    %swap3A = arith.constant 0 : index
    %swap3A_32 = arith.constant 0 : index
    %swap3A_33 = vector.load %arg4[%swap3A, %swap3A_32] : memref<1000x128xf32, #tpu.memory_space<vmem>>, vector<1000x128xf32>
    tpu.vector_store %arg4[%swap3A, %swap3A_32], %max3A_31 {strides = array<i32>} : memref<1000x128xf32, #tpu.memory_space<vmem>>, vector<1000x128xf32>,
    return
  }
  func.func @transform_0(%arg0: i32) -> (i32, i32, i32) {
    %c0_i32 = arith.constant 0 : i32
    %c0_i32_0 = arith.constant 0 : i32
    %c0_i32_1 = arith.constant 0 : i32
    return %c0_i32, %arg0, %c0_i32_0 : i32, i32, i32
  }
  func.func @transform_1(%arg0: i32) -> (i32, i32, i32) {
    %c0_i32 = arith.constant 0 : i32
    %c0_i32_0 = arith.constant 0 : i32
    %c0_i32_1 = arith.constant 0 : i32
    return %c0_i32, %arg0, %c0_i32_0 : i32, i32, i32
  }
  func.func @transform_2(%arg0: i32) -> (i32, i32) {
    %c0_i32 = arith.constant 0 : i32
    %c0_i32_0 = arith.constant 0 : i32
    return %arg0, %c0_i32 : i32, i32
  }
  func.func @transform_3(%arg0: i32) -> (i32, i32) {
    %c0_i32 = arith.constant 0 : i32
    %c0_i32_0 = arith.constant 0 : i32
    return %arg0, %c0_i32 : i32, i32
  }
}

module attributes {stable_mosaic.version = 14 : i64} {
  func.func @body(%arg0: i32, %arg1: memref<1000x1280xf32, #tpu.memory_space<vmem>>, %arg2: memref<1000x128xf32, #tpu.memory_space<vmem>>, %arg3: memref<1000x128xf32, #tpu.memory_space<vmem>>) attributes {dimension_semantics = [#tpu.dimension_semantics<arbitrary>], iteration_bounds = array<i64: 320>, scalar_prefetch = 0 : i64, scratch_operands = 0 : i64, tpu.core_type = #tpu.core_type<tc>, window_params = [{transform_indices = @transform_0, window_bounds = array<i64: 1000, 1280>}, {transform_indices = @transform_1, window_bounds = array<i64: 1000, 128>}, {transform_indices = @transform_2, window_bounds = array<i64: 1000, 128>}]} {
    %get3A = arith.constant 0 : index
    %get3A_0 = arith.constant 64 : index
    %get3A_1 = vector.load %arg2[%get3A, %get3A_0] : memref<1000x128xf32, #tpu.memory_space<vmem>>, vector<1000x1xf32>
    %get3A_2 = arith.constant 0 : index
    %get3A_3 = arith.constant 0 : index
    %get3A_4 = vector.load %arg1[%get3A_2, %get3A_3] : memref<1000x1280xf32, #tpu.memory_space<vmem>>, vector<1000x128xf32>
    %mul3A = vector.broadcast %get3A_1 : vector<1000x1xf32> to vector<1000x128xf32>
    %mul3A_5 = arith.mulf %mul3A, %get3A_4 : vector<1000x128xf32>
    %get3A_6 = arith.constant 0 : index
    %get3A_7 = arith.constant 65 : index
    %get3A_8 = vector.load %arg2[%get3A_6, %get3A_7] : memref<1000x128xf32, #tpu.memory_space<vmem>>, vector<1000x1xf32>
    %get3A_9 = arith.constant 0 : index
    %get3A_10 = arith.constant 128 : index
    %get3A_11 = vector.load %arg1[%get3A_9, %get3A_10] : memref<1000x1280xf32, #tpu.memory_space<vmem>>, vector<1000x128xf32>
    %mul3A_12 = vector.broadcast %get3A_8 : vector<1000x1xf32> to vector<1000x128xf32>
    %mul3A_13 = arith.mulf %mul3A_12, %get3A_11 : vector<1000x128xf32>
    %add3A = arith.addf %mul3A_5, %mul3A_13 : vector<1000x128xf32>
    %get3A_14 = arith.constant 0 : index
    %get3A_15 = arith.constant 66 : index
    %get3A_16 = vector.load %arg2[%get3A_14, %get3A_15] : memref<1000x128xf32, #tpu.memory_space<vmem>>, vector<1000x1xf32>
    %get3A_17 = arith.constant 0 : index
    %get3A_18 = arith.constant 256 : index
    %get3A_19 = vector.load %arg1[%get3A_17, %get3A_18] : memref<1000x1280xf32, #tpu.memory_space<vmem>>, vector<1000x128xf32>
    %mul3A_20 = vector.broadcast %get3A_16 : vector<1000x1xf32> to vector<1000x128xf32>
    %mul3A_21 = arith.mulf %mul3A_20, %get3A_19 : vector<1000x128xf32>
    %add3A_22 = arith.addf %add3A, %mul3A_21 : vector<1000x128xf32>
    %get3A_23 = arith.constant 0 : index
    %get3A_24 = arith.constant 67 : index
    %get3A_25 = vector.load %arg2[%get3A_23, %get3A_24] : memref<1000x128xf32, #tpu.memory_space<vmem>>, vector<1000x1xf32>
    %get3A_26 = arith.constant 0 : index
    %get3A_27 = arith.constant 384 : index
    %get3A_28 = vector.load %arg1[%get3A_26, %get3A_27] : memref<1000x1280xf32, #tpu.memory_space<vmem>>, vector<1000x128xf32>
    %mul3A_29 = vector.broadcast %get3A_25 : vector<1000x1xf32> to vector<1000x128xf32>
    %mul3A_30 = arith.mulf %mul3A_29, %get3A_28 : vector<1000x128xf32>
    %add3A_31 = arith.addf %add3A_22, %mul3A_30 : vector<1000x128xf32>
    %get3A_32 = arith.constant 0 : index
    %get3A_33 = arith.constant 68 : index
    %get3A_34 = vector.load %arg2[%get3A_32, %get3A_33] : memref<1000x128xf32, #tpu.memory_space<vmem>>, vector<1000x1xf32>
    %get3A_35 = arith.constant 0 : index
    %get3A_36 = arith.constant 512 : index
    %get3A_37 = vector.load %arg1[%get3A_35, %get3A_36] : memref<1000x1280xf32, #tpu.memory_space<vmem>>, vector<1000x128xf32>
    %mul3A_38 = vector.broadcast %get3A_34 : vector<1000x1xf32> to vector<1000x128xf32>
    %mul3A_39 = arith.mulf %mul3A_38, %get3A_37 : vector<1000x128xf32>
    %add3A_40 = arith.addf %add3A_31, %mul3A_39 : vector<1000x128xf32>
    %get3A_41 = arith.constant 0 : index
    %get3A_42 = arith.constant 69 : index
    %get3A_43 = vector.load %arg2[%get3A_41, %get3A_42] : memref<1000x128xf32, #tpu.memory_space<vmem>>, vector<1000x1xf32>
    %get3A_44 = arith.constant 0 : index
    %get3A_45 = arith.constant 640 : index
    %get3A_46 = vector.load %arg1[%get3A_44, %get3A_45] : memref<1000x1280xf32, #tpu.memory_space<vmem>>, vector<1000x128xf32>
    %mul3A_47 = vector.broadcast %get3A_43 : vector<1000x1xf32> to vector<1000x128xf32>
    %mul3A_48 = arith.mulf %mul3A_47, %get3A_46 : vector<1000x128xf32>
    %add3A_49 = arith.addf %add3A_40, %mul3A_48 : vector<1000x128xf32>
    %get3A_50 = arith.constant 0 : index
    %get3A_51 = arith.constant 70 : index
    %get3A_52 = vector.load %arg2[%get3A_50, %get3A_51] : memref<1000x128xf32, #tpu.memory_space<vmem>>, vector<1000x1xf32>
    %get3A_53 = arith.constant 0 : index
    %get3A_54 = arith.constant 768 : index
    %get3A_55 = vector.load %arg1[%get3A_53, %get3A_54] : memref<1000x1280xf32, #tpu.memory_space<vmem>>, vector<1000x128xf32>
    %mul3A_56 = vector.broadcast %get3A_52 : vector<1000x1xf32> to vector<1000x128xf32>
    %mul3A_57 = arith.mulf %mul3A_56, %get3A_55 : vector<1000x128xf32>
    %add3A_58 = arith.addf %add3A_49, %mul3A_57 : vector<1000x128xf32>
    %get3A_59 = arith.constant 0 : index
    %get3A_60 = arith.constant 71 : index
    %get3A_61 = vector.load %arg2[%get3A_59, %get3A_60] : memref<1000x128xf32, #tpu.memory_space<vmem>>, vector<1000x1xf32>
    %get3A_62 = arith.constant 0 : index
    %get3A_63 = arith.constant 896 : index
    %get3A_64 = vector.load %arg1[%get3A_62, %get3A_63] : memref<1000x1280xf32, #tpu.memory_space<vmem>>, vector<1000x128xf32>
    %mul3A_65 = vector.broadcast %get3A_61 : vector<1000x1xf32> to vector<1000x128xf32>
    %mul3A_66 = arith.mulf %mul3A_65, %get3A_64 : vector<1000x128xf32>
    %add3A_67 = arith.addf %add3A_58, %mul3A_66 : vector<1000x128xf32>
    %get3A_68 = arith.constant 0 : index
    %get3A_69 = arith.constant 72 : index
    %get3A_70 = vector.load %arg2[%get3A_68, %get3A_69] : memref<1000x128xf32, #tpu.memory_space<vmem>>, vector<1000x1xf32>
    %get3A_71 = arith.constant 0 : index
    %get3A_72 = arith.constant 1024 : index
    %get3A_73 = vector.load %arg1[%get3A_71, %get3A_72] : memref<1000x1280xf32, #tpu.memory_space<vmem>>, vector<1000x128xf32>
    %mul3A_74 = vector.broadcast %get3A_70 : vector<1000x1xf32> to vector<1000x128xf32>
    %mul3A_75 = arith.mulf %mul3A_74, %get3A_73 : vector<1000x128xf32>
    %add3A_76 = arith.addf %add3A_67, %mul3A_75 : vector<1000x128xf32>
    %get3A_77 = arith.constant 0 : index
    %get3A_78 = arith.constant 73 : index
    %get3A_79 = vector.load %arg2[%get3A_77, %get3A_78] : memref<1000x128xf32, #tpu.memory_space<vmem>>, vector<1000x1xf32>
    %get3A_80 = arith.constant 0 : index
    %get3A_81 = arith.constant 1152 : index
    %get3A_82 = vector.load %arg1[%get3A_80, %get3A_81] : memref<1000x1280xf32, #tpu.memory_space<vmem>>, vector<1000x128xf32>
    %mul3A_83 = vector.broadcast %get3A_79 : vector<1000x1xf32> to vector<1000x128xf32>
    %mul3A_84 = arith.mulf %mul3A_83, %get3A_82 : vector<1000x128xf32>
    %add3A_85 = arith.addf %add3A_76, %mul3A_84 : vector<1000x128xf32>
    %swap3A = arith.constant 0 : index
    %swap3A_86 = arith.constant 0 : index
    %swap3A_87 = vector.load %arg3[%swap3A, %swap3A_86] : memref<1000x128xf32, #tpu.memory_space<vmem>>, vector<1000x128xf32>
    tpu.vector_store %arg3[%swap3A, %swap3A_86], %add3A_85 {strides = array<i32>} : memref<1000x128xf32, #tpu.memory_space<vmem>>, vector<1000x128xf32>,
    return
  }
  func.func @transform_0(%arg0: i32) -> (i32, i32) {
    %c0_i32 = arith.constant 0 : i32
    %c0_i32_0 = arith.constant 0 : i32
    return %arg0, %c0_i32 : i32, i32
  }
  func.func @transform_1(%arg0: i32) -> (i32, i32) {
    %c0_i32 = arith.constant 0 : i32
    %c0_i32_0 = arith.constant 0 : i32
    return %arg0, %c0_i32 : i32, i32
  }
  func.func @transform_2(%arg0: i32) -> (i32, i32) {
    %c0_i32 = arith.constant 0 : i32
    %c0_i32_0 = arith.constant 0 : i32
    return %arg0, %c0_i32 : i32, i32
  }
}

module attributes {stable_mosaic.version = 14 : i64} {
  func.func @body(%arg0: i32, %arg1: memref<2x1000x128xf32, #tpu.memory_space<vmem>>, %arg2: memref<2x1000x128xf32, #tpu.memory_space<vmem>>, %arg3: memref<1000x128xf32, #tpu.memory_space<vmem>>, %arg4: memref<1000x128xf32, #tpu.memory_space<vmem>>) attributes {dimension_semantics = [#tpu.dimension_semantics<arbitrary>], iteration_bounds = array<i64: 10>, scalar_prefetch = 0 : i64, scratch_operands = 0 : i64, tpu.core_type = #tpu.core_type<tc>, window_params = [{transform_indices = @transform_0, window_bounds = array<i64: 2, 1000, 128>}, {transform_indices = @transform_1, window_bounds = array<i64: 2, 1000, 128>}, {transform_indices = @transform_2, window_bounds = array<i64: 1000, 128>}, {transform_indices = @transform_3, window_bounds = array<i64: 1000, 128>}]} {
    %get3A = arith.constant 0 : index
    %get3A_0 = arith.constant 0 : index
    %get3A_1 = arith.constant 0 : index
    %get3A_2 = vector.load %arg1[%get3A, %get3A_0, %get3A_1] : memref<2x1000x128xf32, #tpu.memory_space<vmem>>, vector<1x1000x128xf32>
    %get3A_3 = vector.shape_cast %get3A_2 : vector<1x1000x128xf32> to vector<1000x128xf32>
    %get3A_4 = arith.constant 1 : index
    %get3A_5 = arith.constant 0 : index
    %get3A_6 = arith.constant 0 : index
    %get3A_7 = vector.load %arg1[%get3A_4, %get3A_5, %get3A_6] : memref<2x1000x128xf32, #tpu.memory_space<vmem>>, vector<1x1000x128xf32>
    %get3A_8 = vector.shape_cast %get3A_7 : vector<1x1000x128xf32> to vector<1000x128xf32>
    %add3A = arith.addf %get3A_3, %get3A_8 : vector<1000x128xf32>
    %get3A_9 = arith.constant 0 : index
    %get3A_10 = arith.constant 0 : index
    %get3A_11 = arith.constant 0 : index
    %get3A_12 = vector.load %arg2[%get3A_9, %get3A_10, %get3A_11] : memref<2x1000x128xf32, #tpu.memory_space<vmem>>, vector<1x1000x1xf32>
    %get3A_13 = vector.shape_cast %get3A_12 : vector<1x1000x1xf32> to vector<1000x1xf32>
    %get3A_14 = arith.constant 1 : index
    %get3A_15 = arith.constant 0 : index
    %get3A_16 = arith.constant 0 : index
    %get3A_17 = vector.load %arg2[%get3A_14, %get3A_15, %get3A_16] : memref<2x1000x128xf32, #tpu.memory_space<vmem>>, vector<1x1000x1xf32>
    %get3A_18 = vector.shape_cast %get3A_17 : vector<1x1000x1xf32> to vector<1000x1xf32>
    %add3A_19 = arith.addf %get3A_13, %get3A_18 : vector<1000x1xf32>
    %max3A = arith.constant 1.000000e+00 : f32
    %max3A_20 = vector.broadcast %max3A : f32 to vector<1000x1xf32>
    %max3A_21 = arith.maximumf %add3A_19, %max3A_20 : vector<1000x1xf32>
    %div3A = arith.constant 1.000000e+00 : f32
    %div3A_22 = vector.broadcast %div3A : f32 to vector<1000x1xf32>
    %div3A_23 = arith.divf %div3A_22, %max3A_21 : vector<1000x1xf32>
    %mul3A = vector.broadcast %div3A_23 : vector<1000x1xf32> to vector<1000x128xf32>
    %mul3A_24 = arith.mulf %add3A, %mul3A : vector<1000x128xf32>
    %get3A_25 = arith.constant 0 : index
    %get3A_26 = arith.constant 0 : index
    %get3A_27 = vector.load %arg3[%get3A_25, %get3A_26] : memref<1000x128xf32, #tpu.memory_space<vmem>>, vector<1000x128xf32>
    %add3A_28 = arith.addf %mul3A_24, %get3A_27 : vector<1000x128xf32>
    %max3A_29 = arith.constant 0.000000e+00 : f32
    %max3A_30 = vector.broadcast %max3A_29 : f32 to vector<1000x128xf32>
    %max3A_31 = arith.maximumf %add3A_28, %max3A_30 : vector<1000x128xf32>
    %swap3A = arith.constant 0 : index
    %swap3A_32 = arith.constant 0 : index
    %swap3A_33 = vector.load %arg4[%swap3A, %swap3A_32] : memref<1000x128xf32, #tpu.memory_space<vmem>>, vector<1000x128xf32>
    tpu.vector_store %arg4[%swap3A, %swap3A_32], %max3A_31 {strides = array<i32>} : memref<1000x128xf32, #tpu.memory_space<vmem>>, vector<1000x128xf32>,
    return
  }
  func.func @transform_0(%arg0: i32) -> (i32, i32, i32) {
    %c0_i32 = arith.constant 0 : i32
    %c0_i32_0 = arith.constant 0 : i32
    %c0_i32_1 = arith.constant 0 : i32
    return %c0_i32, %arg0, %c0_i32_0 : i32, i32, i32
  }
  func.func @transform_1(%arg0: i32) -> (i32, i32, i32) {
    %c0_i32 = arith.constant 0 : i32
    %c0_i32_0 = arith.constant 0 : i32
    %c0_i32_1 = arith.constant 0 : i32
    return %c0_i32, %arg0, %c0_i32_0 : i32, i32, i32
  }
  func.func @transform_2(%arg0: i32) -> (i32, i32) {
    %c0_i32 = arith.constant 0 : i32
    %c0_i32_0 = arith.constant 0 : i32
    return %arg0, %c0_i32 : i32, i32
  }
  func.func @transform_3(%arg0: i32) -> (i32, i32) {
    %c0_i32 = arith.constant 0 : i32
    %c0_i32_0 = arith.constant 0 : i32
    return %arg0, %c0_i32 : i32, i32
  }
}

module attributes {stable_mosaic.version = 14 : i64} {
  func.func @body(%arg0: memref<1024x128xf32, #tpu.memory_space<vmem>>, %arg1: memref<1024x128xf32, #tpu.memory_space<vmem>>, %arg2: memref<1024x128xf32, #tpu.memory_space<vmem>>, %arg3: memref<1024x768xf32, #tpu.memory_space<vmem>>, %arg4: memref<768x128xf32, #tpu.memory_space<vmem>>, %arg5: memref<1x128xf32, #tpu.memory_space<vmem>>, %arg6: memref<1x128xf32, #tpu.memory_space<vmem>>, %arg7: memref<1x128xf32, #tpu.memory_space<vmem>>, %arg8: memref<128x128xf32, #tpu.memory_space<vmem>>, %arg9: memref<1x128xf32, #tpu.memory_space<vmem>>, %arg10: memref<128x128xf32, #tpu.memory_space<vmem>>, %arg11: memref<128x128xf32, #tpu.memory_space<vmem>>, %arg12: memref<1x128xf32, #tpu.memory_space<vmem>>, %arg13: memref<1024x128xf32, #tpu.memory_space<vmem>>, %arg14: memref<1024x128xf32, #tpu.memory_space<vmem>>, %arg15: memref<1024x128xf32, #tpu.memory_space<vmem>>) attributes {dimension_semantics = [], scalar_prefetch = 0 : i64, scratch_operands = 0 : i64, tpu.core_type = #tpu.core_type<tc>} {
    %get3A = arith.constant 0 : index
    %get3A_0 = arith.constant 0 : index
    %get3A_1 = vector.load %arg0[%get3A, %get3A_0] : memref<1024x128xf32, #tpu.memory_space<vmem>>, vector<1024x128xf32>
    %get3A_2 = arith.constant 0 : index
    %get3A_3 = arith.constant 0 : index
    %get3A_4 = vector.load %arg1[%get3A_2, %get3A_3] : memref<1024x128xf32, #tpu.memory_space<vmem>>, vector<1024x128xf32>
    %add3A = arith.addf %get3A_1, %get3A_4 : vector<1024x128xf32>
    %get3A_5 = arith.constant 0 : index
    %get3A_6 = arith.constant 0 : index
    %get3A_7 = vector.load %arg2[%get3A_5, %get3A_6] : memref<1024x128xf32, #tpu.memory_space<vmem>>, vector<1024x128xf32>
    %add3A_8 = arith.addf %add3A, %get3A_7 : vector<1024x128xf32>
    %get3A_9 = arith.constant 0 : index
    %get3A_10 = arith.constant 0 : index
    %get3A_11 = vector.load %arg3[%get3A_9, %get3A_10] : memref<1024x768xf32, #tpu.memory_space<vmem>>, vector<1024x768xf32>
    %get3A_12 = arith.constant 0 : index
    %get3A_13 = arith.constant 0 : index
    %get3A_14 = vector.load %arg4[%get3A_12, %get3A_13] : memref<768x128xf32, #tpu.memory_space<vmem>>, vector<768x128xf32>
    %dot_general3A = arith.constant dense<0.000000e+00> : vector<1024x128xf32>
    %dot_general3A_15 = tpu.matmul %get3A_11, %get3A_14, %dot_general3A {dimension_numbers = #tpu.dot_dimension_numbers<[1], [0], [0], [1], [0, 0, 1, 1], [], []>, transpose_lhs_hint = false} : vector<1024x768xf32>, vector<768x128xf32>, vector<1024x128xf32> -> vector<1024x128xf32>
    %get3A_16 = arith.constant 0 : index
    %get3A_17 = arith.constant 0 : index
    %get3A_18 = vector.load %arg5[%get3A_16, %get3A_17] : memref<1x128xf32, #tpu.memory_space<vmem>>, vector<1x128xf32>
    %add3A_19 = vector.broadcast %get3A_18 : vector<1x128xf32> to vector<1024x128xf32>
    %add3A_20 = arith.addf %dot_general3A_15, %add3A_19 : vector<1024x128xf32>
    %reduce_sum3A = arith.constant dense<0.000000e+00> : vector<1024xf32>
    %reduce_sum3A_21 = vector.multi_reduction <add>, %add3A_20, %reduce_sum3A [1] : vector<1024x128xf32> to vector<1024xf32>
    %broadcast_in_dim3A = vector.shape_cast %reduce_sum3A_21 : vector<1024xf32> to vector<1024x1xf32>
    %div3A = arith.constant 1.280000e+02 : f32
    %div3A_22 = vector.broadcast %div3A : f32 to vector<1024x1xf32>
    %div3A_23 = arith.divf %broadcast_in_dim3A, %div3A_22 : vector<1024x1xf32>
    %sub3A = vector.broadcast %div3A_23 : vector<1024x1xf32> to vector<1024x128xf32>
    %sub3A_24 = arith.subf %add3A_20, %sub3A : vector<1024x128xf32>
    %integer_pow3A = arith.mulf %sub3A_24, %sub3A_24 : vector<1024x128xf32>
    %reduce_sum3A_25 = arith.constant dense<0.000000e+00> : vector<1024xf32>
    %reduce_sum3A_26 = vector.multi_reduction <add>, %integer_pow3A, %reduce_sum3A_25 [1] : vector<1024x128xf32> to vector<1024xf32>
    %broadcast_in_dim3A_27 = vector.shape_cast %reduce_sum3A_26 : vector<1024xf32> to vector<1024x1xf32>
    %div3A_28 = arith.constant 1.280000e+02 : f32
    %div3A_29 = vector.broadcast %div3A_28 : f32 to vector<1024x1xf32>
    %div3A_30 = arith.divf %broadcast_in_dim3A_27, %div3A_29 : vector<1024x1xf32>
    %sub3A_31 = vector.broadcast %div3A_23 : vector<1024x1xf32> to vector<1024x128xf32>
    %sub3A_32 = arith.subf %add3A_20, %sub3A_31 : vector<1024x128xf32>
    %add3A_33 = arith.constant 9.99999974E-6 : f32
    %add3A_34 = vector.broadcast %add3A_33 : f32 to vector<1024x1xf32>
    %add3A_35 = arith.addf %div3A_30, %add3A_34 : vector<1024x1xf32>
    %sqrt3A = math.sqrt %add3A_35 : vector<1024x1xf32>
    %div3A_36 = vector.broadcast %sqrt3A : vector<1024x1xf32> to vector<1024x128xf32>
    %div3A_37 = arith.divf %sub3A_32, %div3A_36 : vector<1024x128xf32>
    %get3A_38 = arith.constant 0 : index
    %get3A_39 = arith.constant 0 : index
    %get3A_40 = vector.load %arg6[%get3A_38, %get3A_39] : memref<1x128xf32, #tpu.memory_space<vmem>>, vector<1x128xf32>
    %mul3A = vector.broadcast %get3A_40 : vector<1x128xf32> to vector<1024x128xf32>
    %mul3A_41 = arith.mulf %div3A_37, %mul3A : vector<1024x128xf32>
    %get3A_42 = arith.constant 0 : index
    %get3A_43 = arith.constant 0 : index
    %get3A_44 = vector.load %arg7[%get3A_42, %get3A_43] : memref<1x128xf32, #tpu.memory_space<vmem>>, vector<1x128xf32>
    %add3A_45 = vector.broadcast %get3A_44 : vector<1x128xf32> to vector<1024x128xf32>
    %add3A_46 = arith.addf %mul3A_41, %add3A_45 : vector<1024x128xf32>
    %max3A = arith.constant 0.000000e+00 : f32
    %max3A_47 = vector.broadcast %max3A : f32 to vector<1024x128xf32>
    %max3A_48 = arith.maximumf %add3A_46, %max3A_47 : vector<1024x128xf32>
    %get3A_49 = arith.constant 0 : index
    %get3A_50 = arith.constant 0 : index
    %get3A_51 = vector.load %arg8[%get3A_49, %get3A_50] : memref<128x128xf32, #tpu.memory_space<vmem>>, vector<128x128xf32>
    %dot_general3A_52 = arith.constant dense<0.000000e+00> : vector<1024x128xf32>
    %dot_general3A_53 = tpu.matmul %max3A_48, %get3A_51, %dot_general3A_52 {dimension_numbers = #tpu.dot_dimension_numbers<[1], [0], [0], [1], [0, 0, 1, 1], [], []>, transpose_lhs_hint = false} : vector<1024x128xf32>, vector<128x128xf32>, vector<1024x128xf32> -> vector<1024x128xf32>
    %get3A_54 = arith.constant 0 : index
    %get3A_55 = arith.constant 0 : index
    %get3A_56 = vector.load %arg9[%get3A_54, %get3A_55] : memref<1x128xf32, #tpu.memory_space<vmem>>, vector<1x128xf32>
    %add3A_57 = vector.broadcast %get3A_56 : vector<1x128xf32> to vector<1024x128xf32>
    %add3A_58 = arith.addf %dot_general3A_53, %add3A_57 : vector<1024x128xf32>
    %get3A_59 = arith.constant 0 : index
    %get3A_60 = arith.constant 0 : index
    %get3A_61 = vector.load %arg10[%get3A_59, %get3A_60] : memref<128x128xf32, #tpu.memory_space<vmem>>, vector<128x128xf32>
    %dot_general3A_62 = arith.constant dense<0.000000e+00> : vector<1024x128xf32>
    %dot_general3A_63 = tpu.matmul %add3A_8, %get3A_61, %dot_general3A_62 {dimension_numbers = #tpu.dot_dimension_numbers<[1], [0], [0], [1], [0, 0, 1, 1], [], []>, transpose_lhs_hint = false} : vector<1024x128xf32>, vector<128x128xf32>, vector<1024x128xf32> -> vector<1024x128xf32>
    %get3A_64 = arith.constant 0 : index
    %get3A_65 = arith.constant 0 : index
    %get3A_66 = vector.load %arg11[%get3A_64, %get3A_65] : memref<128x128xf32, #tpu.memory_space<vmem>>, vector<128x128xf32>
    %dot_general3A_67 = arith.constant dense<0.000000e+00> : vector<1024x128xf32>
    %dot_general3A_68 = tpu.matmul %add3A_58, %get3A_66, %dot_general3A_67 {dimension_numbers = #tpu.dot_dimension_numbers<[1], [0], [0], [1], [0, 0, 1, 1], [], []>, transpose_lhs_hint = false} : vector<1024x128xf32>, vector<128x128xf32>, vector<1024x128xf32> -> vector<1024x128xf32>
    %add3A_69 = arith.addf %dot_general3A_63, %dot_general3A_68 : vector<1024x128xf32>
    %get3A_70 = arith.constant 0 : index
    %get3A_71 = arith.constant 0 : index
    %get3A_72 = vector.load %arg12[%get3A_70, %get3A_71] : memref<1x128xf32, #tpu.memory_space<vmem>>, vector<1x128xf32>
    %add3A_73 = vector.broadcast %get3A_72 : vector<1x128xf32> to vector<1024x128xf32>
    %add3A_74 = arith.addf %add3A_69, %add3A_73 : vector<1024x128xf32>
    %neg3A = arith.constant 0.000000e+00 : f32
    %neg3A_75 = vector.broadcast %neg3A : f32 to vector<1024x128xf32>
    %neg3A_76 = arith.subf %neg3A_75, %add3A_74 : vector<1024x128xf32>
    %exp3A = math.exp %neg3A_76 : vector<1024x128xf32>
    %add3A_77 = arith.constant 1.000000e+00 : f32
    %add3A_78 = vector.broadcast %add3A_77 : f32 to vector<1024x128xf32>
    %add3A_79 = arith.addf %add3A_78, %exp3A : vector<1024x128xf32>
    %div3A_80 = arith.constant 1.000000e+00 : f32
    %div3A_81 = vector.broadcast %div3A_80 : f32 to vector<1024x128xf32>
    %div3A_82 = arith.divf %div3A_81, %add3A_79 : vector<1024x128xf32>
    %swap3A = arith.constant 0 : index
    %swap3A_83 = arith.constant 0 : index
    %swap3A_84 = vector.load %arg13[%swap3A, %swap3A_83] : memref<1024x128xf32, #tpu.memory_space<vmem>>, vector<1024x128xf32>
    tpu.vector_store %arg13[%swap3A, %swap3A_83], %add3A_8 {strides = array<i32>} : memref<1024x128xf32, #tpu.memory_space<vmem>>, vector<1024x128xf32>,
    %swap3A_85 = arith.constant 0 : index
    %swap3A_86 = arith.constant 0 : index
    %swap3A_87 = vector.load %arg14[%swap3A_85, %swap3A_86] : memref<1024x128xf32, #tpu.memory_space<vmem>>, vector<1024x128xf32>
    tpu.vector_store %arg14[%swap3A_85, %swap3A_86], %add3A_58 {strides = array<i32>} : memref<1024x128xf32, #tpu.memory_space<vmem>>, vector<1024x128xf32>,
    %mul3A_88 = arith.mulf %div3A_82, %add3A_8 : vector<1024x128xf32>
    %sub3A_89 = arith.constant 1.000000e+00 : f32
    %sub3A_90 = vector.broadcast %sub3A_89 : f32 to vector<1024x128xf32>
    %sub3A_91 = arith.subf %sub3A_90, %div3A_82 : vector<1024x128xf32>
    %mul3A_92 = arith.mulf %sub3A_91, %add3A_58 : vector<1024x128xf32>
    %add3A_93 = arith.addf %mul3A_88, %mul3A_92 : vector<1024x128xf32>
    %swap3A_94 = arith.constant 0 : index
    %swap3A_95 = arith.constant 0 : index
    %swap3A_96 = vector.load %arg15[%swap3A_94, %swap3A_95] : memref<1024x128xf32, #tpu.memory_space<vmem>>, vector<1024x128xf32>
    tpu.vector_store %arg15[%swap3A_94, %swap3A_95], %add3A_93 {strides = array<i32>} : memref<1024x128xf32, #tpu.memory_space<vmem>>, vector<1024x128xf32>,
    return
  }
}

</mosaic_0001>

<sc_bundles>
// kernel: kernel.19.cloned.1.call-start
scs
__scs_entry_jumppad:
0x0: {  	(pc) =	sbr.rel $0x88, $3  }
0x1: {  	(tag) =	ssettag $0x0;
	lr =	simm.s32 $0x1  }
0x2: {  	[smem:$0x3F88] =	sst lr;
	_ =	strace $0xD0000000  }
0x3: {  	_ = 	snop  }
0x4: {  	_ = 	snop  }
0x5: {  	_ = 	snop  }
0x6: {  	_ = 	snop  }
0x7: {  	_ = 	snop  }
__scs_overlays_trampoline_lowered:
0x8: {  	[smem:$0x3F97] =	sst s0  }
0x9: {  	[smem:$0x3F98] =	sst s1  }
0xa: {  	[smem:$0x3F99] =	sst s2  }
0xb: {  	[smem:$0x3F9A] =	sst s3  }
0xc: {  	[smem:$0x3F9B] =	sst s4  }
0xd: {  	[smem:$0x3F9C] =	sst s5  }
0xe: {  	[smem:$0x3F9D] =	sst s6  }
0xf: {  	[smem:$0x3F9E] =	sst s7  }
0x10: {  	[smem:$0x3F9F] =	sst s8  }
0x11: {  	[smem:$0x3FA0] =	sst s9;
	s0 =	simm.s32 @!p0 $0x0  }
0x12: {  	s1 =	sld [smem:$0x3F86];
	s0 =	simm.s32 @p0 $0x1  }
0x13: {  	[smem:$0x3FA1] =	sst s0;
	s0 =	simm.s32 @!p1 $0x0  }
0x14: {  	s2 =	sld [smem:$0x3F85];
	s0 =	simm.s32 @p1 $0x1  }
0x15: {  	[smem:$0x3FA2] =	sst s0;
	s0 =	simm.s32 @!p2 $0x0  }
0x16: {  	s3 =	sld [smem:$0x3FDB];
	s0 =	simm.s32 @p2 $0x1  }
0x17: {  	s4 =	simm.s32 $0x1BF5;
	[smem:$0x3FA4] =	sst s0  }
0x18: {  	s0 =	sld [smem:$0x3F87];
	_ =	swait.ge [sflag:s4], $0x0  }
0x19: {  	s7 =	sld [smem:$0x3F88]  }
0x1a: {  	s8 =	sadd.s32 $0xFFFFE003, lr  }
0x1b: {  	s9 =	sadd.s32 $0xFFFFFEF7, lr;
	s5 =	simm.s32 $0xFFFFFFFF;
	p2 =	slt.u32 s8, $0xFFFFF086  }
0x1c: {  	p1 =	slt.u32 s9, $0xF7A;
	s5 =	simm.s32 @!p2 $0x0  }
0x1d: {  	s5 =	simm.s32 @p1 $0x1;
	p0 =	seq.s32 s7, s2  }
0x1e: {  	s7 =	smul.u32 @!p0 $0xF7A, s2;
	p2 =	seq.s32 @!p0 s5, $0x0  }
0x1f: {  	s9 =	smul.u32 $0xF7A, s1;
	s8 =	simm.s32 @!p0 $0x1BF5;
	p2 =	por !p2, p0  }
0x20: {  	[sflag:s8] =	ssyncset.s32 @!p0 $0xFFFFF086;
	s6 =	sadd.s32 @!p0 s3, s7;
	s7 =	simm.s32 @!p0 $0x108  }
0x21: {  	s3 =	sadd.s32 s3, s9;
	s6 =	sadd.s32 @!p0 $0x88, s6;
	s7 =	simm.s32 @p2 $0x1082  }
0x22: {  	[simem:s7], [sflag:s8] =	dma.local @!p0 [hbm:s6], $0xF7A  }
0x23: {  	s9 =	sor.u32 $0xD0000000, s2;
	s6 =	simm.s32 $0x108;
	_ =	swait.ge @!p0 [sflag:s8], $0x0  }
0x24: {  	s3 =	sadd.s32 $0x88, s3;
	s6 =	simm.s32 @!p1 $0x1082;
	[sflag:s4] =	ssyncset.s32 $0xFFFFF086  }
0x25: {  	[simem:s6], [sflag:s4] =	dma.local [hbm:s3], $0xF7A  }
0x26: {  	[smem:$0x3F88] =	sst s1;
	(tag) =	ssettag s2;
	_ =	strace s9  }
0x27: {  	s1 =	sld [smem:$0x3F98]  }
0x28: {  	s2 =	sld [smem:$0x3F99]  }
0x29: {  	s4 =	sld [smem:$0x3F9B]  }
0x2a: {  	p0 =	seq.s32 s5, $0x0;
	s5 =	sld [smem:$0x3F9C]  }
0x2b: {  	s6 =	sld [smem:$0x3F9D]  }
0x2c: {  	s7 =	sld [smem:$0x3F9E]  }
0x2d: {  	s3 =	simm.s32 $0x108;
	s8 =	sld [smem:$0x3F9F]  }
0x2e: {  	s3 =	simm.s32 @!p0 $0x1082;
	s9 =	sld [smem:$0x3FA0]  }
0x2f: {  	lr =	sadd.s32 s0, s3;
	s0 =	sld [smem:$0x3F97]  }
0x30: {  	s3 =	sld [smem:$0x3F9A]  }
0x31: {  	[smem:$0x3FA3] =	sst s10  }
0x32: {  	s10 =	sld [smem:$0x3FA1];
	_ =	sdelay $0x3  }
0x33: {  	p0 =	seq.s32 s10, $0x1;
	s10 =	sld [smem:$0x3FA3];
	_ =	sdelay $0x3  }
0x34: {  	[smem:$0x3FA3] =	sst s10  }
0x35: {  	s10 =	sld [smem:$0x3FA2];
	_ =	sdelay $0x3  }
0x36: {  	p1 =	seq.s32 s10, $0x1;
	s10 =	sld [smem:$0x3FA3];
	_ =	sdelay $0x3  }
0x37: {  	[smem:$0x3FA3] =	sst s10  }
0x38: {  	s10 =	sld [smem:$0x3FA4]  }
0x39: {  	_ = 	snop;
	(pc) =	sbr.ind lr, $3  }
0x3a: {  	_ = 	snop  }
0x3b: {  	_ = 	snop  }
0x3c: {  	p2 =	seq.s32 s10, $0x1;
	s10 =	sld [smem:$0x3FA3]  }
0x3d: {  	_ =	shalt  }
0x3e: {  	_ =	shalt  }
0x3f: {  	_ =	shalt  }
0x40: {  	_ =	shalt  }
0x41: {  	_ =	shalt  }
0x42: {  	_ =	shalt  }
0x43: {  	_ =	shalt  }
0x44: {  	_ =	shalt  }
0x45: {  	_ =	shalt  }
0x46: {  	_ =	shalt  }
0x47: {  	_ =	shalt  }
0x48: {  	_ =	shalt  }
0x49: {  	_ =	shalt  }
0x4a: {  	_ =	shalt  }
0x4b: {  	_ =	shalt  }
0x4c: {  	_ =	shalt  }
0x4d: {  	_ =	shalt  }
0x4e: {  	_ =	shalt  }
0x4f: {  	_ =	shalt  }
0x50: {  	_ =	shalt  }
0x51: {  	_ =	shalt  }
0x52: {  	_ =	shalt  }
0x53: {  	_ =	shalt  }
0x54: {  	_ =	shalt  }
0x55: {  	_ =	shalt  }
0x56: {  	_ =	shalt  }
0x57: {  	_ =	shalt  }
0x58: {  	_ =	shalt  }
0x59: {  	_ =	shalt  }
0x5a: {  	_ =	shalt  }
0x5b: {  	_ =	shalt  }
0x5c: {  	_ =	shalt  }
0x5d: {  	_ =	shalt  }
0x5e: {  	_ =	shalt  }
0x5f: {  	_ =	shalt  }
0x60: {  	_ =	shalt  }
0x61: {  	_ =	shalt  }
0x62: {  	_ =	shalt  }
0x63: {  	_ =	shalt  }
0x64: {  	_ =	shalt  }
0x65: {  	_ =	shalt  }
0x66: {  	_ =	shalt  }
0x67: {  	_ =	shalt  }
0x68: {  	_ =	shalt  }
0x69: {  	_ =	shalt  }
0x6a: {  	_ =	shalt  }
0x6b: {  	_ =	shalt  }
0x6c: {  	_ =	shalt  }
0x6d: {  	_ =	shalt  }
0x6e: {  	_ =	shalt  }
0x6f: {  	_ =	shalt  }
0x70: {  	_ =	shalt  }
0x71: {  	_ =	shalt  }
0x72: {  	_ =	shalt  }
0x73: {  	_ =	shalt  }
0x74: {  	_ =	shalt  }
0x75: {  	_ =	shalt  }
0x76: {  	_ =	shalt  }
0x77: {  	_ =	shalt  }
0x78: {  	_ =	shalt  }
0x79: {  	_ =	shalt  }
0x7a: {  	_ =	shalt  }
0x7b: {  	_ =	shalt  }
0x7c: {  	_ =	shalt  }
0x7d: {  	_ =	shalt  }
0x7e: {  	_ =	shalt  }
0x7f: {  	_ =	shalt  }
0x80: {  	_ =	shalt  }
0x81: {  	_ =	shalt  }
0x82: {  	_ =	shalt  }
0x83: {  	_ =	shalt  }
0x84: {  	_ =	shalt  }
0x85: {  	_ =	shalt  }
0x86: {  	_ =	shalt  }
0x87: {  	_ =	shalt  }
.Lfunc_end0:
.L_simem_size_0:
called_computation_lowered:
.L_overlay_start_0:
0x88: {  	s2 =	sld [smem:$0x3FD9]  }
0x89: {  	s3 =	sld [smem:$0x3FFE];
	_ =	sdelay $0x1  }
0x8a: {  	s1 =	srdreg.scid  }
0x8b: {  	s0 =	sand.u32 $0x1, s1  }
0x8c: {  	s15 =	sshll.u32 s0, $0xA;
	s2 =	sadd.s32 s3, s2  }
0x8d: {  	s2 =	sadd.s32 s2, s15  }
0x8e: {  	[smem:$0x3FAF] =	sst s2  }
0x8f: {  	_ = 	snop  }
0x90: {  	s2 =	sld [smem:$0x3FD0];
	_ =	sdelay $0x2  }
0x91: {  	s4 =	simm.s32 $0xC;
	s16 =	simm.s32 $0x10  }
0x92: {  	[smem:s16], [sflag:s4] =	dma.local [hbm:s2], $0x1  }
0x93: {  	_ =	swait.eq [sflag:s4], $0x1  }
0x94: {  	[sflag:s4] =	ssyncset.done $0x0  }
0x95: {  	s17 =	sld [smem:$0x10];
	[sflag:s4] =	ssyncadd.s32 $0xFFFFFFFF  }
0x96: {  	s18 =	sld [smem:$0x12];
	(tm) =	ssettm $0x1  }
0x97: {  	s19 =	sld [smem:$0x3FFB];
	_ =	sdelay $0x3  }
0x98: {  	_ =	strace s19  }
0x99: {  	s2 =	sld [smem:$0x3FFC];
	_ =	sdelay $0x3  }
0x9a: {  	_ =	strace s2  }
0x9b: {  	s2 =	sld [smem:$0x3FFD];
	_ =	sdelay $0x3  }
0x9c: {  	_ =	strace s2  }
0x9d: {  	_ =	strace $0x8FFFFFFF  }
0x9e: {  	s20 =	sld [smem:$0x3FDB];
	_ =	sdelay $0x1  }
0x9f: {  	s5 =	simm.s32 $_scs_section_size  }
0xa0: {  	s6 =	simm.s32 $_size__tile_overlayer_lowered;
	s7 =	simm.s32 $_tile_overlayer_lowered  }
0xa1: {  	s8 =	simm.s32 $0x1BFF;
	s21 =	sshll.u32 s7, $0x1;
	s5 =	sadd.s32 s5, s20  }
0xa2: {  	s22 =	simm.s32 $0x0;
	s6 =	sshll.u32 s6, $0x1;
	s7 =	sadd.s32 s21, s5  }
0xa3: {  	[timem:s22], [sflag:s8] =	dma.local [hbm:s7], s6  }
0xa4: {  	_ =	swait.ge [sflag:s8], s6  }
0xa5: {  	s6 =	ssub.s32 $0x0, s6;
	[sflag:s8] =	ssyncset.done $0x0  }
0xa6: {  	[sflag:s8] =	ssyncadd.s32 s6;
	_ =	sdelay $0x1  }
0xa7: {  	s23 =	simm.s32 $0x1B8B  }
0xa8: {  	_ =	swait.ge [sflag:s23], $0x1  }
0xa9: {  	[sflag:s23] =	ssyncset.done $0x0  }
0xaa: {  	[sflag:s23] =	ssyncadd.s32 $0xFFFFFFFF  }
0xab: {  	s6 =	sld [smem:$0x0]  }
0xac: {  	s7 =	sand.u32 $0xFFFFFFFE, s1  }
0xad: {  	p0 =	sne.s32 s1, s7  }
0xae: {  	s7 =	sshll.u32 @p0 s7, $0xE  }
0xaf: {  	s7 =	sadd.s32 @p0 $0x11B8D, s7;
	s8 =	sshll.u32 @p0 s6, $0x11  }
0xb0: {  	s7 =	sor.u32 @p0 s8, s7  }
0xb1: {  	[sflag:s7] =	ssyncadd.remote.s32 @p0 $0x1;
	_ =	sdelay $0x1  }
0xb2: {  	s7 =	simm.s32 @p0 $0x1B8D  }
0xb3: {  	_ =	swait.eq @p0 [sflag:s7], $0x1  }
0xb4: {  	[sflag:s7] =	ssyncadd.s32 @p0 $0xFFFFFFFF  }
0xb5: {  	s8 =	sshll.u32 @!p0 s1, $0xE  }
0xb6: {  	s8 =	sor.u32 @!p0 $0x4000, s8;
	s7 =	simm.s32 @!p0 $0x1B8D  }
0xb7: {  	s6 =	sshll.u32 @!p0 s6, $0x11;
	s8 =	sadd.s32 @!p0 $0x11B8D, s8;
	_ =	swait.eq @!p0 [sflag:s7], $0x1  }
0xb8: {  	s6 =	sor.u32 @!p0 s6, s8;
	[sflag:s7] =	ssyncadd.s32 @!p0 $0xFFFFFFFF  }
0xb9: {  	s25 =	simm.s32 $0x1B8E;
	s24 =	sld [smem:$0x3FFE];
	[sflag:s6] =	ssyncadd.remote.s32 @!p0 $0x1  }
0xba: {  	s26 =	simm.s32 $execute0_lowered;
	[smem:$0x3FD2] =	sst s25  }
0xbb: {  	s7 =	sshll.u32 s26, $0x1;
	_ =	strace $0x8000004C;
	[dreg:$0x1] =	wrdreg $0xFFFFFFFF  }
0xbc: {  	s28 =	simm.s32 $_size_execute0_lowered;
	s5 =	sadd.s32 s5, s7;
	[dreg:$0x0] =	wrdreg $0x0  }
0xbd: {  	s7 =	sshll.u32 s28, $0x1;
	[dreg:$0x2] =	wrdreg s5  }
0xbe: {  	[dreg:$0x3] =	wrdreg s7  }
0xbf: {  	[dreg:$0x4] =	wrdreg $0xC0  }
0xc0: {  	_ =	task [dreg:s22], $0x5FFFF  }
0xc1: {  	[dreg:$0x1] =	wrdreg $0xFFFFFFFF  }
0xc2: {  	[dreg:$0x0] =	wrdreg $0x60  }
0xc3: {  	[dreg:$0x2] =	wrdreg s18  }
0xc4: {  	[dreg:$0x3] =	wrdreg s24  }
0xc5: {  	[dreg:$0x4] =	wrdreg s17  }
0xc6: {  	[dreg:$0x5] =	wrdreg $0x28800  }
0xc7: {  	[dreg:$0x6] =	wrdreg $0x9  }
0xc8: {  	_ =	task.clear_ibuf [dreg:s22], $0x7FFFF;
	_ =	strace $0x9000004C  }
0xc9: {  	s29 =	simm.s32 $0x9;
	_ =	strace $0x8000004E  }
0xca: {  	_ =	swait.ge [sflag:s29], $0x1  }
0xcb: {  	[sflag:s29] =	ssyncadd.s32 $0xFFFFFFFF  }
0xcc: {  	_ =	strace $0x9000004E  }
0xcd: {  	_ =	sfence  }
0xce: {  	s30 =	sld [smem:$0x0];
	_ =	sdelay $0x2  }
0xcf: {  	s31 =	sshll.u32 s1, $0xD;
	s1 =	sshrl.u32 s1, $0x2  }
0xd0: {  	s4 =	sand.u32 $0x4000, s31;
	s1 =	sadd.s32 s1, s30  }
0xd1: {  	s0 =	sor.u32 s4, s0;
	s1 =	sshll.u32 s1, $0x11  }
0xd2: {  	s0 =	sor.u32 s1, s0  }
0xd3: {  	s0 =	sadd.s32 $0x8F2B, s0  }
0xd4: {  	[sflag:s0] =	ssyncadd.remote.s32 $0x1  }
0xd5: {  	_ =	sfence.sel $0xFFFF  }
0xd6: {  	[dreg:$0x0] =	wrdreg $0xFFFFFFFF;
	(pc) =	sbr.abs _section_cstart, $3  }
0xd7: {  	[dreg:$0x1] =	wrdreg $0xFFFFFFFF  }
0xd8: {  	_ =	task.clear_ibuf [dreg:s22], $0x2FFFF;
	_ =	strace $0x9FFFFFFF  }
0xd9: {  	(tm) =	ssettm $0x7FFFFFFF  }
tec
execute0_lowered:
.L_overlay_start_1:
0x0: {  	(tag) =	ssettag $0x1  }
0x1: {  	s0 =	rddreg [dreg:$0x0]  }
0x2: {  	s5 =	rddreg [dreg:$0x1];
	s2 =	srdreg.scid  }
0x3: {  	s1 =	rddreg [dreg:$0x2];
	s7 =	stileid.u32  }
0x4: {  	s3 =	rddreg [dreg:$0x3];
	s4 =	simm.s32 $0x0;
	s11 =	simm.s32 $0x50  }
0x5: {  	s12 =	simm.s32 $0x0;
	s6 =	sand.u32 $0x1, s2;
	s9 =	smul.u32 $0x2710, s7  }
0x6: {  	s2 =	rddreg [dreg:$0x4];
	s8 =	smul.u32 $0x27100, s6;
	s6 =	ssub.s32 $0x2, s6  }
0x7: {  	[smem:$0x7FF] =	sst s4;
	p0 =	sne.s32 s7, $0x0;
	s10 =	sshrl.u32 s6, $0x1  }
0x8: {  	_ =	strace $0x8000004D;
	s9 =	sadd.s32 s9, s8;
	s6 =	ssub.s32 s6, s10  }
0x9: {  	s10 =	simm.s32 $0x1;
	s9 =	sshrl.u32 s9, $0x3;
	s6 =	smax.u32 s6, $0x1  }
0xa: {  	s9 =	sadd.s32 s9, s5;
	s5 =	sadd.s32 s8, s5;
	s8 =	sshrl.u32 @!p0 s3, $0x3  }
0xb: {  	s5 =	sadd.s32 $0x377D000, s5;
	s7 =	sadd.s32 $0xF600, s9;
	s9 =	simm.s32 $0x80  }
.LBB2_1:
0xc: {  	s13 =	simm.s32 @!p0 $0x1C01  }
0xd: {  	[spmem:s8], [sflag:s13] =	dma.local @!p0 [hbm:s1], $0x27100  }
0xe: {  	s13 =	simm.s32 @!p0 $0x1  }
0xf: {  	_ =	swait.ge @!p0 [sflag:s13], $0x27100  }
0x10: {  	[sflag:s13] =	ssyncset.done @!p0 $0x0  }
0x11: {  	[sflag:s13] =	ssyncadd.s32 @!p0 $0xFFFD8F00  }
0x12: {  	[tilespmem:s9], [sflag:$0x1] =	stream.linear.gather [hbm4b:s0+s4], $0x2800, $0x38;
	[tilespmem:$0x16100] =	vst v63  }
0x13: {  	_ =	swait.ge [sflag:s10], $0x2800  }
0x14: {  	[sflag:s10] =	ssyncset.done $0x0  }
0x15: {  	[sflag:s10] =	ssyncadd.s32 $0xFFFFD800  }
0x16: {  	s31 =	sadd.s32 $0x0, s7;
	[bflag:$0x0] =	sbarrier.arrive $0xFFFF  }
0x17: {  	[tilespmem:s4], [sflag:$0x1] =	stream.linear.gather [hbm4b:s31+s4], $0x50, $0x38;
	[tilespmem:$0x16100] =	vst v63  }
0x18: {  	_ =	swait.ge [sflag:s10], $0x50  }
0x19: {  	[sflag:s10] =	ssyncset.done $0x0  }
0x1a: {  	[sflag:s10] =	ssyncadd.s32 $0xFFFFFFB0  }
0x1b: {  	[spmem:s3] =	stream.indirect.scatter.add.f32 [tilespmem:s9], [sflag:$0x1], $0x80, s4, s11, $0xb8;
	[tilespmem:$0x16100] =	vst v63  }
0x1c: {  	_ =	swait.ge [sflag:s10], $0x2800  }
0x1d: {  	s14 =	simm.s32 $0x14;
	s13 =	simm.s32 $0xA;
	[sflag:s10] =	ssyncset.done $0x0  }
.LBB2_2:
0x1e: {  	s15 =	sadd.s32 s13, s7  }
0x1f: {  	[sflag:s10] =	ssyncadd.s32 $0xFFFFD800;
	s13 =	smov.u32 s14;
	s16 =	sadd.s32 $0xA, s14  }
0x20: {  	[tilespmem:s4], [sflag:$0x1] =	stream.linear.gather [hbm4b:s15+s4], $0x50, $0x38;
	[tilespmem:$0x16100] =	vst v63  }
0x21: {  	p1 =	sne.s32 s14, $0x4D8;
	_ =	swait.ge [sflag:s10], $0x50  }
.Ltmp0:
0x22: {  	[sflag:s10] =	ssyncset.done $0x0;
	(pc) =	sbr.rel @p1 .LBB2_2-.Ltmp0, $4  }
0x23: {  	[sflag:s10] =	ssyncadd.s32 $0xFFFFFFB0  }
0x24: {  	[spmem:s3] =	stream.indirect.scatter.add.f32 [tilespmem:s9], [sflag:$0x1], $0x80, s4, s11, $0xb8;
	[tilespmem:$0x16100] =	vst v63  }
0x25: {  	_ =	swait.ge [sflag:s10], $0x2800  }
0x26: {  	s14 =	smov.u32 s16;
	[sflag:s10] =	ssyncset.done $0x0  }
0x27: {  	s13 =	sadd.s32 s13, s7;
	[sflag:s10] =	ssyncadd.s32 $0xFFFFD800  }
0x28: {  	[tilespmem:s4], [sflag:$0x1] =	stream.linear.gather [hbm4b:s13+s4], $0x50, $0x38;
	[tilespmem:$0x16100] =	vst v63  }
0x29: {  	_ =	swait.ge [sflag:s10], $0x50  }
0x2a: {  	[sflag:s10] =	ssyncset.done $0x0  }
0x2b: {  	[sflag:s10] =	ssyncadd.s32 $0xFFFFFFB0  }
0x2c: {  	[spmem:s3] =	stream.indirect.scatter.add.f32 [tilespmem:s9], [sflag:$0x1], $0x80, s4, s11, $0xb8;
	[tilespmem:$0x16100] =	vst v63  }
0x2d: {  	_ =	swait.ge [sflag:s10], $0x2800  }
0x2e: {  	[sflag:s10] =	ssyncset.done $0x0  }
0x2f: {  	s12 =	sadd.s32 $0x1, s12;
	[sflag:s10] =	ssyncadd.s32 $0xFFFFD800  }
0x30: {  	s13 =	simm.s32 @!p0 $0x1C01;
	p1 =	sne.s32 s12, s6;
	[bflag:$0x0] =	sbarrier.arrive $0xFFFF  }
0x31: {  	[hbm:s5], [sflag:s13] =	dma.local @!p0 [spmem:s8], $0x27100  }
.Ltmp1:
0x32: {  	_ = 	snop;
	(pc) =	sbr.rel @p1 .LBB2_1-.Ltmp1, $4  }
0x33: {  	s13 =	simm.s32 @!p0 $0x1  }
0x34: {  	_ =	swait.ge @!p0 [sflag:s13], $0x27100  }
0x35: {  	[sflag:s13] =	ssyncset.done @!p0 $0x0  }
0x36: {  	[sflag:s13] =	ssyncadd.s32 @!p0 $0xFFFD8F00  }
0x37: {  	_ =	sfence.sel $0x180000  }
0x38: {  	[bflag:$0x0] =	sbarrier.arrive $0xFFFF  }
0x39: {  	_ =	strace $0x9000004D  }
0x3a: {  	s0 =	sadd.s32 @!p0 $0x100000, s2;
	[bflag:$0x2] =	sbarrier.arrive $0xFFFF  }
0x3b: {  	[sflag:s0] =	ssyncadd.tile.s32 @!p0 $0x1;
	_ =	shalt  }
.Lfunc_end2:
_tile_overlayer_lowered:
.L_overlay_start_2:
0x3c: {  	(tag) =	ssettag $0x2  }
0x3d: {  	s0 =	rddreg [dreg:$0x0];
	s2 =	stileid.u32  }
0x3e: {  	s1 =	rddreg [dreg:$0x1];
	p0 =	sne.s32 s2, $0x0  }
0x3f: {  	s3 =	rddreg [dreg:$0x2];
	[bflag:$0x3] =	sbarrier.arrive $0xFFFF;
	s2 =	simm.s32 @!p0 $0x1C01  }
0x40: {  	[timem:s3], [sflag:s2] =	dma.local @!p0 [hbm:s0], s1  }
0x41: {  	s0 =	simm.s32 @!p0 $0x1  }
0x42: {  	_ =	swait.ge @!p0 [sflag:s0], s1  }
0x43: {  	s1 =	ssub.s32 @!p0 $0x0, s1;
	[sflag:s0] =	ssyncset.done @!p0 $0x0  }
0x44: {  	[sflag:s0] =	ssyncadd.s32 @!p0 s1  }
0x45: {  	[bflag:$0x3] =	sbarrier.arrive $0xFFFF  }
0x46: {  	_ =	shalt  }

// kernel: kernel.22.cloned.1.call-start
scs
__scs_entry_jumppad:
0x0: {  	(pc) =	sbr.rel $0x88, $3  }
0x1: {  	(tag) =	ssettag $0x0;
	lr =	simm.s32 $0x1  }
0x2: {  	[smem:$0x3F88] =	sst lr;
	_ =	strace $0xD0000000  }
0x3: {  	_ = 	snop  }
0x4: {  	_ = 	snop  }
0x5: {  	_ = 	snop  }
0x6: {  	_ = 	snop  }
0x7: {  	_ = 	snop  }
__scs_overlays_trampoline_lowered:
0x8: {  	[smem:$0x3F97] =	sst s0  }
0x9: {  	[smem:$0x3F98] =	sst s1  }
0xa: {  	[smem:$0x3F99] =	sst s2  }
0xb: {  	[smem:$0x3F9A] =	sst s3  }
0xc: {  	[smem:$0x3F9B] =	sst s4  }
0xd: {  	[smem:$0x3F9C] =	sst s5  }
0xe: {  	[smem:$0x3F9D] =	sst s6  }
0xf: {  	[smem:$0x3F9E] =	sst s7  }
0x10: {  	[smem:$0x3F9F] =	sst s8  }
0x11: {  	[smem:$0x3FA0] =	sst s9;
	s0 =	simm.s32 @!p0 $0x0  }
0x12: {  	s1 =	sld [smem:$0x3F86];
	s0 =	simm.s32 @p0 $0x1  }
0x13: {  	[smem:$0x3FA1] =	sst s0;
	s0 =	simm.s32 @!p1 $0x0  }
0x14: {  	s2 =	sld [smem:$0x3F85];
	s0 =	simm.s32 @p1 $0x1  }
0x15: {  	[smem:$0x3FA2] =	sst s0;
	s0 =	simm.s32 @!p2 $0x0  }
0x16: {  	s3 =	sld [smem:$0x3FDB];
	s0 =	simm.s32 @p2 $0x1  }
0x17: {  	s4 =	simm.s32 $0x1BF5;
	[smem:$0x3FA4] =	sst s0  }
0x18: {  	s0 =	sld [smem:$0x3F87];
	_ =	swait.ge [sflag:s4], $0x0  }
0x19: {  	s7 =	sld [smem:$0x3F88]  }
0x1a: {  	s8 =	sadd.s32 $0xFFFFE003, lr  }
0x1b: {  	s9 =	sadd.s32 $0xFFFFFEF7, lr;
	s5 =	simm.s32 $0xFFFFFFFF;
	p2 =	slt.u32 s8, $0xFFFFF086  }
0x1c: {  	p1 =	slt.u32 s9, $0xF7A;
	s5 =	simm.s32 @!p2 $0x0  }
0x1d: {  	s5 =	simm.s32 @p1 $0x1;
	p0 =	seq.s32 s7, s2  }
0x1e: {  	s7 =	smul.u32 @!p0 $0xF7A, s2;
	p2 =	seq.s32 @!p0 s5, $0x0  }
0x1f: {  	s9 =	smul.u32 $0xF7A, s1;
	s8 =	simm.s32 @!p0 $0x1BF5;
	p2 =	por !p2, p0  }
0x20: {  	[sflag:s8] =	ssyncset.s32 @!p0 $0xFFFFF086;
	s6 =	sadd.s32 @!p0 s3, s7;
	s7 =	simm.s32 @!p0 $0x108  }
0x21: {  	s3 =	sadd.s32 s3, s9;
	s6 =	sadd.s32 @!p0 $0x88, s6;
	s7 =	simm.s32 @p2 $0x1082  }
0x22: {  	[simem:s7], [sflag:s8] =	dma.local @!p0 [hbm:s6], $0xF7A  }
0x23: {  	s9 =	sor.u32 $0xD0000000, s2;
	s6 =	simm.s32 $0x108;
	_ =	swait.ge @!p0 [sflag:s8], $0x0  }
0x24: {  	s3 =	sadd.s32 $0x88, s3;
	s6 =	simm.s32 @!p1 $0x1082;
	[sflag:s4] =	ssyncset.s32 $0xFFFFF086  }
0x25: {  	[simem:s6], [sflag:s4] =	dma.local [hbm:s3], $0xF7A  }
0x26: {  	[smem:$0x3F88] =	sst s1;
	(tag) =	ssettag s2;
	_ =	strace s9  }
0x27: {  	s1 =	sld [smem:$0x3F98]  }
0x28: {  	s2 =	sld [smem:$0x3F99]  }
0x29: {  	s4 =	sld [smem:$0x3F9B]  }
0x2a: {  	p0 =	seq.s32 s5, $0x0;
	s5 =	sld [smem:$0x3F9C]  }
0x2b: {  	s6 =	sld [smem:$0x3F9D]  }
0x2c: {  	s7 =	sld [smem:$0x3F9E]  }
0x2d: {  	s3 =	simm.s32 $0x108;
	s8 =	sld [smem:$0x3F9F]  }
0x2e: {  	s3 =	simm.s32 @!p0 $0x1082;
	s9 =	sld [smem:$0x3FA0]  }
0x2f: {  	lr =	sadd.s32 s0, s3;
	s0 =	sld [smem:$0x3F97]  }
0x30: {  	s3 =	sld [smem:$0x3F9A]  }
0x31: {  	[smem:$0x3FA3] =	sst s10  }
0x32: {  	s10 =	sld [smem:$0x3FA1];
	_ =	sdelay $0x3  }
0x33: {  	p0 =	seq.s32 s10, $0x1;
	s10 =	sld [smem:$0x3FA3];
	_ =	sdelay $0x3  }
0x34: {  	[smem:$0x3FA3] =	sst s10  }
0x35: {  	s10 =	sld [smem:$0x3FA2];
	_ =	sdelay $0x3  }
0x36: {  	p1 =	seq.s32 s10, $0x1;
	s10 =	sld [smem:$0x3FA3];
	_ =	sdelay $0x3  }
0x37: {  	[smem:$0x3FA3] =	sst s10  }
0x38: {  	s10 =	sld [smem:$0x3FA4]  }
0x39: {  	_ = 	snop;
	(pc) =	sbr.ind lr, $3  }
0x3a: {  	_ = 	snop  }
0x3b: {  	_ = 	snop  }
0x3c: {  	p2 =	seq.s32 s10, $0x1;
	s10 =	sld [smem:$0x3FA3]  }
0x3d: {  	_ =	shalt  }
0x3e: {  	_ =	shalt  }
0x3f: {  	_ =	shalt  }
0x40: {  	_ =	shalt  }
0x41: {  	_ =	shalt  }
0x42: {  	_ =	shalt  }
0x43: {  	_ =	shalt  }
0x44: {  	_ =	shalt  }
0x45: {  	_ =	shalt  }
0x46: {  	_ =	shalt  }
0x47: {  	_ =	shalt  }
0x48: {  	_ =	shalt  }
0x49: {  	_ =	shalt  }
0x4a: {  	_ =	shalt  }
0x4b: {  	_ =	shalt  }
0x4c: {  	_ =	shalt  }
0x4d: {  	_ =	shalt  }
0x4e: {  	_ =	shalt  }
0x4f: {  	_ =	shalt  }
0x50: {  	_ =	shalt  }
0x51: {  	_ =	shalt  }
0x52: {  	_ =	shalt  }
0x53: {  	_ =	shalt  }
0x54: {  	_ =	shalt  }
0x55: {  	_ =	shalt  }
0x56: {  	_ =	shalt  }
0x57: {  	_ =	shalt  }
0x58: {  	_ =	shalt  }
0x59: {  	_ =	shalt  }
0x5a: {  	_ =	shalt  }
0x5b: {  	_ =	shalt  }
0x5c: {  	_ =	shalt  }
0x5d: {  	_ =	shalt  }
0x5e: {  	_ =	shalt  }
0x5f: {  	_ =	shalt  }
0x60: {  	_ =	shalt  }
0x61: {  	_ =	shalt  }
0x62: {  	_ =	shalt  }
0x63: {  	_ =	shalt  }
0x64: {  	_ =	shalt  }
0x65: {  	_ =	shalt  }
0x66: {  	_ =	shalt  }
0x67: {  	_ =	shalt  }
0x68: {  	_ =	shalt  }
0x69: {  	_ =	shalt  }
0x6a: {  	_ =	shalt  }
0x6b: {  	_ =	shalt  }
0x6c: {  	_ =	shalt  }
0x6d: {  	_ =	shalt  }
0x6e: {  	_ =	shalt  }
0x6f: {  	_ =	shalt  }
0x70: {  	_ =	shalt  }
0x71: {  	_ =	shalt  }
0x72: {  	_ =	shalt  }
0x73: {  	_ =	shalt  }
0x74: {  	_ =	shalt  }
0x75: {  	_ =	shalt  }
0x76: {  	_ =	shalt  }
0x77: {  	_ =	shalt  }
0x78: {  	_ =	shalt  }
0x79: {  	_ =	shalt  }
0x7a: {  	_ =	shalt  }
0x7b: {  	_ =	shalt  }
0x7c: {  	_ =	shalt  }
0x7d: {  	_ =	shalt  }
0x7e: {  	_ =	shalt  }
0x7f: {  	_ =	shalt  }
0x80: {  	_ =	shalt  }
0x81: {  	_ =	shalt  }
0x82: {  	_ =	shalt  }
0x83: {  	_ =	shalt  }
0x84: {  	_ =	shalt  }
0x85: {  	_ =	shalt  }
0x86: {  	_ =	shalt  }
0x87: {  	_ =	shalt  }
.Lfunc_end0:
.L_simem_size_0:
called_computation.1_lowered:
.L_overlay_start_0:
0x88: {  	s2 =	sld [smem:$0x3FD9]  }
0x89: {  	s3 =	sld [smem:$0x3FFE];
	_ =	sdelay $0x1  }
0x8a: {  	s1 =	srdreg.scid  }
0x8b: {  	s0 =	sand.u32 $0x1, s1  }
0x8c: {  	s15 =	sshll.u32 s0, $0xA;
	s2 =	sadd.s32 s3, s2  }
0x8d: {  	s2 =	sadd.s32 s2, s15  }
0x8e: {  	[smem:$0x3FAF] =	sst s2  }
0x8f: {  	_ = 	snop  }
0x90: {  	s16 =	sld [smem:$0x3FD0];
	_ =	sdelay $0x2  }
0x91: {  	s4 =	simm.s32 $0xC;
	s5 =	simm.s32 $0x10;
	s2 =	sld [smem:$0x3FC8]  }
0x92: {  	[smem:s5], [sflag:s4] =	dma.local [hbm:s16], $0x1  }
0x93: {  	_ =	swait.eq [sflag:s4], $0x1  }
0x94: {  	[sflag:s4] =	ssyncset.done $0x0  }
0x95: {  	[sflag:s4] =	ssyncadd.s32 $0xFFFFFFFF  }
0x96: {  	s17 =	sld [smem:$0x13];
	(tm) =	ssettm $0x1  }
0x97: {  	s18 =	sld [smem:$0x3FFB];
	_ =	sdelay $0x3  }
0x98: {  	_ =	strace s18  }
0x99: {  	s3 =	sld [smem:$0x3FFC];
	_ =	sdelay $0x3  }
0x9a: {  	_ =	strace s3  }
0x9b: {  	s3 =	sld [smem:$0x3FFD];
	_ =	sdelay $0x3  }
0x9c: {  	_ =	strace s3  }
0x9d: {  	_ =	strace $0x8FFFFFFF  }
0x9e: {  	s19 =	sld [smem:$0x3FDB];
	_ =	sdelay $0x1  }
0x9f: {  	s20 =	simm.s32 $_scs_section_size  }
0xa0: {  	s6 =	simm.s32 $_size__tile_overlayer_lowered;
	s7 =	simm.s32 $_tile_overlayer_lowered  }
0xa1: {  	s8 =	simm.s32 $0x1BFF;
	s21 =	sshll.u32 s7, $0x1;
	s5 =	sadd.s32 s20, s19  }
0xa2: {  	s22 =	simm.s32 $0x0;
	s6 =	sshll.u32 s6, $0x1;
	s7 =	sadd.s32 s21, s5  }
0xa3: {  	[timem:s22], [sflag:s8] =	dma.local [hbm:s7], s6  }
0xa4: {  	_ =	swait.ge [sflag:s8], s6  }
0xa5: {  	s6 =	ssub.s32 $0x0, s6;
	[sflag:s8] =	ssyncset.done $0x0  }
0xa6: {  	[sflag:s8] =	ssyncadd.s32 s6;
	_ =	sdelay $0x1  }
0xa7: {  	s23 =	simm.s32 $0x1B8B  }
0xa8: {  	_ =	swait.ge [sflag:s23], $0x1  }
0xa9: {  	[sflag:s23] =	ssyncset.done $0x0  }
0xaa: {  	[sflag:s23] =	ssyncadd.s32 $0xFFFFFFFF  }
0xab: {  	s6 =	sld [smem:$0x0]  }
0xac: {  	s7 =	sand.u32 $0xFFFFFFFE, s1  }
0xad: {  	p0 =	sne.s32 s1, s7  }
0xae: {  	s7 =	sshll.u32 @p0 s7, $0xE  }
0xaf: {  	s7 =	sadd.s32 @p0 $0x11B8D, s7;
	s8 =	sshll.u32 @p0 s6, $0x11  }
0xb0: {  	s7 =	sor.u32 @p0 s8, s7  }
0xb1: {  	[sflag:s7] =	ssyncadd.remote.s32 @p0 $0x1;
	_ =	sdelay $0x1  }
0xb2: {  	s7 =	simm.s32 @p0 $0x1B8D  }
0xb3: {  	_ =	swait.eq @p0 [sflag:s7], $0x1  }
0xb4: {  	[sflag:s7] =	ssyncadd.s32 @p0 $0xFFFFFFFF  }
0xb5: {  	s8 =	sshll.u32 @!p0 s1, $0xE  }
0xb6: {  	s8 =	sor.u32 @!p0 $0x4000, s8;
	s7 =	simm.s32 @!p0 $0x1B8D  }
0xb7: {  	s6 =	sshll.u32 @!p0 s6, $0x11;
	s8 =	sadd.s32 @!p0 $0x11B8D, s8;
	_ =	swait.eq @!p0 [sflag:s7], $0x1  }
0xb8: {  	s6 =	sor.u32 @!p0 s6, s8;
	[sflag:s7] =	ssyncadd.s32 @!p0 $0xFFFFFFFF  }
0xb9: {  	s25 =	simm.s32 $0x1B8E;
	s24 =	sld [smem:$0x3FFE];
	[sflag:s6] =	ssyncadd.remote.s32 @!p0 $0x1  }
0xba: {  	s26 =	simm.s32 $execute0_lowered;
	[smem:$0x3FD2] =	sst s25  }
0xbb: {  	s7 =	sshll.u32 s26, $0x1;
	_ =	strace $0x80000049;
	[dreg:$0x1] =	wrdreg $0xFFFFFFFF  }
0xbc: {  	s28 =	simm.s32 $_size_execute0_lowered;
	s5 =	sadd.s32 s5, s7;
	[dreg:$0x0] =	wrdreg $0x0  }
0xbd: {  	s7 =	sshll.u32 s28, $0x1;
	[dreg:$0x2] =	wrdreg s5  }
0xbe: {  	[dreg:$0x3] =	wrdreg s7  }
0xbf: {  	[dreg:$0x4] =	wrdreg $0xC0  }
0xc0: {  	_ =	task [dreg:s22], $0x5FFFF  }
0xc1: {  	[dreg:$0x1] =	wrdreg $0xFFFFFFFF  }
0xc2: {  	[dreg:$0x0] =	wrdreg $0x60  }
0xc3: {  	[dreg:$0x2] =	wrdreg s17  }
0xc4: {  	[dreg:$0x3] =	wrdreg s2  }
0xc5: {  	[dreg:$0x4] =	wrdreg s24  }
0xc6: {  	[dreg:$0x5] =	wrdreg $0xA  }
0xc7: {  	_ =	task.clear_ibuf [dreg:s22], $0x6FFFF;
	_ =	strace $0x90000049  }
0xc8: {  	s29 =	simm.s32 $0xA;
	_ =	strace $0x8000004B  }
0xc9: {  	_ =	swait.ge [sflag:s29], $0x1  }
0xca: {  	[sflag:s29] =	ssyncadd.s32 $0xFFFFFFFF  }
0xcb: {  	_ =	strace $0x9000004B  }
0xcc: {  	_ =	sfence  }
0xcd: {  	s30 =	sld [smem:$0x0];
	_ =	sdelay $0x2  }
0xce: {  	s31 =	sshll.u32 s1, $0xD;
	s1 =	sshrl.u32 s1, $0x2  }
0xcf: {  	s4 =	sand.u32 $0x4000, s31;
	s1 =	sadd.s32 s1, s30  }
0xd0: {  	s0 =	sor.u32 s4, s0;
	s1 =	sshll.u32 s1, $0x11  }
0xd1: {  	s0 =	sor.u32 s1, s0  }
0xd2: {  	s0 =	sadd.s32 $0x8F2B, s0  }
0xd3: {  	[sflag:s0] =	ssyncadd.remote.s32 $0x1  }
0xd4: {  	_ =	sfence.sel $0xFFFF  }
0xd5: {  	[dreg:$0x0] =	wrdreg $0xFFFFFFFF;
	(pc) =	sbr.abs _section_cstart, $3  }
0xd6: {  	[dreg:$0x1] =	wrdreg $0xFFFFFFFF  }
0xd7: {  	_ =	task.clear_ibuf [dreg:s22], $0x2FFFF;
	_ =	strace $0x9FFFFFFF  }
0xd8: {  	(tm) =	ssettm $0x7FFFFFFF  }
0xd9: {  	_ =	shalt  }
tec
execute0_lowered:
.L_overlay_start_1:
0x0: {  	(tag) =	ssettag $0x1  }
0x1: {  	s1 =	rddreg [dreg:$0x0]  }
0x2: {  	s7 =	rddreg [dreg:$0x1]  }
0x3: {  	s0 =	srdreg.scid;
	s4 =	rddreg [dreg:$0x2];
	s3 =	simm.s32 $0x0  }
0x4: {  	s2 =	stileid.u32;
	s11 =	simm.s32 $0x80;
	s12 =	simm.s32 $0x1500  }
0x5: {  	s13 =	simm.s32 $0x1;
	s14 =	simm.s32 $0x2;
	s10 =	smul.u32 $0x2710, s2  }
0x6: {  	s15 =	simm.s32 $0x0;
	s5 =	sand.u32 $0x1, s0;
	s28 =	smul.u32 $0x27100, s2  }
0x7: {  	s0 =	rddreg [dreg:$0x3];
	s6 =	smul.u32 $0x271000, s5;
	s8 =	ssub.s32 $0x2, s5  }
0x8: {  	[smem:$0x7FF] =	sst s3;
	s5 =	smul.u32 $0x27100, s5;
	s9 =	sshrl.u32 s8, $0x1  }
0x9: {  	_ =	strace $0x8000004A;
	s8 =	ssub.s32 s8, s9;
	s6 =	sadd.s32 s6, s4  }
0xa: {  	s5 =	sadd.s32 s10, s5;
	s9 =	simm.s32 $0x28;
	s10 =	simm.s32 $0x100  }
0xb: {  	s4 =	smax.u32 s8, $0x1;
	s6 =	sadd.s32 s28, s6;
	s30 =	sadd.s32 $0x28, s5  }
0xc: {  	s29 =	sshrl.u32 s5, $0x3;
	s8 =	simm.s32 $0x3;
	s31 =	sshrl.u32 s30, $0x3  }
0xd: {  	s5 =	sadd.s32 $0x329B000, s6;
	s6 =	sadd.s32 s29, s7;
	s7 =	sadd.s32 s31, s7  }
.LBB2_1:
0xe: {  	s16 =	sadd.s32 $0x0, s6  }
0xf: {  	[tilespmem:s3], [sflag:$0x3] =	stream.linear.gather [hbm4b:s16+s3], $0x28, $0x38;
	[tilespmem:$0x2900] =	vst v63  }
0x10: {  	_ =	swait.ge [sflag:s8], $0x28  }
0x11: {  	[sflag:s8] =	ssyncset.done $0x0  }
0x12: {  	[sflag:s8] =	ssyncadd.s32 $0xFFFFFFD8  }
0x13: {  	[tilespmem:s10], [sflag:$0x1] =	stream.indirect.gather [hbm4b:s1+s9], $0x80, s3, s9, $0xb8;
	[tilespmem:$0x2900] =	vst v63  }
0x14: {  	s30 =	sadd.s32 $0x0, s7  }
0x15: {  	[tilespmem:s11], [sflag:$0x3] =	stream.linear.gather [hbm4b:s30+s3], $0x28, $0x38;
	[tilespmem:$0x2900] =	vst v63  }
0x16: {  	_ =	swait.ge [sflag:s8], $0x28  }
0x17: {  	[sflag:s8] =	ssyncset.done $0x0  }
0x18: {  	[sflag:s8] =	ssyncadd.s32 $0xFFFFFFD8  }
0x19: {  	[tilespmem:s12], [sflag:$0x2] =	stream.indirect.gather [hbm4b:s1+s9], $0x80, s11, s9, $0xb8;
	[tilespmem:$0x2900] =	vst v63  }
0x1a: {  	_ =	swait.ge [sflag:s13], $0x1400  }
0x1b: {  	[sflag:s13] =	ssyncset.done $0x0  }
0x1c: {  	[sflag:s13] =	ssyncadd.s32 $0xFFFFEC00  }
0x1d: {  	[hbm4b:s5+s3] =	stream.linear.scatter [tilespmem:s10], [sflag:$0x3], $0x1400, $0x38;
	[tilespmem:$0x2900] =	vst v63  }
0x1e: {  	_ =	swait.ge [sflag:s8], $0x1400  }
0x1f: {  	[sflag:s8] =	ssyncset.done $0x0  }
0x20: {  	[sflag:s8] =	ssyncadd.s32 $0xFFFFEC00  }
0x21: {  	_ =	swait.ge [sflag:s14], $0x1400  }
0x22: {  	[sflag:s14] =	ssyncset.done $0x0  }
0x23: {  	s31 =	sadd.s32 $0x280, s5;
	[sflag:s14] =	ssyncadd.s32 $0xFFFFEC00  }
0x24: {  	[hbm4b:s31+s3] =	stream.linear.scatter [tilespmem:s12], [sflag:$0x3], $0x1400, $0x38;
	[tilespmem:$0x2900] =	vst v63  }
0x25: {  	s17 =	simm.s32 $0xA;
	_ =	swait.ge [sflag:s8], $0x1400  }
0x26: {  	s18 =	simm.s32 $0x14;
	s16 =	sadd.s32 $0x500, s5;
	[sflag:s8] =	ssyncset.done $0x0  }
.LBB2_2:
0x27: {  	s19 =	sadd.s32 s17, s6  }
0x28: {  	[sflag:s8] =	ssyncadd.s32 $0xFFFFEC00;
	s20 =	smov.u32 s18;
	s21 =	sadd.s32 $0xA, s18  }
0x29: {  	[tilespmem:s3], [sflag:$0x3] =	stream.linear.gather [hbm4b:s19+s3], $0x28, $0x38;
	[tilespmem:$0x2900] =	vst v63  }
0x2a: {  	p0 =	sne.s32 s18, $0x4D8;
	_ =	swait.ge [sflag:s8], $0x28  }
0x2b: {  	[sflag:s8] =	ssyncset.done $0x0  }
0x2c: {  	[sflag:s8] =	ssyncadd.s32 $0xFFFFFFD8  }
0x2d: {  	[tilespmem:s10], [sflag:$0x1] =	stream.indirect.gather [hbm4b:s1+s9], $0x80, s3, s9, $0xb8;
	[tilespmem:$0x2900] =	vst v63  }
0x2e: {  	s18 =	sadd.s32 s17, s7;
	s17 =	smov.u32 s20  }
0x2f: {  	[tilespmem:s11], [sflag:$0x3] =	stream.linear.gather [hbm4b:s18+s3], $0x28, $0x38;
	[tilespmem:$0x2900] =	vst v63  }
0x30: {  	_ =	swait.ge [sflag:s8], $0x28  }
0x31: {  	[sflag:s8] =	ssyncset.done $0x0  }
0x32: {  	[sflag:s8] =	ssyncadd.s32 $0xFFFFFFD8  }
0x33: {  	[tilespmem:s12], [sflag:$0x2] =	stream.indirect.gather [hbm4b:s1+s9], $0x80, s11, s9, $0xb8;
	[tilespmem:$0x2900] =	vst v63  }
0x34: {  	_ =	swait.ge [sflag:s13], $0x1400  }
0x35: {  	[sflag:s13] =	ssyncset.done $0x0  }
0x36: {  	[sflag:s13] =	ssyncadd.s32 $0xFFFFEC00  }
0x37: {  	[hbm4b:s16+s3] =	stream.linear.scatter [tilespmem:s10], [sflag:$0x3], $0x1400, $0x38;
	[tilespmem:$0x2900] =	vst v63  }
0x38: {  	_ =	swait.ge [sflag:s8], $0x1400  }
0x39: {  	[sflag:s8] =	ssyncset.done $0x0  }
0x3a: {  	[sflag:s8] =	ssyncadd.s32 $0xFFFFEC00  }
0x3b: {  	_ =	swait.ge [sflag:s14], $0x1400  }
.Ltmp0:
0x3c: {  	[sflag:s14] =	ssyncset.done $0x0;
	(pc) =	sbr.rel @p0 .LBB2_2-.Ltmp0, $4  }
0x3d: {  	s18 =	sadd.s32 $0x280, s16;
	[sflag:s14] =	ssyncadd.s32 $0xFFFFEC00  }
0x3e: {  	[hbm4b:s18+s3] =	stream.linear.scatter [tilespmem:s12], [sflag:$0x3], $0x1400, $0x38;
	[tilespmem:$0x2900] =	vst v63  }
0x3f: {  	_ =	swait.ge [sflag:s8], $0x1400  }
0x40: {  	s16 =	sadd.s32 $0x500, s16;
	s18 =	smov.u32 s21;
	[sflag:s8] =	ssyncset.done $0x0  }
0x41: {  	s18 =	sadd.s32 s17, s6;
	[sflag:s8] =	ssyncadd.s32 $0xFFFFEC00  }
0x42: {  	[tilespmem:s3], [sflag:$0x3] =	stream.linear.gather [hbm4b:s18+s3], $0x28, $0x38;
	[tilespmem:$0x2900] =	vst v63  }
0x43: {  	_ =	swait.ge [sflag:s8], $0x28  }
0x44: {  	[sflag:s8] =	ssyncset.done $0x0  }
0x45: {  	[sflag:s8] =	ssyncadd.s32 $0xFFFFFFD8  }
0x46: {  	[tilespmem:s10], [sflag:$0x1] =	stream.indirect.gather [hbm4b:s1+s9], $0x80, s3, s9, $0xb8;
	[tilespmem:$0x2900] =	vst v63  }
0x47: {  	s30 =	sadd.s32 s17, s7  }
0x48: {  	[tilespmem:s11], [sflag:$0x3] =	stream.linear.gather [hbm4b:s30+s3], $0x28, $0x38;
	[tilespmem:$0x2900] =	vst v63  }
0x49: {  	_ =	swait.ge [sflag:s8], $0x28  }
0x4a: {  	[sflag:s8] =	ssyncset.done $0x0  }
0x4b: {  	[sflag:s8] =	ssyncadd.s32 $0xFFFFFFD8  }
0x4c: {  	[tilespmem:s12], [sflag:$0x2] =	stream.indirect.gather [hbm4b:s1+s9], $0x80, s11, s9, $0xb8;
	[tilespmem:$0x2900] =	vst v63  }
0x4d: {  	_ =	swait.ge [sflag:s13], $0x1400  }
0x4e: {  	[sflag:s13] =	ssyncset.done $0x0  }
0x4f: {  	[sflag:s13] =	ssyncadd.s32 $0xFFFFEC00  }
0x50: {  	[hbm4b:s16+s3] =	stream.linear.scatter [tilespmem:s10], [sflag:$0x3], $0x1400, $0x38;
	[tilespmem:$0x2900] =	vst v63  }
0x51: {  	_ =	swait.ge [sflag:s8], $0x1400  }
0x52: {  	[sflag:s8] =	ssyncset.done $0x0  }
0x53: {  	[sflag:s8] =	ssyncadd.s32 $0xFFFFEC00  }
0x54: {  	s15 =	sadd.s32 $0x1, s15;
	_ =	swait.ge [sflag:s14], $0x1400  }
0x55: {  	p0 =	sne.s32 s15, s4;
	[sflag:s14] =	ssyncset.done $0x0  }
.Ltmp1:
0x56: {  	s31 =	sadd.s32 $0x280, s16;
	[sflag:s14] =	ssyncadd.s32 $0xFFFFEC00;
	(pc) =	sbr.rel @p0 .LBB2_1-.Ltmp1, $4  }
0x57: {  	[hbm4b:s31+s3] =	stream.linear.scatter [tilespmem:s12], [sflag:$0x3], $0x1400, $0x38;
	[tilespmem:$0x2900] =	vst v63  }
0x58: {  	_ =	swait.ge [sflag:s8], $0x1400  }
0x59: {  	[sflag:s8] =	ssyncset.done $0x0  }
0x5a: {  	[sflag:s8] =	ssyncadd.s32 $0xFFFFEC00  }
0x5b: {  	_ =	sfence.sel $0x180000  }
0x5c: {  	[bflag:$0x0] =	sbarrier.arrive $0xFFFF  }
0x5d: {  	p0 =	sne.s32 s2, $0x0;
	_ =	strace $0x9000004A  }
0x5e: {  	s0 =	sadd.s32 @!p0 $0x100000, s0;
	[bflag:$0x2] =	sbarrier.arrive $0xFFFF  }
0x5f: {  	[sflag:s0] =	ssyncadd.tile.s32 @!p0 $0x1;
	_ =	shalt  }
.Lfunc_end2:
_tile_overlayer_lowered:
.L_overlay_start_2:
0x60: {  	(tag) =	ssettag $0x2  }
0x61: {  	s0 =	rddreg [dreg:$0x0];
	s2 =	stileid.u32  }
0x62: {  	s1 =	rddreg [dreg:$0x1];
	p0 =	sne.s32 s2, $0x0  }
0x63: {  	s3 =	rddreg [dreg:$0x2];
	[bflag:$0x3] =	sbarrier.arrive $0xFFFF;
	s2 =	simm.s32 @!p0 $0x1C03  }
0x64: {  	[timem:s3], [sflag:s2] =	dma.local @!p0 [hbm:s0], s1  }
0x65: {  	s0 =	simm.s32 @!p0 $0x3  }
0x66: {  	_ =	swait.ge @!p0 [sflag:s0], s1  }
0x67: {  	s1 =	ssub.s32 @!p0 $0x0, s1;
	[sflag:s0] =	ssyncset.done @!p0 $0x0  }
0x68: {  	[sflag:s0] =	ssyncadd.s32 @!p0 s1  }
0x69: {  	[bflag:$0x3] =	sbarrier.arrive $0xFFFF  }
0x6a: {  	_ =	shalt  }

// kernel: kernel.25.cloned.1.call-start
scs
__scs_entry_jumppad:
0x0: {  	(pc) =	sbr.rel $0x88, $3  }
0x1: {  	(tag) =	ssettag $0x0;
	lr =	simm.s32 $0x1  }
0x2: {  	[smem:$0x3F88] =	sst lr;
	_ =	strace $0xD0000000  }
0x3: {  	_ = 	snop  }
0x4: {  	_ = 	snop  }
0x5: {  	_ = 	snop  }
0x6: {  	_ = 	snop  }
0x7: {  	_ = 	snop  }
__scs_overlays_trampoline_lowered:
0x8: {  	[smem:$0x3F97] =	sst s0  }
0x9: {  	[smem:$0x3F98] =	sst s1  }
0xa: {  	[smem:$0x3F99] =	sst s2  }
0xb: {  	[smem:$0x3F9A] =	sst s3  }
0xc: {  	[smem:$0x3F9B] =	sst s4  }
0xd: {  	[smem:$0x3F9C] =	sst s5  }
0xe: {  	[smem:$0x3F9D] =	sst s6  }
0xf: {  	[smem:$0x3F9E] =	sst s7  }
0x10: {  	[smem:$0x3F9F] =	sst s8  }
0x11: {  	[smem:$0x3FA0] =	sst s9;
	s0 =	simm.s32 @!p0 $0x0  }
0x12: {  	s1 =	sld [smem:$0x3F86];
	s0 =	simm.s32 @p0 $0x1  }
0x13: {  	[smem:$0x3FA1] =	sst s0;
	s0 =	simm.s32 @!p1 $0x0  }
0x14: {  	s2 =	sld [smem:$0x3F85];
	s0 =	simm.s32 @p1 $0x1  }
0x15: {  	[smem:$0x3FA2] =	sst s0;
	s0 =	simm.s32 @!p2 $0x0  }
0x16: {  	s3 =	sld [smem:$0x3FDB];
	s0 =	simm.s32 @p2 $0x1  }
0x17: {  	s4 =	simm.s32 $0x1BF5;
	[smem:$0x3FA4] =	sst s0  }
0x18: {  	s0 =	sld [smem:$0x3F87];
	_ =	swait.ge [sflag:s4], $0x0  }
0x19: {  	s7 =	sld [smem:$0x3F88]  }
0x1a: {  	s8 =	sadd.s32 $0xFFFFE003, lr  }
0x1b: {  	s9 =	sadd.s32 $0xFFFFFEF7, lr;
	s5 =	simm.s32 $0xFFFFFFFF;
	p2 =	slt.u32 s8, $0xFFFFF086  }
0x1c: {  	p1 =	slt.u32 s9, $0xF7A;
	s5 =	simm.s32 @!p2 $0x0  }
0x1d: {  	s5 =	simm.s32 @p1 $0x1;
	p0 =	seq.s32 s7, s2  }
0x1e: {  	s7 =	smul.u32 @!p0 $0xF7A, s2;
	p2 =	seq.s32 @!p0 s5, $0x0  }
0x1f: {  	s9 =	smul.u32 $0xF7A, s1;
	s8 =	simm.s32 @!p0 $0x1BF5;
	p2 =	por !p2, p0  }
0x20: {  	[sflag:s8] =	ssyncset.s32 @!p0 $0xFFFFF086;
	s6 =	sadd.s32 @!p0 s3, s7;
	s7 =	simm.s32 @!p0 $0x108  }
0x21: {  	s3 =	sadd.s32 s3, s9;
	s6 =	sadd.s32 @!p0 $0x88, s6;
	s7 =	simm.s32 @p2 $0x1082  }
0x22: {  	[simem:s7], [sflag:s8] =	dma.local @!p0 [hbm:s6], $0xF7A  }
0x23: {  	s9 =	sor.u32 $0xD0000000, s2;
	s6 =	simm.s32 $0x108;
	_ =	swait.ge @!p0 [sflag:s8], $0x0  }
0x24: {  	s3 =	sadd.s32 $0x88, s3;
	s6 =	simm.s32 @!p1 $0x1082;
	[sflag:s4] =	ssyncset.s32 $0xFFFFF086  }
0x25: {  	[simem:s6], [sflag:s4] =	dma.local [hbm:s3], $0xF7A  }
0x26: {  	[smem:$0x3F88] =	sst s1;
	(tag) =	ssettag s2;
	_ =	strace s9  }
0x27: {  	s1 =	sld [smem:$0x3F98]  }
0x28: {  	s2 =	sld [smem:$0x3F99]  }
0x29: {  	s4 =	sld [smem:$0x3F9B]  }
0x2a: {  	p0 =	seq.s32 s5, $0x0;
	s5 =	sld [smem:$0x3F9C]  }
0x2b: {  	s6 =	sld [smem:$0x3F9D]  }
0x2c: {  	s7 =	sld [smem:$0x3F9E]  }
0x2d: {  	s3 =	simm.s32 $0x108;
	s8 =	sld [smem:$0x3F9F]  }
0x2e: {  	s3 =	simm.s32 @!p0 $0x1082;
	s9 =	sld [smem:$0x3FA0]  }
0x2f: {  	lr =	sadd.s32 s0, s3;
	s0 =	sld [smem:$0x3F97]  }
0x30: {  	s3 =	sld [smem:$0x3F9A]  }
0x31: {  	[smem:$0x3FA3] =	sst s10  }
0x32: {  	s10 =	sld [smem:$0x3FA1];
	_ =	sdelay $0x3  }
0x33: {  	p0 =	seq.s32 s10, $0x1;
	s10 =	sld [smem:$0x3FA3];
	_ =	sdelay $0x3  }
0x34: {  	[smem:$0x3FA3] =	sst s10  }
0x35: {  	s10 =	sld [smem:$0x3FA2];
	_ =	sdelay $0x3  }
0x36: {  	p1 =	seq.s32 s10, $0x1;
	s10 =	sld [smem:$0x3FA3];
	_ =	sdelay $0x3  }
0x37: {  	[smem:$0x3FA3] =	sst s10  }
0x38: {  	s10 =	sld [smem:$0x3FA4]  }
0x39: {  	_ = 	snop;
	(pc) =	sbr.ind lr, $3  }
0x3a: {  	_ = 	snop  }
0x3b: {  	_ = 	snop  }
0x3c: {  	p2 =	seq.s32 s10, $0x1;
	s10 =	sld [smem:$0x3FA3]  }
0x3d: {  	_ =	shalt  }
0x3e: {  	_ =	shalt  }
0x3f: {  	_ =	shalt  }
0x40: {  	_ =	shalt  }
0x41: {  	_ =	shalt  }
0x42: {  	_ =	shalt  }
0x43: {  	_ =	shalt  }
0x44: {  	_ =	shalt  }
0x45: {  	_ =	shalt  }
0x46: {  	_ =	shalt  }
0x47: {  	_ =	shalt  }
0x48: {  	_ =	shalt  }
0x49: {  	_ =	shalt  }
0x4a: {  	_ =	shalt  }
0x4b: {  	_ =	shalt  }
0x4c: {  	_ =	shalt  }
0x4d: {  	_ =	shalt  }
0x4e: {  	_ =	shalt  }
0x4f: {  	_ =	shalt  }
0x50: {  	_ =	shalt  }
0x51: {  	_ =	shalt  }
0x52: {  	_ =	shalt  }
0x53: {  	_ =	shalt  }
0x54: {  	_ =	shalt  }
0x55: {  	_ =	shalt  }
0x56: {  	_ =	shalt  }
0x57: {  	_ =	shalt  }
0x58: {  	_ =	shalt  }
0x59: {  	_ =	shalt  }
0x5a: {  	_ =	shalt  }
0x5b: {  	_ =	shalt  }
0x5c: {  	_ =	shalt  }
0x5d: {  	_ =	shalt  }
0x5e: {  	_ =	shalt  }
0x5f: {  	_ =	shalt  }
0x60: {  	_ =	shalt  }
0x61: {  	_ =	shalt  }
0x62: {  	_ =	shalt  }
0x63: {  	_ =	shalt  }
0x64: {  	_ =	shalt  }
0x65: {  	_ =	shalt  }
0x66: {  	_ =	shalt  }
0x67: {  	_ =	shalt  }
0x68: {  	_ =	shalt  }
0x69: {  	_ =	shalt  }
0x6a: {  	_ =	shalt  }
0x6b: {  	_ =	shalt  }
0x6c: {  	_ =	shalt  }
0x6d: {  	_ =	shalt  }
0x6e: {  	_ =	shalt  }
0x6f: {  	_ =	shalt  }
0x70: {  	_ =	shalt  }
0x71: {  	_ =	shalt  }
0x72: {  	_ =	shalt  }
0x73: {  	_ =	shalt  }
0x74: {  	_ =	shalt  }
0x75: {  	_ =	shalt  }
0x76: {  	_ =	shalt  }
0x77: {  	_ =	shalt  }
0x78: {  	_ =	shalt  }
0x79: {  	_ =	shalt  }
0x7a: {  	_ =	shalt  }
0x7b: {  	_ =	shalt  }
0x7c: {  	_ =	shalt  }
0x7d: {  	_ =	shalt  }
0x7e: {  	_ =	shalt  }
0x7f: {  	_ =	shalt  }
0x80: {  	_ =	shalt  }
0x81: {  	_ =	shalt  }
0x82: {  	_ =	shalt  }
0x83: {  	_ =	shalt  }
0x84: {  	_ =	shalt  }
0x85: {  	_ =	shalt  }
0x86: {  	_ =	shalt  }
0x87: {  	_ =	shalt  }
.Lfunc_end0:
.L_simem_size_0:
called_computation.2_lowered:
.L_overlay_start_0:
0x88: {  	s2 =	sld [smem:$0x3FD9]  }
0x89: {  	s3 =	sld [smem:$0x3FFE];
	_ =	sdelay $0x1  }
0x8a: {  	s1 =	srdreg.scid  }
0x8b: {  	s0 =	sand.u32 $0x1, s1  }
0x8c: {  	s16 =	sshll.u32 s0, $0xA;
	s2 =	sadd.s32 s3, s2  }
0x8d: {  	s2 =	sadd.s32 s2, s16  }
0x8e: {  	[smem:$0x3FAF] =	sst s2  }
0x8f: {  	_ = 	snop  }
0x90: {  	(tm) =	ssettm $0x1  }
0x91: {  	s17 =	sld [smem:$0x3FFB];
	_ =	sdelay $0x3  }
0x92: {  	_ =	strace s17  }
0x93: {  	s2 =	sld [smem:$0x3FFC];
	_ =	sdelay $0x3  }
0x94: {  	_ =	strace s2  }
0x95: {  	s2 =	sld [smem:$0x3FFD];
	_ =	sdelay $0x3  }
0x96: {  	_ =	strace s2  }
0x97: {  	_ =	strace $0x8FFFFFFF  }
0x98: {  	s18 =	sld [smem:$0x3FDB];
	_ =	sdelay $0x1  }
0x99: {  	s19 =	simm.s32 $_scs_section_size  }
0x9a: {  	s4 =	simm.s32 $_size__tile_overlayer_lowered;
	s5 =	simm.s32 $_tile_overlayer_lowered  }
0x9b: {  	s22 =	simm.s32 $0x1BFF;
	s21 =	sshll.u32 s5, $0x1;
	s2 =	sadd.s32 s19, s18  }
0x9c: {  	s6 =	simm.s32 $0x0;
	s20 =	sshll.u32 s4, $0x1;
	s4 =	sadd.s32 s21, s2  }
0x9d: {  	[timem:s6], [sflag:s22] =	dma.local [hbm:s4], s20  }
0x9e: {  	_ =	swait.ge [sflag:s22], s20  }
0x9f: {  	s3 =	ssub.s32 $0x0, s20;
	[sflag:s22] =	ssyncset.done $0x0  }
0xa0: {  	[sflag:s22] =	ssyncadd.s32 s3;
	_ =	sdelay $0x1  }
0xa1: {  	s23 =	simm.s32 $0x1B8B  }
0xa2: {  	_ =	swait.ge [sflag:s23], $0x1  }
0xa3: {  	[sflag:s23] =	ssyncset.done $0x0  }
0xa4: {  	s25 =	simm.s32 $0x1B8E;
	s24 =	sld [smem:$0x3FFE];
	[sflag:s23] =	ssyncadd.s32 $0xFFFFFFFF  }
0xa5: {  	s26 =	simm.s32 $execute0_lowered;
	[smem:$0x3FD2] =	sst s25  }
0xa6: {  	s4 =	sshll.u32 s26, $0x1;
	_ =	strace $0x80000046;
	[dreg:$0x1] =	wrdreg $0xFFFFFFFF  }
0xa7: {  	s28 =	simm.s32 $_size_execute0_lowered;
	s2 =	sadd.s32 s2, s4;
	[dreg:$0x0] =	wrdreg $0x0  }
0xa8: {  	s4 =	sshll.u32 s28, $0x1;
	[dreg:$0x2] =	wrdreg s2  }
0xa9: {  	[dreg:$0x3] =	wrdreg s4  }
0xaa: {  	[dreg:$0x4] =	wrdreg $0xC0  }
0xab: {  	_ =	task [dreg:s6], $0x5FFFF  }
0xac: {  	[dreg:$0x1] =	wrdreg $0xFFFFFFFF  }
0xad: {  	[dreg:$0x0] =	wrdreg $0x60  }
0xae: {  	[dreg:$0x2] =	wrdreg s24  }
0xaf: {  	[dreg:$0x3] =	wrdreg $0xB  }
0xb0: {  	_ =	task.clear_ibuf [dreg:s6], $0x4FFFF;
	_ =	strace $0x90000046  }
0xb1: {  	s29 =	simm.s32 $0xB;
	_ =	strace $0x80000048  }
0xb2: {  	_ =	swait.ge [sflag:s29], $0x1  }
0xb3: {  	[sflag:s29] =	ssyncadd.s32 $0xFFFFFFFF  }
0xb4: {  	_ =	strace $0x90000048  }
0xb5: {  	_ =	sfence  }
0xb6: {  	s30 =	sld [smem:$0x0];
	_ =	sdelay $0x2  }
0xb7: {  	s31 =	sshll.u32 s1, $0xD;
	s1 =	sshrl.u32 s1, $0x2  }
0xb8: {  	s3 =	sand.u32 $0x4000, s31;
	s1 =	sadd.s32 s1, s30  }
0xb9: {  	s0 =	sor.u32 s3, s0;
	s1 =	sshll.u32 s1, $0x11  }
0xba: {  	s0 =	sor.u32 s1, s0  }
0xbb: {  	s0 =	sadd.s32 $0x8F2B, s0  }
0xbc: {  	[sflag:s0] =	ssyncadd.remote.s32 $0x1  }
0xbd: {  	_ =	sfence.sel $0xFFFF  }
0xbe: {  	[dreg:$0x0] =	wrdreg $0xFFFFFFFF;
	(pc) =	sbr.abs _section_cstart, $3  }
0xbf: {  	[dreg:$0x1] =	wrdreg $0xFFFFFFFF  }
0xc0: {  	_ =	task.clear_ibuf [dreg:s6], $0x2FFFF;
	_ =	strace $0x9FFFFFFF  }
0xc1: {  	(tm) =	ssettm $0x7FFFFFFF  }
tec
execute0_lowered:
.L_overlay_start_1:
0x0: {  	(tag) =	ssettag $0x1  }
0x1: {  	s1 =	rddreg [dreg:$0x0];
	s2 =	simm.s32 $0x0  }
0x2: {  	s14 =	simm.s32 $0x900;
	[smem:$0x7FF] =	sst s2  }
0x3: {  	s15 =	simm.s32 $0x1100;
	_ =	strace $0x80000047;
	[dreg:$0x4] =	wrdreg s14  }
0x4: {  	s16 =	simm.s32 $0x1900;
	[dreg:$0x5] =	wrdreg s15  }
0x5: {  	s17 =	simm.s32 $0x2100;
	[dreg:$0x6] =	wrdreg s16  }
0x6: {  	s18 =	simm.s32 $0x2900;
	[dreg:$0x7] =	wrdreg s17  }
0x7: {  	s19 =	simm.s32 $0x3100;
	[dreg:$0x8] =	wrdreg s18  }
0x8: {  	s20 =	simm.s32 $0x3900;
	[dreg:$0x9] =	wrdreg s19  }
0x9: {  	s21 =	simm.s32 $0x4100;
	[dreg:$0xa] =	wrdreg s20  }
0xa: {  	s22 =	simm.s32 $0x4900;
	[dreg:$0xb] =	wrdreg s21  }
0xb: {  	s23 =	simm.s32 $0x5100;
	[dreg:$0xc] =	wrdreg s22  }
0xc: {  	s24 =	simm.s32 $0x5900;
	[dreg:$0xd] =	wrdreg s23  }
0xd: {  	s25 =	simm.s32 $0x6100;
	[dreg:$0xe] =	wrdreg s24  }
0xe: {  	s26 =	simm.s32 $0x6900;
	[dreg:$0xf] =	wrdreg s25  }
0xf: {  	s30 =	simm.s32 $0x7100;
	[dreg:$0x10] =	wrdreg s26  }
0x10: {  	s0 =	srdreg.scid;
	s31 =	simm.s32 $0x7900;
	[dreg:$0x11] =	wrdreg s30  }
0x11: {  	s4 =	sand.u32 $0x1, s0;
	s0 =	simm.s32 $0x8100;
	[dreg:$0x12] =	wrdreg s31  }
0x12: {  	s7 =	simm.s32 $0x9900;
	[dreg:$0x13] =	wrdreg s0  }
0x13: {  	s8 =	simm.s32 $0xA100;
	[dreg:$0x16] =	wrdreg s7  }
0x14: {  	s12 =	stileid.u32;
	s11 =	simm.s32 $0xA900;
	[dreg:$0x17] =	wrdreg s8  }
0x15: {  	s5 =	smul.u32 $0x2710, s12;
	s12 =	simm.s32 $0xB100;
	[dreg:$0x18] =	wrdreg s11  }
0x16: {  	[dreg:$0x19] =	wrdreg s12;
	s14 =	simm.s32 $0xC100  }
0x17: {  	s15 =	simm.s32 $0x80;
	[dreg:$0x1b] =	wrdreg s14  }
0x18: {  	s17 =	simm.s32 $0xD100;
	[dreg:$0x1c] =	wrdreg s15  }
0x19: {  	s18 =	simm.s32 $0xD900;
	[dreg:$0x1d] =	wrdreg s17  }
0x1a: {  	s19 =	simm.s32 $0xE100;
	[dreg:$0x1e] =	wrdreg s18  }
0x1b: {  	s28 =	simm.s32 $0x2;
	s7 =	simm.s32 $0xE900;
	[dreg:$0x1f] =	wrdreg s19  }
0x1c: {  	s29 =	simm.s32 $0x0;
	s12 =	simm.s32 $0xF100;
	[smem:$0x7F3] =	sst s7  }
0x1d: {  	s13 =	sadd.s32 $0x5800, s1;
	s20 =	simm.s32 $0xF900;
	[smem:$0x7F4] =	sst s12  }
0x1e: {  	s3 =	smul.u32 $0x27100, s4;
	s22 =	simm.s32 $0x10100;
	[smem:$0x7F6] =	sst s20  }
0x1f: {  	s11 =	sadd.s32 $0x1C7000, s1;
	s23 =	simm.s32 $0x10900;
	[smem:$0x7F7] =	sst s22  }
0x20: {  	s4 =	ssub.s32 $0x2, s4;
	s24 =	simm.s32 $0x11100;
	[smem:$0x7F8] =	sst s23  }
0x21: {  	s26 =	simm.s32 $0x11900;
	s30 =	simm.s32 $0x12100;
	[smem:$0x7FA] =	sst s24  }
0x22: {  	s31 =	simm.s32 $0x12900;
	s16 =	sshrl.u32 s4, $0x1;
	[smem:$0x7FB] =	sst s26  }
0x23: {  	s7 =	sadd.s32 $0x19800, s1;
	[smem:$0x7FC] =	sst s30;
	s12 =	simm.s32 $0x100  }
0x24: {  	[smem:$0x7FD] =	sst s31;
	s14 =	simm.s32 $0x13100;
	s15 =	simm.s32 $0x13900  }
0x25: {  	s17 =	simm.s32 $0x14900;
	s18 =	simm.s32 $0x15100;
	s19 =	simm.s32 $0x15900  }
0x26: {  	s20 =	simm.s32 $0x16100;
	s22 =	simm.s32 $0x17100;
	s23 =	simm.s32 $0x17900  }
0x27: {  	s24 =	simm.s32 $0x18100;
	s26 =	simm.s32 $0x1;
	s3 =	sadd.s32 s5, s3  }
0x28: {  	s5 =	simm.s32 $0x8900;
	s8 =	ssub.s32 s4, s16;
	s4 =	sadd.s32 $0x19500, s1  }
0x29: {  	s16 =	simm.s32 $0x14100;
	s9 =	sshrl.u32 s3, $0x3;
	s3 =	sadd.s32 $0x28, s3  }
0x2a: {  	[dreg:$0x14] =	wrdreg s5;
	s5 =	sadd.s32 $0x19600, s1;
	s21 =	smax.u32 s8, $0x1  }
0x2b: {  	s6 =	sadd.s32 s9, s13;
	s10 =	sshrl.u32 s3, $0x3;
	[smem:$0x7F5] =	sst s21  }
0x2c: {  	s9 =	smul.u32 $0x500, s9;
	[dreg:$0x2] =	wrdreg s6;
	s3 =	sadd.s32 s10, s13  }
0x2d: {  	s21 =	simm.s32 $0x16900;
	s6 =	simm.s32 $0x9100;
	[dreg:$0x3] =	wrdreg s3  }
0x2e: {  	s13 =	simm.s32 $0xB900;
	s10 =	smul.u32 $0x500, s10;
	[dreg:$0x15] =	wrdreg s6  }
0x2f: {  	v2 =	vlaneseq.u32;
	s3 =	sadd.s32 $0x19400, s1;
	[dreg:$0x1a] =	wrdreg s13;
	s25 =	sadd.s32 s9, s11  }
0x30: {  	vm0 =	vmmov $0xffff;
	v1 =	vshrl.u32 v2, $0x3;
	s6 =	sadd.s32 $0x19700, s1;
	s13 =	simm.s32 $0xC900;
	[smem:$0x7F9] =	sst s25  }
0x31: {  	v0 =	vand.u32 $0x7, v2;
	v2 =	vor.u32 $0x8, v2;
	v1 =	vmul.u32 $0x8, v1;
	s10 =	sadd.s32 s10, s11;
	s11 =	simm.s32 $0x3;
	s25 =	simm.s32 $0x18900  }
.LBB2_1:
0x32: {  	s30 =	smov.u32 s10;
	s31 =	sld [smem:$0x7F9];
	s1 =	simm.s32 $0x0  }
.LBB2_2:
0x33: {  	s0 =	rddreg [dreg:$0x2]  }
0x34: {  	s0 =	sadd.s32 s1, s0  }
0x35: {  	[tilespmem:s2], [sflag:$0x3] =	stream.linear.gather [hbm4b:s0+s2], $0x28, $0x38;
	[tilespmem:$0x19100] =	vst v63  }
0x36: {  	_ =	swait.ge [sflag:s11], $0x28  }
0x37: {  	[sflag:s11] =	ssyncset.done $0x0  }
0x38: {  	[sflag:s11] =	ssyncadd.s32 $0xFFFFFFD8  }
0x39: {  	v3 =	vld [tilespmem:$0x0];
	_ =	sdelay $0x4  }
0x3a: {  	v4 =	vshrl.u32 v3, $0x3  }
0x3b: {  	v4 =	vmul.u32 $0x50, v4  }
0x3c: {  	v3 =	vand.u32 $0x7, v3  }
0x3d: {  	v3 =	vor.u32 v3, v4  }
0x3e: {  	v4 =	vperm.xlane v3, v0;
	_ =	sdelay $0x1  }
0x3f: {  	v4 =	vadd.s32 v1, v4;
	_ =	sdelay $0x4  }
0x40: {  	[tilespmem:s12], [sflag:$0x1] =	stream.indirect_vreg.gather [hbm4b:s3+s2], $0x80, v4, vm0, $0xb8;
	[tilespmem:$0x19100] =	vst v63  }
0x41: {  	s9 =	rddreg [dreg:$0x4]  }
0x42: {  	[tilespmem:s9], [sflag:$0x1] =	stream.indirect_vreg.gather [hbm4b:s4+s2], $0x80, v4, vm0, $0xb8;
	[tilespmem:$0x19100] =	vst v63  }
0x43: {  	s8 =	rddreg [dreg:$0x5];
	v3 =	vperm.xlane v3, v2  }
0x44: {  	[tilespmem:s8], [sflag:$0x1] =	stream.indirect_vreg.gather [hbm4b:s5+s2], $0x80, v4, vm0, $0xb8;
	[tilespmem:$0x19100] =	vst v63  }
0x45: {  	v3 =	vadd.s32 v1, v3;
	s9 =	rddreg [dreg:$0x6]  }
0x46: {  	[tilespmem:s9], [sflag:$0x1] =	stream.indirect_vreg.gather [hbm4b:s6+s2], $0x80, v4, vm0, $0xb8;
	[tilespmem:$0x19100] =	vst v63  }
0x47: {  	s8 =	rddreg [dreg:$0x7]  }
0x48: {  	[tilespmem:s8], [sflag:$0x1] =	stream.indirect_vreg.gather [hbm4b:s7+s2], $0x80, v4, vm0, $0xb8;
	[tilespmem:$0x19100] =	vst v63  }
0x49: {  	s9 =	rddreg [dreg:$0x8]  }
0x4a: {  	[tilespmem:s9], [sflag:$0x1] =	stream.indirect_vreg.gather [hbm4b:s3+s2], $0x80, v3, vm0, $0xb8;
	[tilespmem:$0x19100] =	vst v63  }
0x4b: {  	s8 =	rddreg [dreg:$0x9]  }
0x4c: {  	[tilespmem:s8], [sflag:$0x1] =	stream.indirect_vreg.gather [hbm4b:s4+s2], $0x80, v3, vm0, $0xb8;
	[tilespmem:$0x19100] =	vst v63  }
0x4d: {  	s9 =	rddreg [dreg:$0xa]  }
0x4e: {  	[tilespmem:s9], [sflag:$0x1] =	stream.indirect_vreg.gather [hbm4b:s5+s2], $0x80, v3, vm0, $0xb8;
	[tilespmem:$0x19100] =	vst v63  }
0x4f: {  	s8 =	rddreg [dreg:$0xb]  }
0x50: {  	[tilespmem:s8], [sflag:$0x1] =	stream.indirect_vreg.gather [hbm4b:s6+s2], $0x80, v3, vm0, $0xb8;
	[tilespmem:$0x19100] =	vst v63  }
0x51: {  	s9 =	rddreg [dreg:$0xc]  }
0x52: {  	[tilespmem:s9], [sflag:$0x1] =	stream.indirect_vreg.gather [hbm4b:s7+s2], $0x80, v3, vm0, $0xb8;
	[tilespmem:$0x19100] =	vst v63  }
0x53: {  	v3 =	vld [tilespmem:$0x10];
	_ =	sdelay $0x4  }
0x54: {  	v59 =	vshrl.u32 v3, $0x3  }
0x55: {  	v4 =	vmul.u32 $0x50, v59  }
0x56: {  	v3 =	vand.u32 $0x7, v3  }
0x57: {  	v3 =	vor.u32 v3, v4  }
0x58: {  	v4 =	vperm.xlane v3, v0;
	_ =	sdelay $0x1  }
0x59: {  	v4 =	vadd.s32 v1, v4;
	_ =	sdelay $0x3  }
0x5a: {  	s8 =	rddreg [dreg:$0xd]  }
0x5b: {  	[tilespmem:s8], [sflag:$0x1] =	stream.indirect_vreg.gather [hbm4b:s3+s2], $0x80, v4, vm0, $0xb8;
	[tilespmem:$0x19100] =	vst v63  }
0x5c: {  	s9 =	rddreg [dreg:$0xe]  }
0x5d: {  	[tilespmem:s9], [sflag:$0x1] =	stream.indirect_vreg.gather [hbm4b:s4+s2], $0x80, v4, vm0, $0xb8;
	[tilespmem:$0x19100] =	vst v63  }
0x5e: {  	s0 =	rddreg [dreg:$0xf];
	v3 =	vperm.xlane v3, v2  }
0x5f: {  	[tilespmem:s0], [sflag:$0x1] =	stream.indirect_vreg.gather [hbm4b:s5+s2], $0x80, v4, vm0, $0xb8;
	[tilespmem:$0x19100] =	vst v63  }
0x60: {  	v3 =	vadd.s32 v1, v3;
	s9 =	rddreg [dreg:$0x10]  }
0x61: {  	[tilespmem:s9], [sflag:$0x1] =	stream.indirect_vreg.gather [hbm4b:s6+s2], $0x80, v4, vm0, $0xb8;
	[tilespmem:$0x19100] =	vst v63  }
0x62: {  	s0 =	rddreg [dreg:$0x11]  }
0x63: {  	[tilespmem:s0], [sflag:$0x1] =	stream.indirect_vreg.gather [hbm4b:s7+s2], $0x80, v4, vm0, $0xb8;
	[tilespmem:$0x19100] =	vst v63  }
0x64: {  	s9 =	rddreg [dreg:$0x12]  }
0x65: {  	[tilespmem:s9], [sflag:$0x1] =	stream.indirect_vreg.gather [hbm4b:s3+s2], $0x80, v3, vm0, $0xb8;
	[tilespmem:$0x19100] =	vst v63  }
0x66: {  	s0 =	rddreg [dreg:$0x13]  }
0x67: {  	[tilespmem:s0], [sflag:$0x1] =	stream.indirect_vreg.gather [hbm4b:s4+s2], $0x80, v3, vm0, $0xb8;
	[tilespmem:$0x19100] =	vst v63  }
0x68: {  	s9 =	rddreg [dreg:$0x14]  }
0x69: {  	[tilespmem:s9], [sflag:$0x1] =	stream.indirect_vreg.gather [hbm4b:s5+s2], $0x80, v3, vm0, $0xb8;
	[tilespmem:$0x19100] =	vst v63  }
0x6a: {  	s0 =	rddreg [dreg:$0x15]  }
0x6b: {  	[tilespmem:s0], [sflag:$0x1] =	stream.indirect_vreg.gather [hbm4b:s6+s2], $0x80, v3, vm0, $0xb8;
	[tilespmem:$0x19100] =	vst v63  }
0x6c: {  	s9 =	rddreg [dreg:$0x16]  }
0x6d: {  	[tilespmem:s9], [sflag:$0x1] =	stream.indirect_vreg.gather [hbm4b:s7+s2], $0x80, v3, vm0, $0xb8;
	[tilespmem:$0x19100] =	vst v63  }
0x6e: {  	v3 =	vld.msk [tilespmem:$0x20], $0xff;
	_ =	sdelay $0x4  }
0x6f: {  	v60 =	vshrl.u32 v3, $0x3  }
0x70: {  	v4 =	vmul.u32 $0x50, v60  }
0x71: {  	v3 =	vand.u32 $0x7, v3  }
0x72: {  	v3 =	vor.u32 v3, v4  }
0x73: {  	v3 =	vperm.xlane v3, v0;
	_ =	sdelay $0x1  }
0x74: {  	v3 =	vadd.s32 v1, v3;
	_ =	sdelay $0x2  }
0x75: {  	s8 =	rddreg [dreg:$0x17]  }
0x76: {  	s0 =	rddreg [dreg:$0x19]  }
0x77: {  	[tilespmem:s8], [sflag:$0x1] =	stream.indirect_vreg.gather [hbm4b:s3+s2], $0x80, v3, vm0, $0xb8;
	[tilespmem:$0x19100] =	vst v63  }
0x78: {  	s9 =	rddreg [dreg:$0x18]  }
0x79: {  	[tilespmem:s9], [sflag:$0x1] =	stream.indirect_vreg.gather [hbm4b:s4+s2], $0x80, v3, vm0, $0xb8;
	[tilespmem:$0x19100] =	vst v63  }
0x7a: {  	s8 =	rddreg [dreg:$0x3]  }
0x7b: {  	[tilespmem:s0], [sflag:$0x1] =	stream.indirect_vreg.gather [hbm4b:s5+s2], $0x80, v3, vm0, $0xb8;
	[tilespmem:$0x19100] =	vst v63  }
0x7c: {  	s9 =	rddreg [dreg:$0x1a]  }
0x7d: {  	[tilespmem:s9], [sflag:$0x1] =	stream.indirect_vreg.gather [hbm4b:s6+s2], $0x80, v3, vm0, $0xb8;
	[tilespmem:$0x19100] =	vst v63  }
0x7e: {  	s0 =	rddreg [dreg:$0x1b]  }
0x7f: {  	[tilespmem:s0], [sflag:$0x1] =	stream.indirect_vreg.gather [hbm4b:s7+s2], $0x80, v3, vm0, $0xb8;
	[tilespmem:$0x19100] =	vst v63  }
0x80: {  	s8 =	sadd.s32 s1, s8;
	s9 =	rddreg [dreg:$0x1c]  }
0x81: {  	[tilespmem:s9], [sflag:$0x3] =	stream.linear.gather [hbm4b:s8+s2], $0x28, $0x38;
	[tilespmem:$0x19100] =	vst v63  }
0x82: {  	_ =	swait.ge [sflag:s11], $0x28  }
0x83: {  	[sflag:s11] =	ssyncset.done $0x0  }
0x84: {  	[sflag:s11] =	ssyncadd.s32 $0xFFFFFFD8  }
0x85: {  	v3 =	vld [tilespmem:$0x80];
	_ =	sdelay $0x4  }
0x86: {  	v61 =	vshrl.u32 v3, $0x3  }
0x87: {  	v4 =	vmul.u32 $0x50, v61  }
0x88: {  	v3 =	vand.u32 $0x7, v3  }
0x89: {  	v3 =	vor.u32 v3, v4  }
0x8a: {  	v4 =	vperm.xlane v3, v0;
	_ =	sdelay $0x1  }
0x8b: {  	v4 =	vadd.s32 v1, v4;
	_ =	sdelay $0x3  }
0x8c: {  	s9 =	rddreg [dreg:$0x1d]  }
0x8d: {  	[tilespmem:s13], [sflag:$0x2] =	stream.indirect_vreg.gather [hbm4b:s3+s2], $0x80, v4, vm0, $0xb8;
	[tilespmem:$0x19100] =	vst v63  }
0x8e: {  	s8 =	rddreg [dreg:$0x1e]  }
0x8f: {  	[tilespmem:s9], [sflag:$0x2] =	stream.indirect_vreg.gather [hbm4b:s4+s2], $0x80, v4, vm0, $0xb8;
	[tilespmem:$0x19100] =	vst v63  }
0x90: {  	v3 =	vperm.xlane v3, v2;
	s9 =	rddreg [dreg:$0x1f]  }
0x91: {  	[tilespmem:s8], [sflag:$0x2] =	stream.indirect_vreg.gather [hbm4b:s5+s2], $0x80, v4, vm0, $0xb8;
	[tilespmem:$0x19100] =	vst v63  }
0x92: {  	v3 =	vadd.s32 v1, v3;
	s8 =	sld [smem:$0x7F3]  }
0x93: {  	[tilespmem:s9], [sflag:$0x2] =	stream.indirect_vreg.gather [hbm4b:s6+s2], $0x80, v4, vm0, $0xb8;
	[tilespmem:$0x19100] =	vst v63  }
0x94: {  	s9 =	sld [smem:$0x7F4]  }
0x95: {  	[tilespmem:s8], [sflag:$0x2] =	stream.indirect_vreg.gather [hbm4b:s7+s2], $0x80, v4, vm0, $0xb8;
	[tilespmem:$0x19100] =	vst v63  }
0x96: {  	s8 =	sld [smem:$0x7F6]  }
0x97: {  	[tilespmem:s9], [sflag:$0x2] =	stream.indirect_vreg.gather [hbm4b:s3+s2], $0x80, v3, vm0, $0xb8;
	[tilespmem:$0x19100] =	vst v63  }
0x98: {  	s9 =	sld [smem:$0x7F7]  }
0x99: {  	[tilespmem:s8], [sflag:$0x2] =	stream.indirect_vreg.gather [hbm4b:s4+s2], $0x80, v3, vm0, $0xb8;
	[tilespmem:$0x19100] =	vst v63  }
0x9a: {  	s8 =	sld [smem:$0x7F8]  }
0x9b: {  	[tilespmem:s9], [sflag:$0x2] =	stream.indirect_vreg.gather [hbm4b:s5+s2], $0x80, v3, vm0, $0xb8;
	[tilespmem:$0x19100] =	vst v63  }
0x9c: {  	s9 =	sld [smem:$0x7FA]  }
0x9d: {  	[tilespmem:s8], [sflag:$0x2] =	stream.indirect_vreg.gather [hbm4b:s6+s2], $0x80, v3, vm0, $0xb8;
	[tilespmem:$0x19100] =	vst v63  }
0x9e: {  	_ = 	snop  }
0x9f: {  	[tilespmem:s9], [sflag:$0x2] =	stream.indirect_vreg.gather [hbm4b:s7+s2], $0x80, v3, vm0, $0xb8;
	[tilespmem:$0x19100] =	vst v63  }
0xa0: {  	v3 =	vld [tilespmem:$0x90];
	_ =	sdelay $0x4  }
0xa1: {  	v62 =	vshrl.u32 v3, $0x3  }
0xa2: {  	v4 =	vmul.u32 $0x50, v62  }
0xa3: {  	v3 =	vand.u32 $0x7, v3  }
0xa4: {  	v3 =	vor.u32 v3, v4  }
0xa5: {  	v4 =	vperm.xlane v3, v0;
	_ =	sdelay $0x1  }
0xa6: {  	v4 =	vadd.s32 v1, v4;
	_ =	sdelay $0x1  }
0xa7: {  	s9 =	sld [smem:$0x7FB];
	_ =	sdelay $0x1  }
0xa8: {  	s8 =	sld [smem:$0x7FC]  }
0xa9: {  	[tilespmem:s9], [sflag:$0x2] =	stream.indirect_vreg.gather [hbm4b:s3+s2], $0x80, v4, vm0, $0xb8;
	[tilespmem:$0x19100] =	vst v63  }
0xaa: {  	s9 =	sld [smem:$0x7FD]  }
0xab: {  	[tilespmem:s8], [sflag:$0x2] =	stream.indirect_vreg.gather [hbm4b:s4+s2], $0x80, v4, vm0, $0xb8;
	[tilespmem:$0x19100] =	vst v63  }
0xac: {  	v3 =	vperm.xlane v3, v2  }
0xad: {  	[tilespmem:s9], [sflag:$0x2] =	stream.indirect_vreg.gather [hbm4b:s5+s2], $0x80, v4, vm0, $0xb8;
	[tilespmem:$0x19100] =	vst v63  }
0xae: {  	v3 =	vadd.s32 v1, v3  }
0xaf: {  	[tilespmem:s14], [sflag:$0x2] =	stream.indirect_vreg.gather [hbm4b:s6+s2], $0x80, v4, vm0, $0xb8;
	[tilespmem:$0x19100] =	vst v63  }
0xb0: {  	_ = 	snop  }
0xb1: {  	[tilespmem:s15], [sflag:$0x2] =	stream.indirect_vreg.gather [hbm4b:s7+s2], $0x80, v4, vm0, $0xb8;
	[tilespmem:$0x19100] =	vst v63  }
0xb2: {  	_ = 	snop  }
0xb3: {  	[tilespmem:s16], [sflag:$0x2] =	stream.indirect_vreg.gather [hbm4b:s3+s2], $0x80, v3, vm0, $0xb8;
	[tilespmem:$0x19100] =	vst v63  }
0xb4: {  	_ = 	snop  }
0xb5: {  	[tilespmem:s17], [sflag:$0x2] =	stream.indirect_vreg.gather [hbm4b:s4+s2], $0x80, v3, vm0, $0xb8;
	[tilespmem:$0x19100] =	vst v63  }
0xb6: {  	_ = 	snop  }
0xb7: {  	[tilespmem:s18], [sflag:$0x2] =	stream.indirect_vreg.gather [hbm4b:s5+s2], $0x80, v3, vm0, $0xb8;
	[tilespmem:$0x19100] =	vst v63  }
0xb8: {  	_ = 	snop  }
0xb9: {  	[tilespmem:s19], [sflag:$0x2] =	stream.indirect_vreg.gather [hbm4b:s6+s2], $0x80, v3, vm0, $0xb8;
	[tilespmem:$0x19100] =	vst v63  }
0xba: {  	_ = 	snop  }
0xbb: {  	[tilespmem:s20], [sflag:$0x2] =	stream.indirect_vreg.gather [hbm4b:s7+s2], $0x80, v3, vm0, $0xb8;
	[tilespmem:$0x19100] =	vst v63  }
0xbc: {  	v3 =	vld.msk [tilespmem:$0xA0], $0xff;
	_ =	sdelay $0x4  }
0xbd: {  	v63 =	vshrl.u32 v3, $0x3  }
0xbe: {  	v4 =	vmul.u32 $0x50, v63  }
0xbf: {  	v3 =	vand.u32 $0x7, v3  }
0xc0: {  	v3 =	vor.u32 v3, v4  }
0xc1: {  	v3 =	vperm.xlane v3, v0;
	_ =	sdelay $0x1  }
0xc2: {  	v3 =	vadd.s32 v1, v3;
	_ =	sdelay $0x4  }
0xc3: {  	[tilespmem:s21], [sflag:$0x2] =	stream.indirect_vreg.gather [hbm4b:s3+s2], $0x80, v3, vm0, $0xb8;
	[tilespmem:$0x19100] =	vst v63  }
0xc4: {  	_ = 	snop  }
0xc5: {  	[tilespmem:s22], [sflag:$0x2] =	stream.indirect_vreg.gather [hbm4b:s4+s2], $0x80, v3, vm0, $0xb8;
	[tilespmem:$0x19100] =	vst v63  }
0xc6: {  	_ = 	snop  }
0xc7: {  	[tilespmem:s23], [sflag:$0x2] =	stream.indirect_vreg.gather [hbm4b:s5+s2], $0x80, v3, vm0, $0xb8;
	[tilespmem:$0x19100] =	vst v63  }
0xc8: {  	_ = 	snop  }
0xc9: {  	[tilespmem:s24], [sflag:$0x2] =	stream.indirect_vreg.gather [hbm4b:s6+s2], $0x80, v3, vm0, $0xb8;
	[tilespmem:$0x19100] =	vst v63  }
0xca: {  	_ = 	snop  }
0xcb: {  	[tilespmem:s25], [sflag:$0x2] =	stream.indirect_vreg.gather [hbm4b:s7+s2], $0x80, v3, vm0, $0xb8;
	[tilespmem:$0x19100] =	vst v63  }
0xcc: {  	_ =	swait.ge [sflag:s26], $0xC800  }
0xcd: {  	[sflag:s26] =	ssyncset.done $0x0  }
0xce: {  	[sflag:s26] =	ssyncadd.s32 $0xFFFF3800  }
0xcf: {  	[hbm4b:s31+s2] =	stream.linear.scatter [tilespmem:s12], [sflag:$0x3], $0xC800, $0x38;
	[tilespmem:$0x19100] =	vst v63  }
0xd0: {  	_ =	swait.ge [sflag:s11], $0xC800  }
0xd1: {  	[sflag:s11] =	ssyncset.done $0x0  }
0xd2: {  	[sflag:s11] =	ssyncadd.s32 $0xFFFF3800  }
0xd3: {  	_ =	swait.ge [sflag:s28], $0xC800  }
0xd4: {  	p0 =	sne.s32 s1, $0x4D8;
	[sflag:s28] =	ssyncset.done $0x0  }
.Ltmp0:
0xd5: {  	[sflag:s28] =	ssyncadd.s32 $0xFFFF3800;
	(pc) =	sbr.rel @p0 .LBB2_2-.Ltmp0, $4  }
0xd6: {  	[hbm4b:s30+s2] =	stream.linear.scatter [tilespmem:s13], [sflag:$0x3], $0xC800, $0x38;
	[tilespmem:$0x19100] =	vst v63  }
0xd7: {  	_ =	swait.ge [sflag:s11], $0xC800  }
0xd8: {  	s1 =	sadd.s32 $0xA, s1;
	[sflag:s11] =	ssyncset.done $0x0  }
0xd9: {  	s31 =	sadd.s32 $0x3200, s31;
	s30 =	sadd.s32 $0x3200, s30;
	[sflag:s11] =	ssyncadd.s32 $0xFFFF3800  }
0xda: {  	s0 =	sld [smem:$0x7F5];
	_ =	sdelay $0x1  }
0xdb: {  	s29 =	sadd.s32 $0x1, s29  }
0xdc: {  	p0 =	sne.s32 s29, s0  }
.Ltmp1:
0xdd: {  	_ = 	snop;
	(pc) =	sbr.rel @p0 .LBB2_1-.Ltmp1, $1  }
0xde: {  	_ =	sdelay $0x3  }
0xdf: {  	_ =	sfence.sel $0x180000  }
0xe0: {  	[bflag:$0x0] =	sbarrier.arrive $0xFFFF  }
0xe1: {  	_ =	strace $0x90000047  }
0xe2: {  	s0 =	stileid.u32;
	[bflag:$0x2] =	sbarrier.arrive $0xFFFF  }
0xe3: {  	p0 =	sne.s32 s0, $0x0;
	s0 =	rddreg [dreg:$0x1]  }
0xe4: {  	s0 =	sadd.s32 @!p0 $0x100000, s0  }
0xe5: {  	[sflag:s0] =	ssyncadd.tile.s32 @!p0 $0x1;
	_ =	shalt  }
.Lfunc_end2:
_tile_overlayer_lowered:
.L_overlay_start_2:
0xe6: {  	(tag) =	ssettag $0x2  }
0xe7: {  	s0 =	rddreg [dreg:$0x0];
	s2 =	stileid.u32  }
0xe8: {  	s1 =	rddreg [dreg:$0x1];
	p0 =	sne.s32 s2, $0x0  }
0xe9: {  	s3 =	rddreg [dreg:$0x2];
	[bflag:$0x3] =	sbarrier.arrive $0xFFFF;
	s2 =	simm.s32 @!p0 $0x1C03  }
0xea: {  	[timem:s3], [sflag:s2] =	dma.local @!p0 [hbm:s0], s1  }
0xeb: {  	s0 =	simm.s32 @!p0 $0x3  }
0xec: {  	_ =	swait.ge @!p0 [sflag:s0], s1  }
0xed: {  	s1 =	ssub.s32 @!p0 $0x0, s1;
	[sflag:s0] =	ssyncset.done @!p0 $0x0  }
0xee: {  	[sflag:s0] =	ssyncadd.s32 @!p0 s1  }
0xef: {  	[bflag:$0x3] =	sbarrier.arrive $0xFFFF  }
0xf0: {  	_ =	shalt  }

// kernel: kernel.28.cloned.1.call-start
scs
__scs_entry_jumppad:
0x0: {  	(pc) =	sbr.rel $0x88, $3  }
0x1: {  	(tag) =	ssettag $0x0;
	lr =	simm.s32 $0x1  }
0x2: {  	[smem:$0x3F88] =	sst lr;
	_ =	strace $0xD0000000  }
0x3: {  	_ = 	snop  }
0x4: {  	_ = 	snop  }
0x5: {  	_ = 	snop  }
0x6: {  	_ = 	snop  }
0x7: {  	_ = 	snop  }
__scs_overlays_trampoline_lowered:
0x8: {  	[smem:$0x3F97] =	sst s0  }
0x9: {  	[smem:$0x3F98] =	sst s1  }
0xa: {  	[smem:$0x3F99] =	sst s2  }
0xb: {  	[smem:$0x3F9A] =	sst s3  }
0xc: {  	[smem:$0x3F9B] =	sst s4  }
0xd: {  	[smem:$0x3F9C] =	sst s5  }
0xe: {  	[smem:$0x3F9D] =	sst s6  }
0xf: {  	[smem:$0x3F9E] =	sst s7  }
0x10: {  	[smem:$0x3F9F] =	sst s8  }
0x11: {  	[smem:$0x3FA0] =	sst s9;
	s0 =	simm.s32 @!p0 $0x0  }
0x12: {  	s1 =	sld [smem:$0x3F86];
	s0 =	simm.s32 @p0 $0x1  }
0x13: {  	[smem:$0x3FA1] =	sst s0;
	s0 =	simm.s32 @!p1 $0x0  }
0x14: {  	s2 =	sld [smem:$0x3F85];
	s0 =	simm.s32 @p1 $0x1  }
0x15: {  	[smem:$0x3FA2] =	sst s0;
	s0 =	simm.s32 @!p2 $0x0  }
0x16: {  	s3 =	sld [smem:$0x3FDB];
	s0 =	simm.s32 @p2 $0x1  }
0x17: {  	s4 =	simm.s32 $0x1BF5;
	[smem:$0x3FA4] =	sst s0  }
0x18: {  	s0 =	sld [smem:$0x3F87];
	_ =	swait.ge [sflag:s4], $0x0  }
0x19: {  	s7 =	sld [smem:$0x3F88]  }
0x1a: {  	s8 =	sadd.s32 $0xFFFFE003, lr  }
0x1b: {  	s9 =	sadd.s32 $0xFFFFFEF7, lr;
	s5 =	simm.s32 $0xFFFFFFFF;
	p2 =	slt.u32 s8, $0xFFFFF086  }
0x1c: {  	p1 =	slt.u32 s9, $0xF7A;
	s5 =	simm.s32 @!p2 $0x0  }
0x1d: {  	s5 =	simm.s32 @p1 $0x1;
	p0 =	seq.s32 s7, s2  }
0x1e: {  	s7 =	smul.u32 @!p0 $0xF7A, s2;
	p2 =	seq.s32 @!p0 s5, $0x0  }
0x1f: {  	s9 =	smul.u32 $0xF7A, s1;
	s8 =	simm.s32 @!p0 $0x1BF5;
	p2 =	por !p2, p0  }
0x20: {  	[sflag:s8] =	ssyncset.s32 @!p0 $0xFFFFF086;
	s6 =	sadd.s32 @!p0 s3, s7;
	s7 =	simm.s32 @!p0 $0x108  }
0x21: {  	s3 =	sadd.s32 s3, s9;
	s6 =	sadd.s32 @!p0 $0x88, s6;
	s7 =	simm.s32 @p2 $0x1082  }
0x22: {  	[simem:s7], [sflag:s8] =	dma.local @!p0 [hbm:s6], $0xF7A  }
0x23: {  	s9 =	sor.u32 $0xD0000000, s2;
	s6 =	simm.s32 $0x108;
	_ =	swait.ge @!p0 [sflag:s8], $0x0  }
0x24: {  	s3 =	sadd.s32 $0x88, s3;
	s6 =	simm.s32 @!p1 $0x1082;
	[sflag:s4] =	ssyncset.s32 $0xFFFFF086  }
0x25: {  	[simem:s6], [sflag:s4] =	dma.local [hbm:s3], $0xF7A  }
0x26: {  	[smem:$0x3F88] =	sst s1;
	(tag) =	ssettag s2;
	_ =	strace s9  }
0x27: {  	s1 =	sld [smem:$0x3F98]  }
0x28: {  	s2 =	sld [smem:$0x3F99]  }
0x29: {  	s4 =	sld [smem:$0x3F9B]  }
0x2a: {  	p0 =	seq.s32 s5, $0x0;
	s5 =	sld [smem:$0x3F9C]  }
0x2b: {  	s6 =	sld [smem:$0x3F9D]  }
0x2c: {  	s7 =	sld [smem:$0x3F9E]  }
0x2d: {  	s3 =	simm.s32 $0x108;
	s8 =	sld [smem:$0x3F9F]  }
0x2e: {  	s3 =	simm.s32 @!p0 $0x1082;
	s9 =	sld [smem:$0x3FA0]  }
0x2f: {  	lr =	sadd.s32 s0, s3;
	s0 =	sld [smem:$0x3F97]  }
0x30: {  	s3 =	sld [smem:$0x3F9A]  }
0x31: {  	[smem:$0x3FA3] =	sst s10  }
0x32: {  	s10 =	sld [smem:$0x3FA1];
	_ =	sdelay $0x3  }
0x33: {  	p0 =	seq.s32 s10, $0x1;
	s10 =	sld [smem:$0x3FA3];
	_ =	sdelay $0x3  }
0x34: {  	[smem:$0x3FA3] =	sst s10  }
0x35: {  	s10 =	sld [smem:$0x3FA2];
	_ =	sdelay $0x3  }
0x36: {  	p1 =	seq.s32 s10, $0x1;
	s10 =	sld [smem:$0x3FA3];
	_ =	sdelay $0x3  }
0x37: {  	[smem:$0x3FA3] =	sst s10  }
0x38: {  	s10 =	sld [smem:$0x3FA4]  }
0x39: {  	_ = 	snop;
	(pc) =	sbr.ind lr, $3  }
0x3a: {  	_ = 	snop  }
0x3b: {  	_ = 	snop  }
0x3c: {  	p2 =	seq.s32 s10, $0x1;
	s10 =	sld [smem:$0x3FA3]  }
0x3d: {  	_ =	shalt  }
0x3e: {  	_ =	shalt  }
0x3f: {  	_ =	shalt  }
0x40: {  	_ =	shalt  }
0x41: {  	_ =	shalt  }
0x42: {  	_ =	shalt  }
0x43: {  	_ =	shalt  }
0x44: {  	_ =	shalt  }
0x45: {  	_ =	shalt  }
0x46: {  	_ =	shalt  }
0x47: {  	_ =	shalt  }
0x48: {  	_ =	shalt  }
0x49: {  	_ =	shalt  }
0x4a: {  	_ =	shalt  }
0x4b: {  	_ =	shalt  }
0x4c: {  	_ =	shalt  }
0x4d: {  	_ =	shalt  }
0x4e: {  	_ =	shalt  }
0x4f: {  	_ =	shalt  }
0x50: {  	_ =	shalt  }
0x51: {  	_ =	shalt  }
0x52: {  	_ =	shalt  }
0x53: {  	_ =	shalt  }
0x54: {  	_ =	shalt  }
0x55: {  	_ =	shalt  }
0x56: {  	_ =	shalt  }
0x57: {  	_ =	shalt  }
0x58: {  	_ =	shalt  }
0x59: {  	_ =	shalt  }
0x5a: {  	_ =	shalt  }
0x5b: {  	_ =	shalt  }
0x5c: {  	_ =	shalt  }
0x5d: {  	_ =	shalt  }
0x5e: {  	_ =	shalt  }
0x5f: {  	_ =	shalt  }
0x60: {  	_ =	shalt  }
0x61: {  	_ =	shalt  }
0x62: {  	_ =	shalt  }
0x63: {  	_ =	shalt  }
0x64: {  	_ =	shalt  }
0x65: {  	_ =	shalt  }
0x66: {  	_ =	shalt  }
0x67: {  	_ =	shalt  }
0x68: {  	_ =	shalt  }
0x69: {  	_ =	shalt  }
0x6a: {  	_ =	shalt  }
0x6b: {  	_ =	shalt  }
0x6c: {  	_ =	shalt  }
0x6d: {  	_ =	shalt  }
0x6e: {  	_ =	shalt  }
0x6f: {  	_ =	shalt  }
0x70: {  	_ =	shalt  }
0x71: {  	_ =	shalt  }
0x72: {  	_ =	shalt  }
0x73: {  	_ =	shalt  }
0x74: {  	_ =	shalt  }
0x75: {  	_ =	shalt  }
0x76: {  	_ =	shalt  }
0x77: {  	_ =	shalt  }
0x78: {  	_ =	shalt  }
0x79: {  	_ =	shalt  }
0x7a: {  	_ =	shalt  }
0x7b: {  	_ =	shalt  }
0x7c: {  	_ =	shalt  }
0x7d: {  	_ =	shalt  }
0x7e: {  	_ =	shalt  }
0x7f: {  	_ =	shalt  }
0x80: {  	_ =	shalt  }
0x81: {  	_ =	shalt  }
0x82: {  	_ =	shalt  }
0x83: {  	_ =	shalt  }
0x84: {  	_ =	shalt  }
0x85: {  	_ =	shalt  }
0x86: {  	_ =	shalt  }
0x87: {  	_ =	shalt  }
.Lfunc_end0:
.L_simem_size_0:
called_computation.3_lowered:
.L_overlay_start_0:
0x88: {  	s2 =	sld [smem:$0x3FD9]  }
0x89: {  	s3 =	sld [smem:$0x3FFE];
	_ =	sdelay $0x1  }
0x8a: {  	s1 =	srdreg.scid  }
0x8b: {  	s0 =	sand.u32 $0x1, s1  }
0x8c: {  	s15 =	sshll.u32 s0, $0xA;
	s2 =	sadd.s32 s3, s2  }
0x8d: {  	s2 =	sadd.s32 s2, s15  }
0x8e: {  	[smem:$0x3FAF] =	sst s2  }
0x8f: {  	_ = 	snop  }
0x90: {  	s2 =	sld [smem:$0x3FD0];
	_ =	sdelay $0x2  }
0x91: {  	s16 =	simm.s32 $0xC;
	s4 =	simm.s32 $0x10  }
0x92: {  	[smem:s4], [sflag:s16] =	dma.local [hbm:s2], $0x1  }
0x93: {  	_ =	swait.eq [sflag:s16], $0x1  }
0x94: {  	[sflag:s16] =	ssyncset.done $0x0  }
0x95: {  	[sflag:s16] =	ssyncadd.s32 $0xFFFFFFFF  }
0x96: {  	s17 =	sld [smem:$0x10];
	(tm) =	ssettm $0x1  }
0x97: {  	s18 =	sld [smem:$0x3FFB];
	_ =	sdelay $0x3  }
0x98: {  	_ =	strace s18  }
0x99: {  	s2 =	sld [smem:$0x3FFC];
	_ =	sdelay $0x3  }
0x9a: {  	_ =	strace s2  }
0x9b: {  	s2 =	sld [smem:$0x3FFD];
	_ =	sdelay $0x3  }
0x9c: {  	_ =	strace s2  }
0x9d: {  	_ =	strace $0x8FFFFFFF  }
0x9e: {  	s19 =	sld [smem:$0x3FDB];
	_ =	sdelay $0x1  }
0x9f: {  	s20 =	simm.s32 $_scs_section_size  }
0xa0: {  	s5 =	simm.s32 $_size__tile_overlayer_lowered;
	s6 =	simm.s32 $_tile_overlayer_lowered  }
0xa1: {  	s7 =	simm.s32 $0x1BFF;
	s21 =	sshll.u32 s6, $0x1;
	s4 =	sadd.s32 s20, s19  }
0xa2: {  	s22 =	simm.s32 $0x0;
	s5 =	sshll.u32 s5, $0x1;
	s6 =	sadd.s32 s21, s4  }
0xa3: {  	[timem:s22], [sflag:s7] =	dma.local [hbm:s6], s5  }
0xa4: {  	_ =	swait.ge [sflag:s7], s5  }
0xa5: {  	s5 =	ssub.s32 $0x0, s5;
	[sflag:s7] =	ssyncset.done $0x0  }
0xa6: {  	[sflag:s7] =	ssyncadd.s32 s5;
	_ =	sdelay $0x1  }
0xa7: {  	s23 =	simm.s32 $0x1B8B  }
0xa8: {  	_ =	swait.ge [sflag:s23], $0x1  }
0xa9: {  	[sflag:s23] =	ssyncset.done $0x0  }
0xaa: {  	[sflag:s23] =	ssyncadd.s32 $0xFFFFFFFF  }
0xab: {  	s5 =	sld [smem:$0x0]  }
0xac: {  	s6 =	sand.u32 $0xFFFFFFFE, s1  }
0xad: {  	p0 =	sne.s32 s1, s6  }
0xae: {  	s6 =	sshll.u32 @p0 s6, $0xE  }
0xaf: {  	s6 =	sadd.s32 @p0 $0x11B8D, s6;
	s7 =	sshll.u32 @p0 s5, $0x11  }
0xb0: {  	s6 =	sor.u32 @p0 s7, s6  }
0xb1: {  	[sflag:s6] =	ssyncadd.remote.s32 @p0 $0x1;
	_ =	sdelay $0x1  }
0xb2: {  	s6 =	simm.s32 @p0 $0x1B8D  }
0xb3: {  	_ =	swait.eq @p0 [sflag:s6], $0x1  }
0xb4: {  	[sflag:s6] =	ssyncadd.s32 @p0 $0xFFFFFFFF  }
0xb5: {  	s7 =	sshll.u32 @!p0 s1, $0xE  }
0xb6: {  	s7 =	sor.u32 @!p0 $0x4000, s7;
	s6 =	simm.s32 @!p0 $0x1B8D  }
0xb7: {  	s5 =	sshll.u32 @!p0 s5, $0x11;
	s7 =	sadd.s32 @!p0 $0x11B8D, s7;
	_ =	swait.eq @!p0 [sflag:s6], $0x1  }
0xb8: {  	s5 =	sor.u32 @!p0 s5, s7;
	[sflag:s6] =	ssyncadd.s32 @!p0 $0xFFFFFFFF  }
0xb9: {  	s25 =	simm.s32 $0x1B8E;
	s24 =	sld [smem:$0x3FFE];
	[sflag:s5] =	ssyncadd.remote.s32 @!p0 $0x1  }
0xba: {  	s26 =	simm.s32 $execute0_lowered;
	[smem:$0x3FD2] =	sst s25  }
0xbb: {  	s6 =	sshll.u32 s26, $0x1;
	_ =	strace $0x8000004F;
	[dreg:$0x1] =	wrdreg $0xFFFFFFFF  }
0xbc: {  	s28 =	simm.s32 $_size_execute0_lowered;
	s4 =	sadd.s32 s4, s6;
	[dreg:$0x0] =	wrdreg $0x0  }
0xbd: {  	s6 =	sshll.u32 s28, $0x1;
	[dreg:$0x2] =	wrdreg s4  }
0xbe: {  	[dreg:$0x3] =	wrdreg s6  }
0xbf: {  	[dreg:$0x4] =	wrdreg $0xC0  }
0xc0: {  	_ =	task [dreg:s22], $0x5FFFF  }
0xc1: {  	[dreg:$0x1] =	wrdreg $0xFFFFFFFF  }
0xc2: {  	[dreg:$0x0] =	wrdreg $0x60  }
0xc3: {  	[dreg:$0x2] =	wrdreg s24  }
0xc4: {  	[dreg:$0x3] =	wrdreg s17  }
0xc5: {  	[dreg:$0x4] =	wrdreg $0x28800  }
0xc6: {  	[dreg:$0x5] =	wrdreg $0xA  }
0xc7: {  	_ =	task.clear_ibuf [dreg:s22], $0x6FFFF;
	_ =	strace $0x9000004F  }
0xc8: {  	s29 =	simm.s32 $0xA;
	_ =	strace $0x80000051  }
0xc9: {  	_ =	swait.ge [sflag:s29], $0x1  }
0xca: {  	[sflag:s29] =	ssyncadd.s32 $0xFFFFFFFF  }
0xcb: {  	_ =	strace $0x90000051  }
0xcc: {  	_ =	sfence  }
0xcd: {  	s30 =	sld [smem:$0x0];
	_ =	sdelay $0x2  }
0xce: {  	s31 =	sshll.u32 s1, $0xD;
	s1 =	sshrl.u32 s1, $0x2  }
0xcf: {  	s4 =	sand.u32 $0x4000, s31;
	s1 =	sadd.s32 s1, s30  }
0xd0: {  	s0 =	sor.u32 s4, s0;
	s1 =	sshll.u32 s1, $0x11  }
0xd1: {  	s0 =	sor.u32 s1, s0  }
0xd2: {  	s0 =	sadd.s32 $0x8F2B, s0  }
0xd3: {  	[sflag:s0] =	ssyncadd.remote.s32 $0x1  }
0xd4: {  	_ =	sfence.sel $0xFFFF  }
0xd5: {  	[dreg:$0x0] =	wrdreg $0xFFFFFFFF;
	(pc) =	sbr.abs _section_cstart, $3  }
0xd6: {  	[dreg:$0x1] =	wrdreg $0xFFFFFFFF  }
0xd7: {  	_ =	task.clear_ibuf [dreg:s22], $0x2FFFF;
	_ =	strace $0x9FFFFFFF  }
0xd8: {  	(tm) =	ssettm $0x7FFFFFFF  }
0xd9: {  	_ =	shalt  }
tec
execute0_lowered:
.L_overlay_start_1:
0x0: {  	(tag) =	ssettag $0x1  }
0x1: {  	s4 =	rddreg [dreg:$0x0];
	s1 =	srdreg.scid  }
0x2: {  	s0 =	rddreg [dreg:$0x1];
	s7 =	stileid.u32  }
0x3: {  	s2 =	rddreg [dreg:$0x2];
	s9 =	smul.u32 $0x2710, s7  }
0x4: {  	s3 =	simm.s32 $0x0;
	s5 =	sand.u32 $0x1, s1;
	s10 =	smul.u32 $0x27100, s7  }
0x5: {  	s11 =	simm.s32 $0x50;
	s1 =	rddreg [dreg:$0x3];
	s6 =	smul.u32 $0x271000, s5  }
0x6: {  	s12 =	simm.s32 $0x0;
	[smem:$0x7FF] =	sst s3;
	s8 =	smul.u32 $0x27100, s5  }
0x7: {  	p0 =	sne.s32 s7, $0x0;
	_ =	strace $0x80000050;
	s5 =	ssub.s32 $0x2, s5  }
0x8: {  	s31 =	sshrl.u32 s5, $0x1;
	s6 =	sadd.s32 s6, s4;
	s9 =	sadd.s32 s9, s8  }
0x9: {  	s5 =	ssub.s32 s5, s31;
	s9 =	sshrl.u32 s9, $0x3;
	s6 =	sadd.s32 s10, s6  }
0xa: {  	s5 =	smax.u32 s5, $0x1;
	s10 =	simm.s32 $0x80;
	s9 =	sadd.s32 s9, s4  }
0xb: {  	s4 =	sadd.s32 s8, s4;
	s6 =	sadd.s32 $0x37CB200, s6;
	s8 =	sshrl.u32 @!p0 s2, $0x3  }
0xc: {  	s4 =	sadd.s32 $0x19400, s4;
	s7 =	sadd.s32 $0xF600, s9;
	s9 =	simm.s32 $0x1  }
.LBB2_1:
0xd: {  	s13 =	simm.s32 @!p0 $0x1C01  }
0xe: {  	[spmem:s8], [sflag:s13] =	dma.local @!p0 [hbm:s0], $0x27100  }
0xf: {  	s13 =	simm.s32 @!p0 $0x1  }
0x10: {  	_ =	swait.ge @!p0 [sflag:s13], $0x27100  }
0x11: {  	[sflag:s13] =	ssyncset.done @!p0 $0x0  }
0x12: {  	[sflag:s13] =	ssyncadd.s32 @!p0 $0xFFFD8F00  }
0x13: {  	s31 =	sadd.s32 $0x0, s7;
	[bflag:$0x0] =	sbarrier.arrive $0xFFFF  }
0x14: {  	[tilespmem:s3], [sflag:$0x1] =	stream.linear.gather [hbm4b:s31+s3], $0x50, $0x38;
	[tilespmem:$0x16100] =	vst v63  }
0x15: {  	_ =	swait.ge [sflag:s9], $0x50  }
0x16: {  	[sflag:s9] =	ssyncset.done $0x0  }
0x17: {  	[sflag:s9] =	ssyncadd.s32 $0xFFFFFFB0  }
0x18: {  	[tilespmem:s10], [sflag:$0x1] =	stream.linear.gather [hbm4b:s6+s3], $0x2800, $0x38;
	[tilespmem:$0x16100] =	vst v63  }
0x19: {  	_ =	swait.ge [sflag:s9], $0x2800  }
0x1a: {  	[sflag:s9] =	ssyncset.done $0x0  }
0x1b: {  	[sflag:s9] =	ssyncadd.s32 $0xFFFFD800  }
0x1c: {  	[spmem:s2] =	stream.indirect.scatter.add.f32 [tilespmem:s10], [sflag:$0x1], $0x80, s3, s11, $0xb8;
	[tilespmem:$0x16100] =	vst v63  }
0x1d: {  	s14 =	simm.s32 $0xA;
	_ =	swait.ge [sflag:s9], $0x2800  }
0x1e: {  	s15 =	simm.s32 $0x14;
	s13 =	sadd.s32 $0x500, s6;
	[sflag:s9] =	ssyncset.done $0x0  }
.LBB2_2:
0x1f: {  	s16 =	sadd.s32 s14, s7  }
0x20: {  	[sflag:s9] =	ssyncadd.s32 $0xFFFFD800;
	s14 =	smov.u32 s15;
	s17 =	sadd.s32 $0xA, s15  }
0x21: {  	[tilespmem:s3], [sflag:$0x1] =	stream.linear.gather [hbm4b:s16+s3], $0x50, $0x38;
	[tilespmem:$0x16100] =	vst v63  }
0x22: {  	p1 =	sne.s32 s15, $0x4D8;
	_ =	swait.ge [sflag:s9], $0x50  }
0x23: {  	[sflag:s9] =	ssyncset.done $0x0  }
0x24: {  	[sflag:s9] =	ssyncadd.s32 $0xFFFFFFB0  }
0x25: {  	[tilespmem:s10], [sflag:$0x1] =	stream.linear.gather [hbm4b:s13+s3], $0x2800, $0x38;
	[tilespmem:$0x16100] =	vst v63  }
0x26: {  	_ =	swait.ge [sflag:s9], $0x2800  }
.Ltmp0:
0x27: {  	[sflag:s9] =	ssyncset.done $0x0;
	(pc) =	sbr.rel @p1 .LBB2_2-.Ltmp0, $4  }
0x28: {  	[sflag:s9] =	ssyncadd.s32 $0xFFFFD800  }
0x29: {  	[spmem:s2] =	stream.indirect.scatter.add.f32 [tilespmem:s10], [sflag:$0x1], $0x80, s3, s11, $0xb8;
	[tilespmem:$0x16100] =	vst v63  }
0x2a: {  	_ =	swait.ge [sflag:s9], $0x2800  }
0x2b: {  	s15 =	smov.u32 s17;
	s13 =	sadd.s32 $0x500, s13;
	[sflag:s9] =	ssyncset.done $0x0  }
0x2c: {  	s14 =	sadd.s32 s14, s7;
	[sflag:s9] =	ssyncadd.s32 $0xFFFFD800  }
0x2d: {  	[tilespmem:s3], [sflag:$0x1] =	stream.linear.gather [hbm4b:s14+s3], $0x50, $0x38;
	[tilespmem:$0x16100] =	vst v63  }
0x2e: {  	_ =	swait.ge [sflag:s9], $0x50  }
0x2f: {  	[sflag:s9] =	ssyncset.done $0x0  }
0x30: {  	[sflag:s9] =	ssyncadd.s32 $0xFFFFFFB0  }
0x31: {  	[tilespmem:s10], [sflag:$0x1] =	stream.linear.gather [hbm4b:s13+s3], $0x2800, $0x38;
	[tilespmem:$0x16100] =	vst v63  }
0x32: {  	_ =	swait.ge [sflag:s9], $0x2800  }
0x33: {  	[sflag:s9] =	ssyncset.done $0x0  }
0x34: {  	[sflag:s9] =	ssyncadd.s32 $0xFFFFD800  }
0x35: {  	[spmem:s2] =	stream.indirect.scatter.add.f32 [tilespmem:s10], [sflag:$0x1], $0x80, s3, s11, $0xb8;
	[tilespmem:$0x16100] =	vst v63  }
0x36: {  	_ =	swait.ge [sflag:s9], $0x2800  }
0x37: {  	[sflag:s9] =	ssyncset.done $0x0  }
0x38: {  	s12 =	sadd.s32 $0x1, s12;
	[sflag:s9] =	ssyncadd.s32 $0xFFFFD800  }
0x39: {  	p1 =	sne.s32 s12, s5;
	s13 =	simm.s32 @!p0 $0x1C01;
	[bflag:$0x0] =	sbarrier.arrive $0xFFFF  }
0x3a: {  	[hbm:s4], [sflag:s13] =	dma.local @!p0 [spmem:s8], $0x27100  }
.Ltmp1:
0x3b: {  	_ = 	snop;
	(pc) =	sbr.rel @p1 .LBB2_1-.Ltmp1, $4  }
0x3c: {  	s13 =	simm.s32 @!p0 $0x1  }
0x3d: {  	_ =	swait.ge @!p0 [sflag:s13], $0x27100  }
0x3e: {  	[sflag:s13] =	ssyncset.done @!p0 $0x0  }
0x3f: {  	[sflag:s13] =	ssyncadd.s32 @!p0 $0xFFFD8F00  }
0x40: {  	_ =	sfence.sel $0x180000  }
0x41: {  	[bflag:$0x0] =	sbarrier.arrive $0xFFFF  }
0x42: {  	_ =	strace $0x90000050  }
0x43: {  	s0 =	sadd.s32 @!p0 $0x100000, s1;
	[bflag:$0x2] =	sbarrier.arrive $0xFFFF  }
0x44: {  	[sflag:s0] =	ssyncadd.tile.s32 @!p0 $0x1;
	_ =	shalt  }
.Lfunc_end2:
_tile_overlayer_lowered:
.L_overlay_start_2:
0x45: {  	(tag) =	ssettag $0x2  }
0x46: {  	s0 =	rddreg [dreg:$0x0];
	s2 =	stileid.u32  }
0x47: {  	s1 =	rddreg [dreg:$0x1];
	p0 =	sne.s32 s2, $0x0  }
0x48: {  	s3 =	rddreg [dreg:$0x2];
	[bflag:$0x3] =	sbarrier.arrive $0xFFFF;
	s2 =	simm.s32 @!p0 $0x1C01  }
0x49: {  	[timem:s3], [sflag:s2] =	dma.local @!p0 [hbm:s0], s1  }
0x4a: {  	s0 =	simm.s32 @!p0 $0x1  }
0x4b: {  	_ =	swait.ge @!p0 [sflag:s0], s1  }
0x4c: {  	s1 =	ssub.s32 @!p0 $0x0, s1;
	[sflag:s0] =	ssyncset.done @!p0 $0x0  }
0x4d: {  	[sflag:s0] =	ssyncadd.s32 @!p0 s1  }
0x4e: {  	[bflag:$0x3] =	sbarrier.arrive $0xFFFF  }
0x4f: {  	_ =	shalt  }

// kernel: kernel.31.cloned.1.call-start
scs
__scs_entry_jumppad:
0x0: {  	(pc) =	sbr.rel $0x88, $3  }
0x1: {  	(tag) =	ssettag $0x0;
	lr =	simm.s32 $0x1  }
0x2: {  	[smem:$0x3F88] =	sst lr;
	_ =	strace $0xD0000000  }
0x3: {  	_ = 	snop  }
0x4: {  	_ = 	snop  }
0x5: {  	_ = 	snop  }
0x6: {  	_ = 	snop  }
0x7: {  	_ = 	snop  }
__scs_overlays_trampoline_lowered:
0x8: {  	[smem:$0x3F97] =	sst s0  }
0x9: {  	[smem:$0x3F98] =	sst s1  }
0xa: {  	[smem:$0x3F99] =	sst s2  }
0xb: {  	[smem:$0x3F9A] =	sst s3  }
0xc: {  	[smem:$0x3F9B] =	sst s4  }
0xd: {  	[smem:$0x3F9C] =	sst s5  }
0xe: {  	[smem:$0x3F9D] =	sst s6  }
0xf: {  	[smem:$0x3F9E] =	sst s7  }
0x10: {  	[smem:$0x3F9F] =	sst s8  }
0x11: {  	[smem:$0x3FA0] =	sst s9;
	s0 =	simm.s32 @!p0 $0x0  }
0x12: {  	s1 =	sld [smem:$0x3F86];
	s0 =	simm.s32 @p0 $0x1  }
0x13: {  	[smem:$0x3FA1] =	sst s0;
	s0 =	simm.s32 @!p1 $0x0  }
0x14: {  	s2 =	sld [smem:$0x3F85];
	s0 =	simm.s32 @p1 $0x1  }
0x15: {  	[smem:$0x3FA2] =	sst s0;
	s0 =	simm.s32 @!p2 $0x0  }
0x16: {  	s3 =	sld [smem:$0x3FDB];
	s0 =	simm.s32 @p2 $0x1  }
0x17: {  	s4 =	simm.s32 $0x1BF5;
	[smem:$0x3FA4] =	sst s0  }
0x18: {  	s0 =	sld [smem:$0x3F87];
	_ =	swait.ge [sflag:s4], $0x0  }
0x19: {  	s7 =	sld [smem:$0x3F88]  }
0x1a: {  	s8 =	sadd.s32 $0xFFFFE003, lr  }
0x1b: {  	s9 =	sadd.s32 $0xFFFFFEF7, lr;
	s5 =	simm.s32 $0xFFFFFFFF;
	p2 =	slt.u32 s8, $0xFFFFF086  }
0x1c: {  	p1 =	slt.u32 s9, $0xF7A;
	s5 =	simm.s32 @!p2 $0x0  }
0x1d: {  	s5 =	simm.s32 @p1 $0x1;
	p0 =	seq.s32 s7, s2  }
0x1e: {  	s7 =	smul.u32 @!p0 $0xF7A, s2;
	p2 =	seq.s32 @!p0 s5, $0x0  }
0x1f: {  	s9 =	smul.u32 $0xF7A, s1;
	s8 =	simm.s32 @!p0 $0x1BF5;
	p2 =	por !p2, p0  }
0x20: {  	[sflag:s8] =	ssyncset.s32 @!p0 $0xFFFFF086;
	s6 =	sadd.s32 @!p0 s3, s7;
	s7 =	simm.s32 @!p0 $0x108  }
0x21: {  	s3 =	sadd.s32 s3, s9;
	s6 =	sadd.s32 @!p0 $0x88, s6;
	s7 =	simm.s32 @p2 $0x1082  }
0x22: {  	[simem:s7], [sflag:s8] =	dma.local @!p0 [hbm:s6], $0xF7A  }
0x23: {  	s9 =	sor.u32 $0xD0000000, s2;
	s6 =	simm.s32 $0x108;
	_ =	swait.ge @!p0 [sflag:s8], $0x0  }
0x24: {  	s3 =	sadd.s32 $0x88, s3;
	s6 =	simm.s32 @!p1 $0x1082;
	[sflag:s4] =	ssyncset.s32 $0xFFFFF086  }
0x25: {  	[simem:s6], [sflag:s4] =	dma.local [hbm:s3], $0xF7A  }
0x26: {  	[smem:$0x3F88] =	sst s1;
	(tag) =	ssettag s2;
	_ =	strace s9  }
0x27: {  	s1 =	sld [smem:$0x3F98]  }
0x28: {  	s2 =	sld [smem:$0x3F99]  }
0x29: {  	s4 =	sld [smem:$0x3F9B]  }
0x2a: {  	p0 =	seq.s32 s5, $0x0;
	s5 =	sld [smem:$0x3F9C]  }
0x2b: {  	s6 =	sld [smem:$0x3F9D]  }
0x2c: {  	s7 =	sld [smem:$0x3F9E]  }
0x2d: {  	s3 =	simm.s32 $0x108;
	s8 =	sld [smem:$0x3F9F]  }
0x2e: {  	s3 =	simm.s32 @!p0 $0x1082;
	s9 =	sld [smem:$0x3FA0]  }
0x2f: {  	lr =	sadd.s32 s0, s3;
	s0 =	sld [smem:$0x3F97]  }
0x30: {  	s3 =	sld [smem:$0x3F9A]  }
0x31: {  	[smem:$0x3FA3] =	sst s10  }
0x32: {  	s10 =	sld [smem:$0x3FA1];
	_ =	sdelay $0x3  }
0x33: {  	p0 =	seq.s32 s10, $0x1;
	s10 =	sld [smem:$0x3FA3];
	_ =	sdelay $0x3  }
0x34: {  	[smem:$0x3FA3] =	sst s10  }
0x35: {  	s10 =	sld [smem:$0x3FA2];
	_ =	sdelay $0x3  }
0x36: {  	p1 =	seq.s32 s10, $0x1;
	s10 =	sld [smem:$0x3FA3];
	_ =	sdelay $0x3  }
0x37: {  	[smem:$0x3FA3] =	sst s10  }
0x38: {  	s10 =	sld [smem:$0x3FA4]  }
0x39: {  	_ = 	snop;
	(pc) =	sbr.ind lr, $3  }
0x3a: {  	_ = 	snop  }
0x3b: {  	_ = 	snop  }
0x3c: {  	p2 =	seq.s32 s10, $0x1;
	s10 =	sld [smem:$0x3FA3]  }
0x3d: {  	_ =	shalt  }
0x3e: {  	_ =	shalt  }
0x3f: {  	_ =	shalt  }
0x40: {  	_ =	shalt  }
0x41: {  	_ =	shalt  }
0x42: {  	_ =	shalt  }
0x43: {  	_ =	shalt  }
0x44: {  	_ =	shalt  }
0x45: {  	_ =	shalt  }
0x46: {  	_ =	shalt  }
0x47: {  	_ =	shalt  }
0x48: {  	_ =	shalt  }
0x49: {  	_ =	shalt  }
0x4a: {  	_ =	shalt  }
0x4b: {  	_ =	shalt  }
0x4c: {  	_ =	shalt  }
0x4d: {  	_ =	shalt  }
0x4e: {  	_ =	shalt  }
0x4f: {  	_ =	shalt  }
0x50: {  	_ =	shalt  }
0x51: {  	_ =	shalt  }
0x52: {  	_ =	shalt  }
0x53: {  	_ =	shalt  }
0x54: {  	_ =	shalt  }
0x55: {  	_ =	shalt  }
0x56: {  	_ =	shalt  }
0x57: {  	_ =	shalt  }
0x58: {  	_ =	shalt  }
0x59: {  	_ =	shalt  }
0x5a: {  	_ =	shalt  }
0x5b: {  	_ =	shalt  }
0x5c: {  	_ =	shalt  }
0x5d: {  	_ =	shalt  }
0x5e: {  	_ =	shalt  }
0x5f: {  	_ =	shalt  }
0x60: {  	_ =	shalt  }
0x61: {  	_ =	shalt  }
0x62: {  	_ =	shalt  }
0x63: {  	_ =	shalt  }
0x64: {  	_ =	shalt  }
0x65: {  	_ =	shalt  }
0x66: {  	_ =	shalt  }
0x67: {  	_ =	shalt  }
0x68: {  	_ =	shalt  }
0x69: {  	_ =	shalt  }
0x6a: {  	_ =	shalt  }
0x6b: {  	_ =	shalt  }
0x6c: {  	_ =	shalt  }
0x6d: {  	_ =	shalt  }
0x6e: {  	_ =	shalt  }
0x6f: {  	_ =	shalt  }
0x70: {  	_ =	shalt  }
0x71: {  	_ =	shalt  }
0x72: {  	_ =	shalt  }
0x73: {  	_ =	shalt  }
0x74: {  	_ =	shalt  }
0x75: {  	_ =	shalt  }
0x76: {  	_ =	shalt  }
0x77: {  	_ =	shalt  }
0x78: {  	_ =	shalt  }
0x79: {  	_ =	shalt  }
0x7a: {  	_ =	shalt  }
0x7b: {  	_ =	shalt  }
0x7c: {  	_ =	shalt  }
0x7d: {  	_ =	shalt  }
0x7e: {  	_ =	shalt  }
0x7f: {  	_ =	shalt  }
0x80: {  	_ =	shalt  }
0x81: {  	_ =	shalt  }
0x82: {  	_ =	shalt  }
0x83: {  	_ =	shalt  }
0x84: {  	_ =	shalt  }
0x85: {  	_ =	shalt  }
0x86: {  	_ =	shalt  }
0x87: {  	_ =	shalt  }
.Lfunc_end0:
.L_simem_size_0:
called_computation.4_lowered:
.L_overlay_start_0:
0x88: {  	s2 =	sld [smem:$0x3FD9]  }
0x89: {  	s3 =	sld [smem:$0x3FFE];
	_ =	sdelay $0x1  }
0x8a: {  	s1 =	srdreg.scid  }
0x8b: {  	s0 =	sand.u32 $0x1, s1  }
0x8c: {  	s16 =	sshll.u32 s0, $0xA;
	s2 =	sadd.s32 s3, s2  }
0x8d: {  	s2 =	sadd.s32 s2, s16  }
0x8e: {  	[smem:$0x3FAF] =	sst s2  }
0x8f: {  	_ = 	snop  }
0x90: {  	(tm) =	ssettm $0x1  }
0x91: {  	s17 =	sld [smem:$0x3FFB];
	_ =	sdelay $0x3  }
0x92: {  	_ =	strace s17  }
0x93: {  	s2 =	sld [smem:$0x3FFC];
	_ =	sdelay $0x3  }
0x94: {  	_ =	strace s2  }
0x95: {  	s2 =	sld [smem:$0x3FFD];
	_ =	sdelay $0x3  }
0x96: {  	_ =	strace s2  }
0x97: {  	_ =	strace $0x8FFFFFFF  }
0x98: {  	s18 =	sld [smem:$0x3FDB];
	_ =	sdelay $0x1  }
0x99: {  	s19 =	simm.s32 $_scs_section_size  }
0x9a: {  	s4 =	simm.s32 $_size__tile_overlayer_lowered;
	s5 =	simm.s32 $_tile_overlayer_lowered  }
0x9b: {  	s22 =	simm.s32 $0x1BFF;
	s21 =	sshll.u32 s5, $0x1;
	s2 =	sadd.s32 s19, s18  }
0x9c: {  	s6 =	simm.s32 $0x0;
	s20 =	sshll.u32 s4, $0x1;
	s4 =	sadd.s32 s21, s2  }
0x9d: {  	[timem:s6], [sflag:s22] =	dma.local [hbm:s4], s20  }
0x9e: {  	_ =	swait.ge [sflag:s22], s20  }
0x9f: {  	s3 =	ssub.s32 $0x0, s20;
	[sflag:s22] =	ssyncset.done $0x0  }
0xa0: {  	[sflag:s22] =	ssyncadd.s32 s3;
	_ =	sdelay $0x1  }
0xa1: {  	s23 =	simm.s32 $0x1B8B  }
0xa2: {  	_ =	swait.ge [sflag:s23], $0x1  }
0xa3: {  	[sflag:s23] =	ssyncset.done $0x0  }
0xa4: {  	s25 =	simm.s32 $0x1B8E;
	s24 =	sld [smem:$0x3FFE];
	[sflag:s23] =	ssyncadd.s32 $0xFFFFFFFF  }
0xa5: {  	s26 =	simm.s32 $execute0_lowered;
	[smem:$0x3FD2] =	sst s25  }
0xa6: {  	s4 =	sshll.u32 s26, $0x1;
	_ =	strace $0x80000052;
	[dreg:$0x1] =	wrdreg $0xFFFFFFFF  }
0xa7: {  	s28 =	simm.s32 $_size_execute0_lowered;
	s2 =	sadd.s32 s2, s4;
	[dreg:$0x0] =	wrdreg $0x0  }
0xa8: {  	s4 =	sshll.u32 s28, $0x1;
	[dreg:$0x2] =	wrdreg s2  }
0xa9: {  	[dreg:$0x3] =	wrdreg s4  }
0xaa: {  	[dreg:$0x4] =	wrdreg $0xC0  }
0xab: {  	_ =	task [dreg:s6], $0x5FFFF  }
0xac: {  	[dreg:$0x1] =	wrdreg $0xFFFFFFFF  }
0xad: {  	[dreg:$0x0] =	wrdreg $0x60  }
0xae: {  	[dreg:$0x2] =	wrdreg s24  }
0xaf: {  	[dreg:$0x3] =	wrdreg $0x9  }
0xb0: {  	_ =	task.clear_ibuf [dreg:s6], $0x4FFFF;
	_ =	strace $0x90000052  }
0xb1: {  	s29 =	simm.s32 $0x9;
	_ =	strace $0x80000054  }
0xb2: {  	_ =	swait.ge [sflag:s29], $0x1  }
0xb3: {  	[sflag:s29] =	ssyncadd.s32 $0xFFFFFFFF  }
0xb4: {  	_ =	strace $0x90000054  }
0xb5: {  	_ =	sfence  }
0xb6: {  	s30 =	sld [smem:$0x0];
	_ =	sdelay $0x2  }
0xb7: {  	s31 =	sshll.u32 s1, $0xD;
	s1 =	sshrl.u32 s1, $0x2  }
0xb8: {  	s3 =	sand.u32 $0x4000, s31;
	s1 =	sadd.s32 s1, s30  }
0xb9: {  	s0 =	sor.u32 s3, s0;
	s1 =	sshll.u32 s1, $0x11  }
0xba: {  	s0 =	sor.u32 s1, s0  }
0xbb: {  	s0 =	sadd.s32 $0x8F2B, s0  }
0xbc: {  	[sflag:s0] =	ssyncadd.remote.s32 $0x1  }
0xbd: {  	_ =	sfence.sel $0xFFFF  }
0xbe: {  	[dreg:$0x0] =	wrdreg $0xFFFFFFFF;
	(pc) =	sbr.abs _section_cstart, $3  }
0xbf: {  	[dreg:$0x1] =	wrdreg $0xFFFFFFFF  }
0xc0: {  	_ =	task.clear_ibuf [dreg:s6], $0x2FFFF;
	_ =	strace $0x9FFFFFFF  }
0xc1: {  	(tm) =	ssettm $0x7FFFFFFF  }
tec
execute0_lowered:
.L_overlay_start_1:
0x0: {  	(tag) =	ssettag $0x1  }
0x1: {  	s1 =	rddreg [dreg:$0x0];
	s2 =	simm.s32 $0x0  }
0x2: {  	s14 =	simm.s32 $0x900;
	[smem:$0x7FF] =	sst s2  }
0x3: {  	s15 =	simm.s32 $0x1100;
	_ =	strace $0x80000053;
	[dreg:$0x4] =	wrdreg s14  }
0x4: {  	s16 =	simm.s32 $0x1900;
	[dreg:$0x5] =	wrdreg s15  }
0x5: {  	s17 =	simm.s32 $0x2100;
	[dreg:$0x6] =	wrdreg s16  }
0x6: {  	s18 =	simm.s32 $0x2900;
	[dreg:$0x7] =	wrdreg s17  }
0x7: {  	s19 =	simm.s32 $0x3100;
	[dreg:$0x8] =	wrdreg s18  }
0x8: {  	s20 =	simm.s32 $0x3900;
	[dreg:$0x9] =	wrdreg s19  }
0x9: {  	s21 =	simm.s32 $0x4100;
	[dreg:$0xa] =	wrdreg s20  }
0xa: {  	s22 =	simm.s32 $0x4900;
	[dreg:$0xb] =	wrdreg s21  }
0xb: {  	s23 =	simm.s32 $0x5100;
	[dreg:$0xc] =	wrdreg s22  }
0xc: {  	s24 =	simm.s32 $0x5900;
	[dreg:$0xd] =	wrdreg s23  }
0xd: {  	s25 =	simm.s32 $0x6100;
	[dreg:$0xe] =	wrdreg s24  }
0xe: {  	s26 =	simm.s32 $0x6900;
	[dreg:$0xf] =	wrdreg s25  }
0xf: {  	s30 =	simm.s32 $0x7100;
	[dreg:$0x10] =	wrdreg s26  }
0x10: {  	s0 =	srdreg.scid;
	s31 =	simm.s32 $0x7900;
	[dreg:$0x11] =	wrdreg s30  }
0x11: {  	s4 =	sand.u32 $0x1, s0;
	s0 =	simm.s32 $0x8100;
	[dreg:$0x12] =	wrdreg s31  }
0x12: {  	s7 =	simm.s32 $0x9900;
	[dreg:$0x13] =	wrdreg s0  }
0x13: {  	s8 =	simm.s32 $0xA100;
	[dreg:$0x16] =	wrdreg s7  }
0x14: {  	s12 =	stileid.u32;
	s11 =	simm.s32 $0xA900;
	[dreg:$0x17] =	wrdreg s8  }
0x15: {  	s5 =	smul.u32 $0x2710, s12;
	s12 =	simm.s32 $0xB100;
	[dreg:$0x18] =	wrdreg s11  }
0x16: {  	[dreg:$0x19] =	wrdreg s12;
	s14 =	simm.s32 $0xC100  }
0x17: {  	s15 =	simm.s32 $0x80;
	[dreg:$0x1b] =	wrdreg s14  }
0x18: {  	s17 =	simm.s32 $0xD100;
	[dreg:$0x1c] =	wrdreg s15  }
0x19: {  	s18 =	simm.s32 $0xD900;
	[dreg:$0x1d] =	wrdreg s17  }
0x1a: {  	s19 =	simm.s32 $0xE100;
	[dreg:$0x1e] =	wrdreg s18  }
0x1b: {  	s28 =	simm.s32 $0x2;
	s7 =	simm.s32 $0xE900;
	[dreg:$0x1f] =	wrdreg s19  }
0x1c: {  	s29 =	simm.s32 $0x0;
	s12 =	simm.s32 $0xF100;
	[smem:$0x7F3] =	sst s7  }
0x1d: {  	s13 =	sadd.s32 $0x5800, s1;
	s20 =	simm.s32 $0xF900;
	[smem:$0x7F4] =	sst s12  }
0x1e: {  	s3 =	smul.u32 $0x27100, s4;
	s22 =	simm.s32 $0x10100;
	[smem:$0x7F6] =	sst s20  }
0x1f: {  	s11 =	sadd.s32 $0x1C7000, s1;
	s23 =	simm.s32 $0x10900;
	[smem:$0x7F7] =	sst s22  }
0x20: {  	s4 =	ssub.s32 $0x2, s4;
	s24 =	simm.s32 $0x11100;
	[smem:$0x7F8] =	sst s23  }
0x21: {  	s26 =	simm.s32 $0x11900;
	s30 =	simm.s32 $0x12100;
	[smem:$0x7FA] =	sst s24  }
0x22: {  	s31 =	simm.s32 $0x12900;
	s16 =	sshrl.u32 s4, $0x1;
	[smem:$0x7FB] =	sst s26  }
0x23: {  	s7 =	sadd.s32 $0x19800, s1;
	[smem:$0x7FC] =	sst s30;
	s12 =	simm.s32 $0x100  }
0x24: {  	[smem:$0x7FD] =	sst s31;
	s14 =	simm.s32 $0x13100;
	s15 =	simm.s32 $0x13900  }
0x25: {  	s17 =	simm.s32 $0x14900;
	s18 =	simm.s32 $0x15100;
	s19 =	simm.s32 $0x15900  }
0x26: {  	s20 =	simm.s32 $0x16100;
	s22 =	simm.s32 $0x17100;
	s23 =	simm.s32 $0x17900  }
0x27: {  	s24 =	simm.s32 $0x18100;
	s26 =	simm.s32 $0x1;
	s3 =	sadd.s32 s5, s3  }
0x28: {  	s5 =	simm.s32 $0x8900;
	s8 =	ssub.s32 s4, s16;
	s4 =	sadd.s32 $0x19500, s1  }
0x29: {  	s16 =	simm.s32 $0x14100;
	s9 =	sshrl.u32 s3, $0x3;
	s3 =	sadd.s32 $0x28, s3  }
0x2a: {  	[dreg:$0x14] =	wrdreg s5;
	s5 =	sadd.s32 $0x19600, s1;
	s21 =	smax.u32 s8, $0x1  }
0x2b: {  	s6 =	sadd.s32 s9, s13;
	s10 =	sshrl.u32 s3, $0x3;
	[smem:$0x7F5] =	sst s21  }
0x2c: {  	s9 =	smul.u32 $0x500, s9;
	[dreg:$0x2] =	wrdreg s6;
	s3 =	sadd.s32 s10, s13  }
0x2d: {  	s21 =	simm.s32 $0x16900;
	s6 =	simm.s32 $0x9100;
	[dreg:$0x3] =	wrdreg s3  }
0x2e: {  	s13 =	simm.s32 $0xB900;
	s10 =	smul.u32 $0x500, s10;
	[dreg:$0x15] =	wrdreg s6  }
0x2f: {  	v2 =	vlaneseq.u32;
	s3 =	sadd.s32 $0x19400, s1;
	[dreg:$0x1a] =	wrdreg s13;
	s25 =	sadd.s32 s9, s11  }
0x30: {  	vm0 =	vmmov $0xffff;
	v1 =	vshrl.u32 v2, $0x3;
	s6 =	sadd.s32 $0x19700, s1;
	s13 =	simm.s32 $0xC900;
	[smem:$0x7F9] =	sst s25  }
0x31: {  	v0 =	vand.u32 $0x7, v2;
	v2 =	vor.u32 $0x8, v2;
	v1 =	vmul.u32 $0x8, v1;
	s10 =	sadd.s32 s10, s11;
	s11 =	simm.s32 $0x3;
	s25 =	simm.s32 $0x18900  }
.LBB2_1:
0x32: {  	s30 =	smov.u32 s10;
	s31 =	sld [smem:$0x7F9];
	s1 =	simm.s32 $0x0  }
.LBB2_2:
0x33: {  	s0 =	rddreg [dreg:$0x2]  }
0x34: {  	s0 =	sadd.s32 s1, s0  }
0x35: {  	[tilespmem:s2], [sflag:$0x3] =	stream.linear.gather [hbm4b:s0+s2], $0x28, $0x38;
	[tilespmem:$0x19100] =	vst v63  }
0x36: {  	_ =	swait.ge [sflag:s11], $0x28  }
0x37: {  	[sflag:s11] =	ssyncset.done $0x0  }
0x38: {  	[sflag:s11] =	ssyncadd.s32 $0xFFFFFFD8  }
0x39: {  	v3 =	vld [tilespmem:$0x0];
	_ =	sdelay $0x4  }
0x3a: {  	v4 =	vshrl.u32 v3, $0x3  }
0x3b: {  	v4 =	vmul.u32 $0x50, v4  }
0x3c: {  	v3 =	vand.u32 $0x7, v3  }
0x3d: {  	v3 =	vor.u32 v3, v4  }
0x3e: {  	v4 =	vperm.xlane v3, v0;
	_ =	sdelay $0x1  }
0x3f: {  	v4 =	vadd.s32 v1, v4;
	_ =	sdelay $0x4  }
0x40: {  	[tilespmem:s12], [sflag:$0x1] =	stream.indirect_vreg.gather [hbm4b:s3+s2], $0x80, v4, vm0, $0xb8;
	[tilespmem:$0x19100] =	vst v63  }
0x41: {  	s9 =	rddreg [dreg:$0x4]  }
0x42: {  	[tilespmem:s9], [sflag:$0x1] =	stream.indirect_vreg.gather [hbm4b:s4+s2], $0x80, v4, vm0, $0xb8;
	[tilespmem:$0x19100] =	vst v63  }
0x43: {  	s8 =	rddreg [dreg:$0x5];
	v3 =	vperm.xlane v3, v2  }
0x44: {  	[tilespmem:s8], [sflag:$0x1] =	stream.indirect_vreg.gather [hbm4b:s5+s2], $0x80, v4, vm0, $0xb8;
	[tilespmem:$0x19100] =	vst v63  }
0x45: {  	v3 =	vadd.s32 v1, v3;
	s9 =	rddreg [dreg:$0x6]  }
0x46: {  	[tilespmem:s9], [sflag:$0x1] =	stream.indirect_vreg.gather [hbm4b:s6+s2], $0x80, v4, vm0, $0xb8;
	[tilespmem:$0x19100] =	vst v63  }
0x47: {  	s8 =	rddreg [dreg:$0x7]  }
0x48: {  	[tilespmem:s8], [sflag:$0x1] =	stream.indirect_vreg.gather [hbm4b:s7+s2], $0x80, v4, vm0, $0xb8;
	[tilespmem:$0x19100] =	vst v63  }
0x49: {  	s9 =	rddreg [dreg:$0x8]  }
0x4a: {  	[tilespmem:s9], [sflag:$0x1] =	stream.indirect_vreg.gather [hbm4b:s3+s2], $0x80, v3, vm0, $0xb8;
	[tilespmem:$0x19100] =	vst v63  }
0x4b: {  	s8 =	rddreg [dreg:$0x9]  }
0x4c: {  	[tilespmem:s8], [sflag:$0x1] =	stream.indirect_vreg.gather [hbm4b:s4+s2], $0x80, v3, vm0, $0xb8;
	[tilespmem:$0x19100] =	vst v63  }
0x4d: {  	s9 =	rddreg [dreg:$0xa]  }
0x4e: {  	[tilespmem:s9], [sflag:$0x1] =	stream.indirect_vreg.gather [hbm4b:s5+s2], $0x80, v3, vm0, $0xb8;
	[tilespmem:$0x19100] =	vst v63  }
0x4f: {  	s8 =	rddreg [dreg:$0xb]  }
0x50: {  	[tilespmem:s8], [sflag:$0x1] =	stream.indirect_vreg.gather [hbm4b:s6+s2], $0x80, v3, vm0, $0xb8;
	[tilespmem:$0x19100] =	vst v63  }
0x51: {  	s9 =	rddreg [dreg:$0xc]  }
0x52: {  	[tilespmem:s9], [sflag:$0x1] =	stream.indirect_vreg.gather [hbm4b:s7+s2], $0x80, v3, vm0, $0xb8;
	[tilespmem:$0x19100] =	vst v63  }
0x53: {  	v3 =	vld [tilespmem:$0x10];
	_ =	sdelay $0x4  }
0x54: {  	v59 =	vshrl.u32 v3, $0x3  }
0x55: {  	v4 =	vmul.u32 $0x50, v59  }
0x56: {  	v3 =	vand.u32 $0x7, v3  }
0x57: {  	v3 =	vor.u32 v3, v4  }
0x58: {  	v4 =	vperm.xlane v3, v0;
	_ =	sdelay $0x1  }
0x59: {  	v4 =	vadd.s32 v1, v4;
	_ =	sdelay $0x3  }
0x5a: {  	s8 =	rddreg [dreg:$0xd]  }
0x5b: {  	[tilespmem:s8], [sflag:$0x1] =	stream.indirect_vreg.gather [hbm4b:s3+s2], $0x80, v4, vm0, $0xb8;
	[tilespmem:$0x19100] =	vst v63  }
0x5c: {  	s9 =	rddreg [dreg:$0xe]  }
0x5d: {  	[tilespmem:s9], [sflag:$0x1] =	stream.indirect_vreg.gather [hbm4b:s4+s2], $0x80, v4, vm0, $0xb8;
	[tilespmem:$0x19100] =	vst v63  }
0x5e: {  	s0 =	rddreg [dreg:$0xf];
	v3 =	vperm.xlane v3, v2  }
0x5f: {  	[tilespmem:s0], [sflag:$0x1] =	stream.indirect_vreg.gather [hbm4b:s5+s2], $0x80, v4, vm0, $0xb8;
	[tilespmem:$0x19100] =	vst v63  }
0x60: {  	v3 =	vadd.s32 v1, v3;
	s9 =	rddreg [dreg:$0x10]  }
0x61: {  	[tilespmem:s9], [sflag:$0x1] =	stream.indirect_vreg.gather [hbm4b:s6+s2], $0x80, v4, vm0, $0xb8;
	[tilespmem:$0x19100] =	vst v63  }
0x62: {  	s0 =	rddreg [dreg:$0x11]  }
0x63: {  	[tilespmem:s0], [sflag:$0x1] =	stream.indirect_vreg.gather [hbm4b:s7+s2], $0x80, v4, vm0, $0xb8;
	[tilespmem:$0x19100] =	vst v63  }
0x64: {  	s9 =	rddreg [dreg:$0x12]  }
0x65: {  	[tilespmem:s9], [sflag:$0x1] =	stream.indirect_vreg.gather [hbm4b:s3+s2], $0x80, v3, vm0, $0xb8;
	[tilespmem:$0x19100] =	vst v63  }
0x66: {  	s0 =	rddreg [dreg:$0x13]  }
0x67: {  	[tilespmem:s0], [sflag:$0x1] =	stream.indirect_vreg.gather [hbm4b:s4+s2], $0x80, v3, vm0, $0xb8;
	[tilespmem:$0x19100] =	vst v63  }
0x68: {  	s9 =	rddreg [dreg:$0x14]  }
0x69: {  	[tilespmem:s9], [sflag:$0x1] =	stream.indirect_vreg.gather [hbm4b:s5+s2], $0x80, v3, vm0, $0xb8;
	[tilespmem:$0x19100] =	vst v63  }
0x6a: {  	s0 =	rddreg [dreg:$0x15]  }
0x6b: {  	[tilespmem:s0], [sflag:$0x1] =	stream.indirect_vreg.gather [hbm4b:s6+s2], $0x80, v3, vm0, $0xb8;
	[tilespmem:$0x19100] =	vst v63  }
0x6c: {  	s9 =	rddreg [dreg:$0x16]  }
0x6d: {  	[tilespmem:s9], [sflag:$0x1] =	stream.indirect_vreg.gather [hbm4b:s7+s2], $0x80, v3, vm0, $0xb8;
	[tilespmem:$0x19100] =	vst v63  }
0x6e: {  	v3 =	vld.msk [tilespmem:$0x20], $0xff;
	_ =	sdelay $0x4  }
0x6f: {  	v60 =	vshrl.u32 v3, $0x3  }
0x70: {  	v4 =	vmul.u32 $0x50, v60  }
0x71: {  	v3 =	vand.u32 $0x7, v3  }
0x72: {  	v3 =	vor.u32 v3, v4  }
0x73: {  	v3 =	vperm.xlane v3, v0;
	_ =	sdelay $0x1  }
0x74: {  	v3 =	vadd.s32 v1, v3;
	_ =	sdelay $0x2  }
0x75: {  	s8 =	rddreg [dreg:$0x17]  }
0x76: {  	s0 =	rddreg [dreg:$0x19]  }
0x77: {  	[tilespmem:s8], [sflag:$0x1] =	stream.indirect_vreg.gather [hbm4b:s3+s2], $0x80, v3, vm0, $0xb8;
	[tilespmem:$0x19100] =	vst v63  }
0x78: {  	s9 =	rddreg [dreg:$0x18]  }
0x79: {  	[tilespmem:s9], [sflag:$0x1] =	stream.indirect_vreg.gather [hbm4b:s4+s2], $0x80, v3, vm0, $0xb8;
	[tilespmem:$0x19100] =	vst v63  }
0x7a: {  	s8 =	rddreg [dreg:$0x3]  }
0x7b: {  	[tilespmem:s0], [sflag:$0x1] =	stream.indirect_vreg.gather [hbm4b:s5+s2], $0x80, v3, vm0, $0xb8;
	[tilespmem:$0x19100] =	vst v63  }
0x7c: {  	s9 =	rddreg [dreg:$0x1a]  }
0x7d: {  	[tilespmem:s9], [sflag:$0x1] =	stream.indirect_vreg.gather [hbm4b:s6+s2], $0x80, v3, vm0, $0xb8;
	[tilespmem:$0x19100] =	vst v63  }
0x7e: {  	s0 =	rddreg [dreg:$0x1b]  }
0x7f: {  	[tilespmem:s0], [sflag:$0x1] =	stream.indirect_vreg.gather [hbm4b:s7+s2], $0x80, v3, vm0, $0xb8;
	[tilespmem:$0x19100] =	vst v63  }
0x80: {  	s8 =	sadd.s32 s1, s8;
	s9 =	rddreg [dreg:$0x1c]  }
0x81: {  	[tilespmem:s9], [sflag:$0x3] =	stream.linear.gather [hbm4b:s8+s2], $0x28, $0x38;
	[tilespmem:$0x19100] =	vst v63  }
0x82: {  	_ =	swait.ge [sflag:s11], $0x28  }
0x83: {  	[sflag:s11] =	ssyncset.done $0x0  }
0x84: {  	[sflag:s11] =	ssyncadd.s32 $0xFFFFFFD8  }
0x85: {  	v3 =	vld [tilespmem:$0x80];
	_ =	sdelay $0x4  }
0x86: {  	v61 =	vshrl.u32 v3, $0x3  }
0x87: {  	v4 =	vmul.u32 $0x50, v61  }
0x88: {  	v3 =	vand.u32 $0x7, v3  }
0x89: {  	v3 =	vor.u32 v3, v4  }
0x8a: {  	v4 =	vperm.xlane v3, v0;
	_ =	sdelay $0x1  }
0x8b: {  	v4 =	vadd.s32 v1, v4;
	_ =	sdelay $0x3  }
0x8c: {  	s9 =	rddreg [dreg:$0x1d]  }
0x8d: {  	[tilespmem:s13], [sflag:$0x2] =	stream.indirect_vreg.gather [hbm4b:s3+s2], $0x80, v4, vm0, $0xb8;
	[tilespmem:$0x19100] =	vst v63  }
0x8e: {  	s8 =	rddreg [dreg:$0x1e]  }
0x8f: {  	[tilespmem:s9], [sflag:$0x2] =	stream.indirect_vreg.gather [hbm4b:s4+s2], $0x80, v4, vm0, $0xb8;
	[tilespmem:$0x19100] =	vst v63  }
0x90: {  	v3 =	vperm.xlane v3, v2;
	s9 =	rddreg [dreg:$0x1f]  }
0x91: {  	[tilespmem:s8], [sflag:$0x2] =	stream.indirect_vreg.gather [hbm4b:s5+s2], $0x80, v4, vm0, $0xb8;
	[tilespmem:$0x19100] =	vst v63  }
0x92: {  	v3 =	vadd.s32 v1, v3;
	s8 =	sld [smem:$0x7F3]  }
0x93: {  	[tilespmem:s9], [sflag:$0x2] =	stream.indirect_vreg.gather [hbm4b:s6+s2], $0x80, v4, vm0, $0xb8;
	[tilespmem:$0x19100] =	vst v63  }
0x94: {  	s9 =	sld [smem:$0x7F4]  }
0x95: {  	[tilespmem:s8], [sflag:$0x2] =	stream.indirect_vreg.gather [hbm4b:s7+s2], $0x80, v4, vm0, $0xb8;
	[tilespmem:$0x19100] =	vst v63  }
0x96: {  	s8 =	sld [smem:$0x7F6]  }
0x97: {  	[tilespmem:s9], [sflag:$0x2] =	stream.indirect_vreg.gather [hbm4b:s3+s2], $0x80, v3, vm0, $0xb8;
	[tilespmem:$0x19100] =	vst v63  }
0x98: {  	s9 =	sld [smem:$0x7F7]  }
0x99: {  	[tilespmem:s8], [sflag:$0x2] =	stream.indirect_vreg.gather [hbm4b:s4+s2], $0x80, v3, vm0, $0xb8;
	[tilespmem:$0x19100] =	vst v63  }
0x9a: {  	s8 =	sld [smem:$0x7F8]  }
0x9b: {  	[tilespmem:s9], [sflag:$0x2] =	stream.indirect_vreg.gather [hbm4b:s5+s2], $0x80, v3, vm0, $0xb8;
	[tilespmem:$0x19100] =	vst v63  }
0x9c: {  	s9 =	sld [smem:$0x7FA]  }
0x9d: {  	[tilespmem:s8], [sflag:$0x2] =	stream.indirect_vreg.gather [hbm4b:s6+s2], $0x80, v3, vm0, $0xb8;
	[tilespmem:$0x19100] =	vst v63  }
0x9e: {  	_ = 	snop  }
0x9f: {  	[tilespmem:s9], [sflag:$0x2] =	stream.indirect_vreg.gather [hbm4b:s7+s2], $0x80, v3, vm0, $0xb8;
	[tilespmem:$0x19100] =	vst v63  }
0xa0: {  	v3 =	vld [tilespmem:$0x90];
	_ =	sdelay $0x4  }
0xa1: {  	v62 =	vshrl.u32 v3, $0x3  }
0xa2: {  	v4 =	vmul.u32 $0x50, v62  }
0xa3: {  	v3 =	vand.u32 $0x7, v3  }
0xa4: {  	v3 =	vor.u32 v3, v4  }
0xa5: {  	v4 =	vperm.xlane v3, v0;
	_ =	sdelay $0x1  }
0xa6: {  	v4 =	vadd.s32 v1, v4;
	_ =	sdelay $0x1  }
0xa7: {  	s9 =	sld [smem:$0x7FB];
	_ =	sdelay $0x1  }
0xa8: {  	s8 =	sld [smem:$0x7FC]  }
0xa9: {  	[tilespmem:s9], [sflag:$0x2] =	stream.indirect_vreg.gather [hbm4b:s3+s2], $0x80, v4, vm0, $0xb8;
	[tilespmem:$0x19100] =	vst v63  }
0xaa: {  	s9 =	sld [smem:$0x7FD]  }
0xab: {  	[tilespmem:s8], [sflag:$0x2] =	stream.indirect_vreg.gather [hbm4b:s4+s2], $0x80, v4, vm0, $0xb8;
	[tilespmem:$0x19100] =	vst v63  }
0xac: {  	v3 =	vperm.xlane v3, v2  }
0xad: {  	[tilespmem:s9], [sflag:$0x2] =	stream.indirect_vreg.gather [hbm4b:s5+s2], $0x80, v4, vm0, $0xb8;
	[tilespmem:$0x19100] =	vst v63  }
0xae: {  	v3 =	vadd.s32 v1, v3  }
0xaf: {  	[tilespmem:s14], [sflag:$0x2] =	stream.indirect_vreg.gather [hbm4b:s6+s2], $0x80, v4, vm0, $0xb8;
	[tilespmem:$0x19100] =	vst v63  }
0xb0: {  	_ = 	snop  }
0xb1: {  	[tilespmem:s15], [sflag:$0x2] =	stream.indirect_vreg.gather [hbm4b:s7+s2], $0x80, v4, vm0, $0xb8;
	[tilespmem:$0x19100] =	vst v63  }
0xb2: {  	_ = 	snop  }
0xb3: {  	[tilespmem:s16], [sflag:$0x2] =	stream.indirect_vreg.gather [hbm4b:s3+s2], $0x80, v3, vm0, $0xb8;
	[tilespmem:$0x19100] =	vst v63  }
0xb4: {  	_ = 	snop  }
0xb5: {  	[tilespmem:s17], [sflag:$0x2] =	stream.indirect_vreg.gather [hbm4b:s4+s2], $0x80, v3, vm0, $0xb8;
	[tilespmem:$0x19100] =	vst v63  }
0xb6: {  	_ = 	snop  }
0xb7: {  	[tilespmem:s18], [sflag:$0x2] =	stream.indirect_vreg.gather [hbm4b:s5+s2], $0x80, v3, vm0, $0xb8;
	[tilespmem:$0x19100] =	vst v63  }
0xb8: {  	_ = 	snop  }
0xb9: {  	[tilespmem:s19], [sflag:$0x2] =	stream.indirect_vreg.gather [hbm4b:s6+s2], $0x80, v3, vm0, $0xb8;
	[tilespmem:$0x19100] =	vst v63  }
0xba: {  	_ = 	snop  }
0xbb: {  	[tilespmem:s20], [sflag:$0x2] =	stream.indirect_vreg.gather [hbm4b:s7+s2], $0x80, v3, vm0, $0xb8;
	[tilespmem:$0x19100] =	vst v63  }
0xbc: {  	v3 =	vld.msk [tilespmem:$0xA0], $0xff;
	_ =	sdelay $0x4  }
0xbd: {  	v63 =	vshrl.u32 v3, $0x3  }
0xbe: {  	v4 =	vmul.u32 $0x50, v63  }
0xbf: {  	v3 =	vand.u32 $0x7, v3  }
0xc0: {  	v3 =	vor.u32 v3, v4  }
0xc1: {  	v3 =	vperm.xlane v3, v0;
	_ =	sdelay $0x1  }
0xc2: {  	v3 =	vadd.s32 v1, v3;
	_ =	sdelay $0x4  }
0xc3: {  	[tilespmem:s21], [sflag:$0x2] =	stream.indirect_vreg.gather [hbm4b:s3+s2], $0x80, v3, vm0, $0xb8;
	[tilespmem:$0x19100] =	vst v63  }
0xc4: {  	_ = 	snop  }
0xc5: {  	[tilespmem:s22], [sflag:$0x2] =	stream.indirect_vreg.gather [hbm4b:s4+s2], $0x80, v3, vm0, $0xb8;
	[tilespmem:$0x19100] =	vst v63  }
0xc6: {  	_ = 	snop  }
0xc7: {  	[tilespmem:s23], [sflag:$0x2] =	stream.indirect_vreg.gather [hbm4b:s5+s2], $0x80, v3, vm0, $0xb8;
	[tilespmem:$0x19100] =	vst v63  }
0xc8: {  	_ = 	snop  }
0xc9: {  	[tilespmem:s24], [sflag:$0x2] =	stream.indirect_vreg.gather [hbm4b:s6+s2], $0x80, v3, vm0, $0xb8;
	[tilespmem:$0x19100] =	vst v63  }
0xca: {  	_ = 	snop  }
0xcb: {  	[tilespmem:s25], [sflag:$0x2] =	stream.indirect_vreg.gather [hbm4b:s7+s2], $0x80, v3, vm0, $0xb8;
	[tilespmem:$0x19100] =	vst v63  }
0xcc: {  	_ =	swait.ge [sflag:s26], $0xC800  }
0xcd: {  	[sflag:s26] =	ssyncset.done $0x0  }
0xce: {  	[sflag:s26] =	ssyncadd.s32 $0xFFFF3800  }
0xcf: {  	[hbm4b:s31+s2] =	stream.linear.scatter [tilespmem:s12], [sflag:$0x3], $0xC800, $0x38;
	[tilespmem:$0x19100] =	vst v63  }
0xd0: {  	_ =	swait.ge [sflag:s11], $0xC800  }
0xd1: {  	[sflag:s11] =	ssyncset.done $0x0  }
0xd2: {  	[sflag:s11] =	ssyncadd.s32 $0xFFFF3800  }
0xd3: {  	_ =	swait.ge [sflag:s28], $0xC800  }
0xd4: {  	p0 =	sne.s32 s1, $0x4D8;
	[sflag:s28] =	ssyncset.done $0x0  }
.Ltmp0:
0xd5: {  	[sflag:s28] =	ssyncadd.s32 $0xFFFF3800;
	(pc) =	sbr.rel @p0 .LBB2_2-.Ltmp0, $4  }
0xd6: {  	[hbm4b:s30+s2] =	stream.linear.scatter [tilespmem:s13], [sflag:$0x3], $0xC800, $0x38;
	[tilespmem:$0x19100] =	vst v63  }
0xd7: {  	_ =	swait.ge [sflag:s11], $0xC800  }
0xd8: {  	s1 =	sadd.s32 $0xA, s1;
	[sflag:s11] =	ssyncset.done $0x0  }
0xd9: {  	s31 =	sadd.s32 $0x3200, s31;
	s30 =	sadd.s32 $0x3200, s30;
	[sflag:s11] =	ssyncadd.s32 $0xFFFF3800  }
0xda: {  	s0 =	sld [smem:$0x7F5];
	_ =	sdelay $0x1  }
0xdb: {  	s29 =	sadd.s32 $0x1, s29  }
0xdc: {  	p0 =	sne.s32 s29, s0  }
.Ltmp1:
0xdd: {  	_ = 	snop;
	(pc) =	sbr.rel @p0 .LBB2_1-.Ltmp1, $1  }
0xde: {  	_ =	sdelay $0x3  }
0xdf: {  	_ =	sfence.sel $0x180000  }
0xe0: {  	[bflag:$0x0] =	sbarrier.arrive $0xFFFF  }
0xe1: {  	_ =	strace $0x90000053  }
0xe2: {  	s0 =	stileid.u32;
	[bflag:$0x2] =	sbarrier.arrive $0xFFFF  }
0xe3: {  	p0 =	sne.s32 s0, $0x0;
	s0 =	rddreg [dreg:$0x1]  }
0xe4: {  	s0 =	sadd.s32 @!p0 $0x100000, s0  }
0xe5: {  	[sflag:s0] =	ssyncadd.tile.s32 @!p0 $0x1;
	_ =	shalt  }
.Lfunc_end2:
_tile_overlayer_lowered:
.L_overlay_start_2:
0xe6: {  	(tag) =	ssettag $0x2  }
0xe7: {  	s0 =	rddreg [dreg:$0x0];
	s2 =	stileid.u32  }
0xe8: {  	s1 =	rddreg [dreg:$0x1];
	p0 =	sne.s32 s2, $0x0  }
0xe9: {  	s3 =	rddreg [dreg:$0x2];
	[bflag:$0x3] =	sbarrier.arrive $0xFFFF;
	s2 =	simm.s32 @!p0 $0x1C03  }
0xea: {  	[timem:s3], [sflag:s2] =	dma.local @!p0 [hbm:s0], s1  }
0xeb: {  	s0 =	simm.s32 @!p0 $0x3  }
0xec: {  	_ =	swait.ge @!p0 [sflag:s0], s1  }
0xed: {  	s1 =	ssub.s32 @!p0 $0x0, s1;
	[sflag:s0] =	ssyncset.done @!p0 $0x0  }
0xee: {  	[sflag:s0] =	ssyncadd.s32 @!p0 s1  }
0xef: {  	[bflag:$0x3] =	sbarrier.arrive $0xFFFF  }
0xf0: {  	_ =	shalt  }

// kernel: kernel.34.cloned.1.call-start
scs
__scs_entry_jumppad:
0x0: {  	(pc) =	sbr.rel $0x88, $3  }
0x1: {  	(tag) =	ssettag $0x0;
	lr =	simm.s32 $0x1  }
0x2: {  	[smem:$0x3F88] =	sst lr;
	_ =	strace $0xD0000000  }
0x3: {  	_ = 	snop  }
0x4: {  	_ = 	snop  }
0x5: {  	_ = 	snop  }
0x6: {  	_ = 	snop  }
0x7: {  	_ = 	snop  }
__scs_overlays_trampoline_lowered:
0x8: {  	[smem:$0x3F97] =	sst s0  }
0x9: {  	[smem:$0x3F98] =	sst s1  }
0xa: {  	[smem:$0x3F99] =	sst s2  }
0xb: {  	[smem:$0x3F9A] =	sst s3  }
0xc: {  	[smem:$0x3F9B] =	sst s4  }
0xd: {  	[smem:$0x3F9C] =	sst s5  }
0xe: {  	[smem:$0x3F9D] =	sst s6  }
0xf: {  	[smem:$0x3F9E] =	sst s7  }
0x10: {  	[smem:$0x3F9F] =	sst s8  }
0x11: {  	[smem:$0x3FA0] =	sst s9;
	s0 =	simm.s32 @!p0 $0x0  }
0x12: {  	s1 =	sld [smem:$0x3F86];
	s0 =	simm.s32 @p0 $0x1  }
0x13: {  	[smem:$0x3FA1] =	sst s0;
	s0 =	simm.s32 @!p1 $0x0  }
0x14: {  	s2 =	sld [smem:$0x3F85];
	s0 =	simm.s32 @p1 $0x1  }
0x15: {  	[smem:$0x3FA2] =	sst s0;
	s0 =	simm.s32 @!p2 $0x0  }
0x16: {  	s3 =	sld [smem:$0x3FDB];
	s0 =	simm.s32 @p2 $0x1  }
0x17: {  	s4 =	simm.s32 $0x1BF5;
	[smem:$0x3FA4] =	sst s0  }
0x18: {  	s0 =	sld [smem:$0x3F87];
	_ =	swait.ge [sflag:s4], $0x0  }
0x19: {  	s7 =	sld [smem:$0x3F88]  }
0x1a: {  	s8 =	sadd.s32 $0xFFFFE003, lr  }
0x1b: {  	s9 =	sadd.s32 $0xFFFFFEF7, lr;
	s5 =	simm.s32 $0xFFFFFFFF;
	p2 =	slt.u32 s8, $0xFFFFF086  }
0x1c: {  	p1 =	slt.u32 s9, $0xF7A;
	s5 =	simm.s32 @!p2 $0x0  }
0x1d: {  	s5 =	simm.s32 @p1 $0x1;
	p0 =	seq.s32 s7, s2  }
0x1e: {  	s7 =	smul.u32 @!p0 $0xF7A, s2;
	p2 =	seq.s32 @!p0 s5, $0x0  }
0x1f: {  	s9 =	smul.u32 $0xF7A, s1;
	s8 =	simm.s32 @!p0 $0x1BF5;
	p2 =	por !p2, p0  }
0x20: {  	[sflag:s8] =	ssyncset.s32 @!p0 $0xFFFFF086;
	s6 =	sadd.s32 @!p0 s3, s7;
	s7 =	simm.s32 @!p0 $0x108  }
0x21: {  	s3 =	sadd.s32 s3, s9;
	s6 =	sadd.s32 @!p0 $0x88, s6;
	s7 =	simm.s32 @p2 $0x1082  }
0x22: {  	[simem:s7], [sflag:s8] =	dma.local @!p0 [hbm:s6], $0xF7A  }
0x23: {  	s9 =	sor.u32 $0xD0000000, s2;
	s6 =	simm.s32 $0x108;
	_ =	swait.ge @!p0 [sflag:s8], $0x0  }
0x24: {  	s3 =	sadd.s32 $0x88, s3;
	s6 =	simm.s32 @!p1 $0x1082;
	[sflag:s4] =	ssyncset.s32 $0xFFFFF086  }
0x25: {  	[simem:s6], [sflag:s4] =	dma.local [hbm:s3], $0xF7A  }
0x26: {  	[smem:$0x3F88] =	sst s1;
	(tag) =	ssettag s2;
	_ =	strace s9  }
0x27: {  	s1 =	sld [smem:$0x3F98]  }
0x28: {  	s2 =	sld [smem:$0x3F99]  }
0x29: {  	s4 =	sld [smem:$0x3F9B]  }
0x2a: {  	p0 =	seq.s32 s5, $0x0;
	s5 =	sld [smem:$0x3F9C]  }
0x2b: {  	s6 =	sld [smem:$0x3F9D]  }
0x2c: {  	s7 =	sld [smem:$0x3F9E]  }
0x2d: {  	s3 =	simm.s32 $0x108;
	s8 =	sld [smem:$0x3F9F]  }
0x2e: {  	s3 =	simm.s32 @!p0 $0x1082;
	s9 =	sld [smem:$0x3FA0]  }
0x2f: {  	lr =	sadd.s32 s0, s3;
	s0 =	sld [smem:$0x3F97]  }
0x30: {  	s3 =	sld [smem:$0x3F9A]  }
0x31: {  	[smem:$0x3FA3] =	sst s10  }
0x32: {  	s10 =	sld [smem:$0x3FA1];
	_ =	sdelay $0x3  }
0x33: {  	p0 =	seq.s32 s10, $0x1;
	s10 =	sld [smem:$0x3FA3];
	_ =	sdelay $0x3  }
0x34: {  	[smem:$0x3FA3] =	sst s10  }
0x35: {  	s10 =	sld [smem:$0x3FA2];
	_ =	sdelay $0x3  }
0x36: {  	p1 =	seq.s32 s10, $0x1;
	s10 =	sld [smem:$0x3FA3];
	_ =	sdelay $0x3  }
0x37: {  	[smem:$0x3FA3] =	sst s10  }
0x38: {  	s10 =	sld [smem:$0x3FA4]  }
0x39: {  	_ = 	snop;
	(pc) =	sbr.ind lr, $3  }
0x3a: {  	_ = 	snop  }
0x3b: {  	_ = 	snop  }
0x3c: {  	p2 =	seq.s32 s10, $0x1;
	s10 =	sld [smem:$0x3FA3]  }
0x3d: {  	_ =	shalt  }
0x3e: {  	_ =	shalt  }
0x3f: {  	_ =	shalt  }
0x40: {  	_ =	shalt  }
0x41: {  	_ =	shalt  }
0x42: {  	_ =	shalt  }
0x43: {  	_ =	shalt  }
0x44: {  	_ =	shalt  }
0x45: {  	_ =	shalt  }
0x46: {  	_ =	shalt  }
0x47: {  	_ =	shalt  }
0x48: {  	_ =	shalt  }
0x49: {  	_ =	shalt  }
0x4a: {  	_ =	shalt  }
0x4b: {  	_ =	shalt  }
0x4c: {  	_ =	shalt  }
0x4d: {  	_ =	shalt  }
0x4e: {  	_ =	shalt  }
0x4f: {  	_ =	shalt  }
0x50: {  	_ =	shalt  }
0x51: {  	_ =	shalt  }
0x52: {  	_ =	shalt  }
0x53: {  	_ =	shalt  }
0x54: {  	_ =	shalt  }
0x55: {  	_ =	shalt  }
0x56: {  	_ =	shalt  }
0x57: {  	_ =	shalt  }
0x58: {  	_ =	shalt  }
0x59: {  	_ =	shalt  }
0x5a: {  	_ =	shalt  }
0x5b: {  	_ =	shalt  }
0x5c: {  	_ =	shalt  }
0x5d: {  	_ =	shalt  }
0x5e: {  	_ =	shalt  }
0x5f: {  	_ =	shalt  }
0x60: {  	_ =	shalt  }
0x61: {  	_ =	shalt  }
0x62: {  	_ =	shalt  }
0x63: {  	_ =	shalt  }
0x64: {  	_ =	shalt  }
0x65: {  	_ =	shalt  }
0x66: {  	_ =	shalt  }
0x67: {  	_ =	shalt  }
0x68: {  	_ =	shalt  }
0x69: {  	_ =	shalt  }
0x6a: {  	_ =	shalt  }
0x6b: {  	_ =	shalt  }
0x6c: {  	_ =	shalt  }
0x6d: {  	_ =	shalt  }
0x6e: {  	_ =	shalt  }
0x6f: {  	_ =	shalt  }
0x70: {  	_ =	shalt  }
0x71: {  	_ =	shalt  }
0x72: {  	_ =	shalt  }
0x73: {  	_ =	shalt  }
0x74: {  	_ =	shalt  }
0x75: {  	_ =	shalt  }
0x76: {  	_ =	shalt  }
0x77: {  	_ =	shalt  }
0x78: {  	_ =	shalt  }
0x79: {  	_ =	shalt  }
0x7a: {  	_ =	shalt  }
0x7b: {  	_ =	shalt  }
0x7c: {  	_ =	shalt  }
0x7d: {  	_ =	shalt  }
0x7e: {  	_ =	shalt  }
0x7f: {  	_ =	shalt  }
0x80: {  	_ =	shalt  }
0x81: {  	_ =	shalt  }
0x82: {  	_ =	shalt  }
0x83: {  	_ =	shalt  }
0x84: {  	_ =	shalt  }
0x85: {  	_ =	shalt  }
0x86: {  	_ =	shalt  }
0x87: {  	_ =	shalt  }
.Lfunc_end0:
.L_simem_size_0:
called_computation.5_lowered:
.L_overlay_start_0:
0x88: {  	s2 =	sld [smem:$0x3FD9]  }
0x89: {  	s3 =	sld [smem:$0x3FFE];
	_ =	sdelay $0x1  }
0x8a: {  	s1 =	srdreg.scid  }
0x8b: {  	s0 =	sand.u32 $0x1, s1  }
0x8c: {  	s14 =	sshll.u32 s0, $0xA;
	s2 =	sadd.s32 s3, s2  }
0x8d: {  	s2 =	sadd.s32 s2, s14  }
0x8e: {  	[smem:$0x3FAF] =	sst s2  }
0x8f: {  	_ = 	snop  }
0x90: {  	s2 =	sld [smem:$0x3FD0];
	_ =	sdelay $0x2  }
0x91: {  	s15 =	simm.s32 $0xC;
	s4 =	simm.s32 $0x10  }
0x92: {  	[smem:s4], [sflag:s15] =	dma.local [hbm:s2], $0x1  }
0x93: {  	_ =	swait.eq [sflag:s15], $0x1  }
0x94: {  	[sflag:s15] =	ssyncset.done $0x0  }
0x95: {  	[sflag:s15] =	ssyncadd.s32 $0xFFFFFFFF  }
0x96: {  	s16 =	sld [smem:$0x10];
	(tm) =	ssettm $0x1  }
0x97: {  	s17 =	sld [smem:$0x3FFB];
	_ =	sdelay $0x3  }
0x98: {  	_ =	strace s17  }
0x99: {  	s3 =	sld [smem:$0x3FFC];
	_ =	sdelay $0x3  }
0x9a: {  	_ =	strace s3  }
0x9b: {  	s3 =	sld [smem:$0x3FFD];
	_ =	sdelay $0x3  }
0x9c: {  	_ =	strace s3  }
0x9d: {  	_ =	strace $0x8FFFFFFF  }
0x9e: {  	s18 =	sld [smem:$0x3FDB];
	_ =	sdelay $0x1  }
0x9f: {  	s19 =	simm.s32 $_scs_section_size  }
0xa0: {  	s5 =	simm.s32 $_size__tile_overlayer_lowered;
	s6 =	simm.s32 $_tile_overlayer_lowered  }
0xa1: {  	s22 =	simm.s32 $0x1BFF;
	s21 =	sshll.u32 s6, $0x1;
	s3 =	sadd.s32 s19, s18  }
0xa2: {  	s7 =	simm.s32 $0x0;
	s20 =	sshll.u32 s5, $0x1;
	s5 =	sadd.s32 s21, s3  }
0xa3: {  	[timem:s7], [sflag:s22] =	dma.local [hbm:s5], s20  }
0xa4: {  	_ =	swait.ge [sflag:s22], s20  }
0xa5: {  	s4 =	ssub.s32 $0x0, s20;
	[sflag:s22] =	ssyncset.done $0x0  }
0xa6: {  	[sflag:s22] =	ssyncadd.s32 s4;
	_ =	sdelay $0x1  }
0xa7: {  	s23 =	simm.s32 $0x1B8B  }
0xa8: {  	_ =	swait.ge [sflag:s23], $0x1  }
0xa9: {  	[sflag:s23] =	ssyncset.done $0x0  }
0xaa: {  	s25 =	simm.s32 $0x1B8E;
	s24 =	sld [smem:$0x3FFE];
	[sflag:s23] =	ssyncadd.s32 $0xFFFFFFFF  }
0xab: {  	s26 =	simm.s32 $execute0_lowered;
	[smem:$0x3FD2] =	sst s25  }
0xac: {  	s5 =	sshll.u32 s26, $0x1;
	_ =	strace $0x80000055;
	[dreg:$0x1] =	wrdreg $0xFFFFFFFF  }
0xad: {  	s28 =	simm.s32 $_size_execute0_lowered;
	s3 =	sadd.s32 s3, s5;
	[dreg:$0x0] =	wrdreg $0x0  }
0xae: {  	s5 =	sshll.u32 s28, $0x1;
	[dreg:$0x2] =	wrdreg s3  }
0xaf: {  	[dreg:$0x3] =	wrdreg s5  }
0xb0: {  	[dreg:$0x4] =	wrdreg $0xC0  }
0xb1: {  	_ =	task [dreg:s7], $0x5FFFF  }
0xb2: {  	[dreg:$0x1] =	wrdreg $0xFFFFFFFF  }
0xb3: {  	[dreg:$0x0] =	wrdreg $0x60  }
0xb4: {  	[dreg:$0x2] =	wrdreg s24  }
0xb5: {  	[dreg:$0x3] =	wrdreg s16  }
0xb6: {  	[dreg:$0x4] =	wrdreg $0x28800  }
0xb7: {  	[dreg:$0x5] =	wrdreg $0xA  }
0xb8: {  	_ =	task.clear_ibuf [dreg:s7], $0x6FFFF;
	_ =	strace $0x90000055  }
0xb9: {  	s29 =	simm.s32 $0xA;
	_ =	strace $0x80000057  }
0xba: {  	_ =	swait.ge [sflag:s29], $0x1  }
0xbb: {  	[sflag:s29] =	ssyncadd.s32 $0xFFFFFFFF  }
0xbc: {  	_ =	strace $0x90000057  }
0xbd: {  	_ =	sfence  }
0xbe: {  	s30 =	sld [smem:$0x0];
	_ =	sdelay $0x2  }
0xbf: {  	s31 =	sshll.u32 s1, $0xD;
	s1 =	sshrl.u32 s1, $0x2  }
0xc0: {  	s3 =	sand.u32 $0x4000, s31;
	s1 =	sadd.s32 s1, s30  }
0xc1: {  	s0 =	sor.u32 s3, s0;
	s1 =	sshll.u32 s1, $0x11  }
0xc2: {  	s0 =	sor.u32 s1, s0  }
0xc3: {  	s0 =	sadd.s32 $0x8F2B, s0  }
0xc4: {  	[sflag:s0] =	ssyncadd.remote.s32 $0x1  }
0xc5: {  	_ =	sfence.sel $0xFFFF  }
0xc6: {  	[dreg:$0x0] =	wrdreg $0xFFFFFFFF;
	(pc) =	sbr.abs _section_cstart, $3  }
0xc7: {  	[dreg:$0x1] =	wrdreg $0xFFFFFFFF  }
0xc8: {  	_ =	task.clear_ibuf [dreg:s7], $0x2FFFF;
	_ =	strace $0x9FFFFFFF  }
0xc9: {  	(tm) =	ssettm $0x7FFFFFFF  }
tec
execute0_lowered:
.L_overlay_start_1:
0x0: {  	(tag) =	ssettag $0x1  }
0x1: {  	s4 =	rddreg [dreg:$0x0];
	s1 =	srdreg.scid  }
0x2: {  	s0 =	rddreg [dreg:$0x1];
	s7 =	stileid.u32  }
0x3: {  	s2 =	rddreg [dreg:$0x2];
	s9 =	smul.u32 $0x2710, s7  }
0x4: {  	s3 =	simm.s32 $0x0;
	s5 =	sand.u32 $0x1, s1;
	s10 =	smul.u32 $0x27100, s7  }
0x5: {  	s11 =	simm.s32 $0x50;
	s1 =	rddreg [dreg:$0x3];
	s6 =	smul.u32 $0x271000, s5  }
0x6: {  	s12 =	simm.s32 $0x0;
	[smem:$0x7FF] =	sst s3;
	s8 =	smul.u32 $0x27100, s5  }
0x7: {  	p0 =	sne.s32 s7, $0x0;
	_ =	strace $0x80000056;
	s5 =	ssub.s32 $0x2, s5  }
0x8: {  	s31 =	sshrl.u32 s5, $0x1;
	s6 =	sadd.s32 s6, s4;
	s9 =	sadd.s32 s9, s8  }
0x9: {  	s5 =	ssub.s32 s5, s31;
	s9 =	sshrl.u32 s9, $0x3;
	s6 =	sadd.s32 s10, s6  }
0xa: {  	s5 =	smax.u32 s5, $0x1;
	s10 =	simm.s32 $0x80;
	s9 =	sadd.s32 s9, s4  }
0xb: {  	s4 =	sadd.s32 s8, s4;
	s6 =	sadd.s32 $0x37CB200, s6;
	s8 =	sshrl.u32 @!p0 s2, $0x3  }
0xc: {  	s4 =	sadd.s32 $0x19400, s4;
	s7 =	sadd.s32 $0xF600, s9;
	s9 =	simm.s32 $0x1  }
.LBB2_1:
0xd: {  	s13 =	simm.s32 @!p0 $0x1C01  }
0xe: {  	[spmem:s8], [sflag:s13] =	dma.local @!p0 [hbm:s0], $0x27100  }
0xf: {  	s13 =	simm.s32 @!p0 $0x1  }
0x10: {  	_ =	swait.ge @!p0 [sflag:s13], $0x27100  }
0x11: {  	[sflag:s13] =	ssyncset.done @!p0 $0x0  }
0x12: {  	[sflag:s13] =	ssyncadd.s32 @!p0 $0xFFFD8F00  }
0x13: {  	s31 =	sadd.s32 $0x0, s7;
	[bflag:$0x0] =	sbarrier.arrive $0xFFFF  }
0x14: {  	[tilespmem:s3], [sflag:$0x1] =	stream.linear.gather [hbm4b:s31+s3], $0x50, $0x38;
	[tilespmem:$0x16100] =	vst v63  }
0x15: {  	_ =	swait.ge [sflag:s9], $0x50  }
0x16: {  	[sflag:s9] =	ssyncset.done $0x0  }
0x17: {  	[sflag:s9] =	ssyncadd.s32 $0xFFFFFFB0  }
0x18: {  	[tilespmem:s10], [sflag:$0x1] =	stream.linear.gather [hbm4b:s6+s3], $0x2800, $0x38;
	[tilespmem:$0x16100] =	vst v63  }
0x19: {  	_ =	swait.ge [sflag:s9], $0x2800  }
0x1a: {  	[sflag:s9] =	ssyncset.done $0x0  }
0x1b: {  	[sflag:s9] =	ssyncadd.s32 $0xFFFFD800  }
0x1c: {  	[spmem:s2] =	stream.indirect.scatter.add.f32 [tilespmem:s10], [sflag:$0x1], $0x80, s3, s11, $0xb8;
	[tilespmem:$0x16100] =	vst v63  }
0x1d: {  	s14 =	simm.s32 $0xA;
	_ =	swait.ge [sflag:s9], $0x2800  }
0x1e: {  	s15 =	simm.s32 $0x14;
	s13 =	sadd.s32 $0x500, s6;
	[sflag:s9] =	ssyncset.done $0x0  }
.LBB2_2:
0x1f: {  	s16 =	sadd.s32 s14, s7  }
0x20: {  	[sflag:s9] =	ssyncadd.s32 $0xFFFFD800;
	s14 =	smov.u32 s15;
	s17 =	sadd.s32 $0xA, s15  }
0x21: {  	[tilespmem:s3], [sflag:$0x1] =	stream.linear.gather [hbm4b:s16+s3], $0x50, $0x38;
	[tilespmem:$0x16100] =	vst v63  }
0x22: {  	p1 =	sne.s32 s15, $0x4D8;
	_ =	swait.ge [sflag:s9], $0x50  }
0x23: {  	[sflag:s9] =	ssyncset.done $0x0  }
0x24: {  	[sflag:s9] =	ssyncadd.s32 $0xFFFFFFB0  }
0x25: {  	[tilespmem:s10], [sflag:$0x1] =	stream.linear.gather [hbm4b:s13+s3], $0x2800, $0x38;
	[tilespmem:$0x16100] =	vst v63  }
0x26: {  	_ =	swait.ge [sflag:s9], $0x2800  }
.Ltmp0:
0x27: {  	[sflag:s9] =	ssyncset.done $0x0;
	(pc) =	sbr.rel @p1 .LBB2_2-.Ltmp0, $4  }
0x28: {  	[sflag:s9] =	ssyncadd.s32 $0xFFFFD800  }
0x29: {  	[spmem:s2] =	stream.indirect.scatter.add.f32 [tilespmem:s10], [sflag:$0x1], $0x80, s3, s11, $0xb8;
	[tilespmem:$0x16100] =	vst v63  }
0x2a: {  	_ =	swait.ge [sflag:s9], $0x2800  }
0x2b: {  	s15 =	smov.u32 s17;
	s13 =	sadd.s32 $0x500, s13;
	[sflag:s9] =	ssyncset.done $0x0  }
0x2c: {  	s14 =	sadd.s32 s14, s7;
	[sflag:s9] =	ssyncadd.s32 $0xFFFFD800  }
0x2d: {  	[tilespmem:s3], [sflag:$0x1] =	stream.linear.gather [hbm4b:s14+s3], $0x50, $0x38;
	[tilespmem:$0x16100] =	vst v63  }
0x2e: {  	_ =	swait.ge [sflag:s9], $0x50  }
0x2f: {  	[sflag:s9] =	ssyncset.done $0x0  }
0x30: {  	[sflag:s9] =	ssyncadd.s32 $0xFFFFFFB0  }
0x31: {  	[tilespmem:s10], [sflag:$0x1] =	stream.linear.gather [hbm4b:s13+s3], $0x2800, $0x38;
	[tilespmem:$0x16100] =	vst v63  }
0x32: {  	_ =	swait.ge [sflag:s9], $0x2800  }
0x33: {  	[sflag:s9] =	ssyncset.done $0x0  }
0x34: {  	[sflag:s9] =	ssyncadd.s32 $0xFFFFD800  }
0x35: {  	[spmem:s2] =	stream.indirect.scatter.add.f32 [tilespmem:s10], [sflag:$0x1], $0x80, s3, s11, $0xb8;
	[tilespmem:$0x16100] =	vst v63  }
0x36: {  	_ =	swait.ge [sflag:s9], $0x2800  }
0x37: {  	[sflag:s9] =	ssyncset.done $0x0  }
0x38: {  	s12 =	sadd.s32 $0x1, s12;
	[sflag:s9] =	ssyncadd.s32 $0xFFFFD800  }
0x39: {  	p1 =	sne.s32 s12, s5;
	s13 =	simm.s32 @!p0 $0x1C01;
	[bflag:$0x0] =	sbarrier.arrive $0xFFFF  }
0x3a: {  	[hbm:s4], [sflag:s13] =	dma.local @!p0 [spmem:s8], $0x27100  }
.Ltmp1:
0x3b: {  	_ = 	snop;
	(pc) =	sbr.rel @p1 .LBB2_1-.Ltmp1, $4  }
0x3c: {  	s13 =	simm.s32 @!p0 $0x1  }
0x3d: {  	_ =	swait.ge @!p0 [sflag:s13], $0x27100  }
0x3e: {  	[sflag:s13] =	ssyncset.done @!p0 $0x0  }
0x3f: {  	[sflag:s13] =	ssyncadd.s32 @!p0 $0xFFFD8F00  }
0x40: {  	_ =	sfence.sel $0x180000  }
0x41: {  	[bflag:$0x0] =	sbarrier.arrive $0xFFFF  }
0x42: {  	_ =	strace $0x90000056  }
0x43: {  	s0 =	sadd.s32 @!p0 $0x100000, s1;
	[bflag:$0x2] =	sbarrier.arrive $0xFFFF  }
0x44: {  	[sflag:s0] =	ssyncadd.tile.s32 @!p0 $0x1;
	_ =	shalt  }
.Lfunc_end2:
_tile_overlayer_lowered:
.L_overlay_start_2:
0x45: {  	(tag) =	ssettag $0x2  }
0x46: {  	s0 =	rddreg [dreg:$0x0];
	s2 =	stileid.u32  }
0x47: {  	s1 =	rddreg [dreg:$0x1];
	p0 =	sne.s32 s2, $0x0  }
0x48: {  	s3 =	rddreg [dreg:$0x2];
	[bflag:$0x3] =	sbarrier.arrive $0xFFFF;
	s2 =	simm.s32 @!p0 $0x1C01  }
0x49: {  	[timem:s3], [sflag:s2] =	dma.local @!p0 [hbm:s0], s1  }
0x4a: {  	s0 =	simm.s32 @!p0 $0x1  }
0x4b: {  	_ =	swait.ge @!p0 [sflag:s0], s1  }
0x4c: {  	s1 =	ssub.s32 @!p0 $0x0, s1;
	[sflag:s0] =	ssyncset.done @!p0 $0x0  }
0x4d: {  	[sflag:s0] =	ssyncadd.s32 @!p0 s1  }
0x4e: {  	[bflag:$0x3] =	sbarrier.arrive $0xFFFF  }
0x4f: {  	_ =	shalt  }

// kernel: kernel.37.cloned.1.call-start
scs
__scs_entry_jumppad:
0x0: {  	(pc) =	sbr.rel $0x88, $3  }
0x1: {  	(tag) =	ssettag $0x0;
	lr =	simm.s32 $0x1  }
0x2: {  	[smem:$0x3F88] =	sst lr;
	_ =	strace $0xD0000000  }
0x3: {  	_ = 	snop  }
0x4: {  	_ = 	snop  }
0x5: {  	_ = 	snop  }
0x6: {  	_ = 	snop  }
0x7: {  	_ = 	snop  }
__scs_overlays_trampoline_lowered:
0x8: {  	[smem:$0x3F97] =	sst s0  }
0x9: {  	[smem:$0x3F98] =	sst s1  }
0xa: {  	[smem:$0x3F99] =	sst s2  }
0xb: {  	[smem:$0x3F9A] =	sst s3  }
0xc: {  	[smem:$0x3F9B] =	sst s4  }
0xd: {  	[smem:$0x3F9C] =	sst s5  }
0xe: {  	[smem:$0x3F9D] =	sst s6  }
0xf: {  	[smem:$0x3F9E] =	sst s7  }
0x10: {  	[smem:$0x3F9F] =	sst s8  }
0x11: {  	[smem:$0x3FA0] =	sst s9;
	s0 =	simm.s32 @!p0 $0x0  }
0x12: {  	s1 =	sld [smem:$0x3F86];
	s0 =	simm.s32 @p0 $0x1  }
0x13: {  	[smem:$0x3FA1] =	sst s0;
	s0 =	simm.s32 @!p1 $0x0  }
0x14: {  	s2 =	sld [smem:$0x3F85];
	s0 =	simm.s32 @p1 $0x1  }
0x15: {  	[smem:$0x3FA2] =	sst s0;
	s0 =	simm.s32 @!p2 $0x0  }
0x16: {  	s3 =	sld [smem:$0x3FDB];
	s0 =	simm.s32 @p2 $0x1  }
0x17: {  	s4 =	simm.s32 $0x1BF5;
	[smem:$0x3FA4] =	sst s0  }
0x18: {  	s0 =	sld [smem:$0x3F87];
	_ =	swait.ge [sflag:s4], $0x0  }
0x19: {  	s7 =	sld [smem:$0x3F88]  }
0x1a: {  	s8 =	sadd.s32 $0xFFFFE003, lr  }
0x1b: {  	s9 =	sadd.s32 $0xFFFFFEF7, lr;
	s5 =	simm.s32 $0xFFFFFFFF;
	p2 =	slt.u32 s8, $0xFFFFF086  }
0x1c: {  	p1 =	slt.u32 s9, $0xF7A;
	s5 =	simm.s32 @!p2 $0x0  }
0x1d: {  	s5 =	simm.s32 @p1 $0x1;
	p0 =	seq.s32 s7, s2  }
0x1e: {  	s7 =	smul.u32 @!p0 $0xF7A, s2;
	p2 =	seq.s32 @!p0 s5, $0x0  }
0x1f: {  	s9 =	smul.u32 $0xF7A, s1;
	s8 =	simm.s32 @!p0 $0x1BF5;
	p2 =	por !p2, p0  }
0x20: {  	[sflag:s8] =	ssyncset.s32 @!p0 $0xFFFFF086;
	s6 =	sadd.s32 @!p0 s3, s7;
	s7 =	simm.s32 @!p0 $0x108  }
0x21: {  	s3 =	sadd.s32 s3, s9;
	s6 =	sadd.s32 @!p0 $0x88, s6;
	s7 =	simm.s32 @p2 $0x1082  }
0x22: {  	[simem:s7], [sflag:s8] =	dma.local @!p0 [hbm:s6], $0xF7A  }
0x23: {  	s9 =	sor.u32 $0xD0000000, s2;
	s6 =	simm.s32 $0x108;
	_ =	swait.ge @!p0 [sflag:s8], $0x0  }
0x24: {  	s3 =	sadd.s32 $0x88, s3;
	s6 =	simm.s32 @!p1 $0x1082;
	[sflag:s4] =	ssyncset.s32 $0xFFFFF086  }
0x25: {  	[simem:s6], [sflag:s4] =	dma.local [hbm:s3], $0xF7A  }
0x26: {  	[smem:$0x3F88] =	sst s1;
	(tag) =	ssettag s2;
	_ =	strace s9  }
0x27: {  	s1 =	sld [smem:$0x3F98]  }
0x28: {  	s2 =	sld [smem:$0x3F99]  }
0x29: {  	s4 =	sld [smem:$0x3F9B]  }
0x2a: {  	p0 =	seq.s32 s5, $0x0;
	s5 =	sld [smem:$0x3F9C]  }
0x2b: {  	s6 =	sld [smem:$0x3F9D]  }
0x2c: {  	s7 =	sld [smem:$0x3F9E]  }
0x2d: {  	s3 =	simm.s32 $0x108;
	s8 =	sld [smem:$0x3F9F]  }
0x2e: {  	s3 =	simm.s32 @!p0 $0x1082;
	s9 =	sld [smem:$0x3FA0]  }
0x2f: {  	lr =	sadd.s32 s0, s3;
	s0 =	sld [smem:$0x3F97]  }
0x30: {  	s3 =	sld [smem:$0x3F9A]  }
0x31: {  	[smem:$0x3FA3] =	sst s10  }
0x32: {  	s10 =	sld [smem:$0x3FA1];
	_ =	sdelay $0x3  }
0x33: {  	p0 =	seq.s32 s10, $0x1;
	s10 =	sld [smem:$0x3FA3];
	_ =	sdelay $0x3  }
0x34: {  	[smem:$0x3FA3] =	sst s10  }
0x35: {  	s10 =	sld [smem:$0x3FA2];
	_ =	sdelay $0x3  }
0x36: {  	p1 =	seq.s32 s10, $0x1;
	s10 =	sld [smem:$0x3FA3];
	_ =	sdelay $0x3  }
0x37: {  	[smem:$0x3FA3] =	sst s10  }
0x38: {  	s10 =	sld [smem:$0x3FA4]  }
0x39: {  	_ = 	snop;
	(pc) =	sbr.ind lr, $3  }
0x3a: {  	_ = 	snop  }
0x3b: {  	_ = 	snop  }
0x3c: {  	p2 =	seq.s32 s10, $0x1;
	s10 =	sld [smem:$0x3FA3]  }
0x3d: {  	_ =	shalt  }
0x3e: {  	_ =	shalt  }
0x3f: {  	_ =	shalt  }
0x40: {  	_ =	shalt  }
0x41: {  	_ =	shalt  }
0x42: {  	_ =	shalt  }
0x43: {  	_ =	shalt  }
0x44: {  	_ =	shalt  }
0x45: {  	_ =	shalt  }
0x46: {  	_ =	shalt  }
0x47: {  	_ =	shalt  }
0x48: {  	_ =	shalt  }
0x49: {  	_ =	shalt  }
0x4a: {  	_ =	shalt  }
0x4b: {  	_ =	shalt  }
0x4c: {  	_ =	shalt  }
0x4d: {  	_ =	shalt  }
0x4e: {  	_ =	shalt  }
0x4f: {  	_ =	shalt  }
0x50: {  	_ =	shalt  }
0x51: {  	_ =	shalt  }
0x52: {  	_ =	shalt  }
0x53: {  	_ =	shalt  }
0x54: {  	_ =	shalt  }
0x55: {  	_ =	shalt  }
0x56: {  	_ =	shalt  }
0x57: {  	_ =	shalt  }
0x58: {  	_ =	shalt  }
0x59: {  	_ =	shalt  }
0x5a: {  	_ =	shalt  }
0x5b: {  	_ =	shalt  }
0x5c: {  	_ =	shalt  }
0x5d: {  	_ =	shalt  }
0x5e: {  	_ =	shalt  }
0x5f: {  	_ =	shalt  }
0x60: {  	_ =	shalt  }
0x61: {  	_ =	shalt  }
0x62: {  	_ =	shalt  }
0x63: {  	_ =	shalt  }
0x64: {  	_ =	shalt  }
0x65: {  	_ =	shalt  }
0x66: {  	_ =	shalt  }
0x67: {  	_ =	shalt  }
0x68: {  	_ =	shalt  }
0x69: {  	_ =	shalt  }
0x6a: {  	_ =	shalt  }
0x6b: {  	_ =	shalt  }
0x6c: {  	_ =	shalt  }
0x6d: {  	_ =	shalt  }
0x6e: {  	_ =	shalt  }
0x6f: {  	_ =	shalt  }
0x70: {  	_ =	shalt  }
0x71: {  	_ =	shalt  }
0x72: {  	_ =	shalt  }
0x73: {  	_ =	shalt  }
0x74: {  	_ =	shalt  }
0x75: {  	_ =	shalt  }
0x76: {  	_ =	shalt  }
0x77: {  	_ =	shalt  }
0x78: {  	_ =	shalt  }
0x79: {  	_ =	shalt  }
0x7a: {  	_ =	shalt  }
0x7b: {  	_ =	shalt  }
0x7c: {  	_ =	shalt  }
0x7d: {  	_ =	shalt  }
0x7e: {  	_ =	shalt  }
0x7f: {  	_ =	shalt  }
0x80: {  	_ =	shalt  }
0x81: {  	_ =	shalt  }
0x82: {  	_ =	shalt  }
0x83: {  	_ =	shalt  }
0x84: {  	_ =	shalt  }
0x85: {  	_ =	shalt  }
0x86: {  	_ =	shalt  }
0x87: {  	_ =	shalt  }
.Lfunc_end0:
.L_simem_size_0:
called_computation.6_lowered:
.L_overlay_start_0:
0x88: {  	s2 =	sld [smem:$0x3FD9]  }
0x89: {  	s3 =	sld [smem:$0x3FFE];
	_ =	sdelay $0x1  }
0x8a: {  	s1 =	srdreg.scid  }
0x8b: {  	s0 =	sand.u32 $0x1, s1  }
0x8c: {  	s15 =	sshll.u32 s0, $0xA;
	s2 =	sadd.s32 s3, s2  }
0x8d: {  	s2 =	sadd.s32 s2, s15  }
0x8e: {  	[smem:$0x3FAF] =	sst s2  }
0x8f: {  	_ = 	snop  }
0x90: {  	s2 =	sld [smem:$0x3FD0];
	_ =	sdelay $0x2  }
0x91: {  	s4 =	simm.s32 $0xC;
	s16 =	simm.s32 $0x10  }
0x92: {  	[smem:s16], [sflag:s4] =	dma.local [hbm:s2], $0x1  }
0x93: {  	_ =	swait.eq [sflag:s4], $0x1  }
0x94: {  	[sflag:s4] =	ssyncset.done $0x0  }
0x95: {  	s17 =	sld [smem:$0x10];
	[sflag:s4] =	ssyncadd.s32 $0xFFFFFFFF  }
0x96: {  	s18 =	sld [smem:$0x12];
	(tm) =	ssettm $0x1  }
0x97: {  	s19 =	sld [smem:$0x3FFB];
	_ =	sdelay $0x3  }
0x98: {  	_ =	strace s19  }
0x99: {  	s2 =	sld [smem:$0x3FFC];
	_ =	sdelay $0x3  }
0x9a: {  	_ =	strace s2  }
0x9b: {  	s2 =	sld [smem:$0x3FFD];
	_ =	sdelay $0x3  }
0x9c: {  	_ =	strace s2  }
0x9d: {  	_ =	strace $0x8FFFFFFF  }
0x9e: {  	s20 =	sld [smem:$0x3FDB];
	_ =	sdelay $0x1  }
0x9f: {  	s5 =	simm.s32 $_scs_section_size  }
0xa0: {  	s6 =	simm.s32 $_size__tile_overlayer_lowered;
	s7 =	simm.s32 $_tile_overlayer_lowered  }
0xa1: {  	s8 =	simm.s32 $0x1BFF;
	s21 =	sshll.u32 s7, $0x1;
	s5 =	sadd.s32 s5, s20  }
0xa2: {  	s22 =	simm.s32 $0x0;
	s6 =	sshll.u32 s6, $0x1;
	s7 =	sadd.s32 s21, s5  }
0xa3: {  	[timem:s22], [sflag:s8] =	dma.local [hbm:s7], s6  }
0xa4: {  	_ =	swait.ge [sflag:s8], s6  }
0xa5: {  	s6 =	ssub.s32 $0x0, s6;
	[sflag:s8] =	ssyncset.done $0x0  }
0xa6: {  	[sflag:s8] =	ssyncadd.s32 s6;
	_ =	sdelay $0x1  }
0xa7: {  	s23 =	simm.s32 $0x1B8B  }
0xa8: {  	_ =	swait.ge [sflag:s23], $0x1  }
0xa9: {  	[sflag:s23] =	ssyncset.done $0x0  }
0xaa: {  	[sflag:s23] =	ssyncadd.s32 $0xFFFFFFFF  }
0xab: {  	s6 =	sld [smem:$0x0]  }
0xac: {  	s7 =	sand.u32 $0xFFFFFFFE, s1  }
0xad: {  	p0 =	sne.s32 s1, s7  }
0xae: {  	s7 =	sshll.u32 @p0 s7, $0xE  }
0xaf: {  	s7 =	sadd.s32 @p0 $0x11B8D, s7;
	s8 =	sshll.u32 @p0 s6, $0x11  }
0xb0: {  	s7 =	sor.u32 @p0 s8, s7  }
0xb1: {  	[sflag:s7] =	ssyncadd.remote.s32 @p0 $0x1;
	_ =	sdelay $0x1  }
0xb2: {  	s7 =	simm.s32 @p0 $0x1B8D  }
0xb3: {  	_ =	swait.eq @p0 [sflag:s7], $0x1  }
0xb4: {  	[sflag:s7] =	ssyncadd.s32 @p0 $0xFFFFFFFF  }
0xb5: {  	s8 =	sshll.u32 @!p0 s1, $0xE  }
0xb6: {  	s8 =	sor.u32 @!p0 $0x4000, s8;
	s7 =	simm.s32 @!p0 $0x1B8D  }
0xb7: {  	s6 =	sshll.u32 @!p0 s6, $0x11;
	s8 =	sadd.s32 @!p0 $0x11B8D, s8;
	_ =	swait.eq @!p0 [sflag:s7], $0x1  }
0xb8: {  	s6 =	sor.u32 @!p0 s6, s8;
	[sflag:s7] =	ssyncadd.s32 @!p0 $0xFFFFFFFF  }
0xb9: {  	s25 =	simm.s32 $0x1B8E;
	s24 =	sld [smem:$0x3FFE];
	[sflag:s6] =	ssyncadd.remote.s32 @!p0 $0x1  }
0xba: {  	s26 =	simm.s32 $execute0_lowered;
	[smem:$0x3FD2] =	sst s25  }
0xbb: {  	s7 =	sshll.u32 s26, $0x1;
	_ =	strace $0x8000005B;
	[dreg:$0x1] =	wrdreg $0xFFFFFFFF  }
0xbc: {  	s28 =	simm.s32 $_size_execute0_lowered;
	s5 =	sadd.s32 s5, s7;
	[dreg:$0x0] =	wrdreg $0x0  }
0xbd: {  	s7 =	sshll.u32 s28, $0x1;
	[dreg:$0x2] =	wrdreg s5  }
0xbe: {  	[dreg:$0x3] =	wrdreg s7  }
0xbf: {  	[dreg:$0x4] =	wrdreg $0xC0  }
0xc0: {  	_ =	task [dreg:s22], $0x5FFFF  }
0xc1: {  	[dreg:$0x1] =	wrdreg $0xFFFFFFFF  }
0xc2: {  	[dreg:$0x0] =	wrdreg $0x60  }
0xc3: {  	[dreg:$0x2] =	wrdreg s17  }
0xc4: {  	[dreg:$0x3] =	wrdreg s24  }
0xc5: {  	[dreg:$0x4] =	wrdreg s18  }
0xc6: {  	[dreg:$0x5] =	wrdreg $0xA  }
0xc7: {  	_ =	task.clear_ibuf [dreg:s22], $0x6FFFF;
	_ =	strace $0x9000005B  }
0xc8: {  	s29 =	simm.s32 $0xA;
	_ =	strace $0x8000005D  }
0xc9: {  	_ =	swait.ge [sflag:s29], $0x1  }
0xca: {  	[sflag:s29] =	ssyncadd.s32 $0xFFFFFFFF  }
0xcb: {  	_ =	strace $0x9000005D  }
0xcc: {  	_ =	sfence  }
0xcd: {  	s30 =	sld [smem:$0x0];
	_ =	sdelay $0x2  }
0xce: {  	s31 =	sshll.u32 s1, $0xD;
	s1 =	sshrl.u32 s1, $0x2  }
0xcf: {  	s4 =	sand.u32 $0x4000, s31;
	s1 =	sadd.s32 s1, s30  }
0xd0: {  	s0 =	sor.u32 s4, s0;
	s1 =	sshll.u32 s1, $0x11  }
0xd1: {  	s0 =	sor.u32 s1, s0  }
0xd2: {  	s0 =	sadd.s32 $0x8F2B, s0  }
0xd3: {  	[sflag:s0] =	ssyncadd.remote.s32 $0x1  }
0xd4: {  	_ =	sfence.sel $0xFFFF  }
0xd5: {  	[dreg:$0x0] =	wrdreg $0xFFFFFFFF;
	(pc) =	sbr.abs _section_cstart, $3  }
0xd6: {  	[dreg:$0x1] =	wrdreg $0xFFFFFFFF  }
0xd7: {  	_ =	task.clear_ibuf [dreg:s22], $0x2FFFF;
	_ =	strace $0x9FFFFFFF  }
0xd8: {  	(tm) =	ssettm $0x7FFFFFFF  }
0xd9: {  	_ =	shalt  }
tec
execute0_lowered:
.L_overlay_start_1:
0x0: {  	(tag) =	ssettag $0x1  }
0x1: {  	s2 =	srdreg.scid  }
0x2: {  	s1 =	rddreg [dreg:$0x0];
	s0 =	stileid.u32;
	s6 =	sand.u32 $0x1, s2  }
0x3: {  	s4 =	rddreg [dreg:$0x1];
	s3 =	sshll.u32 s0, $0x5;
	s2 =	sshll.u32 s6, $0x9  }
0x4: {  	s9 =	rddreg [dreg:$0x2];
	s10 =	sor.u32 s3, s2  }
0x5: {  	s2 =	rddreg [dreg:$0x3];
	s3 =	simm.s32 $0x0;
	s5 =	sshrl.u32 s10, $0x3  }
0x6: {  	s11 =	ssub.s32 $0x2, s6;
	[smem:$0x7FF] =	sst s3;
	s4 =	sadd.s32 s5, s4  }
0x7: {  	_ =	strace $0x8000005C;
	s5 =	sadd.s32 $0x5A00, s4;
	s4 =	simm.s32 $0x2  }
0x8: {  	[tilespmem:s3], [sflag:$0x2] =	stream.linear.gather [hbm4b:s5+s3], $0x20, $0x38;
	[tilespmem:$0x1080] =	vst v63  }
0x9: {  	s7 =	simm.s32 $0x80;
	s12 =	sshrl.u32 s11, $0x1;
	_ =	swait.ge [sflag:s4], $0x20  }
0xa: {  	s8 =	simm.s32 $0x1;
	s11 =	ssub.s32 s11, s12;
	[sflag:s4] =	ssyncset.done $0x0  }
0xb: {  	s6 =	simm.s32 $0x20;
	s31 =	smax.u32 s11, $0x1;
	[sflag:s4] =	ssyncadd.s32 $0xFFFFFFE0  }
0xc: {  	[tilespmem:s7], [sflag:$0x1] =	stream.indirect.gather [hbm4b:s1+s6], $0x80, s3, s6, $0xb8;
	[tilespmem:$0x1080] =	vst v63  }
0xd: {  	p0 =	sne.s32 s31, $0x1;
	_ =	swait.ge [sflag:s8], $0x1000  }
.Ltmp0:
0xe: {  	s10 =	sshll.u32 s10, $0x4;
	[sflag:s8] =	ssyncset.done $0x0;
	(pc) =	sbr.rel @!p0 .LBB2_2-.Ltmp0, $4  }
0xf: {  	s9 =	sadd.s32 s9, s10;
	[sflag:s8] =	ssyncadd.s32 $0xFFFFF000  }
0x10: {  	[hbm4b:s9+s3] =	stream.linear.scatter [tilespmem:s7], [sflag:$0x2], $0x1000, $0x38;
	[tilespmem:$0x1080] =	vst v63  }
0x11: {  	_ =	swait.ge [sflag:s4], $0x1000  }
0x12: {  	s10 =	sadd.s32 $0xFFFFFFFF, s31;
	[sflag:s4] =	ssyncset.done $0x0  }
.LBB2_1:
0x13: {  	p0 =	sne.s32 s10, $0x1;
	s10 =	sadd.s32 $0xFFFFFFFF, s10;
	[sflag:s4] =	ssyncadd.s32 $0xFFFFF000  }
0x14: {  	[tilespmem:s3], [sflag:$0x2] =	stream.linear.gather [hbm4b:s5+s3], $0x20, $0x38;
	[tilespmem:$0x1080] =	vst v63  }
0x15: {  	_ =	swait.ge [sflag:s4], $0x20  }
0x16: {  	[sflag:s4] =	ssyncset.done $0x0  }
0x17: {  	[sflag:s4] =	ssyncadd.s32 $0xFFFFFFE0  }
0x18: {  	[tilespmem:s7], [sflag:$0x1] =	stream.indirect.gather [hbm4b:s1+s6], $0x80, s3, s6, $0xb8;
	[tilespmem:$0x1080] =	vst v63  }
0x19: {  	_ =	swait.ge [sflag:s8], $0x1000  }
.Ltmp1:
0x1a: {  	[sflag:s8] =	ssyncset.done $0x0;
	(pc) =	sbr.rel @p0 .LBB2_1-.Ltmp1, $4  }
0x1b: {  	[sflag:s8] =	ssyncadd.s32 $0xFFFFF000  }
0x1c: {  	[hbm4b:s9+s3] =	stream.linear.scatter [tilespmem:s7], [sflag:$0x2], $0x1000, $0x38;
	[tilespmem:$0x1080] =	vst v63  }
0x1d: {  	_ =	swait.ge [sflag:s4], $0x1000  }
0x1e: {  	[sflag:s4] =	ssyncset.done $0x0  }
.LBB2_2:
0x1f: {  	[sflag:s4] =	ssyncadd.s32 $0xFFFFF000  }
0x20: {  	_ =	sfence.sel $0x180000  }
0x21: {  	[bflag:$0x0] =	sbarrier.arrive $0xFFFF  }
0x22: {  	p0 =	sne.s32 s0, $0x0;
	_ =	strace $0x9000005C  }
0x23: {  	s0 =	sadd.s32 @!p0 $0x100000, s2;
	[bflag:$0x2] =	sbarrier.arrive $0xFFFF  }
0x24: {  	[sflag:s0] =	ssyncadd.tile.s32 @!p0 $0x1;
	_ =	shalt  }
.Lfunc_end2:
_tile_overlayer_lowered:
.L_overlay_start_2:
0x25: {  	(tag) =	ssettag $0x2  }
0x26: {  	s0 =	rddreg [dreg:$0x0];
	s2 =	stileid.u32  }
0x27: {  	s1 =	rddreg [dreg:$0x1];
	p0 =	sne.s32 s2, $0x0  }
0x28: {  	s3 =	rddreg [dreg:$0x2];
	[bflag:$0x3] =	sbarrier.arrive $0xFFFF;
	s2 =	simm.s32 @!p0 $0x1C02  }
0x29: {  	[timem:s3], [sflag:s2] =	dma.local @!p0 [hbm:s0], s1  }
0x2a: {  	s0 =	simm.s32 @!p0 $0x2  }
0x2b: {  	_ =	swait.ge @!p0 [sflag:s0], s1  }
0x2c: {  	s1 =	ssub.s32 @!p0 $0x0, s1;
	[sflag:s0] =	ssyncset.done @!p0 $0x0  }
0x2d: {  	[sflag:s0] =	ssyncadd.s32 @!p0 s1  }
0x2e: {  	[bflag:$0x3] =	sbarrier.arrive $0xFFFF  }
0x2f: {  	_ =	shalt  }

// kernel: kernel.40.cloned.1.call-start
scs
__scs_entry_jumppad:
0x0: {  	(pc) =	sbr.rel $0x88, $3  }
0x1: {  	(tag) =	ssettag $0x0;
	lr =	simm.s32 $0x1  }
0x2: {  	[smem:$0x3F88] =	sst lr;
	_ =	strace $0xD0000000  }
0x3: {  	_ = 	snop  }
0x4: {  	_ = 	snop  }
0x5: {  	_ = 	snop  }
0x6: {  	_ = 	snop  }
0x7: {  	_ = 	snop  }
__scs_overlays_trampoline_lowered:
0x8: {  	[smem:$0x3F97] =	sst s0  }
0x9: {  	[smem:$0x3F98] =	sst s1  }
0xa: {  	[smem:$0x3F99] =	sst s2  }
0xb: {  	[smem:$0x3F9A] =	sst s3  }
0xc: {  	[smem:$0x3F9B] =	sst s4  }
0xd: {  	[smem:$0x3F9C] =	sst s5  }
0xe: {  	[smem:$0x3F9D] =	sst s6  }
0xf: {  	[smem:$0x3F9E] =	sst s7  }
0x10: {  	[smem:$0x3F9F] =	sst s8  }
0x11: {  	[smem:$0x3FA0] =	sst s9;
	s0 =	simm.s32 @!p0 $0x0  }
0x12: {  	s1 =	sld [smem:$0x3F86];
	s0 =	simm.s32 @p0 $0x1  }
0x13: {  	[smem:$0x3FA1] =	sst s0;
	s0 =	simm.s32 @!p1 $0x0  }
0x14: {  	s2 =	sld [smem:$0x3F85];
	s0 =	simm.s32 @p1 $0x1  }
0x15: {  	[smem:$0x3FA2] =	sst s0;
	s0 =	simm.s32 @!p2 $0x0  }
0x16: {  	s3 =	sld [smem:$0x3FDB];
	s0 =	simm.s32 @p2 $0x1  }
0x17: {  	s4 =	simm.s32 $0x1BF5;
	[smem:$0x3FA4] =	sst s0  }
0x18: {  	s0 =	sld [smem:$0x3F87];
	_ =	swait.ge [sflag:s4], $0x0  }
0x19: {  	s7 =	sld [smem:$0x3F88]  }
0x1a: {  	s8 =	sadd.s32 $0xFFFFE003, lr  }
0x1b: {  	s9 =	sadd.s32 $0xFFFFFEF7, lr;
	s5 =	simm.s32 $0xFFFFFFFF;
	p2 =	slt.u32 s8, $0xFFFFF086  }
0x1c: {  	p1 =	slt.u32 s9, $0xF7A;
	s5 =	simm.s32 @!p2 $0x0  }
0x1d: {  	s5 =	simm.s32 @p1 $0x1;
	p0 =	seq.s32 s7, s2  }
0x1e: {  	s7 =	smul.u32 @!p0 $0xF7A, s2;
	p2 =	seq.s32 @!p0 s5, $0x0  }
0x1f: {  	s9 =	smul.u32 $0xF7A, s1;
	s8 =	simm.s32 @!p0 $0x1BF5;
	p2 =	por !p2, p0  }
0x20: {  	[sflag:s8] =	ssyncset.s32 @!p0 $0xFFFFF086;
	s6 =	sadd.s32 @!p0 s3, s7;
	s7 =	simm.s32 @!p0 $0x108  }
0x21: {  	s3 =	sadd.s32 s3, s9;
	s6 =	sadd.s32 @!p0 $0x88, s6;
	s7 =	simm.s32 @p2 $0x1082  }
0x22: {  	[simem:s7], [sflag:s8] =	dma.local @!p0 [hbm:s6], $0xF7A  }
0x23: {  	s9 =	sor.u32 $0xD0000000, s2;
	s6 =	simm.s32 $0x108;
	_ =	swait.ge @!p0 [sflag:s8], $0x0  }
0x24: {  	s3 =	sadd.s32 $0x88, s3;
	s6 =	simm.s32 @!p1 $0x1082;
	[sflag:s4] =	ssyncset.s32 $0xFFFFF086  }
0x25: {  	[simem:s6], [sflag:s4] =	dma.local [hbm:s3], $0xF7A  }
0x26: {  	[smem:$0x3F88] =	sst s1;
	(tag) =	ssettag s2;
	_ =	strace s9  }
0x27: {  	s1 =	sld [smem:$0x3F98]  }
0x28: {  	s2 =	sld [smem:$0x3F99]  }
0x29: {  	s4 =	sld [smem:$0x3F9B]  }
0x2a: {  	p0 =	seq.s32 s5, $0x0;
	s5 =	sld [smem:$0x3F9C]  }
0x2b: {  	s6 =	sld [smem:$0x3F9D]  }
0x2c: {  	s7 =	sld [smem:$0x3F9E]  }
0x2d: {  	s3 =	simm.s32 $0x108;
	s8 =	sld [smem:$0x3F9F]  }
0x2e: {  	s3 =	simm.s32 @!p0 $0x1082;
	s9 =	sld [smem:$0x3FA0]  }
0x2f: {  	lr =	sadd.s32 s0, s3;
	s0 =	sld [smem:$0x3F97]  }
0x30: {  	s3 =	sld [smem:$0x3F9A]  }
0x31: {  	[smem:$0x3FA3] =	sst s10  }
0x32: {  	s10 =	sld [smem:$0x3FA1];
	_ =	sdelay $0x3  }
0x33: {  	p0 =	seq.s32 s10, $0x1;
	s10 =	sld [smem:$0x3FA3];
	_ =	sdelay $0x3  }
0x34: {  	[smem:$0x3FA3] =	sst s10  }
0x35: {  	s10 =	sld [smem:$0x3FA2];
	_ =	sdelay $0x3  }
0x36: {  	p1 =	seq.s32 s10, $0x1;
	s10 =	sld [smem:$0x3FA3];
	_ =	sdelay $0x3  }
0x37: {  	[smem:$0x3FA3] =	sst s10  }
0x38: {  	s10 =	sld [smem:$0x3FA4]  }
0x39: {  	_ = 	snop;
	(pc) =	sbr.ind lr, $3  }
0x3a: {  	_ = 	snop  }
0x3b: {  	_ = 	snop  }
0x3c: {  	p2 =	seq.s32 s10, $0x1;
	s10 =	sld [smem:$0x3FA3]  }
0x3d: {  	_ =	shalt  }
0x3e: {  	_ =	shalt  }
0x3f: {  	_ =	shalt  }
0x40: {  	_ =	shalt  }
0x41: {  	_ =	shalt  }
0x42: {  	_ =	shalt  }
0x43: {  	_ =	shalt  }
0x44: {  	_ =	shalt  }
0x45: {  	_ =	shalt  }
0x46: {  	_ =	shalt  }
0x47: {  	_ =	shalt  }
0x48: {  	_ =	shalt  }
0x49: {  	_ =	shalt  }
0x4a: {  	_ =	shalt  }
0x4b: {  	_ =	shalt  }
0x4c: {  	_ =	shalt  }
0x4d: {  	_ =	shalt  }
0x4e: {  	_ =	shalt  }
0x4f: {  	_ =	shalt  }
0x50: {  	_ =	shalt  }
0x51: {  	_ =	shalt  }
0x52: {  	_ =	shalt  }
0x53: {  	_ =	shalt  }
0x54: {  	_ =	shalt  }
0x55: {  	_ =	shalt  }
0x56: {  	_ =	shalt  }
0x57: {  	_ =	shalt  }
0x58: {  	_ =	shalt  }
0x59: {  	_ =	shalt  }
0x5a: {  	_ =	shalt  }
0x5b: {  	_ =	shalt  }
0x5c: {  	_ =	shalt  }
0x5d: {  	_ =	shalt  }
0x5e: {  	_ =	shalt  }
0x5f: {  	_ =	shalt  }
0x60: {  	_ =	shalt  }
0x61: {  	_ =	shalt  }
0x62: {  	_ =	shalt  }
0x63: {  	_ =	shalt  }
0x64: {  	_ =	shalt  }
0x65: {  	_ =	shalt  }
0x66: {  	_ =	shalt  }
0x67: {  	_ =	shalt  }
0x68: {  	_ =	shalt  }
0x69: {  	_ =	shalt  }
0x6a: {  	_ =	shalt  }
0x6b: {  	_ =	shalt  }
0x6c: {  	_ =	shalt  }
0x6d: {  	_ =	shalt  }
0x6e: {  	_ =	shalt  }
0x6f: {  	_ =	shalt  }
0x70: {  	_ =	shalt  }
0x71: {  	_ =	shalt  }
0x72: {  	_ =	shalt  }
0x73: {  	_ =	shalt  }
0x74: {  	_ =	shalt  }
0x75: {  	_ =	shalt  }
0x76: {  	_ =	shalt  }
0x77: {  	_ =	shalt  }
0x78: {  	_ =	shalt  }
0x79: {  	_ =	shalt  }
0x7a: {  	_ =	shalt  }
0x7b: {  	_ =	shalt  }
0x7c: {  	_ =	shalt  }
0x7d: {  	_ =	shalt  }
0x7e: {  	_ =	shalt  }
0x7f: {  	_ =	shalt  }
0x80: {  	_ =	shalt  }
0x81: {  	_ =	shalt  }
0x82: {  	_ =	shalt  }
0x83: {  	_ =	shalt  }
0x84: {  	_ =	shalt  }
0x85: {  	_ =	shalt  }
0x86: {  	_ =	shalt  }
0x87: {  	_ =	shalt  }
.Lfunc_end0:
.L_simem_size_0:
called_computation.7_lowered:
.L_overlay_start_0:
0x88: {  	s2 =	sld [smem:$0x3FD9]  }
0x89: {  	s3 =	sld [smem:$0x3FFE];
	_ =	sdelay $0x1  }
0x8a: {  	s1 =	srdreg.scid  }
0x8b: {  	s0 =	sand.u32 $0x1, s1  }
0x8c: {  	s15 =	sshll.u32 s0, $0xA;
	s2 =	sadd.s32 s3, s2  }
0x8d: {  	s2 =	sadd.s32 s2, s15  }
0x8e: {  	[smem:$0x3FAF] =	sst s2  }
0x8f: {  	_ = 	snop  }
0x90: {  	s16 =	sld [smem:$0x3FD0];
	_ =	sdelay $0x2  }
0x91: {  	s4 =	simm.s32 $0xC;
	s5 =	simm.s32 $0x10;
	s2 =	sld [smem:$0x3FC3]  }
0x92: {  	[smem:s5], [sflag:s4] =	dma.local [hbm:s16], $0x1  }
0x93: {  	_ =	swait.eq [sflag:s4], $0x1  }
0x94: {  	[sflag:s4] =	ssyncset.done $0x0  }
0x95: {  	[sflag:s4] =	ssyncadd.s32 $0xFFFFFFFF  }
0x96: {  	s17 =	sld [smem:$0x11];
	(tm) =	ssettm $0x1  }
0x97: {  	s18 =	sld [smem:$0x3FFB];
	_ =	sdelay $0x3  }
0x98: {  	_ =	strace s18  }
0x99: {  	s3 =	sld [smem:$0x3FFC];
	_ =	sdelay $0x3  }
0x9a: {  	_ =	strace s3  }
0x9b: {  	s3 =	sld [smem:$0x3FFD];
	_ =	sdelay $0x3  }
0x9c: {  	_ =	strace s3  }
0x9d: {  	_ =	strace $0x8FFFFFFF  }
0x9e: {  	s19 =	sld [smem:$0x3FDB];
	_ =	sdelay $0x1  }
0x9f: {  	s20 =	simm.s32 $_scs_section_size  }
0xa0: {  	s6 =	simm.s32 $_size__tile_overlayer_lowered;
	s7 =	simm.s32 $_tile_overlayer_lowered  }
0xa1: {  	s8 =	simm.s32 $0x1BFF;
	s21 =	sshll.u32 s7, $0x1;
	s5 =	sadd.s32 s20, s19  }
0xa2: {  	s22 =	simm.s32 $0x0;
	s6 =	sshll.u32 s6, $0x1;
	s7 =	sadd.s32 s21, s5  }
0xa3: {  	[timem:s22], [sflag:s8] =	dma.local [hbm:s7], s6  }
0xa4: {  	_ =	swait.ge [sflag:s8], s6  }
0xa5: {  	s6 =	ssub.s32 $0x0, s6;
	[sflag:s8] =	ssyncset.done $0x0  }
0xa6: {  	[sflag:s8] =	ssyncadd.s32 s6;
	_ =	sdelay $0x1  }
0xa7: {  	s23 =	simm.s32 $0x1B8B  }
0xa8: {  	_ =	swait.ge [sflag:s23], $0x1  }
0xa9: {  	[sflag:s23] =	ssyncset.done $0x0  }
0xaa: {  	[sflag:s23] =	ssyncadd.s32 $0xFFFFFFFF  }
0xab: {  	s6 =	sld [smem:$0x0]  }
0xac: {  	s7 =	sand.u32 $0xFFFFFFFE, s1  }
0xad: {  	p0 =	sne.s32 s1, s7  }
0xae: {  	s7 =	sshll.u32 @p0 s7, $0xE  }
0xaf: {  	s7 =	sadd.s32 @p0 $0x11B8D, s7;
	s8 =	sshll.u32 @p0 s6, $0x11  }
0xb0: {  	s7 =	sor.u32 @p0 s8, s7  }
0xb1: {  	[sflag:s7] =	ssyncadd.remote.s32 @p0 $0x1;
	_ =	sdelay $0x1  }
0xb2: {  	s7 =	simm.s32 @p0 $0x1B8D  }
0xb3: {  	_ =	swait.eq @p0 [sflag:s7], $0x1  }
0xb4: {  	[sflag:s7] =	ssyncadd.s32 @p0 $0xFFFFFFFF  }
0xb5: {  	s8 =	sshll.u32 @!p0 s1, $0xE  }
0xb6: {  	s8 =	sor.u32 @!p0 $0x4000, s8;
	s7 =	simm.s32 @!p0 $0x1B8D  }
0xb7: {  	s6 =	sshll.u32 @!p0 s6, $0x11;
	s8 =	sadd.s32 @!p0 $0x11B8D, s8;
	_ =	swait.eq @!p0 [sflag:s7], $0x1  }
0xb8: {  	s6 =	sor.u32 @!p0 s6, s8;
	[sflag:s7] =	ssyncadd.s32 @!p0 $0xFFFFFFFF  }
0xb9: {  	s25 =	simm.s32 $0x1B8E;
	s24 =	sld [smem:$0x3FFE];
	[sflag:s6] =	ssyncadd.remote.s32 @!p0 $0x1  }
0xba: {  	s26 =	simm.s32 $execute0_lowered;
	[smem:$0x3FD2] =	sst s25  }
0xbb: {  	s7 =	sshll.u32 s26, $0x1;
	_ =	strace $0x80000058;
	[dreg:$0x1] =	wrdreg $0xFFFFFFFF  }
0xbc: {  	s28 =	simm.s32 $_size_execute0_lowered;
	s5 =	sadd.s32 s5, s7;
	[dreg:$0x0] =	wrdreg $0x0  }
0xbd: {  	s7 =	sshll.u32 s28, $0x1;
	[dreg:$0x2] =	wrdreg s5  }
0xbe: {  	[dreg:$0x3] =	wrdreg s7  }
0xbf: {  	[dreg:$0x4] =	wrdreg $0xC0  }
0xc0: {  	_ =	task [dreg:s22], $0x5FFFF  }
0xc1: {  	[dreg:$0x1] =	wrdreg $0xFFFFFFFF  }
0xc2: {  	[dreg:$0x0] =	wrdreg $0x60  }
0xc3: {  	[dreg:$0x2] =	wrdreg s2  }
0xc4: {  	[dreg:$0x3] =	wrdreg s24  }
0xc5: {  	[dreg:$0x4] =	wrdreg s17  }
0xc6: {  	[dreg:$0x5] =	wrdreg $0x9  }
0xc7: {  	_ =	task.clear_ibuf [dreg:s22], $0x6FFFF;
	_ =	strace $0x90000058  }
0xc8: {  	s29 =	simm.s32 $0x9;
	_ =	strace $0x8000005A  }
0xc9: {  	_ =	swait.ge [sflag:s29], $0x1  }
0xca: {  	[sflag:s29] =	ssyncadd.s32 $0xFFFFFFFF  }
0xcb: {  	_ =	strace $0x9000005A  }
0xcc: {  	_ =	sfence  }
0xcd: {  	s30 =	sld [smem:$0x0];
	_ =	sdelay $0x2  }
0xce: {  	s31 =	sshll.u32 s1, $0xD;
	s1 =	sshrl.u32 s1, $0x2  }
0xcf: {  	s4 =	sand.u32 $0x4000, s31;
	s1 =	sadd.s32 s1, s30  }
0xd0: {  	s0 =	sor.u32 s4, s0;
	s1 =	sshll.u32 s1, $0x11  }
0xd1: {  	s0 =	sor.u32 s1, s0  }
0xd2: {  	s0 =	sadd.s32 $0x8F2B, s0  }
0xd3: {  	[sflag:s0] =	ssyncadd.remote.s32 $0x1  }
0xd4: {  	_ =	sfence.sel $0xFFFF  }
0xd5: {  	[dreg:$0x0] =	wrdreg $0xFFFFFFFF;
	(pc) =	sbr.abs _section_cstart, $3  }
0xd6: {  	[dreg:$0x1] =	wrdreg $0xFFFFFFFF  }
0xd7: {  	_ =	task.clear_ibuf [dreg:s22], $0x2FFFF;
	_ =	strace $0x9FFFFFFF  }
0xd8: {  	(tm) =	ssettm $0x7FFFFFFF  }
0xd9: {  	_ =	shalt  }
tec
execute0_lowered:
.L_overlay_start_1:
0x0: {  	(tag) =	ssettag $0x1  }
0x1: {  	s2 =	srdreg.scid  }
0x2: {  	s1 =	rddreg [dreg:$0x0];
	s0 =	stileid.u32;
	s6 =	sand.u32 $0x1, s2  }
0x3: {  	s4 =	rddreg [dreg:$0x1];
	s3 =	sshll.u32 s0, $0x5;
	s2 =	sshll.u32 s6, $0x9  }
0x4: {  	s9 =	rddreg [dreg:$0x2];
	s10 =	sor.u32 s3, s2  }
0x5: {  	s2 =	rddreg [dreg:$0x3];
	s3 =	simm.s32 $0x0;
	s5 =	sshrl.u32 s10, $0x3  }
0x6: {  	s11 =	ssub.s32 $0x2, s6;
	[smem:$0x7FF] =	sst s3;
	s4 =	sadd.s32 s5, s4  }
0x7: {  	_ =	strace $0x80000059;
	s5 =	sadd.s32 $0x5800, s4;
	s4 =	simm.s32 $0x2  }
0x8: {  	[tilespmem:s3], [sflag:$0x2] =	stream.linear.gather [hbm4b:s5+s3], $0x20, $0x38;
	[tilespmem:$0x1080] =	vst v63  }
0x9: {  	s7 =	simm.s32 $0x80;
	s12 =	sshrl.u32 s11, $0x1;
	_ =	swait.ge [sflag:s4], $0x20  }
0xa: {  	s8 =	simm.s32 $0x1;
	s11 =	ssub.s32 s11, s12;
	[sflag:s4] =	ssyncset.done $0x0  }
0xb: {  	s6 =	simm.s32 $0x20;
	s31 =	smax.u32 s11, $0x1;
	[sflag:s4] =	ssyncadd.s32 $0xFFFFFFE0  }
0xc: {  	[tilespmem:s7], [sflag:$0x1] =	stream.indirect.gather [hbm4b:s1+s6], $0x80, s3, s6, $0xb8;
	[tilespmem:$0x1080] =	vst v63  }
0xd: {  	p0 =	sne.s32 s31, $0x1;
	_ =	swait.ge [sflag:s8], $0x1000  }
.Ltmp0:
0xe: {  	s10 =	sshll.u32 s10, $0x4;
	[sflag:s8] =	ssyncset.done $0x0;
	(pc) =	sbr.rel @!p0 .LBB2_2-.Ltmp0, $4  }
0xf: {  	s9 =	sadd.s32 s9, s10;
	[sflag:s8] =	ssyncadd.s32 $0xFFFFF000  }
0x10: {  	[hbm4b:s9+s3] =	stream.linear.scatter [tilespmem:s7], [sflag:$0x2], $0x1000, $0x38;
	[tilespmem:$0x1080] =	vst v63  }
0x11: {  	_ =	swait.ge [sflag:s4], $0x1000  }
0x12: {  	s10 =	sadd.s32 $0xFFFFFFFF, s31;
	[sflag:s4] =	ssyncset.done $0x0  }
.LBB2_1:
0x13: {  	p0 =	sne.s32 s10, $0x1;
	s10 =	sadd.s32 $0xFFFFFFFF, s10;
	[sflag:s4] =	ssyncadd.s32 $0xFFFFF000  }
0x14: {  	[tilespmem:s3], [sflag:$0x2] =	stream.linear.gather [hbm4b:s5+s3], $0x20, $0x38;
	[tilespmem:$0x1080] =	vst v63  }
0x15: {  	_ =	swait.ge [sflag:s4], $0x20  }
0x16: {  	[sflag:s4] =	ssyncset.done $0x0  }
0x17: {  	[sflag:s4] =	ssyncadd.s32 $0xFFFFFFE0  }
0x18: {  	[tilespmem:s7], [sflag:$0x1] =	stream.indirect.gather [hbm4b:s1+s6], $0x80, s3, s6, $0xb8;
	[tilespmem:$0x1080] =	vst v63  }
0x19: {  	_ =	swait.ge [sflag:s8], $0x1000  }
.Ltmp1:
0x1a: {  	[sflag:s8] =	ssyncset.done $0x0;
	(pc) =	sbr.rel @p0 .LBB2_1-.Ltmp1, $4  }
0x1b: {  	[sflag:s8] =	ssyncadd.s32 $0xFFFFF000  }
0x1c: {  	[hbm4b:s9+s3] =	stream.linear.scatter [tilespmem:s7], [sflag:$0x2], $0x1000, $0x38;
	[tilespmem:$0x1080] =	vst v63  }
0x1d: {  	_ =	swait.ge [sflag:s4], $0x1000  }
0x1e: {  	[sflag:s4] =	ssyncset.done $0x0  }
.LBB2_2:
0x1f: {  	[sflag:s4] =	ssyncadd.s32 $0xFFFFF000  }
0x20: {  	_ =	sfence.sel $0x180000  }
0x21: {  	[bflag:$0x0] =	sbarrier.arrive $0xFFFF  }
0x22: {  	p0 =	sne.s32 s0, $0x0;
	_ =	strace $0x90000059  }
0x23: {  	s0 =	sadd.s32 @!p0 $0x100000, s2;
	[bflag:$0x2] =	sbarrier.arrive $0xFFFF  }
0x24: {  	[sflag:s0] =	ssyncadd.tile.s32 @!p0 $0x1;
	_ =	shalt  }
.Lfunc_end2:
_tile_overlayer_lowered:
.L_overlay_start_2:
0x25: {  	(tag) =	ssettag $0x2  }
0x26: {  	s0 =	rddreg [dreg:$0x0];
	s2 =	stileid.u32  }
0x27: {  	s1 =	rddreg [dreg:$0x1];
	p0 =	sne.s32 s2, $0x0  }
0x28: {  	s3 =	rddreg [dreg:$0x2];
	[bflag:$0x3] =	sbarrier.arrive $0xFFFF;
	s2 =	simm.s32 @!p0 $0x1C02  }
0x29: {  	[timem:s3], [sflag:s2] =	dma.local @!p0 [hbm:s0], s1  }
0x2a: {  	s0 =	simm.s32 @!p0 $0x2  }
0x2b: {  	_ =	swait.ge @!p0 [sflag:s0], s1  }
0x2c: {  	s1 =	ssub.s32 @!p0 $0x0, s1;
	[sflag:s0] =	ssyncset.done @!p0 $0x0  }
0x2d: {  	[sflag:s0] =	ssyncadd.s32 @!p0 s1  }
0x2e: {  	[bflag:$0x3] =	sbarrier.arrive $0xFFFF  }
0x2f: {  	_ =	shalt  }

// kernel: kernel.43.cloned.1.call-start
scs
__scs_entry_jumppad:
0x0: {  	(pc) =	sbr.rel $0x88, $3  }
0x1: {  	(tag) =	ssettag $0x0;
	lr =	simm.s32 $0x1  }
0x2: {  	[smem:$0x3F88] =	sst lr;
	_ =	strace $0xD0000000  }
0x3: {  	_ = 	snop  }
0x4: {  	_ = 	snop  }
0x5: {  	_ = 	snop  }
0x6: {  	_ = 	snop  }
0x7: {  	_ = 	snop  }
__scs_overlays_trampoline_lowered:
0x8: {  	[smem:$0x3F97] =	sst s0  }
0x9: {  	[smem:$0x3F98] =	sst s1  }
0xa: {  	[smem:$0x3F99] =	sst s2  }
0xb: {  	[smem:$0x3F9A] =	sst s3  }
0xc: {  	[smem:$0x3F9B] =	sst s4  }
0xd: {  	[smem:$0x3F9C] =	sst s5  }
0xe: {  	[smem:$0x3F9D] =	sst s6  }
0xf: {  	[smem:$0x3F9E] =	sst s7  }
0x10: {  	[smem:$0x3F9F] =	sst s8  }
0x11: {  	[smem:$0x3FA0] =	sst s9;
	s0 =	simm.s32 @!p0 $0x0  }
0x12: {  	s1 =	sld [smem:$0x3F86];
	s0 =	simm.s32 @p0 $0x1  }
0x13: {  	[smem:$0x3FA1] =	sst s0;
	s0 =	simm.s32 @!p1 $0x0  }
0x14: {  	s2 =	sld [smem:$0x3F85];
	s0 =	simm.s32 @p1 $0x1  }
0x15: {  	[smem:$0x3FA2] =	sst s0;
	s0 =	simm.s32 @!p2 $0x0  }
0x16: {  	s3 =	sld [smem:$0x3FDB];
	s0 =	simm.s32 @p2 $0x1  }
0x17: {  	s4 =	simm.s32 $0x1BF5;
	[smem:$0x3FA4] =	sst s0  }
0x18: {  	s0 =	sld [smem:$0x3F87];
	_ =	swait.ge [sflag:s4], $0x0  }
0x19: {  	s7 =	sld [smem:$0x3F88]  }
0x1a: {  	s8 =	sadd.s32 $0xFFFFE003, lr  }
0x1b: {  	s9 =	sadd.s32 $0xFFFFFEF7, lr;
	s5 =	simm.s32 $0xFFFFFFFF;
	p2 =	slt.u32 s8, $0xFFFFF086  }
0x1c: {  	p1 =	slt.u32 s9, $0xF7A;
	s5 =	simm.s32 @!p2 $0x0  }
0x1d: {  	s5 =	simm.s32 @p1 $0x1;
	p0 =	seq.s32 s7, s2  }
0x1e: {  	s7 =	smul.u32 @!p0 $0xF7A, s2;
	p2 =	seq.s32 @!p0 s5, $0x0  }
0x1f: {  	s9 =	smul.u32 $0xF7A, s1;
	s8 =	simm.s32 @!p0 $0x1BF5;
	p2 =	por !p2, p0  }
0x20: {  	[sflag:s8] =	ssyncset.s32 @!p0 $0xFFFFF086;
	s6 =	sadd.s32 @!p0 s3, s7;
	s7 =	simm.s32 @!p0 $0x108  }
0x21: {  	s3 =	sadd.s32 s3, s9;
	s6 =	sadd.s32 @!p0 $0x88, s6;
	s7 =	simm.s32 @p2 $0x1082  }
0x22: {  	[simem:s7], [sflag:s8] =	dma.local @!p0 [hbm:s6], $0xF7A  }
0x23: {  	s9 =	sor.u32 $0xD0000000, s2;
	s6 =	simm.s32 $0x108;
	_ =	swait.ge @!p0 [sflag:s8], $0x0  }
0x24: {  	s3 =	sadd.s32 $0x88, s3;
	s6 =	simm.s32 @!p1 $0x1082;
	[sflag:s4] =	ssyncset.s32 $0xFFFFF086  }
0x25: {  	[simem:s6], [sflag:s4] =	dma.local [hbm:s3], $0xF7A  }
0x26: {  	[smem:$0x3F88] =	sst s1;
	(tag) =	ssettag s2;
	_ =	strace s9  }
0x27: {  	s1 =	sld [smem:$0x3F98]  }
0x28: {  	s2 =	sld [smem:$0x3F99]  }
0x29: {  	s4 =	sld [smem:$0x3F9B]  }
0x2a: {  	p0 =	seq.s32 s5, $0x0;
	s5 =	sld [smem:$0x3F9C]  }
0x2b: {  	s6 =	sld [smem:$0x3F9D]  }
0x2c: {  	s7 =	sld [smem:$0x3F9E]  }
0x2d: {  	s3 =	simm.s32 $0x108;
	s8 =	sld [smem:$0x3F9F]  }
0x2e: {  	s3 =	simm.s32 @!p0 $0x1082;
	s9 =	sld [smem:$0x3FA0]  }
0x2f: {  	lr =	sadd.s32 s0, s3;
	s0 =	sld [smem:$0x3F97]  }
0x30: {  	s3 =	sld [smem:$0x3F9A]  }
0x31: {  	[smem:$0x3FA3] =	sst s10  }
0x32: {  	s10 =	sld [smem:$0x3FA1];
	_ =	sdelay $0x3  }
0x33: {  	p0 =	seq.s32 s10, $0x1;
	s10 =	sld [smem:$0x3FA3];
	_ =	sdelay $0x3  }
0x34: {  	[smem:$0x3FA3] =	sst s10  }
0x35: {  	s10 =	sld [smem:$0x3FA2];
	_ =	sdelay $0x3  }
0x36: {  	p1 =	seq.s32 s10, $0x1;
	s10 =	sld [smem:$0x3FA3];
	_ =	sdelay $0x3  }
0x37: {  	[smem:$0x3FA3] =	sst s10  }
0x38: {  	s10 =	sld [smem:$0x3FA4]  }
0x39: {  	_ = 	snop;
	(pc) =	sbr.ind lr, $3  }
0x3a: {  	_ = 	snop  }
0x3b: {  	_ = 	snop  }
0x3c: {  	p2 =	seq.s32 s10, $0x1;
	s10 =	sld [smem:$0x3FA3]  }
0x3d: {  	_ =	shalt  }
0x3e: {  	_ =	shalt  }
0x3f: {  	_ =	shalt  }
0x40: {  	_ =	shalt  }
0x41: {  	_ =	shalt  }
0x42: {  	_ =	shalt  }
0x43: {  	_ =	shalt  }
0x44: {  	_ =	shalt  }
0x45: {  	_ =	shalt  }
0x46: {  	_ =	shalt  }
0x47: {  	_ =	shalt  }
0x48: {  	_ =	shalt  }
0x49: {  	_ =	shalt  }
0x4a: {  	_ =	shalt  }
0x4b: {  	_ =	shalt  }
0x4c: {  	_ =	shalt  }
0x4d: {  	_ =	shalt  }
0x4e: {  	_ =	shalt  }
0x4f: {  	_ =	shalt  }
0x50: {  	_ =	shalt  }
0x51: {  	_ =	shalt  }
0x52: {  	_ =	shalt  }
0x53: {  	_ =	shalt  }
0x54: {  	_ =	shalt  }
0x55: {  	_ =	shalt  }
0x56: {  	_ =	shalt  }
0x57: {  	_ =	shalt  }
0x58: {  	_ =	shalt  }
0x59: {  	_ =	shalt  }
0x5a: {  	_ =	shalt  }
0x5b: {  	_ =	shalt  }
0x5c: {  	_ =	shalt  }
0x5d: {  	_ =	shalt  }
0x5e: {  	_ =	shalt  }
0x5f: {  	_ =	shalt  }
0x60: {  	_ =	shalt  }
0x61: {  	_ =	shalt  }
0x62: {  	_ =	shalt  }
0x63: {  	_ =	shalt  }
0x64: {  	_ =	shalt  }
0x65: {  	_ =	shalt  }
0x66: {  	_ =	shalt  }
0x67: {  	_ =	shalt  }
0x68: {  	_ =	shalt  }
0x69: {  	_ =	shalt  }
0x6a: {  	_ =	shalt  }
0x6b: {  	_ =	shalt  }
0x6c: {  	_ =	shalt  }
0x6d: {  	_ =	shalt  }
0x6e: {  	_ =	shalt  }
0x6f: {  	_ =	shalt  }
0x70: {  	_ =	shalt  }
0x71: {  	_ =	shalt  }
0x72: {  	_ =	shalt  }
0x73: {  	_ =	shalt  }
0x74: {  	_ =	shalt  }
0x75: {  	_ =	shalt  }
0x76: {  	_ =	shalt  }
0x77: {  	_ =	shalt  }
0x78: {  	_ =	shalt  }
0x79: {  	_ =	shalt  }
0x7a: {  	_ =	shalt  }
0x7b: {  	_ =	shalt  }
0x7c: {  	_ =	shalt  }
0x7d: {  	_ =	shalt  }
0x7e: {  	_ =	shalt  }
0x7f: {  	_ =	shalt  }
0x80: {  	_ =	shalt  }
0x81: {  	_ =	shalt  }
0x82: {  	_ =	shalt  }
0x83: {  	_ =	shalt  }
0x84: {  	_ =	shalt  }
0x85: {  	_ =	shalt  }
0x86: {  	_ =	shalt  }
0x87: {  	_ =	shalt  }
.Lfunc_end0:
.L_simem_size_0:
called_computation.8_lowered:
.L_overlay_start_0:
0x88: {  	s2 =	sld [smem:$0x3FD9]  }
0x89: {  	s3 =	sld [smem:$0x3FFE];
	_ =	sdelay $0x1  }
0x8a: {  	s1 =	srdreg.scid  }
0x8b: {  	s0 =	sand.u32 $0x1, s1  }
0x8c: {  	s15 =	sshll.u32 s0, $0xA;
	s2 =	sadd.s32 s3, s2  }
0x8d: {  	s2 =	sadd.s32 s2, s15  }
0x8e: {  	[smem:$0x3FAF] =	sst s2  }
0x8f: {  	_ = 	snop  }
0x90: {  	s2 =	sld [smem:$0x3FD0];
	_ =	sdelay $0x2  }
0x91: {  	s4 =	simm.s32 $0xC;
	s16 =	simm.s32 $0x10  }
0x92: {  	[smem:s16], [sflag:s4] =	dma.local [hbm:s2], $0x1  }
0x93: {  	_ =	swait.eq [sflag:s4], $0x1  }
0x94: {  	[sflag:s4] =	ssyncset.done $0x0  }
0x95: {  	s17 =	sld [smem:$0x10];
	[sflag:s4] =	ssyncadd.s32 $0xFFFFFFFF  }
0x96: {  	s18 =	sld [smem:$0x13];
	(tm) =	ssettm $0x1  }
0x97: {  	s19 =	sld [smem:$0x3FFB];
	_ =	sdelay $0x3  }
0x98: {  	_ =	strace s19  }
0x99: {  	s2 =	sld [smem:$0x3FFC];
	_ =	sdelay $0x3  }
0x9a: {  	_ =	strace s2  }
0x9b: {  	s2 =	sld [smem:$0x3FFD];
	_ =	sdelay $0x3  }
0x9c: {  	_ =	strace s2  }
0x9d: {  	_ =	strace $0x8FFFFFFF  }
0x9e: {  	s20 =	sld [smem:$0x3FDB];
	_ =	sdelay $0x1  }
0x9f: {  	s5 =	simm.s32 $_scs_section_size  }
0xa0: {  	s6 =	simm.s32 $_size__tile_overlayer_lowered;
	s7 =	simm.s32 $_tile_overlayer_lowered  }
0xa1: {  	s8 =	simm.s32 $0x1BFF;
	s21 =	sshll.u32 s7, $0x1;
	s5 =	sadd.s32 s5, s20  }
0xa2: {  	s22 =	simm.s32 $0x0;
	s6 =	sshll.u32 s6, $0x1;
	s7 =	sadd.s32 s21, s5  }
0xa3: {  	[timem:s22], [sflag:s8] =	dma.local [hbm:s7], s6  }
0xa4: {  	_ =	swait.ge [sflag:s8], s6  }
0xa5: {  	s6 =	ssub.s32 $0x0, s6;
	[sflag:s8] =	ssyncset.done $0x0  }
0xa6: {  	[sflag:s8] =	ssyncadd.s32 s6;
	_ =	sdelay $0x1  }
0xa7: {  	s23 =	simm.s32 $0x1B8B  }
0xa8: {  	_ =	swait.ge [sflag:s23], $0x1  }
0xa9: {  	[sflag:s23] =	ssyncset.done $0x0  }
0xaa: {  	[sflag:s23] =	ssyncadd.s32 $0xFFFFFFFF  }
0xab: {  	s6 =	sld [smem:$0x0]  }
0xac: {  	s7 =	sand.u32 $0xFFFFFFFE, s1  }
0xad: {  	p0 =	sne.s32 s1, s7  }
0xae: {  	s7 =	sshll.u32 @p0 s7, $0xE  }
0xaf: {  	s7 =	sadd.s32 @p0 $0x11B8D, s7;
	s8 =	sshll.u32 @p0 s6, $0x11  }
0xb0: {  	s7 =	sor.u32 @p0 s8, s7  }
0xb1: {  	[sflag:s7] =	ssyncadd.remote.s32 @p0 $0x1;
	_ =	sdelay $0x1  }
0xb2: {  	s7 =	simm.s32 @p0 $0x1B8D  }
0xb3: {  	_ =	swait.eq @p0 [sflag:s7], $0x1  }
0xb4: {  	[sflag:s7] =	ssyncadd.s32 @p0 $0xFFFFFFFF  }
0xb5: {  	s8 =	sshll.u32 @!p0 s1, $0xE  }
0xb6: {  	s8 =	sor.u32 @!p0 $0x4000, s8;
	s7 =	simm.s32 @!p0 $0x1B8D  }
0xb7: {  	s6 =	sshll.u32 @!p0 s6, $0x11;
	s8 =	sadd.s32 @!p0 $0x11B8D, s8;
	_ =	swait.eq @!p0 [sflag:s7], $0x1  }
0xb8: {  	s6 =	sor.u32 @!p0 s6, s8;
	[sflag:s7] =	ssyncadd.s32 @!p0 $0xFFFFFFFF  }
0xb9: {  	s25 =	simm.s32 $0x1B8E;
	s24 =	sld [smem:$0x3FFE];
	[sflag:s6] =	ssyncadd.remote.s32 @!p0 $0x1  }
0xba: {  	s26 =	simm.s32 $execute0_lowered;
	[smem:$0x3FD2] =	sst s25  }
0xbb: {  	s7 =	sshll.u32 s26, $0x1;
	_ =	strace $0x8000005E;
	[dreg:$0x1] =	wrdreg $0xFFFFFFFF  }
0xbc: {  	s28 =	simm.s32 $_size_execute0_lowered;
	s5 =	sadd.s32 s5, s7;
	[dreg:$0x0] =	wrdreg $0x0  }
0xbd: {  	s7 =	sshll.u32 s28, $0x1;
	[dreg:$0x2] =	wrdreg s5  }
0xbe: {  	[dreg:$0x3] =	wrdreg s7  }
0xbf: {  	[dreg:$0x4] =	wrdreg $0xC0  }
0xc0: {  	_ =	task [dreg:s22], $0x5FFFF  }
0xc1: {  	[dreg:$0x1] =	wrdreg $0xFFFFFFFF  }
0xc2: {  	[dreg:$0x0] =	wrdreg $0x60  }
0xc3: {  	[dreg:$0x2] =	wrdreg s17  }
0xc4: {  	[dreg:$0x3] =	wrdreg s24  }
0xc5: {  	[dreg:$0x4] =	wrdreg s18  }
0xc6: {  	[dreg:$0x5] =	wrdreg $0xB  }
0xc7: {  	_ =	task.clear_ibuf [dreg:s22], $0x6FFFF;
	_ =	strace $0x9000005E  }
0xc8: {  	s29 =	simm.s32 $0xB;
	_ =	strace $0x80000060  }
0xc9: {  	_ =	swait.ge [sflag:s29], $0x1  }
0xca: {  	[sflag:s29] =	ssyncadd.s32 $0xFFFFFFFF  }
0xcb: {  	_ =	strace $0x90000060  }
0xcc: {  	_ =	sfence  }
0xcd: {  	s30 =	sld [smem:$0x0];
	_ =	sdelay $0x2  }
0xce: {  	s31 =	sshll.u32 s1, $0xD;
	s1 =	sshrl.u32 s1, $0x2  }
0xcf: {  	s4 =	sand.u32 $0x4000, s31;
	s1 =	sadd.s32 s1, s30  }
0xd0: {  	s0 =	sor.u32 s4, s0;
	s1 =	sshll.u32 s1, $0x11  }
0xd1: {  	s0 =	sor.u32 s1, s0  }
0xd2: {  	s0 =	sadd.s32 $0x8F2B, s0  }
0xd3: {  	[sflag:s0] =	ssyncadd.remote.s32 $0x1  }
0xd4: {  	_ =	sfence.sel $0xFFFF  }
0xd5: {  	[dreg:$0x0] =	wrdreg $0xFFFFFFFF;
	(pc) =	sbr.abs _section_cstart, $3  }
0xd6: {  	[dreg:$0x1] =	wrdreg $0xFFFFFFFF  }
0xd7: {  	_ =	task.clear_ibuf [dreg:s22], $0x2FFFF;
	_ =	strace $0x9FFFFFFF  }
0xd8: {  	(tm) =	ssettm $0x7FFFFFFF  }
0xd9: {  	_ =	shalt  }
tec
execute0_lowered:
.L_overlay_start_1:
0x0: {  	(tag) =	ssettag $0x1  }
0x1: {  	s2 =	srdreg.scid  }
0x2: {  	s1 =	rddreg [dreg:$0x0];
	s0 =	stileid.u32;
	s6 =	sand.u32 $0x1, s2  }
0x3: {  	s4 =	rddreg [dreg:$0x1];
	s3 =	sshll.u32 s0, $0x5;
	s2 =	sshll.u32 s6, $0x9  }
0x4: {  	s9 =	rddreg [dreg:$0x2];
	s10 =	sor.u32 s3, s2  }
0x5: {  	s2 =	rddreg [dreg:$0x3];
	s3 =	simm.s32 $0x0;
	s5 =	sshrl.u32 s10, $0x3  }
0x6: {  	s11 =	ssub.s32 $0x2, s6;
	[smem:$0x7FF] =	sst s3;
	s4 =	sadd.s32 s5, s4  }
0x7: {  	_ =	strace $0x8000005F;
	s5 =	sadd.s32 $0x5C00, s4;
	s4 =	simm.s32 $0x2  }
0x8: {  	[tilespmem:s3], [sflag:$0x2] =	stream.linear.gather [hbm4b:s5+s3], $0x20, $0x38;
	[tilespmem:$0x1080] =	vst v63  }
0x9: {  	s7 =	simm.s32 $0x80;
	s12 =	sshrl.u32 s11, $0x1;
	_ =	swait.ge [sflag:s4], $0x20  }
0xa: {  	s8 =	simm.s32 $0x1;
	s11 =	ssub.s32 s11, s12;
	[sflag:s4] =	ssyncset.done $0x0  }
0xb: {  	s6 =	simm.s32 $0x20;
	s31 =	smax.u32 s11, $0x1;
	[sflag:s4] =	ssyncadd.s32 $0xFFFFFFE0  }
0xc: {  	[tilespmem:s7], [sflag:$0x1] =	stream.indirect.gather [hbm4b:s1+s6], $0x80, s3, s6, $0xb8;
	[tilespmem:$0x1080] =	vst v63  }
0xd: {  	p0 =	sne.s32 s31, $0x1;
	_ =	swait.ge [sflag:s8], $0x1000  }
.Ltmp0:
0xe: {  	s10 =	sshll.u32 s10, $0x4;
	[sflag:s8] =	ssyncset.done $0x0;
	(pc) =	sbr.rel @!p0 .LBB2_2-.Ltmp0, $4  }
0xf: {  	s9 =	sadd.s32 s9, s10;
	[sflag:s8] =	ssyncadd.s32 $0xFFFFF000  }
0x10: {  	[hbm4b:s9+s3] =	stream.linear.scatter [tilespmem:s7], [sflag:$0x2], $0x1000, $0x38;
	[tilespmem:$0x1080] =	vst v63  }
0x11: {  	_ =	swait.ge [sflag:s4], $0x1000  }
0x12: {  	s10 =	sadd.s32 $0xFFFFFFFF, s31;
	[sflag:s4] =	ssyncset.done $0x0  }
.LBB2_1:
0x13: {  	p0 =	sne.s32 s10, $0x1;
	s10 =	sadd.s32 $0xFFFFFFFF, s10;
	[sflag:s4] =	ssyncadd.s32 $0xFFFFF000  }
0x14: {  	[tilespmem:s3], [sflag:$0x2] =	stream.linear.gather [hbm4b:s5+s3], $0x20, $0x38;
	[tilespmem:$0x1080] =	vst v63  }
0x15: {  	_ =	swait.ge [sflag:s4], $0x20  }
0x16: {  	[sflag:s4] =	ssyncset.done $0x0  }
0x17: {  	[sflag:s4] =	ssyncadd.s32 $0xFFFFFFE0  }
0x18: {  	[tilespmem:s7], [sflag:$0x1] =	stream.indirect.gather [hbm4b:s1+s6], $0x80, s3, s6, $0xb8;
	[tilespmem:$0x1080] =	vst v63  }
0x19: {  	_ =	swait.ge [sflag:s8], $0x1000  }
.Ltmp1:
0x1a: {  	[sflag:s8] =	ssyncset.done $0x0;
	(pc) =	sbr.rel @p0 .LBB2_1-.Ltmp1, $4  }
0x1b: {  	[sflag:s8] =	ssyncadd.s32 $0xFFFFF000  }
0x1c: {  	[hbm4b:s9+s3] =	stream.linear.scatter [tilespmem:s7], [sflag:$0x2], $0x1000, $0x38;
	[tilespmem:$0x1080] =	vst v63  }
0x1d: {  	_ =	swait.ge [sflag:s4], $0x1000  }
0x1e: {  	[sflag:s4] =	ssyncset.done $0x0  }
.LBB2_2:
0x1f: {  	[sflag:s4] =	ssyncadd.s32 $0xFFFFF000  }
0x20: {  	_ =	sfence.sel $0x180000  }
0x21: {  	[bflag:$0x0] =	sbarrier.arrive $0xFFFF  }
0x22: {  	p0 =	sne.s32 s0, $0x0;
	_ =	strace $0x9000005F  }
0x23: {  	s0 =	sadd.s32 @!p0 $0x100000, s2;
	[bflag:$0x2] =	sbarrier.arrive $0xFFFF  }
0x24: {  	[sflag:s0] =	ssyncadd.tile.s32 @!p0 $0x1;
	_ =	shalt  }
.Lfunc_end2:
_tile_overlayer_lowered:
.L_overlay_start_2:
0x25: {  	(tag) =	ssettag $0x2  }
0x26: {  	s0 =	rddreg [dreg:$0x0];
	s2 =	stileid.u32  }
0x27: {  	s1 =	rddreg [dreg:$0x1];
	p0 =	sne.s32 s2, $0x0  }
0x28: {  	s3 =	rddreg [dreg:$0x2];
	[bflag:$0x3] =	sbarrier.arrive $0xFFFF;
	s2 =	simm.s32 @!p0 $0x1C02  }
0x29: {  	[timem:s3], [sflag:s2] =	dma.local @!p0 [hbm:s0], s1  }
0x2a: {  	s0 =	simm.s32 @!p0 $0x2  }
0x2b: {  	_ =	swait.ge @!p0 [sflag:s0], s1  }
0x2c: {  	s1 =	ssub.s32 @!p0 $0x0, s1;
	[sflag:s0] =	ssyncset.done @!p0 $0x0  }
0x2d: {  	[sflag:s0] =	ssyncadd.s32 @!p0 s1  }
0x2e: {  	[bflag:$0x3] =	sbarrier.arrive $0xFFFF  }
0x2f: {  	_ =	shalt  }

</sc_bundles>
